<compile_context>
chip_gen: v7x
topology: tpu7x:2x2x1
jax: 0.10.2.dev20260603
libtpu: 0.0.44.dev20260713+nightly
codegen_flags: <defaults>
</compile_context>

<pallas_src>
import jax
import jax.numpy as jnp
from jax import lax
from jax.experimental import pallas as pl
from jax.experimental.pallas import tpu as pltpu
from jax.experimental.pallas import tpu_sc as plsc

B = 16384
L = 200
D = 32
VOCAB = 1000000

NC = 2
NS = 16
NW = NC * NS
BPW = B // NW
CB = 8
NCH = BPW // CB
ROWS = CB * L
HALF = D // 2


def _bow_kernel(idx_hbm, embed_hbm, bias_hbm, out_hbm,
                idx_v, rows_v, acc_v, bias_v, sem0, sem1, isem0, isem1,
                osem0, osem1):
    wid = lax.axis_index("s") * NC + lax.axis_index("c")
    base_row = wid * BPW
    sems = (sem0, sem1)
    isems = (isem0, isem1)
    osems = (osem0, osem1)

    pltpu.sync_copy(bias_hbm, bias_v)
    bias_lo = bias_v[0:HALF]
    bias_hi = bias_v[HALF:D]

    def load_and_fire(ch, slot):
        row0 = base_row + ch * CB
        for r in range(CB):
            pltpu.async_copy(idx_hbm.at[row0 + r, :],
                             idx_v.at[pl.ds(slot * ROWS + r * L, L)],
                             isems[slot])
        for r in range(CB):
            pltpu.make_async_copy(idx_hbm.at[row0 + r, :],
                                  idx_v.at[pl.ds(slot * ROWS + r * L, L)],
                                  isems[slot]).wait()
        return pltpu.async_copy(embed_hbm.at[idx_v.at[pl.ds(slot * ROWS, ROWS)]],
                                rows_v.at[slot], sems[slot])

    def accumulate(ch, slot):
        @pl.when(ch >= 2)
        def _():
            pltpu.make_async_copy(
                acc_v.at[slot],
                out_hbm.at[pl.ds(base_row + (ch - 2) * CB, CB), :],
                osems[slot]).wait()

        for r in range(CB):
            rb = r * L

            def body(j, carry):
                a0, a1 = carry
                a0 = a0 + rows_v[slot, rb + j, 0:HALF]
                a1 = a1 + rows_v[slot, rb + j, HALF:D]
                return a0, a1

            a0, a1 = pl.loop(0, L, init_carry=(bias_lo, bias_hi),
                             unroll=8)(body)
            acc_v[slot, r, 0:HALF] = a0
            acc_v[slot, r, HALF:D] = a1
        pltpu.async_copy(acc_v.at[slot],
                         out_hbm.at[pl.ds(base_row + ch * CB, CB), :],
                         osems[slot])

    load_and_fire(0, 0)

    @pl.loop(0, NCH, step=2)
    def _(c):
        for s in range(2):
            ch = c + s

            @pl.when(ch + 1 < NCH)
            def _():
                load_and_fire(ch + 1, (s + 1) % 2)

            pltpu.make_async_copy(
                embed_hbm.at[idx_v.at[pl.ds(s * ROWS, ROWS)]],
                rows_v.at[s], sems[s]).wait()
            accumulate(ch, s)

    for s in range(2):
        pltpu.make_async_copy(
            acc_v.at[s],
            out_hbm.at[pl.ds(base_row + (NCH - 2 + s) * CB, CB), :],
            osems[s]).wait()


_TC_CC = 32768
_TC_QQ = _TC_CC // 4


_TC_NCHUNK = 8
_TC_SC = _TC_CC // _TC_NCHUNK
_TC_SQ = _TC_SC // 4


def _pack_body(in_ref, out_ref, *ys):
    for c in range(_TC_NCHUNK):
        ys[c][...] = in_ref[:, c * _TC_SC:(c + 1) * _TC_SC].T
    for c in range(_TC_NCHUNK):
        for j in range(4):
            out_ref[c * _TC_SQ:(c + 1) * _TC_SQ, D * j:D * (j + 1)] = (
                ys[c][pl.Slice(j, _TC_SQ, 4), :])


def _pack_table(embed):
    return pl.pallas_call(
        _pack_body,
        grid=((VOCAB + _TC_CC - 1) // _TC_CC,),
        in_specs=[pl.BlockSpec((D, _TC_CC), lambda c: (0, c))],
        out_specs=pl.BlockSpec((_TC_QQ, 128), lambda c: (c, 0)),
        out_shape=jax.ShapeDtypeStruct((VOCAB // 4, 128), jnp.float32),
        scratch_shapes=[pltpu.VMEM((_TC_SC, D), jnp.float32)
                        for _ in range(_TC_NCHUNK)],
    )(embed.T)


@jax.jit
def kernel(inputs, embed, bias):
    idx2d = inputs.astype(jnp.int32)
    tbl = _pack_table(embed).reshape(VOCAB, D)
    mesh = plsc.VectorSubcoreMesh(core_axis_name="c", subcore_axis_name="s")
    run = pl.kernel(
        _bow_kernel,
        out_type=jax.ShapeDtypeStruct((B, D), jnp.float32),
        mesh=mesh,
        scratch_types=[
            pltpu.VMEM((2 * ROWS,), jnp.int32),
            pltpu.VMEM((2, ROWS, D), jnp.float32),
            pltpu.VMEM((2, CB, D), jnp.float32),
            pltpu.VMEM((D,), jnp.float32),
            pltpu.SemaphoreType.DMA,
            pltpu.SemaphoreType.DMA,
            pltpu.SemaphoreType.DMA,
            pltpu.SemaphoreType.DMA,
            pltpu.SemaphoreType.DMA,
            pltpu.SemaphoreType.DMA,
        ],
        compiler_params=pltpu.CompilerParams(use_tc_tiling_on_sc=False),
    )
    return run(idx2d, tbl, bias)

# --- scband reference (transcript-rebuilt; emitter-appended) ---
"""Pipeline reference for scband-bow-80900003987643 (READ-ONLY COPY).

The authoritative reference and input builder live on the scoring server;
editing this copy changes nothing except your own understanding.
"""

import jax, jax.numpy as jnp
import numpy as np

VOCAB_SIZE = 1000000
EMBED_DIM = 32
BATCH = 16384
HIST = 200

def setup_inputs(seed: int = 0) -> dict:
    key = jax.random.key(seed)
    k1, k2, k3 = jax.random.split(key, 3)
    inputs = jax.random.randint(k1, (BATCH, HIST), 0, VOCAB_SIZE, dtype=jnp.int64 if jax.config.jax_enable_x64 else jnp.int32)
    embed = jax.random.normal(k2, (VOCAB_SIZE, EMBED_DIM), dtype=jnp.float32)
    bias = jnp.zeros((EMBED_DIM,), dtype=jnp.float32)
    return {"inputs": inputs, "embed": embed, "bias": bias}

def reference(inputs, embed, bias):
    # nn.Embedding lookup -> gather rows from table
    embeds = jnp.take(embed, inputs, axis=0)  # [B, L, D]
    logits = embeds.sum(axis=1) + bias        # [B, D]
    return logits

if __name__ == "__main__":
    import jax
    _d = setup_inputs()
    print(jax.jit(kernel)(*tuple(_d.values())))

</pallas_src>

<mosaic_0001>
#map = affine_map<(d0, d1) -> (0, 0)>
#map1 = affine_map<(d0, d1) -> (0)>
module attributes {stable_mosaic.version = 14 : i64} {
  func.func @_bow_kernel(%arg0: i32, %arg1: i32, %arg2: memref<16384x200xi32, #tpu.memory_space<hbm>>, %arg3: memref<1000000x32xf32, #tpu.memory_space<hbm>>, %arg4: memref<32xf32, #tpu.memory_space<hbm>>, %arg5: memref<16384x32xf32, #tpu.memory_space<hbm>>, %arg6: memref<3200xi32, #tpu.memory_space<vmem>>, %arg7: memref<2x1600x32xf32, #tpu.memory_space<vmem>>, %arg8: memref<2x8x32xf32, #tpu.memory_space<vmem>>, %arg9: memref<32xf32, #tpu.memory_space<vmem>>, %arg10: memref<!tpu.dma_semaphore, #tpu.memory_space<semaphore_mem>>, %arg11: memref<!tpu.dma_semaphore, #tpu.memory_space<semaphore_mem>>, %arg12: memref<!tpu.dma_semaphore, #tpu.memory_space<semaphore_mem>>, %arg13: memref<!tpu.dma_semaphore, #tpu.memory_space<semaphore_mem>>, %arg14: memref<!tpu.dma_semaphore, #tpu.memory_space<semaphore_mem>>, %arg15: memref<!tpu.dma_semaphore, #tpu.memory_space<semaphore_mem>>) attributes {dimension_semantics = [#tpu.dimension_semantics<core_parallel>, #tpu.dimension_semantics<subcore_parallel>], iteration_bounds = array<i64: 2, 16>, scalar_prefetch = 0 : i64, scratch_operands = 10 : i64, tpu.core_type = #tpu.core_type<sc_vector_subcore>, window_params = [{transform_indices = #map}, {transform_indices = #map}, {transform_indices = #map1}, {transform_indices = #map}]} {
    %mul3A = arith.constant 2 : i32
    %mul3A_0 = arith.muli %arg1, %mul3A : i32
    %add3A = arith.addi %mul3A_0, %arg0 : i32
    %mul3A_1 = arith.constant 512 : i32
    %mul3A_2 = arith.muli %add3A, %mul3A_1 : i32
    "tpu.region"() ({
      %run_scoped3A = tpu.sem_alloc : memref<!tpu.dma_semaphore, #tpu.memory_space<semaphore_mem>>
      tpu.enqueue_dma source(%arg4 : memref<32xf32, #tpu.memory_space<hbm>>) target(%arg9 : memref<32xf32, #tpu.memory_space<vmem>>) target_semaphore(%run_scoped3A : memref<!tpu.dma_semaphore, #tpu.memory_space<semaphore_mem>>)
      tpu.wait_dma2 semaphore(%run_scoped3A : memref<!tpu.dma_semaphore, #tpu.memory_space<semaphore_mem>>) src(%arg4 : memref<32xf32, #tpu.memory_space<hbm>>) dst(%arg9 : memref<32xf32, #tpu.memory_space<vmem>>)
      tpu.yield
    }) : () -> ()
    %get3A = arith.constant 0 : index
    %get3A_3 = tpu.vector_load %arg9[%get3A] {strides = array<i32>} : memref<32xf32, #tpu.memory_space<vmem>>, vector<16xf32>,
    %get3A_4 = vector.shape_cast %get3A_3 : vector<16xf32> to vector<16xf32>
    %get3A_5 = arith.constant 16 : index
    %get3A_6 = tpu.vector_load %arg9[%get3A_5] {strides = array<i32>} : memref<32xf32, #tpu.memory_space<vmem>>, vector<16xf32>,
    %get3A_7 = vector.shape_cast %get3A_6 : vector<16xf32> to vector<16xf32>
    %add3A_8 = arith.constant 0 : i32
    %add3A_9 = arith.addi %mul3A_2, %add3A_8 : i32
    %add3A_10 = arith.constant 0 : i32
    %add3A_11 = arith.addi %add3A_9, %add3A_10 : i32
    %dma_start3A = arith.constant 0 : i32
    %dma_start3A_12 = tpu.memref_slice %arg6[%dma_start3A] : memref<3200xi32, #tpu.memory_space<vmem>> -> memref<200xi32, #tpu.memory_space<vmem>>
    %dma_start3A_13 = arith.constant 0 : i32
    %dma_start3A_14 = tpu.memref_slice %arg2[%add3A_11, %dma_start3A_13] : memref<16384x200xi32, #tpu.memory_space<hbm>> -> memref<1x200xi32, #tpu.memory_space<hbm>>
    %dma_start3A_15 = tpu.memref_squeeze %dma_start3A_14 : memref<1x200xi32, #tpu.memory_space<hbm>> -> memref<200xi32, #tpu.memory_space<hbm>>
    %dma_start3A_16 = arith.constant 0 : i32
    %dma_start3A_17 = tpu.memref_slice %arg6[%dma_start3A_16] : memref<3200xi32, #tpu.memory_space<vmem>> -> memref<200xi32, #tpu.memory_space<vmem>>
    %dma_start3A_18 = arith.constant 0 : i32
    %dma_start3A_19 = tpu.memref_slice %arg2[%add3A_11, %dma_start3A_18] : memref<16384x200xi32, #tpu.memory_space<hbm>> -> memref<1x200xi32, #tpu.memory_space<hbm>>
    %dma_start3A_20 = tpu.memref_squeeze %dma_start3A_19 : memref<1x200xi32, #tpu.memory_space<hbm>> -> memref<200xi32, #tpu.memory_space<hbm>>
    tpu.enqueue_dma source(%dma_start3A_20 : memref<200xi32, #tpu.memory_space<hbm>>) target(%dma_start3A_17 : memref<200xi32, #tpu.memory_space<vmem>>) target_semaphore(%arg12 : memref<!tpu.dma_semaphore, #tpu.memory_space<semaphore_mem>>)
    %add3A_21 = arith.constant 1 : i32
    %add3A_22 = arith.addi %add3A_9, %add3A_21 : i32
    %dma_start3A_23 = arith.constant 200 : i32
    %dma_start3A_24 = tpu.memref_slice %arg6[%dma_start3A_23] : memref<3200xi32, #tpu.memory_space<vmem>> -> memref<200xi32, #tpu.memory_space<vmem>>
    %dma_start3A_25 = arith.constant 0 : i32
    %dma_start3A_26 = tpu.memref_slice %arg2[%add3A_22, %dma_start3A_25] : memref<16384x200xi32, #tpu.memory_space<hbm>> -> memref<1x200xi32, #tpu.memory_space<hbm>>
    %dma_start3A_27 = tpu.memref_squeeze %dma_start3A_26 : memref<1x200xi32, #tpu.memory_space<hbm>> -> memref<200xi32, #tpu.memory_space<hbm>>
    %dma_start3A_28 = arith.constant 200 : i32
    %dma_start3A_29 = tpu.memref_slice %arg6[%dma_start3A_28] : memref<3200xi32, #tpu.memory_space<vmem>> -> memref<200xi32, #tpu.memory_space<vmem>>
    %dma_start3A_30 = arith.constant 0 : i32
    %dma_start3A_31 = tpu.memref_slice %arg2[%add3A_22, %dma_start3A_30] : memref<16384x200xi32, #tpu.memory_space<hbm>> -> memref<1x200xi32, #tpu.memory_space<hbm>>
    %dma_start3A_32 = tpu.memref_squeeze %dma_start3A_31 : memref<1x200xi32, #tpu.memory_space<hbm>> -> memref<200xi32, #tpu.memory_space<hbm>>
    tpu.enqueue_dma source(%dma_start3A_32 : memref<200xi32, #tpu.memory_space<hbm>>) target(%dma_start3A_29 : memref<200xi32, #tpu.memory_space<vmem>>) target_semaphore(%arg12 : memref<!tpu.dma_semaphore, #tpu.memory_space<semaphore_mem>>)
    %add3A_33 = arith.constant 2 : i32
    %add3A_34 = arith.addi %add3A_9, %add3A_33 : i32
    %dma_start3A_35 = arith.constant 400 : i32
    %dma_start3A_36 = tpu.memref_slice %arg6[%dma_start3A_35] : memref<3200xi32, #tpu.memory_space<vmem>> -> memref<200xi32, #tpu.memory_space<vmem>>
    %dma_start3A_37 = arith.constant 0 : i32
    %dma_start3A_38 = tpu.memref_slice %arg2[%add3A_34, %dma_start3A_37] : memref<16384x200xi32, #tpu.memory_space<hbm>> -> memref<1x200xi32, #tpu.memory_space<hbm>>
    %dma_start3A_39 = tpu.memref_squeeze %dma_start3A_38 : memref<1x200xi32, #tpu.memory_space<hbm>> -> memref<200xi32, #tpu.memory_space<hbm>>
    %dma_start3A_40 = arith.constant 400 : i32
    %dma_start3A_41 = tpu.memref_slice %arg6[%dma_start3A_40] : memref<3200xi32, #tpu.memory_space<vmem>> -> memref<200xi32, #tpu.memory_space<vmem>>
    %dma_start3A_42 = arith.constant 0 : i32
    %dma_start3A_43 = tpu.memref_slice %arg2[%add3A_34, %dma_start3A_42] : memref<16384x200xi32, #tpu.memory_space<hbm>> -> memref<1x200xi32, #tpu.memory_space<hbm>>
    %dma_start3A_44 = tpu.memref_squeeze %dma_start3A_43 : memref<1x200xi32, #tpu.memory_space<hbm>> -> memref<200xi32, #tpu.memory_space<hbm>>
    tpu.enqueue_dma source(%dma_start3A_44 : memref<200xi32, #tpu.memory_space<hbm>>) target(%dma_start3A_41 : memref<200xi32, #tpu.memory_space<vmem>>) target_semaphore(%arg12 : memref<!tpu.dma_semaphore, #tpu.memory_space<semaphore_mem>>)
    %add3A_45 = arith.constant 3 : i32
    %add3A_46 = arith.addi %add3A_9, %add3A_45 : i32
    %dma_start3A_47 = arith.constant 600 : i32
    %dma_start3A_48 = tpu.memref_slice %arg6[%dma_start3A_47] : memref<3200xi32, #tpu.memory_space<vmem>> -> memref<200xi32, #tpu.memory_space<vmem>>
    %dma_start3A_49 = arith.constant 0 : i32
    %dma_start3A_50 = tpu.memref_slice %arg2[%add3A_46, %dma_start3A_49] : memref<16384x200xi32, #tpu.memory_space<hbm>> -> memref<1x200xi32, #tpu.memory_space<hbm>>
    %dma_start3A_51 = tpu.memref_squeeze %dma_start3A_50 : memref<1x200xi32, #tpu.memory_space<hbm>> -> memref<200xi32, #tpu.memory_space<hbm>>
    %dma_start3A_52 = arith.constant 600 : i32
    %dma_start3A_53 = tpu.memref_slice %arg6[%dma_start3A_52] : memref<3200xi32, #tpu.memory_space<vmem>> -> memref<200xi32, #tpu.memory_space<vmem>>
    %dma_start3A_54 = arith.constant 0 : i32
    %dma_start3A_55 = tpu.memref_slice %arg2[%add3A_46, %dma_start3A_54] : memref<16384x200xi32, #tpu.memory_space<hbm>> -> memref<1x200xi32, #tpu.memory_space<hbm>>
    %dma_start3A_56 = tpu.memref_squeeze %dma_start3A_55 : memref<1x200xi32, #tpu.memory_space<hbm>> -> memref<200xi32, #tpu.memory_space<hbm>>
    tpu.enqueue_dma source(%dma_start3A_56 : memref<200xi32, #tpu.memory_space<hbm>>) target(%dma_start3A_53 : memref<200xi32, #tpu.memory_space<vmem>>) target_semaphore(%arg12 : memref<!tpu.dma_semaphore, #tpu.memory_space<semaphore_mem>>)
    %add3A_57 = arith.constant 4 : i32
    %add3A_58 = arith.addi %add3A_9, %add3A_57 : i32
    %dma_start3A_59 = arith.constant 800 : i32
    %dma_start3A_60 = tpu.memref_slice %arg6[%dma_start3A_59] : memref<3200xi32, #tpu.memory_space<vmem>> -> memref<200xi32, #tpu.memory_space<vmem>>
    %dma_start3A_61 = arith.constant 0 : i32
    %dma_start3A_62 = tpu.memref_slice %arg2[%add3A_58, %dma_start3A_61] : memref<16384x200xi32, #tpu.memory_space<hbm>> -> memref<1x200xi32, #tpu.memory_space<hbm>>
    %dma_start3A_63 = tpu.memref_squeeze %dma_start3A_62 : memref<1x200xi32, #tpu.memory_space<hbm>> -> memref<200xi32, #tpu.memory_space<hbm>>
    %dma_start3A_64 = arith.constant 800 : i32
    %dma_start3A_65 = tpu.memref_slice %arg6[%dma_start3A_64] : memref<3200xi32, #tpu.memory_space<vmem>> -> memref<200xi32, #tpu.memory_space<vmem>>
    %dma_start3A_66 = arith.constant 0 : i32
    %dma_start3A_67 = tpu.memref_slice %arg2[%add3A_58, %dma_start3A_66] : memref<16384x200xi32, #tpu.memory_space<hbm>> -> memref<1x200xi32, #tpu.memory_space<hbm>>
    %dma_start3A_68 = tpu.memref_squeeze %dma_start3A_67 : memref<1x200xi32, #tpu.memory_space<hbm>> -> memref<200xi32, #tpu.memory_space<hbm>>
    tpu.enqueue_dma source(%dma_start3A_68 : memref<200xi32, #tpu.memory_space<hbm>>) target(%dma_start3A_65 : memref<200xi32, #tpu.memory_space<vmem>>) target_semaphore(%arg12 : memref<!tpu.dma_semaphore, #tpu.memory_space<semaphore_mem>>)
    %add3A_69 = arith.constant 5 : i32
    %add3A_70 = arith.addi %add3A_9, %add3A_69 : i32
    %dma_start3A_71 = arith.constant 1000 : i32
    %dma_start3A_72 = tpu.memref_slice %arg6[%dma_start3A_71] : memref<3200xi32, #tpu.memory_space<vmem>> -> memref<200xi32, #tpu.memory_space<vmem>>
    %dma_start3A_73 = arith.constant 0 : i32
    %dma_start3A_74 = tpu.memref_slice %arg2[%add3A_70, %dma_start3A_73] : memref<16384x200xi32, #tpu.memory_space<hbm>> -> memref<1x200xi32, #tpu.memory_space<hbm>>
    %dma_start3A_75 = tpu.memref_squeeze %dma_start3A_74 : memref<1x200xi32, #tpu.memory_space<hbm>> -> memref<200xi32, #tpu.memory_space<hbm>>
    %dma_start3A_76 = arith.constant 1000 : i32
    %dma_start3A_77 = tpu.memref_slice %arg6[%dma_start3A_76] : memref<3200xi32, #tpu.memory_space<vmem>> -> memref<200xi32, #tpu.memory_space<vmem>>
    %dma_start3A_78 = arith.constant 0 : i32
    %dma_start3A_79 = tpu.memref_slice %arg2[%add3A_70, %dma_start3A_78] : memref<16384x200xi32, #tpu.memory_space<hbm>> -> memref<1x200xi32, #tpu.memory_space<hbm>>
    %dma_start3A_80 = tpu.memref_squeeze %dma_start3A_79 : memref<1x200xi32, #tpu.memory_space<hbm>> -> memref<200xi32, #tpu.memory_space<hbm>>
    tpu.enqueue_dma source(%dma_start3A_80 : memref<200xi32, #tpu.memory_space<hbm>>) target(%dma_start3A_77 : memref<200xi32, #tpu.memory_space<vmem>>) target_semaphore(%arg12 : memref<!tpu.dma_semaphore, #tpu.memory_space<semaphore_mem>>)
    %add3A_81 = arith.constant 6 : i32
    %add3A_82 = arith.addi %add3A_9, %add3A_81 : i32
    %dma_start3A_83 = arith.constant 1200 : i32
    %dma_start3A_84 = tpu.memref_slice %arg6[%dma_start3A_83] : memref<3200xi32, #tpu.memory_space<vmem>> -> memref<200xi32, #tpu.memory_space<vmem>>
    %dma_start3A_85 = arith.constant 0 : i32
    %dma_start3A_86 = tpu.memref_slice %arg2[%add3A_82, %dma_start3A_85] : memref<16384x200xi32, #tpu.memory_space<hbm>> -> memref<1x200xi32, #tpu.memory_space<hbm>>
    %dma_start3A_87 = tpu.memref_squeeze %dma_start3A_86 : memref<1x200xi32, #tpu.memory_space<hbm>> -> memref<200xi32, #tpu.memory_space<hbm>>
    %dma_start3A_88 = arith.constant 1200 : i32
    %dma_start3A_89 = tpu.memref_slice %arg6[%dma_start3A_88] : memref<3200xi32, #tpu.memory_space<vmem>> -> memref<200xi32, #tpu.memory_space<vmem>>
    %dma_start3A_90 = arith.constant 0 : i32
    %dma_start3A_91 = tpu.memref_slice %arg2[%add3A_82, %dma_start3A_90] : memref<16384x200xi32, #tpu.memory_space<hbm>> -> memref<1x200xi32, #tpu.memory_space<hbm>>
    %dma_start3A_92 = tpu.memref_squeeze %dma_start3A_91 : memref<1x200xi32, #tpu.memory_space<hbm>> -> memref<200xi32, #tpu.memory_space<hbm>>
    tpu.enqueue_dma source(%dma_start3A_92 : memref<200xi32, #tpu.memory_space<hbm>>) target(%dma_start3A_89 : memref<200xi32, #tpu.memory_space<vmem>>) target_semaphore(%arg12 : memref<!tpu.dma_semaphore, #tpu.memory_space<semaphore_mem>>)
    %add3A_93 = arith.constant 7 : i32
    %add3A_94 = arith.addi %add3A_9, %add3A_93 : i32
    %dma_start3A_95 = arith.constant 1400 : i32
    %dma_start3A_96 = tpu.memref_slice %arg6[%dma_start3A_95] : memref<3200xi32, #tpu.memory_space<vmem>> -> memref<200xi32, #tpu.memory_space<vmem>>
    %dma_start3A_97 = arith.constant 0 : i32
    %dma_start3A_98 = tpu.memref_slice %arg2[%add3A_94, %dma_start3A_97] : memref<16384x200xi32, #tpu.memory_space<hbm>> -> memref<1x200xi32, #tpu.memory_space<hbm>>
    %dma_start3A_99 = tpu.memref_squeeze %dma_start3A_98 : memref<1x200xi32, #tpu.memory_space<hbm>> -> memref<200xi32, #tpu.memory_space<hbm>>
    %dma_start3A_100 = arith.constant 1400 : i32
    %dma_start3A_101 = tpu.memref_slice %arg6[%dma_start3A_100] : memref<3200xi32, #tpu.memory_space<vmem>> -> memref<200xi32, #tpu.memory_space<vmem>>
    %dma_start3A_102 = arith.constant 0 : i32
    %dma_start3A_103 = tpu.memref_slice %arg2[%add3A_94, %dma_start3A_102] : memref<16384x200xi32, #tpu.memory_space<hbm>> -> memref<1x200xi32, #tpu.memory_space<hbm>>
    %dma_start3A_104 = tpu.memref_squeeze %dma_start3A_103 : memref<1x200xi32, #tpu.memory_space<hbm>> -> memref<200xi32, #tpu.memory_space<hbm>>
    tpu.enqueue_dma source(%dma_start3A_104 : memref<200xi32, #tpu.memory_space<hbm>>) target(%dma_start3A_101 : memref<200xi32, #tpu.memory_space<vmem>>) target_semaphore(%arg12 : memref<!tpu.dma_semaphore, #tpu.memory_space<semaphore_mem>>)
    %add3A_105 = arith.constant 0 : i32
    %add3A_106 = arith.addi %add3A_9, %add3A_105 : i32
    %dma_wait3A = arith.constant 0 : i32
    %dma_wait3A_107 = tpu.memref_slice %arg6[%dma_wait3A] : memref<3200xi32, #tpu.memory_space<vmem>> -> memref<200xi32, #tpu.memory_space<vmem>>
    %dma_wait3A_108 = arith.constant 0 : i32
    %dma_wait3A_109 = tpu.memref_slice %arg2[%add3A_106, %dma_wait3A_108] : memref<16384x200xi32, #tpu.memory_space<hbm>> -> memref<1x200xi32, #tpu.memory_space<hbm>>
    %dma_wait3A_110 = tpu.memref_squeeze %dma_wait3A_109 : memref<1x200xi32, #tpu.memory_space<hbm>> -> memref<200xi32, #tpu.memory_space<hbm>>
    %dma_wait3A_111 = arith.constant 0 : i32
    %dma_wait3A_112 = tpu.memref_slice %arg6[%dma_wait3A_111] : memref<3200xi32, #tpu.memory_space<vmem>> -> memref<200xi32, #tpu.memory_space<vmem>>
    %dma_wait3A_113 = arith.constant 0 : i32
    %dma_wait3A_114 = tpu.memref_slice %arg2[%add3A_106, %dma_wait3A_113] : memref<16384x200xi32, #tpu.memory_space<hbm>> -> memref<1x200xi32, #tpu.memory_space<hbm>>
    %dma_wait3A_115 = tpu.memref_squeeze %dma_wait3A_114 : memref<1x200xi32, #tpu.memory_space<hbm>> -> memref<200xi32, #tpu.memory_space<hbm>>
    tpu.wait_dma2 semaphore(%arg12 : memref<!tpu.dma_semaphore, #tpu.memory_space<semaphore_mem>>) src(%dma_wait3A_115 : memref<200xi32, #tpu.memory_space<hbm>>) dst(%dma_wait3A_112 : memref<200xi32, #tpu.memory_space<vmem>>)
    %add3A_116 = arith.constant 1 : i32
    %add3A_117 = arith.addi %add3A_9, %add3A_116 : i32
    %dma_wait3A_118 = arith.constant 200 : i32
    %dma_wait3A_119 = tpu.memref_slice %arg6[%dma_wait3A_118] : memref<3200xi32, #tpu.memory_space<vmem>> -> memref<200xi32, #tpu.memory_space<vmem>>
    %dma_wait3A_120 = arith.constant 0 : i32
    %dma_wait3A_121 = tpu.memref_slice %arg2[%add3A_117, %dma_wait3A_120] : memref<16384x200xi32, #tpu.memory_space<hbm>> -> memref<1x200xi32, #tpu.memory_space<hbm>>
    %dma_wait3A_122 = tpu.memref_squeeze %dma_wait3A_121 : memref<1x200xi32, #tpu.memory_space<hbm>> -> memref<200xi32, #tpu.memory_space<hbm>>
    %dma_wait3A_123 = arith.constant 200 : i32
    %dma_wait3A_124 = tpu.memref_slice %arg6[%dma_wait3A_123] : memref<3200xi32, #tpu.memory_space<vmem>> -> memref<200xi32, #tpu.memory_space<vmem>>
    %dma_wait3A_125 = arith.constant 0 : i32
    %dma_wait3A_126 = tpu.memref_slice %arg2[%add3A_117, %dma_wait3A_125] : memref<16384x200xi32, #tpu.memory_space<hbm>> -> memref<1x200xi32, #tpu.memory_space<hbm>>
    %dma_wait3A_127 = tpu.memref_squeeze %dma_wait3A_126 : memref<1x200xi32, #tpu.memory_space<hbm>> -> memref<200xi32, #tpu.memory_space<hbm>>
    tpu.wait_dma2 semaphore(%arg12 : memref<!tpu.dma_semaphore, #tpu.memory_space<semaphore_mem>>) src(%dma_wait3A_127 : memref<200xi32, #tpu.memory_space<hbm>>) dst(%dma_wait3A_124 : memref<200xi32, #tpu.memory_space<vmem>>)
    %add3A_128 = arith.constant 2 : i32
    %add3A_129 = arith.addi %add3A_9, %add3A_128 : i32
    %dma_wait3A_130 = arith.constant 400 : i32
    %dma_wait3A_131 = tpu.memref_slice %arg6[%dma_wait3A_130] : memref<3200xi32, #tpu.memory_space<vmem>> -> memref<200xi32, #tpu.memory_space<vmem>>
    %dma_wait3A_132 = arith.constant 0 : i32
    %dma_wait3A_133 = tpu.memref_slice %arg2[%add3A_129, %dma_wait3A_132] : memref<16384x200xi32, #tpu.memory_space<hbm>> -> memref<1x200xi32, #tpu.memory_space<hbm>>
    %dma_wait3A_134 = tpu.memref_squeeze %dma_wait3A_133 : memref<1x200xi32, #tpu.memory_space<hbm>> -> memref<200xi32, #tpu.memory_space<hbm>>
    %dma_wait3A_135 = arith.constant 400 : i32
    %dma_wait3A_136 = tpu.memref_slice %arg6[%dma_wait3A_135] : memref<3200xi32, #tpu.memory_space<vmem>> -> memref<200xi32, #tpu.memory_space<vmem>>
    %dma_wait3A_137 = arith.constant 0 : i32
    %dma_wait3A_138 = tpu.memref_slice %arg2[%add3A_129, %dma_wait3A_137] : memref<16384x200xi32, #tpu.memory_space<hbm>> -> memref<1x200xi32, #tpu.memory_space<hbm>>
    %dma_wait3A_139 = tpu.memref_squeeze %dma_wait3A_138 : memref<1x200xi32, #tpu.memory_space<hbm>> -> memref<200xi32, #tpu.memory_space<hbm>>
    tpu.wait_dma2 semaphore(%arg12 : memref<!tpu.dma_semaphore, #tpu.memory_space<semaphore_mem>>) src(%dma_wait3A_139 : memref<200xi32, #tpu.memory_space<hbm>>) dst(%dma_wait3A_136 : memref<200xi32, #tpu.memory_space<vmem>>)
    %add3A_140 = arith.constant 3 : i32
    %add3A_141 = arith.addi %add3A_9, %add3A_140 : i32
    %dma_wait3A_142 = arith.constant 600 : i32
    %dma_wait3A_143 = tpu.memref_slice %arg6[%dma_wait3A_142] : memref<3200xi32, #tpu.memory_space<vmem>> -> memref<200xi32, #tpu.memory_space<vmem>>
    %dma_wait3A_144 = arith.constant 0 : i32
    %dma_wait3A_145 = tpu.memref_slice %arg2[%add3A_141, %dma_wait3A_144] : memref<16384x200xi32, #tpu.memory_space<hbm>> -> memref<1x200xi32, #tpu.memory_space<hbm>>
    %dma_wait3A_146 = tpu.memref_squeeze %dma_wait3A_145 : memref<1x200xi32, #tpu.memory_space<hbm>> -> memref<200xi32, #tpu.memory_space<hbm>>
    %dma_wait3A_147 = arith.constant 600 : i32
    %dma_wait3A_148 = tpu.memref_slice %arg6[%dma_wait3A_147] : memref<3200xi32, #tpu.memory_space<vmem>> -> memref<200xi32, #tpu.memory_space<vmem>>
    %dma_wait3A_149 = arith.constant 0 : i32
    %dma_wait3A_150 = tpu.memref_slice %arg2[%add3A_141, %dma_wait3A_149] : memref<16384x200xi32, #tpu.memory_space<hbm>> -> memref<1x200xi32, #tpu.memory_space<hbm>>
    %dma_wait3A_151 = tpu.memref_squeeze %dma_wait3A_150 : memref<1x200xi32, #tpu.memory_space<hbm>> -> memref<200xi32, #tpu.memory_space<hbm>>
    tpu.wait_dma2 semaphore(%arg12 : memref<!tpu.dma_semaphore, #tpu.memory_space<semaphore_mem>>) src(%dma_wait3A_151 : memref<200xi32, #tpu.memory_space<hbm>>) dst(%dma_wait3A_148 : memref<200xi32, #tpu.memory_space<vmem>>)
    %add3A_152 = arith.constant 4 : i32
    %add3A_153 = arith.addi %add3A_9, %add3A_152 : i32
    %dma_wait3A_154 = arith.constant 800 : i32
    %dma_wait3A_155 = tpu.memref_slice %arg6[%dma_wait3A_154] : memref<3200xi32, #tpu.memory_space<vmem>> -> memref<200xi32, #tpu.memory_space<vmem>>
    %dma_wait3A_156 = arith.constant 0 : i32
    %dma_wait3A_157 = tpu.memref_slice %arg2[%add3A_153, %dma_wait3A_156] : memref<16384x200xi32, #tpu.memory_space<hbm>> -> memref<1x200xi32, #tpu.memory_space<hbm>>
    %dma_wait3A_158 = tpu.memref_squeeze %dma_wait3A_157 : memref<1x200xi32, #tpu.memory_space<hbm>> -> memref<200xi32, #tpu.memory_space<hbm>>
    %dma_wait3A_159 = arith.constant 800 : i32
    %dma_wait3A_160 = tpu.memref_slice %arg6[%dma_wait3A_159] : memref<3200xi32, #tpu.memory_space<vmem>> -> memref<200xi32, #tpu.memory_space<vmem>>
    %dma_wait3A_161 = arith.constant 0 : i32
    %dma_wait3A_162 = tpu.memref_slice %arg2[%add3A_153, %dma_wait3A_161] : memref<16384x200xi32, #tpu.memory_space<hbm>> -> memref<1x200xi32, #tpu.memory_space<hbm>>
    %dma_wait3A_163 = tpu.memref_squeeze %dma_wait3A_162 : memref<1x200xi32, #tpu.memory_space<hbm>> -> memref<200xi32, #tpu.memory_space<hbm>>
    tpu.wait_dma2 semaphore(%arg12 : memref<!tpu.dma_semaphore, #tpu.memory_space<semaphore_mem>>) src(%dma_wait3A_163 : memref<200xi32, #tpu.memory_space<hbm>>) dst(%dma_wait3A_160 : memref<200xi32, #tpu.memory_space<vmem>>)
    %add3A_164 = arith.constant 5 : i32
    %add3A_165 = arith.addi %add3A_9, %add3A_164 : i32
    %dma_wait3A_166 = arith.constant 1000 : i32
    %dma_wait3A_167 = tpu.memref_slice %arg6[%dma_wait3A_166] : memref<3200xi32, #tpu.memory_space<vmem>> -> memref<200xi32, #tpu.memory_space<vmem>>
    %dma_wait3A_168 = arith.constant 0 : i32
    %dma_wait3A_169 = tpu.memref_slice %arg2[%add3A_165, %dma_wait3A_168] : memref<16384x200xi32, #tpu.memory_space<hbm>> -> memref<1x200xi32, #tpu.memory_space<hbm>>
    %dma_wait3A_170 = tpu.memref_squeeze %dma_wait3A_169 : memref<1x200xi32, #tpu.memory_space<hbm>> -> memref<200xi32, #tpu.memory_space<hbm>>
    %dma_wait3A_171 = arith.constant 1000 : i32
    %dma_wait3A_172 = tpu.memref_slice %arg6[%dma_wait3A_171] : memref<3200xi32, #tpu.memory_space<vmem>> -> memref<200xi32, #tpu.memory_space<vmem>>
    %dma_wait3A_173 = arith.constant 0 : i32
    %dma_wait3A_174 = tpu.memref_slice %arg2[%add3A_165, %dma_wait3A_173] : memref<16384x200xi32, #tpu.memory_space<hbm>> -> memref<1x200xi32, #tpu.memory_space<hbm>>
    %dma_wait3A_175 = tpu.memref_squeeze %dma_wait3A_174 : memref<1x200xi32, #tpu.memory_space<hbm>> -> memref<200xi32, #tpu.memory_space<hbm>>
    tpu.wait_dma2 semaphore(%arg12 : memref<!tpu.dma_semaphore, #tpu.memory_space<semaphore_mem>>) src(%dma_wait3A_175 : memref<200xi32, #tpu.memory_space<hbm>>) dst(%dma_wait3A_172 : memref<200xi32, #tpu.memory_space<vmem>>)
    %add3A_176 = arith.constant 6 : i32
    %add3A_177 = arith.addi %add3A_9, %add3A_176 : i32
    %dma_wait3A_178 = arith.constant 1200 : i32
    %dma_wait3A_179 = tpu.memref_slice %arg6[%dma_wait3A_178] : memref<3200xi32, #tpu.memory_space<vmem>> -> memref<200xi32, #tpu.memory_space<vmem>>
    %dma_wait3A_180 = arith.constant 0 : i32
    %dma_wait3A_181 = tpu.memref_slice %arg2[%add3A_177, %dma_wait3A_180] : memref<16384x200xi32, #tpu.memory_space<hbm>> -> memref<1x200xi32, #tpu.memory_space<hbm>>
    %dma_wait3A_182 = tpu.memref_squeeze %dma_wait3A_181 : memref<1x200xi32, #tpu.memory_space<hbm>> -> memref<200xi32, #tpu.memory_space<hbm>>
    %dma_wait3A_183 = arith.constant 1200 : i32
    %dma_wait3A_184 = tpu.memref_slice %arg6[%dma_wait3A_183] : memref<3200xi32, #tpu.memory_space<vmem>> -> memref<200xi32, #tpu.memory_space<vmem>>
    %dma_wait3A_185 = arith.constant 0 : i32
    %dma_wait3A_186 = tpu.memref_slice %arg2[%add3A_177, %dma_wait3A_185] : memref<16384x200xi32, #tpu.memory_space<hbm>> -> memref<1x200xi32, #tpu.memory_space<hbm>>
    %dma_wait3A_187 = tpu.memref_squeeze %dma_wait3A_186 : memref<1x200xi32, #tpu.memory_space<hbm>> -> memref<200xi32, #tpu.memory_space<hbm>>
    tpu.wait_dma2 semaphore(%arg12 : memref<!tpu.dma_semaphore, #tpu.memory_space<semaphore_mem>>) src(%dma_wait3A_187 : memref<200xi32, #tpu.memory_space<hbm>>) dst(%dma_wait3A_184 : memref<200xi32, #tpu.memory_space<vmem>>)
    %add3A_188 = arith.constant 7 : i32
    %add3A_189 = arith.addi %add3A_9, %add3A_188 : i32
    %dma_wait3A_190 = arith.constant 1400 : i32
    %dma_wait3A_191 = tpu.memref_slice %arg6[%dma_wait3A_190] : memref<3200xi32, #tpu.memory_space<vmem>> -> memref<200xi32, #tpu.memory_space<vmem>>
    %dma_wait3A_192 = arith.constant 0 : i32
    %dma_wait3A_193 = tpu.memref_slice %arg2[%add3A_189, %dma_wait3A_192] : memref<16384x200xi32, #tpu.memory_space<hbm>> -> memref<1x200xi32, #tpu.memory_space<hbm>>
    %dma_wait3A_194 = tpu.memref_squeeze %dma_wait3A_193 : memref<1x200xi32, #tpu.memory_space<hbm>> -> memref<200xi32, #tpu.memory_space<hbm>>
    %dma_wait3A_195 = arith.constant 1400 : i32
    %dma_wait3A_196 = tpu.memref_slice %arg6[%dma_wait3A_195] : memref<3200xi32, #tpu.memory_space<vmem>> -> memref<200xi32, #tpu.memory_space<vmem>>
    %dma_wait3A_197 = arith.constant 0 : i32
    %dma_wait3A_198 = tpu.memref_slice %arg2[%add3A_189, %dma_wait3A_197] : memref<16384x200xi32, #tpu.memory_space<hbm>> -> memref<1x200xi32, #tpu.memory_space<hbm>>
    %dma_wait3A_199 = tpu.memref_squeeze %dma_wait3A_198 : memref<1x200xi32, #tpu.memory_space<hbm>> -> memref<200xi32, #tpu.memory_space<hbm>>
    tpu.wait_dma2 semaphore(%arg12 : memref<!tpu.dma_semaphore, #tpu.memory_space<semaphore_mem>>) src(%dma_wait3A_199 : memref<200xi32, #tpu.memory_space<hbm>>) dst(%dma_wait3A_196 : memref<200xi32, #tpu.memory_space<vmem>>)
    %dma_start3A_200 = arith.constant 0 : i32
    %dma_start3A_201 = arith.constant 0 : i32
    %dma_start3A_202 = arith.constant 0 : i32
    %dma_start3A_203 = tpu.memref_slice %arg7[%dma_start3A_200, %dma_start3A_201, %dma_start3A_202] : memref<2x1600x32xf32, #tpu.memory_space<vmem>> -> memref<1x1600x32xf32, #tpu.memory_space<vmem>>
    %dma_start3A_204 = tpu.memref_squeeze %dma_start3A_203 : memref<1x1600x32xf32, #tpu.memory_space<vmem>> -> memref<1600x32xf32, #tpu.memory_space<vmem>>
    %dma_start3A_205 = arith.constant 0 : i32
    %dma_start3A_206 = tpu.memref_slice %arg6[%dma_start3A_205] : memref<3200xi32, #tpu.memory_space<vmem>> -> memref<1600xi32, #tpu.memory_space<vmem>>
    %dma_start3A_207 = arith.constant 0 : i32
    %dma_start3A_208 = arith.constant 0 : i32
    %dma_start3A_209 = tpu.memref_slice %arg3[%dma_start3A_207, %dma_start3A_208] : memref<1000000x32xf32, #tpu.memory_space<hbm>> -> memref<1000000x32xf32, #tpu.memory_space<hbm>>
    tpu.enqueue_indirect_dma source(%dma_start3A_209 : memref<1000000x32xf32, #tpu.memory_space<hbm>>) target(%dma_start3A_204 : memref<1600x32xf32, #tpu.memory_space<vmem>>) offsets(%dma_start3A_206 : memref<1600xi32, #tpu.memory_space<vmem>>) semaphore(%arg10 : memref<!tpu.dma_semaphore, #tpu.memory_space<semaphore_mem>>)
    %scan3A = arith.constant 0 : i32
    %scan3A_210 = arith.constant 32 : i32
    %scan3A_211 = arith.addi %scan3A, %scan3A_210 : i32
    %scan3A_212 = arith.constant 1 : i32
    scf.for %scan3A_244 = %scan3A to %scan3A_211 step %scan3A_212  : i32 {
      %mul3A_245 = arith.constant 2 : i32
      %mul3A_246 = arith.muli %scan3A_244, %mul3A_245 : i32
      %add3A_247 = arith.constant 0 : i32
      %add3A_248 = arith.addi %add3A_247, %mul3A_246 : i32
      %add3A_249 = arith.constant 0 : i32
      %add3A_250 = arith.addi %add3A_248, %add3A_249 : i32
      %add3A_251 = arith.constant 1 : i32
      %add3A_252 = arith.addi %add3A_250, %add3A_251 : i32
      %lt3A = arith.constant 64 : i32
      %lt3A_253 = arith.cmpi slt, %add3A_252, %lt3A : i32
      %convert_element_type3A = arith.extui %lt3A_253 : i1 to i32
      %cond3A = arith.constant 0 : i32
      %cond3A_254 = arith.cmpi ne, %convert_element_type3A, %cond3A : i32
      scf.if %cond3A_254 {
        %add3A_676 = arith.constant 1 : i32
        %add3A_677 = arith.addi %add3A_250, %add3A_676 : i32
        %mul3A_678 = arith.constant 8 : i32
        %mul3A_679 = arith.muli %add3A_677, %mul3A_678 : i32
        %add3A_680 = arith.addi %mul3A_2, %mul3A_679 : i32
        %add3A_681 = arith.constant 0 : i32
        %add3A_682 = arith.addi %add3A_680, %add3A_681 : i32
        %dma_start3A_683 = arith.constant 1600 : i32
        %dma_start3A_684 = tpu.memref_slice %arg6[%dma_start3A_683] : memref<3200xi32, #tpu.memory_space<vmem>> -> memref<200xi32, #tpu.memory_space<vmem>>
        %dma_start3A_685 = arith.constant 0 : i32
        %dma_start3A_686 = tpu.memref_slice %arg2[%add3A_682, %dma_start3A_685] : memref<16384x200xi32, #tpu.memory_space<hbm>> -> memref<1x200xi32, #tpu.memory_space<hbm>>
        %dma_start3A_687 = tpu.memref_squeeze %dma_start3A_686 : memref<1x200xi32, #tpu.memory_space<hbm>> -> memref<200xi32, #tpu.memory_space<hbm>>
        %dma_start3A_688 = arith.constant 1600 : i32
        %dma_start3A_689 = tpu.memref_slice %arg6[%dma_start3A_688] : memref<3200xi32, #tpu.memory_space<vmem>> -> memref<200xi32, #tpu.memory_space<vmem>>
        %dma_start3A_690 = arith.constant 0 : i32
        %dma_start3A_691 = tpu.memref_slice %arg2[%add3A_682, %dma_start3A_690] : memref<16384x200xi32, #tpu.memory_space<hbm>> -> memref<1x200xi32, #tpu.memory_space<hbm>>
        %dma_start3A_692 = tpu.memref_squeeze %dma_start3A_691 : memref<1x200xi32, #tpu.memory_space<hbm>> -> memref<200xi32, #tpu.memory_space<hbm>>
        tpu.enqueue_dma source(%dma_start3A_692 : memref<200xi32, #tpu.memory_space<hbm>>) target(%dma_start3A_689 : memref<200xi32, #tpu.memory_space<vmem>>) target_semaphore(%arg13 : memref<!tpu.dma_semaphore, #tpu.memory_space<semaphore_mem>>)
        %add3A_693 = arith.constant 1 : i32
        %add3A_694 = arith.addi %add3A_680, %add3A_693 : i32
        %dma_start3A_695 = arith.constant 1800 : i32
        %dma_start3A_696 = tpu.memref_slice %arg6[%dma_start3A_695] : memref<3200xi32, #tpu.memory_space<vmem>> -> memref<200xi32, #tpu.memory_space<vmem>>
        %dma_start3A_697 = arith.constant 0 : i32
        %dma_start3A_698 = tpu.memref_slice %arg2[%add3A_694, %dma_start3A_697] : memref<16384x200xi32, #tpu.memory_space<hbm>> -> memref<1x200xi32, #tpu.memory_space<hbm>>
        %dma_start3A_699 = tpu.memref_squeeze %dma_start3A_698 : memref<1x200xi32, #tpu.memory_space<hbm>> -> memref<200xi32, #tpu.memory_space<hbm>>
        %dma_start3A_700 = arith.constant 1800 : i32
        %dma_start3A_701 = tpu.memref_slice %arg6[%dma_start3A_700] : memref<3200xi32, #tpu.memory_space<vmem>> -> memref<200xi32, #tpu.memory_space<vmem>>
        %dma_start3A_702 = arith.constant 0 : i32
        %dma_start3A_703 = tpu.memref_slice %arg2[%add3A_694, %dma_start3A_702] : memref<16384x200xi32, #tpu.memory_space<hbm>> -> memref<1x200xi32, #tpu.memory_space<hbm>>
        %dma_start3A_704 = tpu.memref_squeeze %dma_start3A_703 : memref<1x200xi32, #tpu.memory_space<hbm>> -> memref<200xi32, #tpu.memory_space<hbm>>
        tpu.enqueue_dma source(%dma_start3A_704 : memref<200xi32, #tpu.memory_space<hbm>>) target(%dma_start3A_701 : memref<200xi32, #tpu.memory_space<vmem>>) target_semaphore(%arg13 : memref<!tpu.dma_semaphore, #tpu.memory_space<semaphore_mem>>)
        %add3A_705 = arith.constant 2 : i32
        %add3A_706 = arith.addi %add3A_680, %add3A_705 : i32
        %dma_start3A_707 = arith.constant 2000 : i32
        %dma_start3A_708 = tpu.memref_slice %arg6[%dma_start3A_707] : memref<3200xi32, #tpu.memory_space<vmem>> -> memref<200xi32, #tpu.memory_space<vmem>>
        %dma_start3A_709 = arith.constant 0 : i32
        %dma_start3A_710 = tpu.memref_slice %arg2[%add3A_706, %dma_start3A_709] : memref<16384x200xi32, #tpu.memory_space<hbm>> -> memref<1x200xi32, #tpu.memory_space<hbm>>
        %dma_start3A_711 = tpu.memref_squeeze %dma_start3A_710 : memref<1x200xi32, #tpu.memory_space<hbm>> -> memref<200xi32, #tpu.memory_space<hbm>>
        %dma_start3A_712 = arith.constant 2000 : i32
        %dma_start3A_713 = tpu.memref_slice %arg6[%dma_start3A_712] : memref<3200xi32, #tpu.memory_space<vmem>> -> memref<200xi32, #tpu.memory_space<vmem>>
        %dma_start3A_714 = arith.constant 0 : i32
        %dma_start3A_715 = tpu.memref_slice %arg2[%add3A_706, %dma_start3A_714] : memref<16384x200xi32, #tpu.memory_space<hbm>> -> memref<1x200xi32, #tpu.memory_space<hbm>>
        %dma_start3A_716 = tpu.memref_squeeze %dma_start3A_715 : memref<1x200xi32, #tpu.memory_space<hbm>> -> memref<200xi32, #tpu.memory_space<hbm>>
        tpu.enqueue_dma source(%dma_start3A_716 : memref<200xi32, #tpu.memory_space<hbm>>) target(%dma_start3A_713 : memref<200xi32, #tpu.memory_space<vmem>>) target_semaphore(%arg13 : memref<!tpu.dma_semaphore, #tpu.memory_space<semaphore_mem>>)
        %add3A_717 = arith.constant 3 : i32
        %add3A_718 = arith.addi %add3A_680, %add3A_717 : i32
        %dma_start3A_719 = arith.constant 2200 : i32
        %dma_start3A_720 = tpu.memref_slice %arg6[%dma_start3A_719] : memref<3200xi32, #tpu.memory_space<vmem>> -> memref<200xi32, #tpu.memory_space<vmem>>
        %dma_start3A_721 = arith.constant 0 : i32
        %dma_start3A_722 = tpu.memref_slice %arg2[%add3A_718, %dma_start3A_721] : memref<16384x200xi32, #tpu.memory_space<hbm>> -> memref<1x200xi32, #tpu.memory_space<hbm>>
        %dma_start3A_723 = tpu.memref_squeeze %dma_start3A_722 : memref<1x200xi32, #tpu.memory_space<hbm>> -> memref<200xi32, #tpu.memory_space<hbm>>
        %dma_start3A_724 = arith.constant 2200 : i32
        %dma_start3A_725 = tpu.memref_slice %arg6[%dma_start3A_724] : memref<3200xi32, #tpu.memory_space<vmem>> -> memref<200xi32, #tpu.memory_space<vmem>>
        %dma_start3A_726 = arith.constant 0 : i32
        %dma_start3A_727 = tpu.memref_slice %arg2[%add3A_718, %dma_start3A_726] : memref<16384x200xi32, #tpu.memory_space<hbm>> -> memref<1x200xi32, #tpu.memory_space<hbm>>
        %dma_start3A_728 = tpu.memref_squeeze %dma_start3A_727 : memref<1x200xi32, #tpu.memory_space<hbm>> -> memref<200xi32, #tpu.memory_space<hbm>>
        tpu.enqueue_dma source(%dma_start3A_728 : memref<200xi32, #tpu.memory_space<hbm>>) target(%dma_start3A_725 : memref<200xi32, #tpu.memory_space<vmem>>) target_semaphore(%arg13 : memref<!tpu.dma_semaphore, #tpu.memory_space<semaphore_mem>>)
        %add3A_729 = arith.constant 4 : i32
        %add3A_730 = arith.addi %add3A_680, %add3A_729 : i32
        %dma_start3A_731 = arith.constant 2400 : i32
        %dma_start3A_732 = tpu.memref_slice %arg6[%dma_start3A_731] : memref<3200xi32, #tpu.memory_space<vmem>> -> memref<200xi32, #tpu.memory_space<vmem>>
        %dma_start3A_733 = arith.constant 0 : i32
        %dma_start3A_734 = tpu.memref_slice %arg2[%add3A_730, %dma_start3A_733] : memref<16384x200xi32, #tpu.memory_space<hbm>> -> memref<1x200xi32, #tpu.memory_space<hbm>>
        %dma_start3A_735 = tpu.memref_squeeze %dma_start3A_734 : memref<1x200xi32, #tpu.memory_space<hbm>> -> memref<200xi32, #tpu.memory_space<hbm>>
        %dma_start3A_736 = arith.constant 2400 : i32
        %dma_start3A_737 = tpu.memref_slice %arg6[%dma_start3A_736] : memref<3200xi32, #tpu.memory_space<vmem>> -> memref<200xi32, #tpu.memory_space<vmem>>
        %dma_start3A_738 = arith.constant 0 : i32
        %dma_start3A_739 = tpu.memref_slice %arg2[%add3A_730, %dma_start3A_738] : memref<16384x200xi32, #tpu.memory_space<hbm>> -> memref<1x200xi32, #tpu.memory_space<hbm>>
        %dma_start3A_740 = tpu.memref_squeeze %dma_start3A_739 : memref<1x200xi32, #tpu.memory_space<hbm>> -> memref<200xi32, #tpu.memory_space<hbm>>
        tpu.enqueue_dma source(%dma_start3A_740 : memref<200xi32, #tpu.memory_space<hbm>>) target(%dma_start3A_737 : memref<200xi32, #tpu.memory_space<vmem>>) target_semaphore(%arg13 : memref<!tpu.dma_semaphore, #tpu.memory_space<semaphore_mem>>)
        %add3A_741 = arith.constant 5 : i32
        %add3A_742 = arith.addi %add3A_680, %add3A_741 : i32
        %dma_start3A_743 = arith.constant 2600 : i32
        %dma_start3A_744 = tpu.memref_slice %arg6[%dma_start3A_743] : memref<3200xi32, #tpu.memory_space<vmem>> -> memref<200xi32, #tpu.memory_space<vmem>>
        %dma_start3A_745 = arith.constant 0 : i32
        %dma_start3A_746 = tpu.memref_slice %arg2[%add3A_742, %dma_start3A_745] : memref<16384x200xi32, #tpu.memory_space<hbm>> -> memref<1x200xi32, #tpu.memory_space<hbm>>
        %dma_start3A_747 = tpu.memref_squeeze %dma_start3A_746 : memref<1x200xi32, #tpu.memory_space<hbm>> -> memref<200xi32, #tpu.memory_space<hbm>>
        %dma_start3A_748 = arith.constant 2600 : i32
        %dma_start3A_749 = tpu.memref_slice %arg6[%dma_start3A_748] : memref<3200xi32, #tpu.memory_space<vmem>> -> memref<200xi32, #tpu.memory_space<vmem>>
        %dma_start3A_750 = arith.constant 0 : i32
        %dma_start3A_751 = tpu.memref_slice %arg2[%add3A_742, %dma_start3A_750] : memref<16384x200xi32, #tpu.memory_space<hbm>> -> memref<1x200xi32, #tpu.memory_space<hbm>>
        %dma_start3A_752 = tpu.memref_squeeze %dma_start3A_751 : memref<1x200xi32, #tpu.memory_space<hbm>> -> memref<200xi32, #tpu.memory_space<hbm>>
        tpu.enqueue_dma source(%dma_start3A_752 : memref<200xi32, #tpu.memory_space<hbm>>) target(%dma_start3A_749 : memref<200xi32, #tpu.memory_space<vmem>>) target_semaphore(%arg13 : memref<!tpu.dma_semaphore, #tpu.memory_space<semaphore_mem>>)
        %add3A_753 = arith.constant 6 : i32
        %add3A_754 = arith.addi %add3A_680, %add3A_753 : i32
        %dma_start3A_755 = arith.constant 2800 : i32
        %dma_start3A_756 = tpu.memref_slice %arg6[%dma_start3A_755] : memref<3200xi32, #tpu.memory_space<vmem>> -> memref<200xi32, #tpu.memory_space<vmem>>
        %dma_start3A_757 = arith.constant 0 : i32
        %dma_start3A_758 = tpu.memref_slice %arg2[%add3A_754, %dma_start3A_757] : memref<16384x200xi32, #tpu.memory_space<hbm>> -> memref<1x200xi32, #tpu.memory_space<hbm>>
        %dma_start3A_759 = tpu.memref_squeeze %dma_start3A_758 : memref<1x200xi32, #tpu.memory_space<hbm>> -> memref<200xi32, #tpu.memory_space<hbm>>
        %dma_start3A_760 = arith.constant 2800 : i32
        %dma_start3A_761 = tpu.memref_slice %arg6[%dma_start3A_760] : memref<3200xi32, #tpu.memory_space<vmem>> -> memref<200xi32, #tpu.memory_space<vmem>>
        %dma_start3A_762 = arith.constant 0 : i32
        %dma_start3A_763 = tpu.memref_slice %arg2[%add3A_754, %dma_start3A_762] : memref<16384x200xi32, #tpu.memory_space<hbm>> -> memref<1x200xi32, #tpu.memory_space<hbm>>
        %dma_start3A_764 = tpu.memref_squeeze %dma_start3A_763 : memref<1x200xi32, #tpu.memory_space<hbm>> -> memref<200xi32, #tpu.memory_space<hbm>>
        tpu.enqueue_dma source(%dma_start3A_764 : memref<200xi32, #tpu.memory_space<hbm>>) target(%dma_start3A_761 : memref<200xi32, #tpu.memory_space<vmem>>) target_semaphore(%arg13 : memref<!tpu.dma_semaphore, #tpu.memory_space<semaphore_mem>>)
        %add3A_765 = arith.constant 7 : i32
        %add3A_766 = arith.addi %add3A_680, %add3A_765 : i32
        %dma_start3A_767 = arith.constant 3000 : i32
        %dma_start3A_768 = tpu.memref_slice %arg6[%dma_start3A_767] : memref<3200xi32, #tpu.memory_space<vmem>> -> memref<200xi32, #tpu.memory_space<vmem>>
        %dma_start3A_769 = arith.constant 0 : i32
        %dma_start3A_770 = tpu.memref_slice %arg2[%add3A_766, %dma_start3A_769] : memref<16384x200xi32, #tpu.memory_space<hbm>> -> memref<1x200xi32, #tpu.memory_space<hbm>>
        %dma_start3A_771 = tpu.memref_squeeze %dma_start3A_770 : memref<1x200xi32, #tpu.memory_space<hbm>> -> memref<200xi32, #tpu.memory_space<hbm>>
        %dma_start3A_772 = arith.constant 3000 : i32
        %dma_start3A_773 = tpu.memref_slice %arg6[%dma_start3A_772] : memref<3200xi32, #tpu.memory_space<vmem>> -> memref<200xi32, #tpu.memory_space<vmem>>
        %dma_start3A_774 = arith.constant 0 : i32
        %dma_start3A_775 = tpu.memref_slice %arg2[%add3A_766, %dma_start3A_774] : memref<16384x200xi32, #tpu.memory_space<hbm>> -> memref<1x200xi32, #tpu.memory_space<hbm>>
        %dma_start3A_776 = tpu.memref_squeeze %dma_start3A_775 : memref<1x200xi32, #tpu.memory_space<hbm>> -> memref<200xi32, #tpu.memory_space<hbm>>
        tpu.enqueue_dma source(%dma_start3A_776 : memref<200xi32, #tpu.memory_space<hbm>>) target(%dma_start3A_773 : memref<200xi32, #tpu.memory_space<vmem>>) target_semaphore(%arg13 : memref<!tpu.dma_semaphore, #tpu.memory_space<semaphore_mem>>)
        %add3A_777 = arith.constant 0 : i32
        %add3A_778 = arith.addi %add3A_680, %add3A_777 : i32
        %dma_wait3A_779 = arith.constant 1600 : i32
        %dma_wait3A_780 = tpu.memref_slice %arg6[%dma_wait3A_779] : memref<3200xi32, #tpu.memory_space<vmem>> -> memref<200xi32, #tpu.memory_space<vmem>>
        %dma_wait3A_781 = arith.constant 0 : i32
        %dma_wait3A_782 = tpu.memref_slice %arg2[%add3A_778, %dma_wait3A_781] : memref<16384x200xi32, #tpu.memory_space<hbm>> -> memref<1x200xi32, #tpu.memory_space<hbm>>
        %dma_wait3A_783 = tpu.memref_squeeze %dma_wait3A_782 : memref<1x200xi32, #tpu.memory_space<hbm>> -> memref<200xi32, #tpu.memory_space<hbm>>
        %dma_wait3A_784 = arith.constant 1600 : i32
        %dma_wait3A_785 = tpu.memref_slice %arg6[%dma_wait3A_784] : memref<3200xi32, #tpu.memory_space<vmem>> -> memref<200xi32, #tpu.memory_space<vmem>>
        %dma_wait3A_786 = arith.constant 0 : i32
        %dma_wait3A_787 = tpu.memref_slice %arg2[%add3A_778, %dma_wait3A_786] : memref<16384x200xi32, #tpu.memory_space<hbm>> -> memref<1x200xi32, #tpu.memory_space<hbm>>
        %dma_wait3A_788 = tpu.memref_squeeze %dma_wait3A_787 : memref<1x200xi32, #tpu.memory_space<hbm>> -> memref<200xi32, #tpu.memory_space<hbm>>
        tpu.wait_dma2 semaphore(%arg13 : memref<!tpu.dma_semaphore, #tpu.memory_space<semaphore_mem>>) src(%dma_wait3A_788 : memref<200xi32, #tpu.memory_space<hbm>>) dst(%dma_wait3A_785 : memref<200xi32, #tpu.memory_space<vmem>>)
        %add3A_789 = arith.constant 1 : i32
        %add3A_790 = arith.addi %add3A_680, %add3A_789 : i32
        %dma_wait3A_791 = arith.constant 1800 : i32
        %dma_wait3A_792 = tpu.memref_slice %arg6[%dma_wait3A_791] : memref<3200xi32, #tpu.memory_space<vmem>> -> memref<200xi32, #tpu.memory_space<vmem>>
        %dma_wait3A_793 = arith.constant 0 : i32
        %dma_wait3A_794 = tpu.memref_slice %arg2[%add3A_790, %dma_wait3A_793] : memref<16384x200xi32, #tpu.memory_space<hbm>> -> memref<1x200xi32, #tpu.memory_space<hbm>>
        %dma_wait3A_795 = tpu.memref_squeeze %dma_wait3A_794 : memref<1x200xi32, #tpu.memory_space<hbm>> -> memref<200xi32, #tpu.memory_space<hbm>>
        %dma_wait3A_796 = arith.constant 1800 : i32
        %dma_wait3A_797 = tpu.memref_slice %arg6[%dma_wait3A_796] : memref<3200xi32, #tpu.memory_space<vmem>> -> memref<200xi32, #tpu.memory_space<vmem>>
        %dma_wait3A_798 = arith.constant 0 : i32
        %dma_wait3A_799 = tpu.memref_slice %arg2[%add3A_790, %dma_wait3A_798] : memref<16384x200xi32, #tpu.memory_space<hbm>> -> memref<1x200xi32, #tpu.memory_space<hbm>>
        %dma_wait3A_800 = tpu.memref_squeeze %dma_wait3A_799 : memref<1x200xi32, #tpu.memory_space<hbm>> -> memref<200xi32, #tpu.memory_space<hbm>>
        tpu.wait_dma2 semaphore(%arg13 : memref<!tpu.dma_semaphore, #tpu.memory_space<semaphore_mem>>) src(%dma_wait3A_800 : memref<200xi32, #tpu.memory_space<hbm>>) dst(%dma_wait3A_797 : memref<200xi32, #tpu.memory_space<vmem>>)
        %add3A_801 = arith.constant 2 : i32
        %add3A_802 = arith.addi %add3A_680, %add3A_801 : i32
        %dma_wait3A_803 = arith.constant 2000 : i32
        %dma_wait3A_804 = tpu.memref_slice %arg6[%dma_wait3A_803] : memref<3200xi32, #tpu.memory_space<vmem>> -> memref<200xi32, #tpu.memory_space<vmem>>
        %dma_wait3A_805 = arith.constant 0 : i32
        %dma_wait3A_806 = tpu.memref_slice %arg2[%add3A_802, %dma_wait3A_805] : memref<16384x200xi32, #tpu.memory_space<hbm>> -> memref<1x200xi32, #tpu.memory_space<hbm>>
        %dma_wait3A_807 = tpu.memref_squeeze %dma_wait3A_806 : memref<1x200xi32, #tpu.memory_space<hbm>> -> memref<200xi32, #tpu.memory_space<hbm>>
        %dma_wait3A_808 = arith.constant 2000 : i32
        %dma_wait3A_809 = tpu.memref_slice %arg6[%dma_wait3A_808] : memref<3200xi32, #tpu.memory_space<vmem>> -> memref<200xi32, #tpu.memory_space<vmem>>
        %dma_wait3A_810 = arith.constant 0 : i32
        %dma_wait3A_811 = tpu.memref_slice %arg2[%add3A_802, %dma_wait3A_810] : memref<16384x200xi32, #tpu.memory_space<hbm>> -> memref<1x200xi32, #tpu.memory_space<hbm>>
        %dma_wait3A_812 = tpu.memref_squeeze %dma_wait3A_811 : memref<1x200xi32, #tpu.memory_space<hbm>> -> memref<200xi32, #tpu.memory_space<hbm>>
        tpu.wait_dma2 semaphore(%arg13 : memref<!tpu.dma_semaphore, #tpu.memory_space<semaphore_mem>>) src(%dma_wait3A_812 : memref<200xi32, #tpu.memory_space<hbm>>) dst(%dma_wait3A_809 : memref<200xi32, #tpu.memory_space<vmem>>)
        %add3A_813 = arith.constant 3 : i32
        %add3A_814 = arith.addi %add3A_680, %add3A_813 : i32
        %dma_wait3A_815 = arith.constant 2200 : i32
        %dma_wait3A_816 = tpu.memref_slice %arg6[%dma_wait3A_815] : memref<3200xi32, #tpu.memory_space<vmem>> -> memref<200xi32, #tpu.memory_space<vmem>>
        %dma_wait3A_817 = arith.constant 0 : i32
        %dma_wait3A_818 = tpu.memref_slice %arg2[%add3A_814, %dma_wait3A_817] : memref<16384x200xi32, #tpu.memory_space<hbm>> -> memref<1x200xi32, #tpu.memory_space<hbm>>
        %dma_wait3A_819 = tpu.memref_squeeze %dma_wait3A_818 : memref<1x200xi32, #tpu.memory_space<hbm>> -> memref<200xi32, #tpu.memory_space<hbm>>
        %dma_wait3A_820 = arith.constant 2200 : i32
        %dma_wait3A_821 = tpu.memref_slice %arg6[%dma_wait3A_820] : memref<3200xi32, #tpu.memory_space<vmem>> -> memref<200xi32, #tpu.memory_space<vmem>>
        %dma_wait3A_822 = arith.constant 0 : i32
        %dma_wait3A_823 = tpu.memref_slice %arg2[%add3A_814, %dma_wait3A_822] : memref<16384x200xi32, #tpu.memory_space<hbm>> -> memref<1x200xi32, #tpu.memory_space<hbm>>
        %dma_wait3A_824 = tpu.memref_squeeze %dma_wait3A_823 : memref<1x200xi32, #tpu.memory_space<hbm>> -> memref<200xi32, #tpu.memory_space<hbm>>
        tpu.wait_dma2 semaphore(%arg13 : memref<!tpu.dma_semaphore, #tpu.memory_space<semaphore_mem>>) src(%dma_wait3A_824 : memref<200xi32, #tpu.memory_space<hbm>>) dst(%dma_wait3A_821 : memref<200xi32, #tpu.memory_space<vmem>>)
        %add3A_825 = arith.constant 4 : i32
        %add3A_826 = arith.addi %add3A_680, %add3A_825 : i32
        %dma_wait3A_827 = arith.constant 2400 : i32
        %dma_wait3A_828 = tpu.memref_slice %arg6[%dma_wait3A_827] : memref<3200xi32, #tpu.memory_space<vmem>> -> memref<200xi32, #tpu.memory_space<vmem>>
        %dma_wait3A_829 = arith.constant 0 : i32
        %dma_wait3A_830 = tpu.memref_slice %arg2[%add3A_826, %dma_wait3A_829] : memref<16384x200xi32, #tpu.memory_space<hbm>> -> memref<1x200xi32, #tpu.memory_space<hbm>>
        %dma_wait3A_831 = tpu.memref_squeeze %dma_wait3A_830 : memref<1x200xi32, #tpu.memory_space<hbm>> -> memref<200xi32, #tpu.memory_space<hbm>>
        %dma_wait3A_832 = arith.constant 2400 : i32
        %dma_wait3A_833 = tpu.memref_slice %arg6[%dma_wait3A_832] : memref<3200xi32, #tpu.memory_space<vmem>> -> memref<200xi32, #tpu.memory_space<vmem>>
        %dma_wait3A_834 = arith.constant 0 : i32
        %dma_wait3A_835 = tpu.memref_slice %arg2[%add3A_826, %dma_wait3A_834] : memref<16384x200xi32, #tpu.memory_space<hbm>> -> memref<1x200xi32, #tpu.memory_space<hbm>>
        %dma_wait3A_836 = tpu.memref_squeeze %dma_wait3A_835 : memref<1x200xi32, #tpu.memory_space<hbm>> -> memref<200xi32, #tpu.memory_space<hbm>>
        tpu.wait_dma2 semaphore(%arg13 : memref<!tpu.dma_semaphore, #tpu.memory_space<semaphore_mem>>) src(%dma_wait3A_836 : memref<200xi32, #tpu.memory_space<hbm>>) dst(%dma_wait3A_833 : memref<200xi32, #tpu.memory_space<vmem>>)
        %add3A_837 = arith.constant 5 : i32
        %add3A_838 = arith.addi %add3A_680, %add3A_837 : i32
        %dma_wait3A_839 = arith.constant 2600 : i32
        %dma_wait3A_840 = tpu.memref_slice %arg6[%dma_wait3A_839] : memref<3200xi32, #tpu.memory_space<vmem>> -> memref<200xi32, #tpu.memory_space<vmem>>
        %dma_wait3A_841 = arith.constant 0 : i32
        %dma_wait3A_842 = tpu.memref_slice %arg2[%add3A_838, %dma_wait3A_841] : memref<16384x200xi32, #tpu.memory_space<hbm>> -> memref<1x200xi32, #tpu.memory_space<hbm>>
        %dma_wait3A_843 = tpu.memref_squeeze %dma_wait3A_842 : memref<1x200xi32, #tpu.memory_space<hbm>> -> memref<200xi32, #tpu.memory_space<hbm>>
        %dma_wait3A_844 = arith.constant 2600 : i32
        %dma_wait3A_845 = tpu.memref_slice %arg6[%dma_wait3A_844] : memref<3200xi32, #tpu.memory_space<vmem>> -> memref<200xi32, #tpu.memory_space<vmem>>
        %dma_wait3A_846 = arith.constant 0 : i32
        %dma_wait3A_847 = tpu.memref_slice %arg2[%add3A_838, %dma_wait3A_846] : memref<16384x200xi32, #tpu.memory_space<hbm>> -> memref<1x200xi32, #tpu.memory_space<hbm>>
        %dma_wait3A_848 = tpu.memref_squeeze %dma_wait3A_847 : memref<1x200xi32, #tpu.memory_space<hbm>> -> memref<200xi32, #tpu.memory_space<hbm>>
        tpu.wait_dma2 semaphore(%arg13 : memref<!tpu.dma_semaphore, #tpu.memory_space<semaphore_mem>>) src(%dma_wait3A_848 : memref<200xi32, #tpu.memory_space<hbm>>) dst(%dma_wait3A_845 : memref<200xi32, #tpu.memory_space<vmem>>)
        %add3A_849 = arith.constant 6 : i32
        %add3A_850 = arith.addi %add3A_680, %add3A_849 : i32
        %dma_wait3A_851 = arith.constant 2800 : i32
        %dma_wait3A_852 = tpu.memref_slice %arg6[%dma_wait3A_851] : memref<3200xi32, #tpu.memory_space<vmem>> -> memref<200xi32, #tpu.memory_space<vmem>>
        %dma_wait3A_853 = arith.constant 0 : i32
        %dma_wait3A_854 = tpu.memref_slice %arg2[%add3A_850, %dma_wait3A_853] : memref<16384x200xi32, #tpu.memory_space<hbm>> -> memref<1x200xi32, #tpu.memory_space<hbm>>
        %dma_wait3A_855 = tpu.memref_squeeze %dma_wait3A_854 : memref<1x200xi32, #tpu.memory_space<hbm>> -> memref<200xi32, #tpu.memory_space<hbm>>
        %dma_wait3A_856 = arith.constant 2800 : i32
        %dma_wait3A_857 = tpu.memref_slice %arg6[%dma_wait3A_856] : memref<3200xi32, #tpu.memory_space<vmem>> -> memref<200xi32, #tpu.memory_space<vmem>>
        %dma_wait3A_858 = arith.constant 0 : i32
        %dma_wait3A_859 = tpu.memref_slice %arg2[%add3A_850, %dma_wait3A_858] : memref<16384x200xi32, #tpu.memory_space<hbm>> -> memref<1x200xi32, #tpu.memory_space<hbm>>
        %dma_wait3A_860 = tpu.memref_squeeze %dma_wait3A_859 : memref<1x200xi32, #tpu.memory_space<hbm>> -> memref<200xi32, #tpu.memory_space<hbm>>
        tpu.wait_dma2 semaphore(%arg13 : memref<!tpu.dma_semaphore, #tpu.memory_space<semaphore_mem>>) src(%dma_wait3A_860 : memref<200xi32, #tpu.memory_space<hbm>>) dst(%dma_wait3A_857 : memref<200xi32, #tpu.memory_space<vmem>>)
        %add3A_861 = arith.constant 7 : i32
        %add3A_862 = arith.addi %add3A_680, %add3A_861 : i32
        %dma_wait3A_863 = arith.constant 3000 : i32
        %dma_wait3A_864 = tpu.memref_slice %arg6[%dma_wait3A_863] : memref<3200xi32, #tpu.memory_space<vmem>> -> memref<200xi32, #tpu.memory_space<vmem>>
        %dma_wait3A_865 = arith.constant 0 : i32
        %dma_wait3A_866 = tpu.memref_slice %arg2[%add3A_862, %dma_wait3A_865] : memref<16384x200xi32, #tpu.memory_space<hbm>> -> memref<1x200xi32, #tpu.memory_space<hbm>>
        %dma_wait3A_867 = tpu.memref_squeeze %dma_wait3A_866 : memref<1x200xi32, #tpu.memory_space<hbm>> -> memref<200xi32, #tpu.memory_space<hbm>>
        %dma_wait3A_868 = arith.constant 3000 : i32
        %dma_wait3A_869 = tpu.memref_slice %arg6[%dma_wait3A_868] : memref<3200xi32, #tpu.memory_space<vmem>> -> memref<200xi32, #tpu.memory_space<vmem>>
        %dma_wait3A_870 = arith.constant 0 : i32
        %dma_wait3A_871 = tpu.memref_slice %arg2[%add3A_862, %dma_wait3A_870] : memref<16384x200xi32, #tpu.memory_space<hbm>> -> memref<1x200xi32, #tpu.memory_space<hbm>>
        %dma_wait3A_872 = tpu.memref_squeeze %dma_wait3A_871 : memref<1x200xi32, #tpu.memory_space<hbm>> -> memref<200xi32, #tpu.memory_space<hbm>>
        tpu.wait_dma2 semaphore(%arg13 : memref<!tpu.dma_semaphore, #tpu.memory_space<semaphore_mem>>) src(%dma_wait3A_872 : memref<200xi32, #tpu.memory_space<hbm>>) dst(%dma_wait3A_869 : memref<200xi32, #tpu.memory_space<vmem>>)
        %dma_start3A_873 = arith.constant 1 : i32
        %dma_start3A_874 = arith.constant 0 : i32
        %dma_start3A_875 = arith.constant 0 : i32
        %dma_start3A_876 = tpu.memref_slice %arg7[%dma_start3A_873, %dma_start3A_874, %dma_start3A_875] : memref<2x1600x32xf32, #tpu.memory_space<vmem>> -> memref<1x1600x32xf32, #tpu.memory_space<vmem>>
        %dma_start3A_877 = tpu.memref_squeeze %dma_start3A_876 : memref<1x1600x32xf32, #tpu.memory_space<vmem>> -> memref<1600x32xf32, #tpu.memory_space<vmem>>
        %dma_start3A_878 = arith.constant 1600 : i32
        %dma_start3A_879 = tpu.memref_slice %arg6[%dma_start3A_878] : memref<3200xi32, #tpu.memory_space<vmem>> -> memref<1600xi32, #tpu.memory_space<vmem>>
        %dma_start3A_880 = arith.constant 0 : i32
        %dma_start3A_881 = arith.constant 0 : i32
        %dma_start3A_882 = tpu.memref_slice %arg3[%dma_start3A_880, %dma_start3A_881] : memref<1000000x32xf32, #tpu.memory_space<hbm>> -> memref<1000000x32xf32, #tpu.memory_space<hbm>>
        tpu.enqueue_indirect_dma source(%dma_start3A_882 : memref<1000000x32xf32, #tpu.memory_space<hbm>>) target(%dma_start3A_877 : memref<1600x32xf32, #tpu.memory_space<vmem>>) offsets(%dma_start3A_879 : memref<1600xi32, #tpu.memory_space<vmem>>) semaphore(%arg11 : memref<!tpu.dma_semaphore, #tpu.memory_space<semaphore_mem>>)
      } else {
      }
      %dma_wait3A_255 = arith.constant 0 : i32
      %dma_wait3A_256 = arith.constant 0 : i32
      %dma_wait3A_257 = arith.constant 0 : i32
      %dma_wait3A_258 = tpu.memref_slice %arg7[%dma_wait3A_255, %dma_wait3A_256, %dma_wait3A_257] : memref<2x1600x32xf32, #tpu.memory_space<vmem>> -> memref<1x1600x32xf32, #tpu.memory_space<vmem>>
      %dma_wait3A_259 = tpu.memref_squeeze %dma_wait3A_258 : memref<1x1600x32xf32, #tpu.memory_space<vmem>> -> memref<1600x32xf32, #tpu.memory_space<vmem>>
      %dma_wait3A_260 = arith.constant 0 : i32
      %dma_wait3A_261 = tpu.memref_slice %arg6[%dma_wait3A_260] : memref<3200xi32, #tpu.memory_space<vmem>> -> memref<1600xi32, #tpu.memory_space<vmem>>
      %dma_wait3A_262 = arith.constant 0 : i32
      %dma_wait3A_263 = arith.constant 0 : i32
      %dma_wait3A_264 = tpu.memref_slice %arg3[%dma_wait3A_262, %dma_wait3A_263] : memref<1000000x32xf32, #tpu.memory_space<hbm>> -> memref<1000000x32xf32, #tpu.memory_space<hbm>>
      tpu.wait_indirect_dma semaphore(%arg10 : memref<!tpu.dma_semaphore, #tpu.memory_space<semaphore_mem>>) src(%dma_wait3A_264 : memref<1000000x32xf32, #tpu.memory_space<hbm>>) dst(%dma_wait3A_259 : memref<1600x32xf32, #tpu.memory_space<vmem>>)
      %ge3A = arith.constant 2 : i32
      %ge3A_265 = arith.cmpi sge, %add3A_250, %ge3A : i32
      %convert_element_type3A_266 = arith.extui %ge3A_265 : i1 to i32
      %cond3A_267 = arith.constant 0 : i32
      %cond3A_268 = arith.cmpi ne, %convert_element_type3A_266, %cond3A_267 : i32
      scf.if %cond3A_268 {
        %sub3A = arith.constant 2 : i32
        %sub3A_676 = arith.subi %add3A_250, %sub3A : i32
        %mul3A_677 = arith.constant 8 : i32
        %mul3A_678 = arith.muli %sub3A_676, %mul3A_677 : i32
        %add3A_679 = arith.addi %mul3A_2, %mul3A_678 : i32
        %dma_wait3A_680 = arith.constant 0 : i32
        %dma_wait3A_681 = arith.constant 0 : i32
        %dma_wait3A_682 = arith.constant 0 : i32
        %dma_wait3A_683 = tpu.memref_slice %arg8[%dma_wait3A_680, %dma_wait3A_681, %dma_wait3A_682] : memref<2x8x32xf32, #tpu.memory_space<vmem>> -> memref<1x8x32xf32, #tpu.memory_space<vmem>>
        %dma_wait3A_684 = tpu.memref_squeeze %dma_wait3A_683 : memref<1x8x32xf32, #tpu.memory_space<vmem>> -> memref<8x32xf32, #tpu.memory_space<vmem>>
        %dma_wait3A_685 = arith.constant 0 : i32
        %dma_wait3A_686 = tpu.memref_slice %arg5[%add3A_679, %dma_wait3A_685] : memref<16384x32xf32, #tpu.memory_space<hbm>> -> memref<8x32xf32, #tpu.memory_space<hbm>>
        %dma_wait3A_687 = arith.constant 0 : i32
        %dma_wait3A_688 = tpu.memref_slice %arg5[%add3A_679, %dma_wait3A_687] : memref<16384x32xf32, #tpu.memory_space<hbm>> -> memref<8x32xf32, #tpu.memory_space<hbm>>
        %dma_wait3A_689 = arith.constant 0 : i32
        %dma_wait3A_690 = arith.constant 0 : i32
        %dma_wait3A_691 = tpu.memref_slice %arg8[%dma_wait3A_680, %dma_wait3A_689, %dma_wait3A_690] : memref<2x8x32xf32, #tpu.memory_space<vmem>> -> memref<1x8x32xf32, #tpu.memory_space<vmem>>
        %dma_wait3A_692 = tpu.memref_squeeze %dma_wait3A_691 : memref<1x8x32xf32, #tpu.memory_space<vmem>> -> memref<8x32xf32, #tpu.memory_space<vmem>>
        tpu.wait_dma2 semaphore(%arg14 : memref<!tpu.dma_semaphore, #tpu.memory_space<semaphore_mem>>) src(%dma_wait3A_692 : memref<8x32xf32, #tpu.memory_space<vmem>>) dst(%dma_wait3A_688 : memref<8x32xf32, #tpu.memory_space<hbm>>)
      } else {
      }
      %scan3A_269 = arith.constant 0 : i32
      %scan3A_270 = arith.constant 200 : i32
      %scan3A_271 = arith.addi %scan3A_269, %scan3A_270 : i32
      %scan3A_272 = arith.constant 8 : i32
      %scan3A_273:2 = scf.for %scan3A_676 = %scan3A_269 to %scan3A_271 step %scan3A_272 iter_args(%scan3A_677 = %get3A_4, %scan3A_678 = %get3A_7) -> (vector<16xf32>, vector<16xf32>)  : i32 {
        %mul3A_679 = arith.constant 1 : i32
        %mul3A_680 = arith.muli %scan3A_676, %mul3A_679 : i32
        %add3A_681 = arith.constant 0 : i32
        %add3A_682 = arith.addi %add3A_681, %mul3A_680 : i32
        %add3A_683 = arith.constant 0 : i32
        %add3A_684 = arith.addi %add3A_683, %add3A_682 : i32
        %get3A_685 = arith.constant 0 : i32
        %get3A_686 = arith.index_cast %get3A_685 : i32 to index
        %get3A_687 = arith.index_cast %add3A_684 : i32 to index
        %get3A_688 = arith.constant 0 : index
        %get3A_689 = tpu.vector_load %arg7[%get3A_686, %get3A_687, %get3A_688] {strides = array<i32>} : memref<2x1600x32xf32, #tpu.memory_space<vmem>>, vector<1x1x16xf32>,
        %get3A_690 = vector.shape_cast %get3A_689 : vector<1x1x16xf32> to vector<16xf32>
        %add3A_691 = arith.addf %scan3A_677, %get3A_690 : vector<16xf32>
        %add3A_692 = arith.constant 0 : i32
        %add3A_693 = arith.addi %add3A_692, %add3A_682 : i32
        %get3A_694 = arith.constant 0 : i32
        %get3A_695 = arith.index_cast %get3A_694 : i32 to index
        %get3A_696 = arith.index_cast %add3A_693 : i32 to index
        %get3A_697 = arith.constant 16 : index
        %get3A_698 = tpu.vector_load %arg7[%get3A_695, %get3A_696, %get3A_697] {strides = array<i32>} : memref<2x1600x32xf32, #tpu.memory_space<vmem>>, vector<1x1x16xf32>,
        %get3A_699 = vector.shape_cast %get3A_698 : vector<1x1x16xf32> to vector<16xf32>
        %add3A_700 = arith.addf %scan3A_678, %get3A_699 : vector<16xf32>
        %scan3A_701 = arith.constant 1 : i32
        %scan3A_702 = arith.addi %scan3A_676, %scan3A_701 : i32
        %mul3A_703 = arith.constant 1 : i32
        %mul3A_704 = arith.muli %scan3A_702, %mul3A_703 : i32
        %add3A_705 = arith.constant 0 : i32
        %add3A_706 = arith.addi %add3A_705, %mul3A_704 : i32
        %add3A_707 = arith.constant 0 : i32
        %add3A_708 = arith.addi %add3A_707, %add3A_706 : i32
        %get3A_709 = arith.constant 0 : i32
        %get3A_710 = arith.index_cast %get3A_709 : i32 to index
        %get3A_711 = arith.index_cast %add3A_708 : i32 to index
        %get3A_712 = arith.constant 0 : index
        %get3A_713 = tpu.vector_load %arg7[%get3A_710, %get3A_711, %get3A_712] {strides = array<i32>} : memref<2x1600x32xf32, #tpu.memory_space<vmem>>, vector<1x1x16xf32>,
        %get3A_714 = vector.shape_cast %get3A_713 : vector<1x1x16xf32> to vector<16xf32>
        %add3A_715 = arith.addf %add3A_691, %get3A_714 : vector<16xf32>
        %add3A_716 = arith.constant 0 : i32
        %add3A_717 = arith.addi %add3A_716, %add3A_706 : i32
        %get3A_718 = arith.constant 0 : i32
        %get3A_719 = arith.index_cast %get3A_718 : i32 to index
        %get3A_720 = arith.index_cast %add3A_717 : i32 to index
        %get3A_721 = arith.constant 16 : index
        %get3A_722 = tpu.vector_load %arg7[%get3A_719, %get3A_720, %get3A_721] {strides = array<i32>} : memref<2x1600x32xf32, #tpu.memory_space<vmem>>, vector<1x1x16xf32>,
        %get3A_723 = vector.shape_cast %get3A_722 : vector<1x1x16xf32> to vector<16xf32>
        %add3A_724 = arith.addf %add3A_700, %get3A_723 : vector<16xf32>
        %scan3A_725 = arith.constant 2 : i32
        %scan3A_726 = arith.addi %scan3A_676, %scan3A_725 : i32
        %mul3A_727 = arith.constant 1 : i32
        %mul3A_728 = arith.muli %scan3A_726, %mul3A_727 : i32
        %add3A_729 = arith.constant 0 : i32
        %add3A_730 = arith.addi %add3A_729, %mul3A_728 : i32
        %add3A_731 = arith.constant 0 : i32
        %add3A_732 = arith.addi %add3A_731, %add3A_730 : i32
        %get3A_733 = arith.constant 0 : i32
        %get3A_734 = arith.index_cast %get3A_733 : i32 to index
        %get3A_735 = arith.index_cast %add3A_732 : i32 to index
        %get3A_736 = arith.constant 0 : index
        %get3A_737 = tpu.vector_load %arg7[%get3A_734, %get3A_735, %get3A_736] {strides = array<i32>} : memref<2x1600x32xf32, #tpu.memory_space<vmem>>, vector<1x1x16xf32>,
        %get3A_738 = vector.shape_cast %get3A_737 : vector<1x1x16xf32> to vector<16xf32>
        %add3A_739 = arith.addf %add3A_715, %get3A_738 : vector<16xf32>
        %add3A_740 = arith.constant 0 : i32
        %add3A_741 = arith.addi %add3A_740, %add3A_730 : i32
        %get3A_742 = arith.constant 0 : i32
        %get3A_743 = arith.index_cast %get3A_742 : i32 to index
        %get3A_744 = arith.index_cast %add3A_741 : i32 to index
        %get3A_745 = arith.constant 16 : index
        %get3A_746 = tpu.vector_load %arg7[%get3A_743, %get3A_744, %get3A_745] {strides = array<i32>} : memref<2x1600x32xf32, #tpu.memory_space<vmem>>, vector<1x1x16xf32>,
        %get3A_747 = vector.shape_cast %get3A_746 : vector<1x1x16xf32> to vector<16xf32>
        %add3A_748 = arith.addf %add3A_724, %get3A_747 : vector<16xf32>
        %scan3A_749 = arith.constant 3 : i32
        %scan3A_750 = arith.addi %scan3A_676, %scan3A_749 : i32
        %mul3A_751 = arith.constant 1 : i32
        %mul3A_752 = arith.muli %scan3A_750, %mul3A_751 : i32
        %add3A_753 = arith.constant 0 : i32
        %add3A_754 = arith.addi %add3A_753, %mul3A_752 : i32
        %add3A_755 = arith.constant 0 : i32
        %add3A_756 = arith.addi %add3A_755, %add3A_754 : i32
        %get3A_757 = arith.constant 0 : i32
        %get3A_758 = arith.index_cast %get3A_757 : i32 to index
        %get3A_759 = arith.index_cast %add3A_756 : i32 to index
        %get3A_760 = arith.constant 0 : index
        %get3A_761 = tpu.vector_load %arg7[%get3A_758, %get3A_759, %get3A_760] {strides = array<i32>} : memref<2x1600x32xf32, #tpu.memory_space<vmem>>, vector<1x1x16xf32>,
        %get3A_762 = vector.shape_cast %get3A_761 : vector<1x1x16xf32> to vector<16xf32>
        %add3A_763 = arith.addf %add3A_739, %get3A_762 : vector<16xf32>
        %add3A_764 = arith.constant 0 : i32
        %add3A_765 = arith.addi %add3A_764, %add3A_754 : i32
        %get3A_766 = arith.constant 0 : i32
        %get3A_767 = arith.index_cast %get3A_766 : i32 to index
        %get3A_768 = arith.index_cast %add3A_765 : i32 to index
        %get3A_769 = arith.constant 16 : index
        %get3A_770 = tpu.vector_load %arg7[%get3A_767, %get3A_768, %get3A_769] {strides = array<i32>} : memref<2x1600x32xf32, #tpu.memory_space<vmem>>, vector<1x1x16xf32>,
        %get3A_771 = vector.shape_cast %get3A_770 : vector<1x1x16xf32> to vector<16xf32>
        %add3A_772 = arith.addf %add3A_748, %get3A_771 : vector<16xf32>
        %scan3A_773 = arith.constant 4 : i32
        %scan3A_774 = arith.addi %scan3A_676, %scan3A_773 : i32
        %mul3A_775 = arith.constant 1 : i32
        %mul3A_776 = arith.muli %scan3A_774, %mul3A_775 : i32
        %add3A_777 = arith.constant 0 : i32
        %add3A_778 = arith.addi %add3A_777, %mul3A_776 : i32
        %add3A_779 = arith.constant 0 : i32
        %add3A_780 = arith.addi %add3A_779, %add3A_778 : i32
        %get3A_781 = arith.constant 0 : i32
        %get3A_782 = arith.index_cast %get3A_781 : i32 to index
        %get3A_783 = arith.index_cast %add3A_780 : i32 to index
        %get3A_784 = arith.constant 0 : index
        %get3A_785 = tpu.vector_load %arg7[%get3A_782, %get3A_783, %get3A_784] {strides = array<i32>} : memref<2x1600x32xf32, #tpu.memory_space<vmem>>, vector<1x1x16xf32>,
        %get3A_786 = vector.shape_cast %get3A_785 : vector<1x1x16xf32> to vector<16xf32>
        %add3A_787 = arith.addf %add3A_763, %get3A_786 : vector<16xf32>
        %add3A_788 = arith.constant 0 : i32
        %add3A_789 = arith.addi %add3A_788, %add3A_778 : i32
        %get3A_790 = arith.constant 0 : i32
        %get3A_791 = arith.index_cast %get3A_790 : i32 to index
        %get3A_792 = arith.index_cast %add3A_789 : i32 to index
        %get3A_793 = arith.constant 16 : index
        %get3A_794 = tpu.vector_load %arg7[%get3A_791, %get3A_792, %get3A_793] {strides = array<i32>} : memref<2x1600x32xf32, #tpu.memory_space<vmem>>, vector<1x1x16xf32>,
        %get3A_795 = vector.shape_cast %get3A_794 : vector<1x1x16xf32> to vector<16xf32>
        %add3A_796 = arith.addf %add3A_772, %get3A_795 : vector<16xf32>
        %scan3A_797 = arith.constant 5 : i32
        %scan3A_798 = arith.addi %scan3A_676, %scan3A_797 : i32
        %mul3A_799 = arith.constant 1 : i32
        %mul3A_800 = arith.muli %scan3A_798, %mul3A_799 : i32
        %add3A_801 = arith.constant 0 : i32
        %add3A_802 = arith.addi %add3A_801, %mul3A_800 : i32
        %add3A_803 = arith.constant 0 : i32
        %add3A_804 = arith.addi %add3A_803, %add3A_802 : i32
        %get3A_805 = arith.constant 0 : i32
        %get3A_806 = arith.index_cast %get3A_805 : i32 to index
        %get3A_807 = arith.index_cast %add3A_804 : i32 to index
        %get3A_808 = arith.constant 0 : index
        %get3A_809 = tpu.vector_load %arg7[%get3A_806, %get3A_807, %get3A_808] {strides = array<i32>} : memref<2x1600x32xf32, #tpu.memory_space<vmem>>, vector<1x1x16xf32>,
        %get3A_810 = vector.shape_cast %get3A_809 : vector<1x1x16xf32> to vector<16xf32>
        %add3A_811 = arith.addf %add3A_787, %get3A_810 : vector<16xf32>
        %add3A_812 = arith.constant 0 : i32
        %add3A_813 = arith.addi %add3A_812, %add3A_802 : i32
        %get3A_814 = arith.constant 0 : i32
        %get3A_815 = arith.index_cast %get3A_814 : i32 to index
        %get3A_816 = arith.index_cast %add3A_813 : i32 to index
        %get3A_817 = arith.constant 16 : index
        %get3A_818 = tpu.vector_load %arg7[%get3A_815, %get3A_816, %get3A_817] {strides = array<i32>} : memref<2x1600x32xf32, #tpu.memory_space<vmem>>, vector<1x1x16xf32>,
        %get3A_819 = vector.shape_cast %get3A_818 : vector<1x1x16xf32> to vector<16xf32>
        %add3A_820 = arith.addf %add3A_796, %get3A_819 : vector<16xf32>
        %scan3A_821 = arith.constant 6 : i32
        %scan3A_822 = arith.addi %scan3A_676, %scan3A_821 : i32
        %mul3A_823 = arith.constant 1 : i32
        %mul3A_824 = arith.muli %scan3A_822, %mul3A_823 : i32
        %add3A_825 = arith.constant 0 : i32
        %add3A_826 = arith.addi %add3A_825, %mul3A_824 : i32
        %add3A_827 = arith.constant 0 : i32
        %add3A_828 = arith.addi %add3A_827, %add3A_826 : i32
        %get3A_829 = arith.constant 0 : i32
        %get3A_830 = arith.index_cast %get3A_829 : i32 to index
        %get3A_831 = arith.index_cast %add3A_828 : i32 to index
        %get3A_832 = arith.constant 0 : index
        %get3A_833 = tpu.vector_load %arg7[%get3A_830, %get3A_831, %get3A_832] {strides = array<i32>} : memref<2x1600x32xf32, #tpu.memory_space<vmem>>, vector<1x1x16xf32>,
        %get3A_834 = vector.shape_cast %get3A_833 : vector<1x1x16xf32> to vector<16xf32>
        %add3A_835 = arith.addf %add3A_811, %get3A_834 : vector<16xf32>
        %add3A_836 = arith.constant 0 : i32
        %add3A_837 = arith.addi %add3A_836, %add3A_826 : i32
        %get3A_838 = arith.constant 0 : i32
        %get3A_839 = arith.index_cast %get3A_838 : i32 to index
        %get3A_840 = arith.index_cast %add3A_837 : i32 to index
        %get3A_841 = arith.constant 16 : index
        %get3A_842 = tpu.vector_load %arg7[%get3A_839, %get3A_840, %get3A_841] {strides = array<i32>} : memref<2x1600x32xf32, #tpu.memory_space<vmem>>, vector<1x1x16xf32>,
        %get3A_843 = vector.shape_cast %get3A_842 : vector<1x1x16xf32> to vector<16xf32>
        %add3A_844 = arith.addf %add3A_820, %get3A_843 : vector<16xf32>
        %scan3A_845 = arith.constant 7 : i32
        %scan3A_846 = arith.addi %scan3A_676, %scan3A_845 : i32
        %mul3A_847 = arith.constant 1 : i32
        %mul3A_848 = arith.muli %scan3A_846, %mul3A_847 : i32
        %add3A_849 = arith.constant 0 : i32
        %add3A_850 = arith.addi %add3A_849, %mul3A_848 : i32
        %add3A_851 = arith.constant 0 : i32
        %add3A_852 = arith.addi %add3A_851, %add3A_850 : i32
        %get3A_853 = arith.constant 0 : i32
        %get3A_854 = arith.index_cast %get3A_853 : i32 to index
        %get3A_855 = arith.index_cast %add3A_852 : i32 to index
        %get3A_856 = arith.constant 0 : index
        %get3A_857 = tpu.vector_load %arg7[%get3A_854, %get3A_855, %get3A_856] {strides = array<i32>} : memref<2x1600x32xf32, #tpu.memory_space<vmem>>, vector<1x1x16xf32>,
        %get3A_858 = vector.shape_cast %get3A_857 : vector<1x1x16xf32> to vector<16xf32>
        %add3A_859 = arith.addf %add3A_835, %get3A_858 : vector<16xf32>
        %add3A_860 = arith.constant 0 : i32
        %add3A_861 = arith.addi %add3A_860, %add3A_850 : i32
        %get3A_862 = arith.constant 0 : i32
        %get3A_863 = arith.index_cast %get3A_862 : i32 to index
        %get3A_864 = arith.index_cast %add3A_861 : i32 to index
        %get3A_865 = arith.constant 16 : index
        %get3A_866 = tpu.vector_load %arg7[%get3A_863, %get3A_864, %get3A_865] {strides = array<i32>} : memref<2x1600x32xf32, #tpu.memory_space<vmem>>, vector<1x1x16xf32>,
        %get3A_867 = vector.shape_cast %get3A_866 : vector<1x1x16xf32> to vector<16xf32>
        %add3A_868 = arith.addf %add3A_844, %get3A_867 : vector<16xf32>
        scf.yield %add3A_859, %add3A_868 : vector<16xf32>, vector<16xf32>
      }
      %scan3A_274 = arith.constant 200 : i32
      %swap3A = arith.constant 0 : i32
      %swap3A_275 = arith.constant 0 : i32
      %swap3A_276 = arith.index_cast %swap3A : i32 to index
      %swap3A_277 = arith.index_cast %swap3A_275 : i32 to index
      %swap3A_278 = arith.constant 0 : index
      %swap3A_279 = tpu.vector_load %arg8[%swap3A_276, %swap3A_277, %swap3A_278] {strides = array<i32>} : memref<2x8x32xf32, #tpu.memory_space<vmem>>, vector<1x1x16xf32>,
      %swap3A_280 = vector.shape_cast %swap3A_279 : vector<1x1x16xf32> to vector<16xf32>
      %swap3A_281 = vector.shape_cast %scan3A_273#0 : vector<16xf32> to vector<1x1x16xf32>
      tpu.vector_store %arg8[%swap3A_276, %swap3A_277, %swap3A_278], %swap3A_281 {strides = array<i32>} : memref<2x8x32xf32, #tpu.memory_space<vmem>>, vector<1x1x16xf32>,
      %swap3A_282 = arith.constant 0 : i32
      %swap3A_283 = arith.constant 0 : i32
      %swap3A_284 = arith.index_cast %swap3A_282 : i32 to index
      %swap3A_285 = arith.index_cast %swap3A_283 : i32 to index
      %swap3A_286 = arith.constant 16 : index
      %swap3A_287 = tpu.vector_load %arg8[%swap3A_284, %swap3A_285, %swap3A_286] {strides = array<i32>} : memref<2x8x32xf32, #tpu.memory_space<vmem>>, vector<1x1x16xf32>,
      %swap3A_288 = vector.shape_cast %swap3A_287 : vector<1x1x16xf32> to vector<16xf32>
      %swap3A_289 = vector.shape_cast %scan3A_273#1 : vector<16xf32> to vector<1x1x16xf32>
      tpu.vector_store %arg8[%swap3A_284, %swap3A_285, %swap3A_286], %swap3A_289 {strides = array<i32>} : memref<2x8x32xf32, #tpu.memory_space<vmem>>, vector<1x1x16xf32>,
      %scan3A_290 = arith.constant 0 : i32
      %scan3A_291 = arith.constant 200 : i32
      %scan3A_292 = arith.addi %scan3A_290, %scan3A_291 : i32
      %scan3A_293 = arith.constant 8 : i32
      %scan3A_294:2 = scf.for %scan3A_676 = %scan3A_290 to %scan3A_292 step %scan3A_293 iter_args(%scan3A_677 = %get3A_4, %scan3A_678 = %get3A_7) -> (vector<16xf32>, vector<16xf32>)  : i32 {
        %mul3A_679 = arith.constant 1 : i32
        %mul3A_680 = arith.muli %scan3A_676, %mul3A_679 : i32
        %add3A_681 = arith.constant 0 : i32
        %add3A_682 = arith.addi %add3A_681, %mul3A_680 : i32
        %add3A_683 = arith.constant 200 : i32
        %add3A_684 = arith.addi %add3A_683, %add3A_682 : i32
        %get3A_685 = arith.constant 0 : i32
        %get3A_686 = arith.index_cast %get3A_685 : i32 to index
        %get3A_687 = arith.index_cast %add3A_684 : i32 to index
        %get3A_688 = arith.constant 0 : index
        %get3A_689 = tpu.vector_load %arg7[%get3A_686, %get3A_687, %get3A_688] {strides = array<i32>} : memref<2x1600x32xf32, #tpu.memory_space<vmem>>, vector<1x1x16xf32>,
        %get3A_690 = vector.shape_cast %get3A_689 : vector<1x1x16xf32> to vector<16xf32>
        %add3A_691 = arith.addf %scan3A_677, %get3A_690 : vector<16xf32>
        %add3A_692 = arith.constant 200 : i32
        %add3A_693 = arith.addi %add3A_692, %add3A_682 : i32
        %get3A_694 = arith.constant 0 : i32
        %get3A_695 = arith.index_cast %get3A_694 : i32 to index
        %get3A_696 = arith.index_cast %add3A_693 : i32 to index
        %get3A_697 = arith.constant 16 : index
        %get3A_698 = tpu.vector_load %arg7[%get3A_695, %get3A_696, %get3A_697] {strides = array<i32>} : memref<2x1600x32xf32, #tpu.memory_space<vmem>>, vector<1x1x16xf32>,
        %get3A_699 = vector.shape_cast %get3A_698 : vector<1x1x16xf32> to vector<16xf32>
        %add3A_700 = arith.addf %scan3A_678, %get3A_699 : vector<16xf32>
        %scan3A_701 = arith.constant 1 : i32
        %scan3A_702 = arith.addi %scan3A_676, %scan3A_701 : i32
        %mul3A_703 = arith.constant 1 : i32
        %mul3A_704 = arith.muli %scan3A_702, %mul3A_703 : i32
        %add3A_705 = arith.constant 0 : i32
        %add3A_706 = arith.addi %add3A_705, %mul3A_704 : i32
        %add3A_707 = arith.constant 200 : i32
        %add3A_708 = arith.addi %add3A_707, %add3A_706 : i32
        %get3A_709 = arith.constant 0 : i32
        %get3A_710 = arith.index_cast %get3A_709 : i32 to index
        %get3A_711 = arith.index_cast %add3A_708 : i32 to index
        %get3A_712 = arith.constant 0 : index
        %get3A_713 = tpu.vector_load %arg7[%get3A_710, %get3A_711, %get3A_712] {strides = array<i32>} : memref<2x1600x32xf32, #tpu.memory_space<vmem>>, vector<1x1x16xf32>,
        %get3A_714 = vector.shape_cast %get3A_713 : vector<1x1x16xf32> to vector<16xf32>
        %add3A_715 = arith.addf %add3A_691, %get3A_714 : vector<16xf32>
        %add3A_716 = arith.constant 200 : i32
        %add3A_717 = arith.addi %add3A_716, %add3A_706 : i32
        %get3A_718 = arith.constant 0 : i32
        %get3A_719 = arith.index_cast %get3A_718 : i32 to index
        %get3A_720 = arith.index_cast %add3A_717 : i32 to index
        %get3A_721 = arith.constant 16 : index
        %get3A_722 = tpu.vector_load %arg7[%get3A_719, %get3A_720, %get3A_721] {strides = array<i32>} : memref<2x1600x32xf32, #tpu.memory_space<vmem>>, vector<1x1x16xf32>,
        %get3A_723 = vector.shape_cast %get3A_722 : vector<1x1x16xf32> to vector<16xf32>
        %add3A_724 = arith.addf %add3A_700, %get3A_723 : vector<16xf32>
        %scan3A_725 = arith.constant 2 : i32
        %scan3A_726 = arith.addi %scan3A_676, %scan3A_725 : i32
        %mul3A_727 = arith.constant 1 : i32
        %mul3A_728 = arith.muli %scan3A_726, %mul3A_727 : i32
        %add3A_729 = arith.constant 0 : i32
        %add3A_730 = arith.addi %add3A_729, %mul3A_728 : i32
        %add3A_731 = arith.constant 200 : i32
        %add3A_732 = arith.addi %add3A_731, %add3A_730 : i32
        %get3A_733 = arith.constant 0 : i32
        %get3A_734 = arith.index_cast %get3A_733 : i32 to index
        %get3A_735 = arith.index_cast %add3A_732 : i32 to index
        %get3A_736 = arith.constant 0 : index
        %get3A_737 = tpu.vector_load %arg7[%get3A_734, %get3A_735, %get3A_736] {strides = array<i32>} : memref<2x1600x32xf32, #tpu.memory_space<vmem>>, vector<1x1x16xf32>,
        %get3A_738 = vector.shape_cast %get3A_737 : vector<1x1x16xf32> to vector<16xf32>
        %add3A_739 = arith.addf %add3A_715, %get3A_738 : vector<16xf32>
        %add3A_740 = arith.constant 200 : i32
        %add3A_741 = arith.addi %add3A_740, %add3A_730 : i32
        %get3A_742 = arith.constant 0 : i32
        %get3A_743 = arith.index_cast %get3A_742 : i32 to index
        %get3A_744 = arith.index_cast %add3A_741 : i32 to index
        %get3A_745 = arith.constant 16 : index
        %get3A_746 = tpu.vector_load %arg7[%get3A_743, %get3A_744, %get3A_745] {strides = array<i32>} : memref<2x1600x32xf32, #tpu.memory_space<vmem>>, vector<1x1x16xf32>,
        %get3A_747 = vector.shape_cast %get3A_746 : vector<1x1x16xf32> to vector<16xf32>
        %add3A_748 = arith.addf %add3A_724, %get3A_747 : vector<16xf32>
        %scan3A_749 = arith.constant 3 : i32
        %scan3A_750 = arith.addi %scan3A_676, %scan3A_749 : i32
        %mul3A_751 = arith.constant 1 : i32
        %mul3A_752 = arith.muli %scan3A_750, %mul3A_751 : i32
        %add3A_753 = arith.constant 0 : i32
        %add3A_754 = arith.addi %add3A_753, %mul3A_752 : i32
        %add3A_755 = arith.constant 200 : i32
        %add3A_756 = arith.addi %add3A_755, %add3A_754 : i32
        %get3A_757 = arith.constant 0 : i32
        %get3A_758 = arith.index_cast %get3A_757 : i32 to index
        %get3A_759 = arith.index_cast %add3A_756 : i32 to index
        %get3A_760 = arith.constant 0 : index
        %get3A_761 = tpu.vector_load %arg7[%get3A_758, %get3A_759, %get3A_760] {strides = array<i32>} : memref<2x1600x32xf32, #tpu.memory_space<vmem>>, vector<1x1x16xf32>,
        %get3A_762 = vector.shape_cast %get3A_761 : vector<1x1x16xf32> to vector<16xf32>
        %add3A_763 = arith.addf %add3A_739, %get3A_762 : vector<16xf32>
        %add3A_764 = arith.constant 200 : i32
        %add3A_765 = arith.addi %add3A_764, %add3A_754 : i32
        %get3A_766 = arith.constant 0 : i32
        %get3A_767 = arith.index_cast %get3A_766 : i32 to index
        %get3A_768 = arith.index_cast %add3A_765 : i32 to index
        %get3A_769 = arith.constant 16 : index
        %get3A_770 = tpu.vector_load %arg7[%get3A_767, %get3A_768, %get3A_769] {strides = array<i32>} : memref<2x1600x32xf32, #tpu.memory_space<vmem>>, vector<1x1x16xf32>,
        %get3A_771 = vector.shape_cast %get3A_770 : vector<1x1x16xf32> to vector<16xf32>
        %add3A_772 = arith.addf %add3A_748, %get3A_771 : vector<16xf32>
        %scan3A_773 = arith.constant 4 : i32
        %scan3A_774 = arith.addi %scan3A_676, %scan3A_773 : i32
        %mul3A_775 = arith.constant 1 : i32
        %mul3A_776 = arith.muli %scan3A_774, %mul3A_775 : i32
        %add3A_777 = arith.constant 0 : i32
        %add3A_778 = arith.addi %add3A_777, %mul3A_776 : i32
        %add3A_779 = arith.constant 200 : i32
        %add3A_780 = arith.addi %add3A_779, %add3A_778 : i32
        %get3A_781 = arith.constant 0 : i32
        %get3A_782 = arith.index_cast %get3A_781 : i32 to index
        %get3A_783 = arith.index_cast %add3A_780 : i32 to index
        %get3A_784 = arith.constant 0 : index
        %get3A_785 = tpu.vector_load %arg7[%get3A_782, %get3A_783, %get3A_784] {strides = array<i32>} : memref<2x1600x32xf32, #tpu.memory_space<vmem>>, vector<1x1x16xf32>,
        %get3A_786 = vector.shape_cast %get3A_785 : vector<1x1x16xf32> to vector<16xf32>
        %add3A_787 = arith.addf %add3A_763, %get3A_786 : vector<16xf32>
        %add3A_788 = arith.constant 200 : i32
        %add3A_789 = arith.addi %add3A_788, %add3A_778 : i32
        %get3A_790 = arith.constant 0 : i32
        %get3A_791 = arith.index_cast %get3A_790 : i32 to index
        %get3A_792 = arith.index_cast %add3A_789 : i32 to index
        %get3A_793 = arith.constant 16 : index
        %get3A_794 = tpu.vector_load %arg7[%get3A_791, %get3A_792, %get3A_793] {strides = array<i32>} : memref<2x1600x32xf32, #tpu.memory_space<vmem>>, vector<1x1x16xf32>,
        %get3A_795 = vector.shape_cast %get3A_794 : vector<1x1x16xf32> to vector<16xf32>
        %add3A_796 = arith.addf %add3A_772, %get3A_795 : vector<16xf32>
        %scan3A_797 = arith.constant 5 : i32
        %scan3A_798 = arith.addi %scan3A_676, %scan3A_797 : i32
        %mul3A_799 = arith.constant 1 : i32
        %mul3A_800 = arith.muli %scan3A_798, %mul3A_799 : i32
        %add3A_801 = arith.constant 0 : i32
        %add3A_802 = arith.addi %add3A_801, %mul3A_800 : i32
        %add3A_803 = arith.constant 200 : i32
        %add3A_804 = arith.addi %add3A_803, %add3A_802 : i32
        %get3A_805 = arith.constant 0 : i32
        %get3A_806 = arith.index_cast %get3A_805 : i32 to index
        %get3A_807 = arith.index_cast %add3A_804 : i32 to index
        %get3A_808 = arith.constant 0 : index
        %get3A_809 = tpu.vector_load %arg7[%get3A_806, %get3A_807, %get3A_808] {strides = array<i32>} : memref<2x1600x32xf32, #tpu.memory_space<vmem>>, vector<1x1x16xf32>,
        %get3A_810 = vector.shape_cast %get3A_809 : vector<1x1x16xf32> to vector<16xf32>
        %add3A_811 = arith.addf %add3A_787, %get3A_810 : vector<16xf32>
        %add3A_812 = arith.constant 200 : i32
        %add3A_813 = arith.addi %add3A_812, %add3A_802 : i32
        %get3A_814 = arith.constant 0 : i32
        %get3A_815 = arith.index_cast %get3A_814 : i32 to index
        %get3A_816 = arith.index_cast %add3A_813 : i32 to index
        %get3A_817 = arith.constant 16 : index
        %get3A_818 = tpu.vector_load %arg7[%get3A_815, %get3A_816, %get3A_817] {strides = array<i32>} : memref<2x1600x32xf32, #tpu.memory_space<vmem>>, vector<1x1x16xf32>,
        %get3A_819 = vector.shape_cast %get3A_818 : vector<1x1x16xf32> to vector<16xf32>
        %add3A_820 = arith.addf %add3A_796, %get3A_819 : vector<16xf32>
        %scan3A_821 = arith.constant 6 : i32
        %scan3A_822 = arith.addi %scan3A_676, %scan3A_821 : i32
        %mul3A_823 = arith.constant 1 : i32
        %mul3A_824 = arith.muli %scan3A_822, %mul3A_823 : i32
        %add3A_825 = arith.constant 0 : i32
        %add3A_826 = arith.addi %add3A_825, %mul3A_824 : i32
        %add3A_827 = arith.constant 200 : i32
        %add3A_828 = arith.addi %add3A_827, %add3A_826 : i32
        %get3A_829 = arith.constant 0 : i32
        %get3A_830 = arith.index_cast %get3A_829 : i32 to index
        %get3A_831 = arith.index_cast %add3A_828 : i32 to index
        %get3A_832 = arith.constant 0 : index
        %get3A_833 = tpu.vector_load %arg7[%get3A_830, %get3A_831, %get3A_832] {strides = array<i32>} : memref<2x1600x32xf32, #tpu.memory_space<vmem>>, vector<1x1x16xf32>,
        %get3A_834 = vector.shape_cast %get3A_833 : vector<1x1x16xf32> to vector<16xf32>
        %add3A_835 = arith.addf %add3A_811, %get3A_834 : vector<16xf32>
        %add3A_836 = arith.constant 200 : i32
        %add3A_837 = arith.addi %add3A_836, %add3A_826 : i32
        %get3A_838 = arith.constant 0 : i32
        %get3A_839 = arith.index_cast %get3A_838 : i32 to index
        %get3A_840 = arith.index_cast %add3A_837 : i32 to index
        %get3A_841 = arith.constant 16 : index
        %get3A_842 = tpu.vector_load %arg7[%get3A_839, %get3A_840, %get3A_841] {strides = array<i32>} : memref<2x1600x32xf32, #tpu.memory_space<vmem>>, vector<1x1x16xf32>,
        %get3A_843 = vector.shape_cast %get3A_842 : vector<1x1x16xf32> to vector<16xf32>
        %add3A_844 = arith.addf %add3A_820, %get3A_843 : vector<16xf32>
        %scan3A_845 = arith.constant 7 : i32
        %scan3A_846 = arith.addi %scan3A_676, %scan3A_845 : i32
        %mul3A_847 = arith.constant 1 : i32
        %mul3A_848 = arith.muli %scan3A_846, %mul3A_847 : i32
        %add3A_849 = arith.constant 0 : i32
        %add3A_850 = arith.addi %add3A_849, %mul3A_848 : i32
        %add3A_851 = arith.constant 200 : i32
        %add3A_852 = arith.addi %add3A_851, %add3A_850 : i32
        %get3A_853 = arith.constant 0 : i32
        %get3A_854 = arith.index_cast %get3A_853 : i32 to index
        %get3A_855 = arith.index_cast %add3A_852 : i32 to index
        %get3A_856 = arith.constant 0 : index
        %get3A_857 = tpu.vector_load %arg7[%get3A_854, %get3A_855, %get3A_856] {strides = array<i32>} : memref<2x1600x32xf32, #tpu.memory_space<vmem>>, vector<1x1x16xf32>,
        %get3A_858 = vector.shape_cast %get3A_857 : vector<1x1x16xf32> to vector<16xf32>
        %add3A_859 = arith.addf %add3A_835, %get3A_858 : vector<16xf32>
        %add3A_860 = arith.constant 200 : i32
        %add3A_861 = arith.addi %add3A_860, %add3A_850 : i32
        %get3A_862 = arith.constant 0 : i32
        %get3A_863 = arith.index_cast %get3A_862 : i32 to index
        %get3A_864 = arith.index_cast %add3A_861 : i32 to index
        %get3A_865 = arith.constant 16 : index
        %get3A_866 = tpu.vector_load %arg7[%get3A_863, %get3A_864, %get3A_865] {strides = array<i32>} : memref<2x1600x32xf32, #tpu.memory_space<vmem>>, vector<1x1x16xf32>,
        %get3A_867 = vector.shape_cast %get3A_866 : vector<1x1x16xf32> to vector<16xf32>
        %add3A_868 = arith.addf %add3A_844, %get3A_867 : vector<16xf32>
        scf.yield %add3A_859, %add3A_868 : vector<16xf32>, vector<16xf32>
      }
      %scan3A_295 = arith.constant 200 : i32
      %swap3A_296 = arith.constant 0 : i32
      %swap3A_297 = arith.constant 1 : i32
      %swap3A_298 = arith.index_cast %swap3A_296 : i32 to index
      %swap3A_299 = arith.index_cast %swap3A_297 : i32 to index
      %swap3A_300 = arith.constant 0 : index
      %swap3A_301 = tpu.vector_load %arg8[%swap3A_298, %swap3A_299, %swap3A_300] {strides = array<i32>} : memref<2x8x32xf32, #tpu.memory_space<vmem>>, vector<1x1x16xf32>,
      %swap3A_302 = vector.shape_cast %swap3A_301 : vector<1x1x16xf32> to vector<16xf32>
      %swap3A_303 = vector.shape_cast %scan3A_294#0 : vector<16xf32> to vector<1x1x16xf32>
      tpu.vector_store %arg8[%swap3A_298, %swap3A_299, %swap3A_300], %swap3A_303 {strides = array<i32>} : memref<2x8x32xf32, #tpu.memory_space<vmem>>, vector<1x1x16xf32>,
      %swap3A_304 = arith.constant 0 : i32
      %swap3A_305 = arith.constant 1 : i32
      %swap3A_306 = arith.index_cast %swap3A_304 : i32 to index
      %swap3A_307 = arith.index_cast %swap3A_305 : i32 to index
      %swap3A_308 = arith.constant 16 : index
      %swap3A_309 = tpu.vector_load %arg8[%swap3A_306, %swap3A_307, %swap3A_308] {strides = array<i32>} : memref<2x8x32xf32, #tpu.memory_space<vmem>>, vector<1x1x16xf32>,
      %swap3A_310 = vector.shape_cast %swap3A_309 : vector<1x1x16xf32> to vector<16xf32>
      %swap3A_311 = vector.shape_cast %scan3A_294#1 : vector<16xf32> to vector<1x1x16xf32>
      tpu.vector_store %arg8[%swap3A_306, %swap3A_307, %swap3A_308], %swap3A_311 {strides = array<i32>} : memref<2x8x32xf32, #tpu.memory_space<vmem>>, vector<1x1x16xf32>,
      %scan3A_312 = arith.constant 0 : i32
      %scan3A_313 = arith.constant 200 : i32
      %scan3A_314 = arith.addi %scan3A_312, %scan3A_313 : i32
      %scan3A_315 = arith.constant 8 : i32
      %scan3A_316:2 = scf.for %scan3A_676 = %scan3A_312 to %scan3A_314 step %scan3A_315 iter_args(%scan3A_677 = %get3A_4, %scan3A_678 = %get3A_7) -> (vector<16xf32>, vector<16xf32>)  : i32 {
        %mul3A_679 = arith.constant 1 : i32
        %mul3A_680 = arith.muli %scan3A_676, %mul3A_679 : i32
        %add3A_681 = arith.constant 0 : i32
        %add3A_682 = arith.addi %add3A_681, %mul3A_680 : i32
        %add3A_683 = arith.constant 400 : i32
        %add3A_684 = arith.addi %add3A_683, %add3A_682 : i32
        %get3A_685 = arith.constant 0 : i32
        %get3A_686 = arith.index_cast %get3A_685 : i32 to index
        %get3A_687 = arith.index_cast %add3A_684 : i32 to index
        %get3A_688 = arith.constant 0 : index
        %get3A_689 = tpu.vector_load %arg7[%get3A_686, %get3A_687, %get3A_688] {strides = array<i32>} : memref<2x1600x32xf32, #tpu.memory_space<vmem>>, vector<1x1x16xf32>,
        %get3A_690 = vector.shape_cast %get3A_689 : vector<1x1x16xf32> to vector<16xf32>
        %add3A_691 = arith.addf %scan3A_677, %get3A_690 : vector<16xf32>
        %add3A_692 = arith.constant 400 : i32
        %add3A_693 = arith.addi %add3A_692, %add3A_682 : i32
        %get3A_694 = arith.constant 0 : i32
        %get3A_695 = arith.index_cast %get3A_694 : i32 to index
        %get3A_696 = arith.index_cast %add3A_693 : i32 to index
        %get3A_697 = arith.constant 16 : index
        %get3A_698 = tpu.vector_load %arg7[%get3A_695, %get3A_696, %get3A_697] {strides = array<i32>} : memref<2x1600x32xf32, #tpu.memory_space<vmem>>, vector<1x1x16xf32>,
        %get3A_699 = vector.shape_cast %get3A_698 : vector<1x1x16xf32> to vector<16xf32>
        %add3A_700 = arith.addf %scan3A_678, %get3A_699 : vector<16xf32>
        %scan3A_701 = arith.constant 1 : i32
        %scan3A_702 = arith.addi %scan3A_676, %scan3A_701 : i32
        %mul3A_703 = arith.constant 1 : i32
        %mul3A_704 = arith.muli %scan3A_702, %mul3A_703 : i32
        %add3A_705 = arith.constant 0 : i32
        %add3A_706 = arith.addi %add3A_705, %mul3A_704 : i32
        %add3A_707 = arith.constant 400 : i32
        %add3A_708 = arith.addi %add3A_707, %add3A_706 : i32
        %get3A_709 = arith.constant 0 : i32
        %get3A_710 = arith.index_cast %get3A_709 : i32 to index
        %get3A_711 = arith.index_cast %add3A_708 : i32 to index
        %get3A_712 = arith.constant 0 : index
        %get3A_713 = tpu.vector_load %arg7[%get3A_710, %get3A_711, %get3A_712] {strides = array<i32>} : memref<2x1600x32xf32, #tpu.memory_space<vmem>>, vector<1x1x16xf32>,
        %get3A_714 = vector.shape_cast %get3A_713 : vector<1x1x16xf32> to vector<16xf32>
        %add3A_715 = arith.addf %add3A_691, %get3A_714 : vector<16xf32>
        %add3A_716 = arith.constant 400 : i32
        %add3A_717 = arith.addi %add3A_716, %add3A_706 : i32
        %get3A_718 = arith.constant 0 : i32
        %get3A_719 = arith.index_cast %get3A_718 : i32 to index
        %get3A_720 = arith.index_cast %add3A_717 : i32 to index
        %get3A_721 = arith.constant 16 : index
        %get3A_722 = tpu.vector_load %arg7[%get3A_719, %get3A_720, %get3A_721] {strides = array<i32>} : memref<2x1600x32xf32, #tpu.memory_space<vmem>>, vector<1x1x16xf32>,
        %get3A_723 = vector.shape_cast %get3A_722 : vector<1x1x16xf32> to vector<16xf32>
        %add3A_724 = arith.addf %add3A_700, %get3A_723 : vector<16xf32>
        %scan3A_725 = arith.constant 2 : i32
        %scan3A_726 = arith.addi %scan3A_676, %scan3A_725 : i32
        %mul3A_727 = arith.constant 1 : i32
        %mul3A_728 = arith.muli %scan3A_726, %mul3A_727 : i32
        %add3A_729 = arith.constant 0 : i32
        %add3A_730 = arith.addi %add3A_729, %mul3A_728 : i32
        %add3A_731 = arith.constant 400 : i32
        %add3A_732 = arith.addi %add3A_731, %add3A_730 : i32
        %get3A_733 = arith.constant 0 : i32
        %get3A_734 = arith.index_cast %get3A_733 : i32 to index
        %get3A_735 = arith.index_cast %add3A_732 : i32 to index
        %get3A_736 = arith.constant 0 : index
        %get3A_737 = tpu.vector_load %arg7[%get3A_734, %get3A_735, %get3A_736] {strides = array<i32>} : memref<2x1600x32xf32, #tpu.memory_space<vmem>>, vector<1x1x16xf32>,
        %get3A_738 = vector.shape_cast %get3A_737 : vector<1x1x16xf32> to vector<16xf32>
        %add3A_739 = arith.addf %add3A_715, %get3A_738 : vector<16xf32>
        %add3A_740 = arith.constant 400 : i32
        %add3A_741 = arith.addi %add3A_740, %add3A_730 : i32
        %get3A_742 = arith.constant 0 : i32
        %get3A_743 = arith.index_cast %get3A_742 : i32 to index
        %get3A_744 = arith.index_cast %add3A_741 : i32 to index
        %get3A_745 = arith.constant 16 : index
        %get3A_746 = tpu.vector_load %arg7[%get3A_743, %get3A_744, %get3A_745] {strides = array<i32>} : memref<2x1600x32xf32, #tpu.memory_space<vmem>>, vector<1x1x16xf32>,
        %get3A_747 = vector.shape_cast %get3A_746 : vector<1x1x16xf32> to vector<16xf32>
        %add3A_748 = arith.addf %add3A_724, %get3A_747 : vector<16xf32>
        %scan3A_749 = arith.constant 3 : i32
        %scan3A_750 = arith.addi %scan3A_676, %scan3A_749 : i32
        %mul3A_751 = arith.constant 1 : i32
        %mul3A_752 = arith.muli %scan3A_750, %mul3A_751 : i32
        %add3A_753 = arith.constant 0 : i32
        %add3A_754 = arith.addi %add3A_753, %mul3A_752 : i32
        %add3A_755 = arith.constant 400 : i32
        %add3A_756 = arith.addi %add3A_755, %add3A_754 : i32
        %get3A_757 = arith.constant 0 : i32
        %get3A_758 = arith.index_cast %get3A_757 : i32 to index
        %get3A_759 = arith.index_cast %add3A_756 : i32 to index
        %get3A_760 = arith.constant 0 : index
        %get3A_761 = tpu.vector_load %arg7[%get3A_758, %get3A_759, %get3A_760] {strides = array<i32>} : memref<2x1600x32xf32, #tpu.memory_space<vmem>>, vector<1x1x16xf32>,
        %get3A_762 = vector.shape_cast %get3A_761 : vector<1x1x16xf32> to vector<16xf32>
        %add3A_763 = arith.addf %add3A_739, %get3A_762 : vector<16xf32>
        %add3A_764 = arith.constant 400 : i32
        %add3A_765 = arith.addi %add3A_764, %add3A_754 : i32
        %get3A_766 = arith.constant 0 : i32
        %get3A_767 = arith.index_cast %get3A_766 : i32 to index
        %get3A_768 = arith.index_cast %add3A_765 : i32 to index
        %get3A_769 = arith.constant 16 : index
        %get3A_770 = tpu.vector_load %arg7[%get3A_767, %get3A_768, %get3A_769] {strides = array<i32>} : memref<2x1600x32xf32, #tpu.memory_space<vmem>>, vector<1x1x16xf32>,
        %get3A_771 = vector.shape_cast %get3A_770 : vector<1x1x16xf32> to vector<16xf32>
        %add3A_772 = arith.addf %add3A_748, %get3A_771 : vector<16xf32>
        %scan3A_773 = arith.constant 4 : i32
        %scan3A_774 = arith.addi %scan3A_676, %scan3A_773 : i32
        %mul3A_775 = arith.constant 1 : i32
        %mul3A_776 = arith.muli %scan3A_774, %mul3A_775 : i32
        %add3A_777 = arith.constant 0 : i32
        %add3A_778 = arith.addi %add3A_777, %mul3A_776 : i32
        %add3A_779 = arith.constant 400 : i32
        %add3A_780 = arith.addi %add3A_779, %add3A_778 : i32
        %get3A_781 = arith.constant 0 : i32
        %get3A_782 = arith.index_cast %get3A_781 : i32 to index
        %get3A_783 = arith.index_cast %add3A_780 : i32 to index
        %get3A_784 = arith.constant 0 : index
        %get3A_785 = tpu.vector_load %arg7[%get3A_782, %get3A_783, %get3A_784] {strides = array<i32>} : memref<2x1600x32xf32, #tpu.memory_space<vmem>>, vector<1x1x16xf32>,
        %get3A_786 = vector.shape_cast %get3A_785 : vector<1x1x16xf32> to vector<16xf32>
        %add3A_787 = arith.addf %add3A_763, %get3A_786 : vector<16xf32>
        %add3A_788 = arith.constant 400 : i32
        %add3A_789 = arith.addi %add3A_788, %add3A_778 : i32
        %get3A_790 = arith.constant 0 : i32
        %get3A_791 = arith.index_cast %get3A_790 : i32 to index
        %get3A_792 = arith.index_cast %add3A_789 : i32 to index
        %get3A_793 = arith.constant 16 : index
        %get3A_794 = tpu.vector_load %arg7[%get3A_791, %get3A_792, %get3A_793] {strides = array<i32>} : memref<2x1600x32xf32, #tpu.memory_space<vmem>>, vector<1x1x16xf32>,
        %get3A_795 = vector.shape_cast %get3A_794 : vector<1x1x16xf32> to vector<16xf32>
        %add3A_796 = arith.addf %add3A_772, %get3A_795 : vector<16xf32>
        %scan3A_797 = arith.constant 5 : i32
        %scan3A_798 = arith.addi %scan3A_676, %scan3A_797 : i32
        %mul3A_799 = arith.constant 1 : i32
        %mul3A_800 = arith.muli %scan3A_798, %mul3A_799 : i32
        %add3A_801 = arith.constant 0 : i32
        %add3A_802 = arith.addi %add3A_801, %mul3A_800 : i32
        %add3A_803 = arith.constant 400 : i32
        %add3A_804 = arith.addi %add3A_803, %add3A_802 : i32
        %get3A_805 = arith.constant 0 : i32
        %get3A_806 = arith.index_cast %get3A_805 : i32 to index
        %get3A_807 = arith.index_cast %add3A_804 : i32 to index
        %get3A_808 = arith.constant 0 : index
        %get3A_809 = tpu.vector_load %arg7[%get3A_806, %get3A_807, %get3A_808] {strides = array<i32>} : memref<2x1600x32xf32, #tpu.memory_space<vmem>>, vector<1x1x16xf32>,
        %get3A_810 = vector.shape_cast %get3A_809 : vector<1x1x16xf32> to vector<16xf32>
        %add3A_811 = arith.addf %add3A_787, %get3A_810 : vector<16xf32>
        %add3A_812 = arith.constant 400 : i32
        %add3A_813 = arith.addi %add3A_812, %add3A_802 : i32
        %get3A_814 = arith.constant 0 : i32
        %get3A_815 = arith.index_cast %get3A_814 : i32 to index
        %get3A_816 = arith.index_cast %add3A_813 : i32 to index
        %get3A_817 = arith.constant 16 : index
        %get3A_818 = tpu.vector_load %arg7[%get3A_815, %get3A_816, %get3A_817] {strides = array<i32>} : memref<2x1600x32xf32, #tpu.memory_space<vmem>>, vector<1x1x16xf32>,
        %get3A_819 = vector.shape_cast %get3A_818 : vector<1x1x16xf32> to vector<16xf32>
        %add3A_820 = arith.addf %add3A_796, %get3A_819 : vector<16xf32>
        %scan3A_821 = arith.constant 6 : i32
        %scan3A_822 = arith.addi %scan3A_676, %scan3A_821 : i32
        %mul3A_823 = arith.constant 1 : i32
        %mul3A_824 = arith.muli %scan3A_822, %mul3A_823 : i32
        %add3A_825 = arith.constant 0 : i32
        %add3A_826 = arith.addi %add3A_825, %mul3A_824 : i32
        %add3A_827 = arith.constant 400 : i32
        %add3A_828 = arith.addi %add3A_827, %add3A_826 : i32
        %get3A_829 = arith.constant 0 : i32
        %get3A_830 = arith.index_cast %get3A_829 : i32 to index
        %get3A_831 = arith.index_cast %add3A_828 : i32 to index
        %get3A_832 = arith.constant 0 : index
        %get3A_833 = tpu.vector_load %arg7[%get3A_830, %get3A_831, %get3A_832] {strides = array<i32>} : memref<2x1600x32xf32, #tpu.memory_space<vmem>>, vector<1x1x16xf32>,
        %get3A_834 = vector.shape_cast %get3A_833 : vector<1x1x16xf32> to vector<16xf32>
        %add3A_835 = arith.addf %add3A_811, %get3A_834 : vector<16xf32>
        %add3A_836 = arith.constant 400 : i32
        %add3A_837 = arith.addi %add3A_836, %add3A_826 : i32
        %get3A_838 = arith.constant 0 : i32
        %get3A_839 = arith.index_cast %get3A_838 : i32 to index
        %get3A_840 = arith.index_cast %add3A_837 : i32 to index
        %get3A_841 = arith.constant 16 : index
        %get3A_842 = tpu.vector_load %arg7[%get3A_839, %get3A_840, %get3A_841] {strides = array<i32>} : memref<2x1600x32xf32, #tpu.memory_space<vmem>>, vector<1x1x16xf32>,
        %get3A_843 = vector.shape_cast %get3A_842 : vector<1x1x16xf32> to vector<16xf32>
        %add3A_844 = arith.addf %add3A_820, %get3A_843 : vector<16xf32>
        %scan3A_845 = arith.constant 7 : i32
        %scan3A_846 = arith.addi %scan3A_676, %scan3A_845 : i32
        %mul3A_847 = arith.constant 1 : i32
        %mul3A_848 = arith.muli %scan3A_846, %mul3A_847 : i32
        %add3A_849 = arith.constant 0 : i32
        %add3A_850 = arith.addi %add3A_849, %mul3A_848 : i32
        %add3A_851 = arith.constant 400 : i32
        %add3A_852 = arith.addi %add3A_851, %add3A_850 : i32
        %get3A_853 = arith.constant 0 : i32
        %get3A_854 = arith.index_cast %get3A_853 : i32 to index
        %get3A_855 = arith.index_cast %add3A_852 : i32 to index
        %get3A_856 = arith.constant 0 : index
        %get3A_857 = tpu.vector_load %arg7[%get3A_854, %get3A_855, %get3A_856] {strides = array<i32>} : memref<2x1600x32xf32, #tpu.memory_space<vmem>>, vector<1x1x16xf32>,
        %get3A_858 = vector.shape_cast %get3A_857 : vector<1x1x16xf32> to vector<16xf32>
        %add3A_859 = arith.addf %add3A_835, %get3A_858 : vector<16xf32>
        %add3A_860 = arith.constant 400 : i32
        %add3A_861 = arith.addi %add3A_860, %add3A_850 : i32
        %get3A_862 = arith.constant 0 : i32
        %get3A_863 = arith.index_cast %get3A_862 : i32 to index
        %get3A_864 = arith.index_cast %add3A_861 : i32 to index
        %get3A_865 = arith.constant 16 : index
        %get3A_866 = tpu.vector_load %arg7[%get3A_863, %get3A_864, %get3A_865] {strides = array<i32>} : memref<2x1600x32xf32, #tpu.memory_space<vmem>>, vector<1x1x16xf32>,
        %get3A_867 = vector.shape_cast %get3A_866 : vector<1x1x16xf32> to vector<16xf32>
        %add3A_868 = arith.addf %add3A_844, %get3A_867 : vector<16xf32>
        scf.yield %add3A_859, %add3A_868 : vector<16xf32>, vector<16xf32>
      }
      %scan3A_317 = arith.constant 200 : i32
      %swap3A_318 = arith.constant 0 : i32
      %swap3A_319 = arith.constant 2 : i32
      %swap3A_320 = arith.index_cast %swap3A_318 : i32 to index
      %swap3A_321 = arith.index_cast %swap3A_319 : i32 to index
      %swap3A_322 = arith.constant 0 : index
      %swap3A_323 = tpu.vector_load %arg8[%swap3A_320, %swap3A_321, %swap3A_322] {strides = array<i32>} : memref<2x8x32xf32, #tpu.memory_space<vmem>>, vector<1x1x16xf32>,
      %swap3A_324 = vector.shape_cast %swap3A_323 : vector<1x1x16xf32> to vector<16xf32>
      %swap3A_325 = vector.shape_cast %scan3A_316#0 : vector<16xf32> to vector<1x1x16xf32>
      tpu.vector_store %arg8[%swap3A_320, %swap3A_321, %swap3A_322], %swap3A_325 {strides = array<i32>} : memref<2x8x32xf32, #tpu.memory_space<vmem>>, vector<1x1x16xf32>,
      %swap3A_326 = arith.constant 0 : i32
      %swap3A_327 = arith.constant 2 : i32
      %swap3A_328 = arith.index_cast %swap3A_326 : i32 to index
      %swap3A_329 = arith.index_cast %swap3A_327 : i32 to index
      %swap3A_330 = arith.constant 16 : index
      %swap3A_331 = tpu.vector_load %arg8[%swap3A_328, %swap3A_329, %swap3A_330] {strides = array<i32>} : memref<2x8x32xf32, #tpu.memory_space<vmem>>, vector<1x1x16xf32>,
      %swap3A_332 = vector.shape_cast %swap3A_331 : vector<1x1x16xf32> to vector<16xf32>
      %swap3A_333 = vector.shape_cast %scan3A_316#1 : vector<16xf32> to vector<1x1x16xf32>
      tpu.vector_store %arg8[%swap3A_328, %swap3A_329, %swap3A_330], %swap3A_333 {strides = array<i32>} : memref<2x8x32xf32, #tpu.memory_space<vmem>>, vector<1x1x16xf32>,
      %scan3A_334 = arith.constant 0 : i32
      %scan3A_335 = arith.constant 200 : i32
      %scan3A_336 = arith.addi %scan3A_334, %scan3A_335 : i32
      %scan3A_337 = arith.constant 8 : i32
      %scan3A_338:2 = scf.for %scan3A_676 = %scan3A_334 to %scan3A_336 step %scan3A_337 iter_args(%scan3A_677 = %get3A_4, %scan3A_678 = %get3A_7) -> (vector<16xf32>, vector<16xf32>)  : i32 {
        %mul3A_679 = arith.constant 1 : i32
        %mul3A_680 = arith.muli %scan3A_676, %mul3A_679 : i32
        %add3A_681 = arith.constant 0 : i32
        %add3A_682 = arith.addi %add3A_681, %mul3A_680 : i32
        %add3A_683 = arith.constant 600 : i32
        %add3A_684 = arith.addi %add3A_683, %add3A_682 : i32
        %get3A_685 = arith.constant 0 : i32
        %get3A_686 = arith.index_cast %get3A_685 : i32 to index
        %get3A_687 = arith.index_cast %add3A_684 : i32 to index
        %get3A_688 = arith.constant 0 : index
        %get3A_689 = tpu.vector_load %arg7[%get3A_686, %get3A_687, %get3A_688] {strides = array<i32>} : memref<2x1600x32xf32, #tpu.memory_space<vmem>>, vector<1x1x16xf32>,
        %get3A_690 = vector.shape_cast %get3A_689 : vector<1x1x16xf32> to vector<16xf32>
        %add3A_691 = arith.addf %scan3A_677, %get3A_690 : vector<16xf32>
        %add3A_692 = arith.constant 600 : i32
        %add3A_693 = arith.addi %add3A_692, %add3A_682 : i32
        %get3A_694 = arith.constant 0 : i32
        %get3A_695 = arith.index_cast %get3A_694 : i32 to index
        %get3A_696 = arith.index_cast %add3A_693 : i32 to index
        %get3A_697 = arith.constant 16 : index
        %get3A_698 = tpu.vector_load %arg7[%get3A_695, %get3A_696, %get3A_697] {strides = array<i32>} : memref<2x1600x32xf32, #tpu.memory_space<vmem>>, vector<1x1x16xf32>,
        %get3A_699 = vector.shape_cast %get3A_698 : vector<1x1x16xf32> to vector<16xf32>
        %add3A_700 = arith.addf %scan3A_678, %get3A_699 : vector<16xf32>
        %scan3A_701 = arith.constant 1 : i32
        %scan3A_702 = arith.addi %scan3A_676, %scan3A_701 : i32
        %mul3A_703 = arith.constant 1 : i32
        %mul3A_704 = arith.muli %scan3A_702, %mul3A_703 : i32
        %add3A_705 = arith.constant 0 : i32
        %add3A_706 = arith.addi %add3A_705, %mul3A_704 : i32
        %add3A_707 = arith.constant 600 : i32
        %add3A_708 = arith.addi %add3A_707, %add3A_706 : i32
        %get3A_709 = arith.constant 0 : i32
        %get3A_710 = arith.index_cast %get3A_709 : i32 to index
        %get3A_711 = arith.index_cast %add3A_708 : i32 to index
        %get3A_712 = arith.constant 0 : index
        %get3A_713 = tpu.vector_load %arg7[%get3A_710, %get3A_711, %get3A_712] {strides = array<i32>} : memref<2x1600x32xf32, #tpu.memory_space<vmem>>, vector<1x1x16xf32>,
        %get3A_714 = vector.shape_cast %get3A_713 : vector<1x1x16xf32> to vector<16xf32>
        %add3A_715 = arith.addf %add3A_691, %get3A_714 : vector<16xf32>
        %add3A_716 = arith.constant 600 : i32
        %add3A_717 = arith.addi %add3A_716, %add3A_706 : i32
        %get3A_718 = arith.constant 0 : i32
        %get3A_719 = arith.index_cast %get3A_718 : i32 to index
        %get3A_720 = arith.index_cast %add3A_717 : i32 to index
        %get3A_721 = arith.constant 16 : index
        %get3A_722 = tpu.vector_load %arg7[%get3A_719, %get3A_720, %get3A_721] {strides = array<i32>} : memref<2x1600x32xf32, #tpu.memory_space<vmem>>, vector<1x1x16xf32>,
        %get3A_723 = vector.shape_cast %get3A_722 : vector<1x1x16xf32> to vector<16xf32>
        %add3A_724 = arith.addf %add3A_700, %get3A_723 : vector<16xf32>
        %scan3A_725 = arith.constant 2 : i32
        %scan3A_726 = arith.addi %scan3A_676, %scan3A_725 : i32
        %mul3A_727 = arith.constant 1 : i32
        %mul3A_728 = arith.muli %scan3A_726, %mul3A_727 : i32
        %add3A_729 = arith.constant 0 : i32
        %add3A_730 = arith.addi %add3A_729, %mul3A_728 : i32
        %add3A_731 = arith.constant 600 : i32
        %add3A_732 = arith.addi %add3A_731, %add3A_730 : i32
        %get3A_733 = arith.constant 0 : i32
        %get3A_734 = arith.index_cast %get3A_733 : i32 to index
        %get3A_735 = arith.index_cast %add3A_732 : i32 to index
        %get3A_736 = arith.constant 0 : index
        %get3A_737 = tpu.vector_load %arg7[%get3A_734, %get3A_735, %get3A_736] {strides = array<i32>} : memref<2x1600x32xf32, #tpu.memory_space<vmem>>, vector<1x1x16xf32>,
        %get3A_738 = vector.shape_cast %get3A_737 : vector<1x1x16xf32> to vector<16xf32>
        %add3A_739 = arith.addf %add3A_715, %get3A_738 : vector<16xf32>
        %add3A_740 = arith.constant 600 : i32
        %add3A_741 = arith.addi %add3A_740, %add3A_730 : i32
        %get3A_742 = arith.constant 0 : i32
        %get3A_743 = arith.index_cast %get3A_742 : i32 to index
        %get3A_744 = arith.index_cast %add3A_741 : i32 to index
        %get3A_745 = arith.constant 16 : index
        %get3A_746 = tpu.vector_load %arg7[%get3A_743, %get3A_744, %get3A_745] {strides = array<i32>} : memref<2x1600x32xf32, #tpu.memory_space<vmem>>, vector<1x1x16xf32>,
        %get3A_747 = vector.shape_cast %get3A_746 : vector<1x1x16xf32> to vector<16xf32>
        %add3A_748 = arith.addf %add3A_724, %get3A_747 : vector<16xf32>
        %scan3A_749 = arith.constant 3 : i32
        %scan3A_750 = arith.addi %scan3A_676, %scan3A_749 : i32
        %mul3A_751 = arith.constant 1 : i32
        %mul3A_752 = arith.muli %scan3A_750, %mul3A_751 : i32
        %add3A_753 = arith.constant 0 : i32
        %add3A_754 = arith.addi %add3A_753, %mul3A_752 : i32
        %add3A_755 = arith.constant 600 : i32
        %add3A_756 = arith.addi %add3A_755, %add3A_754 : i32
        %get3A_757 = arith.constant 0 : i32
        %get3A_758 = arith.index_cast %get3A_757 : i32 to index
        %get3A_759 = arith.index_cast %add3A_756 : i32 to index
        %get3A_760 = arith.constant 0 : index
        %get3A_761 = tpu.vector_load %arg7[%get3A_758, %get3A_759, %get3A_760] {strides = array<i32>} : memref<2x1600x32xf32, #tpu.memory_space<vmem>>, vector<1x1x16xf32>,
        %get3A_762 = vector.shape_cast %get3A_761 : vector<1x1x16xf32> to vector<16xf32>
        %add3A_763 = arith.addf %add3A_739, %get3A_762 : vector<16xf32>
        %add3A_764 = arith.constant 600 : i32
        %add3A_765 = arith.addi %add3A_764, %add3A_754 : i32
        %get3A_766 = arith.constant 0 : i32
        %get3A_767 = arith.index_cast %get3A_766 : i32 to index
        %get3A_768 = arith.index_cast %add3A_765 : i32 to index
        %get3A_769 = arith.constant 16 : index
        %get3A_770 = tpu.vector_load %arg7[%get3A_767, %get3A_768, %get3A_769] {strides = array<i32>} : memref<2x1600x32xf32, #tpu.memory_space<vmem>>, vector<1x1x16xf32>,
        %get3A_771 = vector.shape_cast %get3A_770 : vector<1x1x16xf32> to vector<16xf32>
        %add3A_772 = arith.addf %add3A_748, %get3A_771 : vector<16xf32>
        %scan3A_773 = arith.constant 4 : i32
        %scan3A_774 = arith.addi %scan3A_676, %scan3A_773 : i32
        %mul3A_775 = arith.constant 1 : i32
        %mul3A_776 = arith.muli %scan3A_774, %mul3A_775 : i32
        %add3A_777 = arith.constant 0 : i32
        %add3A_778 = arith.addi %add3A_777, %mul3A_776 : i32
        %add3A_779 = arith.constant 600 : i32
        %add3A_780 = arith.addi %add3A_779, %add3A_778 : i32
        %get3A_781 = arith.constant 0 : i32
        %get3A_782 = arith.index_cast %get3A_781 : i32 to index
        %get3A_783 = arith.index_cast %add3A_780 : i32 to index
        %get3A_784 = arith.constant 0 : index
        %get3A_785 = tpu.vector_load %arg7[%get3A_782, %get3A_783, %get3A_784] {strides = array<i32>} : memref<2x1600x32xf32, #tpu.memory_space<vmem>>, vector<1x1x16xf32>,
        %get3A_786 = vector.shape_cast %get3A_785 : vector<1x1x16xf32> to vector<16xf32>
        %add3A_787 = arith.addf %add3A_763, %get3A_786 : vector<16xf32>
        %add3A_788 = arith.constant 600 : i32
        %add3A_789 = arith.addi %add3A_788, %add3A_778 : i32
        %get3A_790 = arith.constant 0 : i32
        %get3A_791 = arith.index_cast %get3A_790 : i32 to index
        %get3A_792 = arith.index_cast %add3A_789 : i32 to index
        %get3A_793 = arith.constant 16 : index
        %get3A_794 = tpu.vector_load %arg7[%get3A_791, %get3A_792, %get3A_793] {strides = array<i32>} : memref<2x1600x32xf32, #tpu.memory_space<vmem>>, vector<1x1x16xf32>,
        %get3A_795 = vector.shape_cast %get3A_794 : vector<1x1x16xf32> to vector<16xf32>
        %add3A_796 = arith.addf %add3A_772, %get3A_795 : vector<16xf32>
        %scan3A_797 = arith.constant 5 : i32
        %scan3A_798 = arith.addi %scan3A_676, %scan3A_797 : i32
        %mul3A_799 = arith.constant 1 : i32
        %mul3A_800 = arith.muli %scan3A_798, %mul3A_799 : i32
        %add3A_801 = arith.constant 0 : i32
        %add3A_802 = arith.addi %add3A_801, %mul3A_800 : i32
        %add3A_803 = arith.constant 600 : i32
        %add3A_804 = arith.addi %add3A_803, %add3A_802 : i32
        %get3A_805 = arith.constant 0 : i32
        %get3A_806 = arith.index_cast %get3A_805 : i32 to index
        %get3A_807 = arith.index_cast %add3A_804 : i32 to index
        %get3A_808 = arith.constant 0 : index
        %get3A_809 = tpu.vector_load %arg7[%get3A_806, %get3A_807, %get3A_808] {strides = array<i32>} : memref<2x1600x32xf32, #tpu.memory_space<vmem>>, vector<1x1x16xf32>,
        %get3A_810 = vector.shape_cast %get3A_809 : vector<1x1x16xf32> to vector<16xf32>
        %add3A_811 = arith.addf %add3A_787, %get3A_810 : vector<16xf32>
        %add3A_812 = arith.constant 600 : i32
        %add3A_813 = arith.addi %add3A_812, %add3A_802 : i32
        %get3A_814 = arith.constant 0 : i32
        %get3A_815 = arith.index_cast %get3A_814 : i32 to index
        %get3A_816 = arith.index_cast %add3A_813 : i32 to index
        %get3A_817 = arith.constant 16 : index
        %get3A_818 = tpu.vector_load %arg7[%get3A_815, %get3A_816, %get3A_817] {strides = array<i32>} : memref<2x1600x32xf32, #tpu.memory_space<vmem>>, vector<1x1x16xf32>,
        %get3A_819 = vector.shape_cast %get3A_818 : vector<1x1x16xf32> to vector<16xf32>
        %add3A_820 = arith.addf %add3A_796, %get3A_819 : vector<16xf32>
        %scan3A_821 = arith.constant 6 : i32
        %scan3A_822 = arith.addi %scan3A_676, %scan3A_821 : i32
        %mul3A_823 = arith.constant 1 : i32
        %mul3A_824 = arith.muli %scan3A_822, %mul3A_823 : i32
        %add3A_825 = arith.constant 0 : i32
        %add3A_826 = arith.addi %add3A_825, %mul3A_824 : i32
        %add3A_827 = arith.constant 600 : i32
        %add3A_828 = arith.addi %add3A_827, %add3A_826 : i32
        %get3A_829 = arith.constant 0 : i32
        %get3A_830 = arith.index_cast %get3A_829 : i32 to index
        %get3A_831 = arith.index_cast %add3A_828 : i32 to index
        %get3A_832 = arith.constant 0 : index
        %get3A_833 = tpu.vector_load %arg7[%get3A_830, %get3A_831, %get3A_832] {strides = array<i32>} : memref<2x1600x32xf32, #tpu.memory_space<vmem>>, vector<1x1x16xf32>,
        %get3A_834 = vector.shape_cast %get3A_833 : vector<1x1x16xf32> to vector<16xf32>
        %add3A_835 = arith.addf %add3A_811, %get3A_834 : vector<16xf32>
        %add3A_836 = arith.constant 600 : i32
        %add3A_837 = arith.addi %add3A_836, %add3A_826 : i32
        %get3A_838 = arith.constant 0 : i32
        %get3A_839 = arith.index_cast %get3A_838 : i32 to index
        %get3A_840 = arith.index_cast %add3A_837 : i32 to index
        %get3A_841 = arith.constant 16 : index
        %get3A_842 = tpu.vector_load %arg7[%get3A_839, %get3A_840, %get3A_841] {strides = array<i32>} : memref<2x1600x32xf32, #tpu.memory_space<vmem>>, vector<1x1x16xf32>,
        %get3A_843 = vector.shape_cast %get3A_842 : vector<1x1x16xf32> to vector<16xf32>
        %add3A_844 = arith.addf %add3A_820, %get3A_843 : vector<16xf32>
        %scan3A_845 = arith.constant 7 : i32
        %scan3A_846 = arith.addi %scan3A_676, %scan3A_845 : i32
        %mul3A_847 = arith.constant 1 : i32
        %mul3A_848 = arith.muli %scan3A_846, %mul3A_847 : i32
        %add3A_849 = arith.constant 0 : i32
        %add3A_850 = arith.addi %add3A_849, %mul3A_848 : i32
        %add3A_851 = arith.constant 600 : i32
        %add3A_852 = arith.addi %add3A_851, %add3A_850 : i32
        %get3A_853 = arith.constant 0 : i32
        %get3A_854 = arith.index_cast %get3A_853 : i32 to index
        %get3A_855 = arith.index_cast %add3A_852 : i32 to index
        %get3A_856 = arith.constant 0 : index
        %get3A_857 = tpu.vector_load %arg7[%get3A_854, %get3A_855, %get3A_856] {strides = array<i32>} : memref<2x1600x32xf32, #tpu.memory_space<vmem>>, vector<1x1x16xf32>,
        %get3A_858 = vector.shape_cast %get3A_857 : vector<1x1x16xf32> to vector<16xf32>
        %add3A_859 = arith.addf %add3A_835, %get3A_858 : vector<16xf32>
        %add3A_860 = arith.constant 600 : i32
        %add3A_861 = arith.addi %add3A_860, %add3A_850 : i32
        %get3A_862 = arith.constant 0 : i32
        %get3A_863 = arith.index_cast %get3A_862 : i32 to index
        %get3A_864 = arith.index_cast %add3A_861 : i32 to index
        %get3A_865 = arith.constant 16 : index
        %get3A_866 = tpu.vector_load %arg7[%get3A_863, %get3A_864, %get3A_865] {strides = array<i32>} : memref<2x1600x32xf32, #tpu.memory_space<vmem>>, vector<1x1x16xf32>,
        %get3A_867 = vector.shape_cast %get3A_866 : vector<1x1x16xf32> to vector<16xf32>
        %add3A_868 = arith.addf %add3A_844, %get3A_867 : vector<16xf32>
        scf.yield %add3A_859, %add3A_868 : vector<16xf32>, vector<16xf32>
      }
      %scan3A_339 = arith.constant 200 : i32
      %swap3A_340 = arith.constant 0 : i32
      %swap3A_341 = arith.constant 3 : i32
      %swap3A_342 = arith.index_cast %swap3A_340 : i32 to index
      %swap3A_343 = arith.index_cast %swap3A_341 : i32 to index
      %swap3A_344 = arith.constant 0 : index
      %swap3A_345 = tpu.vector_load %arg8[%swap3A_342, %swap3A_343, %swap3A_344] {strides = array<i32>} : memref<2x8x32xf32, #tpu.memory_space<vmem>>, vector<1x1x16xf32>,
      %swap3A_346 = vector.shape_cast %swap3A_345 : vector<1x1x16xf32> to vector<16xf32>
      %swap3A_347 = vector.shape_cast %scan3A_338#0 : vector<16xf32> to vector<1x1x16xf32>
      tpu.vector_store %arg8[%swap3A_342, %swap3A_343, %swap3A_344], %swap3A_347 {strides = array<i32>} : memref<2x8x32xf32, #tpu.memory_space<vmem>>, vector<1x1x16xf32>,
      %swap3A_348 = arith.constant 0 : i32
      %swap3A_349 = arith.constant 3 : i32
      %swap3A_350 = arith.index_cast %swap3A_348 : i32 to index
      %swap3A_351 = arith.index_cast %swap3A_349 : i32 to index
      %swap3A_352 = arith.constant 16 : index
      %swap3A_353 = tpu.vector_load %arg8[%swap3A_350, %swap3A_351, %swap3A_352] {strides = array<i32>} : memref<2x8x32xf32, #tpu.memory_space<vmem>>, vector<1x1x16xf32>,
      %swap3A_354 = vector.shape_cast %swap3A_353 : vector<1x1x16xf32> to vector<16xf32>
      %swap3A_355 = vector.shape_cast %scan3A_338#1 : vector<16xf32> to vector<1x1x16xf32>
      tpu.vector_store %arg8[%swap3A_350, %swap3A_351, %swap3A_352], %swap3A_355 {strides = array<i32>} : memref<2x8x32xf32, #tpu.memory_space<vmem>>, vector<1x1x16xf32>,
      %scan3A_356 = arith.constant 0 : i32
      %scan3A_357 = arith.constant 200 : i32
      %scan3A_358 = arith.addi %scan3A_356, %scan3A_357 : i32
      %scan3A_359 = arith.constant 8 : i32
      %scan3A_360:2 = scf.for %scan3A_676 = %scan3A_356 to %scan3A_358 step %scan3A_359 iter_args(%scan3A_677 = %get3A_4, %scan3A_678 = %get3A_7) -> (vector<16xf32>, vector<16xf32>)  : i32 {
        %mul3A_679 = arith.constant 1 : i32
        %mul3A_680 = arith.muli %scan3A_676, %mul3A_679 : i32
        %add3A_681 = arith.constant 0 : i32
        %add3A_682 = arith.addi %add3A_681, %mul3A_680 : i32
        %add3A_683 = arith.constant 800 : i32
        %add3A_684 = arith.addi %add3A_683, %add3A_682 : i32
        %get3A_685 = arith.constant 0 : i32
        %get3A_686 = arith.index_cast %get3A_685 : i32 to index
        %get3A_687 = arith.index_cast %add3A_684 : i32 to index
        %get3A_688 = arith.constant 0 : index
        %get3A_689 = tpu.vector_load %arg7[%get3A_686, %get3A_687, %get3A_688] {strides = array<i32>} : memref<2x1600x32xf32, #tpu.memory_space<vmem>>, vector<1x1x16xf32>,
        %get3A_690 = vector.shape_cast %get3A_689 : vector<1x1x16xf32> to vector<16xf32>
        %add3A_691 = arith.addf %scan3A_677, %get3A_690 : vector<16xf32>
        %add3A_692 = arith.constant 800 : i32
        %add3A_693 = arith.addi %add3A_692, %add3A_682 : i32
        %get3A_694 = arith.constant 0 : i32
        %get3A_695 = arith.index_cast %get3A_694 : i32 to index
        %get3A_696 = arith.index_cast %add3A_693 : i32 to index
        %get3A_697 = arith.constant 16 : index
        %get3A_698 = tpu.vector_load %arg7[%get3A_695, %get3A_696, %get3A_697] {strides = array<i32>} : memref<2x1600x32xf32, #tpu.memory_space<vmem>>, vector<1x1x16xf32>,
        %get3A_699 = vector.shape_cast %get3A_698 : vector<1x1x16xf32> to vector<16xf32>
        %add3A_700 = arith.addf %scan3A_678, %get3A_699 : vector<16xf32>
        %scan3A_701 = arith.constant 1 : i32
        %scan3A_702 = arith.addi %scan3A_676, %scan3A_701 : i32
        %mul3A_703 = arith.constant 1 : i32
        %mul3A_704 = arith.muli %scan3A_702, %mul3A_703 : i32
        %add3A_705 = arith.constant 0 : i32
        %add3A_706 = arith.addi %add3A_705, %mul3A_704 : i32
        %add3A_707 = arith.constant 800 : i32
        %add3A_708 = arith.addi %add3A_707, %add3A_706 : i32
        %get3A_709 = arith.constant 0 : i32
        %get3A_710 = arith.index_cast %get3A_709 : i32 to index
        %get3A_711 = arith.index_cast %add3A_708 : i32 to index
        %get3A_712 = arith.constant 0 : index
        %get3A_713 = tpu.vector_load %arg7[%get3A_710, %get3A_711, %get3A_712] {strides = array<i32>} : memref<2x1600x32xf32, #tpu.memory_space<vmem>>, vector<1x1x16xf32>,
        %get3A_714 = vector.shape_cast %get3A_713 : vector<1x1x16xf32> to vector<16xf32>
        %add3A_715 = arith.addf %add3A_691, %get3A_714 : vector<16xf32>
        %add3A_716 = arith.constant 800 : i32
        %add3A_717 = arith.addi %add3A_716, %add3A_706 : i32
        %get3A_718 = arith.constant 0 : i32
        %get3A_719 = arith.index_cast %get3A_718 : i32 to index
        %get3A_720 = arith.index_cast %add3A_717 : i32 to index
        %get3A_721 = arith.constant 16 : index
        %get3A_722 = tpu.vector_load %arg7[%get3A_719, %get3A_720, %get3A_721] {strides = array<i32>} : memref<2x1600x32xf32, #tpu.memory_space<vmem>>, vector<1x1x16xf32>,
        %get3A_723 = vector.shape_cast %get3A_722 : vector<1x1x16xf32> to vector<16xf32>
        %add3A_724 = arith.addf %add3A_700, %get3A_723 : vector<16xf32>
        %scan3A_725 = arith.constant 2 : i32
        %scan3A_726 = arith.addi %scan3A_676, %scan3A_725 : i32
        %mul3A_727 = arith.constant 1 : i32
        %mul3A_728 = arith.muli %scan3A_726, %mul3A_727 : i32
        %add3A_729 = arith.constant 0 : i32
        %add3A_730 = arith.addi %add3A_729, %mul3A_728 : i32
        %add3A_731 = arith.constant 800 : i32
        %add3A_732 = arith.addi %add3A_731, %add3A_730 : i32
        %get3A_733 = arith.constant 0 : i32
        %get3A_734 = arith.index_cast %get3A_733 : i32 to index
        %get3A_735 = arith.index_cast %add3A_732 : i32 to index
        %get3A_736 = arith.constant 0 : index
        %get3A_737 = tpu.vector_load %arg7[%get3A_734, %get3A_735, %get3A_736] {strides = array<i32>} : memref<2x1600x32xf32, #tpu.memory_space<vmem>>, vector<1x1x16xf32>,
        %get3A_738 = vector.shape_cast %get3A_737 : vector<1x1x16xf32> to vector<16xf32>
        %add3A_739 = arith.addf %add3A_715, %get3A_738 : vector<16xf32>
        %add3A_740 = arith.constant 800 : i32
        %add3A_741 = arith.addi %add3A_740, %add3A_730 : i32
        %get3A_742 = arith.constant 0 : i32
        %get3A_743 = arith.index_cast %get3A_742 : i32 to index
        %get3A_744 = arith.index_cast %add3A_741 : i32 to index
        %get3A_745 = arith.constant 16 : index
        %get3A_746 = tpu.vector_load %arg7[%get3A_743, %get3A_744, %get3A_745] {strides = array<i32>} : memref<2x1600x32xf32, #tpu.memory_space<vmem>>, vector<1x1x16xf32>,
        %get3A_747 = vector.shape_cast %get3A_746 : vector<1x1x16xf32> to vector<16xf32>
        %add3A_748 = arith.addf %add3A_724, %get3A_747 : vector<16xf32>
        %scan3A_749 = arith.constant 3 : i32
        %scan3A_750 = arith.addi %scan3A_676, %scan3A_749 : i32
        %mul3A_751 = arith.constant 1 : i32
        %mul3A_752 = arith.muli %scan3A_750, %mul3A_751 : i32
        %add3A_753 = arith.constant 0 : i32
        %add3A_754 = arith.addi %add3A_753, %mul3A_752 : i32
        %add3A_755 = arith.constant 800 : i32
        %add3A_756 = arith.addi %add3A_755, %add3A_754 : i32
        %get3A_757 = arith.constant 0 : i32
        %get3A_758 = arith.index_cast %get3A_757 : i32 to index
        %get3A_759 = arith.index_cast %add3A_756 : i32 to index
        %get3A_760 = arith.constant 0 : index
        %get3A_761 = tpu.vector_load %arg7[%get3A_758, %get3A_759, %get3A_760] {strides = array<i32>} : memref<2x1600x32xf32, #tpu.memory_space<vmem>>, vector<1x1x16xf32>,
        %get3A_762 = vector.shape_cast %get3A_761 : vector<1x1x16xf32> to vector<16xf32>
        %add3A_763 = arith.addf %add3A_739, %get3A_762 : vector<16xf32>
        %add3A_764 = arith.constant 800 : i32
        %add3A_765 = arith.addi %add3A_764, %add3A_754 : i32
        %get3A_766 = arith.constant 0 : i32
        %get3A_767 = arith.index_cast %get3A_766 : i32 to index
        %get3A_768 = arith.index_cast %add3A_765 : i32 to index
        %get3A_769 = arith.constant 16 : index
        %get3A_770 = tpu.vector_load %arg7[%get3A_767, %get3A_768, %get3A_769] {strides = array<i32>} : memref<2x1600x32xf32, #tpu.memory_space<vmem>>, vector<1x1x16xf32>,
        %get3A_771 = vector.shape_cast %get3A_770 : vector<1x1x16xf32> to vector<16xf32>
        %add3A_772 = arith.addf %add3A_748, %get3A_771 : vector<16xf32>
        %scan3A_773 = arith.constant 4 : i32
        %scan3A_774 = arith.addi %scan3A_676, %scan3A_773 : i32
        %mul3A_775 = arith.constant 1 : i32
        %mul3A_776 = arith.muli %scan3A_774, %mul3A_775 : i32
        %add3A_777 = arith.constant 0 : i32
        %add3A_778 = arith.addi %add3A_777, %mul3A_776 : i32
        %add3A_779 = arith.constant 800 : i32
        %add3A_780 = arith.addi %add3A_779, %add3A_778 : i32
        %get3A_781 = arith.constant 0 : i32
        %get3A_782 = arith.index_cast %get3A_781 : i32 to index
        %get3A_783 = arith.index_cast %add3A_780 : i32 to index
        %get3A_784 = arith.constant 0 : index
        %get3A_785 = tpu.vector_load %arg7[%get3A_782, %get3A_783, %get3A_784] {strides = array<i32>} : memref<2x1600x32xf32, #tpu.memory_space<vmem>>, vector<1x1x16xf32>,
        %get3A_786 = vector.shape_cast %get3A_785 : vector<1x1x16xf32> to vector<16xf32>
        %add3A_787 = arith.addf %add3A_763, %get3A_786 : vector<16xf32>
        %add3A_788 = arith.constant 800 : i32
        %add3A_789 = arith.addi %add3A_788, %add3A_778 : i32
        %get3A_790 = arith.constant 0 : i32
        %get3A_791 = arith.index_cast %get3A_790 : i32 to index
        %get3A_792 = arith.index_cast %add3A_789 : i32 to index
        %get3A_793 = arith.constant 16 : index
        %get3A_794 = tpu.vector_load %arg7[%get3A_791, %get3A_792, %get3A_793] {strides = array<i32>} : memref<2x1600x32xf32, #tpu.memory_space<vmem>>, vector<1x1x16xf32>,
        %get3A_795 = vector.shape_cast %get3A_794 : vector<1x1x16xf32> to vector<16xf32>
        %add3A_796 = arith.addf %add3A_772, %get3A_795 : vector<16xf32>
        %scan3A_797 = arith.constant 5 : i32
        %scan3A_798 = arith.addi %scan3A_676, %scan3A_797 : i32
        %mul3A_799 = arith.constant 1 : i32
        %mul3A_800 = arith.muli %scan3A_798, %mul3A_799 : i32
        %add3A_801 = arith.constant 0 : i32
        %add3A_802 = arith.addi %add3A_801, %mul3A_800 : i32
        %add3A_803 = arith.constant 800 : i32
        %add3A_804 = arith.addi %add3A_803, %add3A_802 : i32
        %get3A_805 = arith.constant 0 : i32
        %get3A_806 = arith.index_cast %get3A_805 : i32 to index
        %get3A_807 = arith.index_cast %add3A_804 : i32 to index
        %get3A_808 = arith.constant 0 : index
        %get3A_809 = tpu.vector_load %arg7[%get3A_806, %get3A_807, %get3A_808] {strides = array<i32>} : memref<2x1600x32xf32, #tpu.memory_space<vmem>>, vector<1x1x16xf32>,
        %get3A_810 = vector.shape_cast %get3A_809 : vector<1x1x16xf32> to vector<16xf32>
        %add3A_811 = arith.addf %add3A_787, %get3A_810 : vector<16xf32>
        %add3A_812 = arith.constant 800 : i32
        %add3A_813 = arith.addi %add3A_812, %add3A_802 : i32
        %get3A_814 = arith.constant 0 : i32
        %get3A_815 = arith.index_cast %get3A_814 : i32 to index
        %get3A_816 = arith.index_cast %add3A_813 : i32 to index
        %get3A_817 = arith.constant 16 : index
        %get3A_818 = tpu.vector_load %arg7[%get3A_815, %get3A_816, %get3A_817] {strides = array<i32>} : memref<2x1600x32xf32, #tpu.memory_space<vmem>>, vector<1x1x16xf32>,
        %get3A_819 = vector.shape_cast %get3A_818 : vector<1x1x16xf32> to vector<16xf32>
        %add3A_820 = arith.addf %add3A_796, %get3A_819 : vector<16xf32>
        %scan3A_821 = arith.constant 6 : i32
        %scan3A_822 = arith.addi %scan3A_676, %scan3A_821 : i32
        %mul3A_823 = arith.constant 1 : i32
        %mul3A_824 = arith.muli %scan3A_822, %mul3A_823 : i32
        %add3A_825 = arith.constant 0 : i32
        %add3A_826 = arith.addi %add3A_825, %mul3A_824 : i32
        %add3A_827 = arith.constant 800 : i32
        %add3A_828 = arith.addi %add3A_827, %add3A_826 : i32
        %get3A_829 = arith.constant 0 : i32
        %get3A_830 = arith.index_cast %get3A_829 : i32 to index
        %get3A_831 = arith.index_cast %add3A_828 : i32 to index
        %get3A_832 = arith.constant 0 : index
        %get3A_833 = tpu.vector_load %arg7[%get3A_830, %get3A_831, %get3A_832] {strides = array<i32>} : memref<2x1600x32xf32, #tpu.memory_space<vmem>>, vector<1x1x16xf32>,
        %get3A_834 = vector.shape_cast %get3A_833 : vector<1x1x16xf32> to vector<16xf32>
        %add3A_835 = arith.addf %add3A_811, %get3A_834 : vector<16xf32>
        %add3A_836 = arith.constant 800 : i32
        %add3A_837 = arith.addi %add3A_836, %add3A_826 : i32
        %get3A_838 = arith.constant 0 : i32
        %get3A_839 = arith.index_cast %get3A_838 : i32 to index
        %get3A_840 = arith.index_cast %add3A_837 : i32 to index
        %get3A_841 = arith.constant 16 : index
        %get3A_842 = tpu.vector_load %arg7[%get3A_839, %get3A_840, %get3A_841] {strides = array<i32>} : memref<2x1600x32xf32, #tpu.memory_space<vmem>>, vector<1x1x16xf32>,
        %get3A_843 = vector.shape_cast %get3A_842 : vector<1x1x16xf32> to vector<16xf32>
        %add3A_844 = arith.addf %add3A_820, %get3A_843 : vector<16xf32>
        %scan3A_845 = arith.constant 7 : i32
        %scan3A_846 = arith.addi %scan3A_676, %scan3A_845 : i32
        %mul3A_847 = arith.constant 1 : i32
        %mul3A_848 = arith.muli %scan3A_846, %mul3A_847 : i32
        %add3A_849 = arith.constant 0 : i32
        %add3A_850 = arith.addi %add3A_849, %mul3A_848 : i32
        %add3A_851 = arith.constant 800 : i32
        %add3A_852 = arith.addi %add3A_851, %add3A_850 : i32
        %get3A_853 = arith.constant 0 : i32
        %get3A_854 = arith.index_cast %get3A_853 : i32 to index
        %get3A_855 = arith.index_cast %add3A_852 : i32 to index
        %get3A_856 = arith.constant 0 : index
        %get3A_857 = tpu.vector_load %arg7[%get3A_854, %get3A_855, %get3A_856] {strides = array<i32>} : memref<2x1600x32xf32, #tpu.memory_space<vmem>>, vector<1x1x16xf32>,
        %get3A_858 = vector.shape_cast %get3A_857 : vector<1x1x16xf32> to vector<16xf32>
        %add3A_859 = arith.addf %add3A_835, %get3A_858 : vector<16xf32>
        %add3A_860 = arith.constant 800 : i32
        %add3A_861 = arith.addi %add3A_860, %add3A_850 : i32
        %get3A_862 = arith.constant 0 : i32
        %get3A_863 = arith.index_cast %get3A_862 : i32 to index
        %get3A_864 = arith.index_cast %add3A_861 : i32 to index
        %get3A_865 = arith.constant 16 : index
        %get3A_866 = tpu.vector_load %arg7[%get3A_863, %get3A_864, %get3A_865] {strides = array<i32>} : memref<2x1600x32xf32, #tpu.memory_space<vmem>>, vector<1x1x16xf32>,
        %get3A_867 = vector.shape_cast %get3A_866 : vector<1x1x16xf32> to vector<16xf32>
        %add3A_868 = arith.addf %add3A_844, %get3A_867 : vector<16xf32>
        scf.yield %add3A_859, %add3A_868 : vector<16xf32>, vector<16xf32>
      }
      %scan3A_361 = arith.constant 200 : i32
      %swap3A_362 = arith.constant 0 : i32
      %swap3A_363 = arith.constant 4 : i32
      %swap3A_364 = arith.index_cast %swap3A_362 : i32 to index
      %swap3A_365 = arith.index_cast %swap3A_363 : i32 to index
      %swap3A_366 = arith.constant 0 : index
      %swap3A_367 = tpu.vector_load %arg8[%swap3A_364, %swap3A_365, %swap3A_366] {strides = array<i32>} : memref<2x8x32xf32, #tpu.memory_space<vmem>>, vector<1x1x16xf32>,
      %swap3A_368 = vector.shape_cast %swap3A_367 : vector<1x1x16xf32> to vector<16xf32>
      %swap3A_369 = vector.shape_cast %scan3A_360#0 : vector<16xf32> to vector<1x1x16xf32>
      tpu.vector_store %arg8[%swap3A_364, %swap3A_365, %swap3A_366], %swap3A_369 {strides = array<i32>} : memref<2x8x32xf32, #tpu.memory_space<vmem>>, vector<1x1x16xf32>,
      %swap3A_370 = arith.constant 0 : i32
      %swap3A_371 = arith.constant 4 : i32
      %swap3A_372 = arith.index_cast %swap3A_370 : i32 to index
      %swap3A_373 = arith.index_cast %swap3A_371 : i32 to index
      %swap3A_374 = arith.constant 16 : index
      %swap3A_375 = tpu.vector_load %arg8[%swap3A_372, %swap3A_373, %swap3A_374] {strides = array<i32>} : memref<2x8x32xf32, #tpu.memory_space<vmem>>, vector<1x1x16xf32>,
      %swap3A_376 = vector.shape_cast %swap3A_375 : vector<1x1x16xf32> to vector<16xf32>
      %swap3A_377 = vector.shape_cast %scan3A_360#1 : vector<16xf32> to vector<1x1x16xf32>
      tpu.vector_store %arg8[%swap3A_372, %swap3A_373, %swap3A_374], %swap3A_377 {strides = array<i32>} : memref<2x8x32xf32, #tpu.memory_space<vmem>>, vector<1x1x16xf32>,
      %scan3A_378 = arith.constant 0 : i32
      %scan3A_379 = arith.constant 200 : i32
      %scan3A_380 = arith.addi %scan3A_378, %scan3A_379 : i32
      %scan3A_381 = arith.constant 8 : i32
      %scan3A_382:2 = scf.for %scan3A_676 = %scan3A_378 to %scan3A_380 step %scan3A_381 iter_args(%scan3A_677 = %get3A_4, %scan3A_678 = %get3A_7) -> (vector<16xf32>, vector<16xf32>)  : i32 {
        %mul3A_679 = arith.constant 1 : i32
        %mul3A_680 = arith.muli %scan3A_676, %mul3A_679 : i32
        %add3A_681 = arith.constant 0 : i32
        %add3A_682 = arith.addi %add3A_681, %mul3A_680 : i32
        %add3A_683 = arith.constant 1000 : i32
        %add3A_684 = arith.addi %add3A_683, %add3A_682 : i32
        %get3A_685 = arith.constant 0 : i32
        %get3A_686 = arith.index_cast %get3A_685 : i32 to index
        %get3A_687 = arith.index_cast %add3A_684 : i32 to index
        %get3A_688 = arith.constant 0 : index
        %get3A_689 = tpu.vector_load %arg7[%get3A_686, %get3A_687, %get3A_688] {strides = array<i32>} : memref<2x1600x32xf32, #tpu.memory_space<vmem>>, vector<1x1x16xf32>,
        %get3A_690 = vector.shape_cast %get3A_689 : vector<1x1x16xf32> to vector<16xf32>
        %add3A_691 = arith.addf %scan3A_677, %get3A_690 : vector<16xf32>
        %add3A_692 = arith.constant 1000 : i32
        %add3A_693 = arith.addi %add3A_692, %add3A_682 : i32
        %get3A_694 = arith.constant 0 : i32
        %get3A_695 = arith.index_cast %get3A_694 : i32 to index
        %get3A_696 = arith.index_cast %add3A_693 : i32 to index
        %get3A_697 = arith.constant 16 : index
        %get3A_698 = tpu.vector_load %arg7[%get3A_695, %get3A_696, %get3A_697] {strides = array<i32>} : memref<2x1600x32xf32, #tpu.memory_space<vmem>>, vector<1x1x16xf32>,
        %get3A_699 = vector.shape_cast %get3A_698 : vector<1x1x16xf32> to vector<16xf32>
        %add3A_700 = arith.addf %scan3A_678, %get3A_699 : vector<16xf32>
        %scan3A_701 = arith.constant 1 : i32
        %scan3A_702 = arith.addi %scan3A_676, %scan3A_701 : i32
        %mul3A_703 = arith.constant 1 : i32
        %mul3A_704 = arith.muli %scan3A_702, %mul3A_703 : i32
        %add3A_705 = arith.constant 0 : i32
        %add3A_706 = arith.addi %add3A_705, %mul3A_704 : i32
        %add3A_707 = arith.constant 1000 : i32
        %add3A_708 = arith.addi %add3A_707, %add3A_706 : i32
        %get3A_709 = arith.constant 0 : i32
        %get3A_710 = arith.index_cast %get3A_709 : i32 to index
        %get3A_711 = arith.index_cast %add3A_708 : i32 to index
        %get3A_712 = arith.constant 0 : index
        %get3A_713 = tpu.vector_load %arg7[%get3A_710, %get3A_711, %get3A_712] {strides = array<i32>} : memref<2x1600x32xf32, #tpu.memory_space<vmem>>, vector<1x1x16xf32>,
        %get3A_714 = vector.shape_cast %get3A_713 : vector<1x1x16xf32> to vector<16xf32>
        %add3A_715 = arith.addf %add3A_691, %get3A_714 : vector<16xf32>
        %add3A_716 = arith.constant 1000 : i32
        %add3A_717 = arith.addi %add3A_716, %add3A_706 : i32
        %get3A_718 = arith.constant 0 : i32
        %get3A_719 = arith.index_cast %get3A_718 : i32 to index
        %get3A_720 = arith.index_cast %add3A_717 : i32 to index
        %get3A_721 = arith.constant 16 : index
        %get3A_722 = tpu.vector_load %arg7[%get3A_719, %get3A_720, %get3A_721] {strides = array<i32>} : memref<2x1600x32xf32, #tpu.memory_space<vmem>>, vector<1x1x16xf32>,
        %get3A_723 = vector.shape_cast %get3A_722 : vector<1x1x16xf32> to vector<16xf32>
        %add3A_724 = arith.addf %add3A_700, %get3A_723 : vector<16xf32>
        %scan3A_725 = arith.constant 2 : i32
        %scan3A_726 = arith.addi %scan3A_676, %scan3A_725 : i32
        %mul3A_727 = arith.constant 1 : i32
        %mul3A_728 = arith.muli %scan3A_726, %mul3A_727 : i32
        %add3A_729 = arith.constant 0 : i32
        %add3A_730 = arith.addi %add3A_729, %mul3A_728 : i32
        %add3A_731 = arith.constant 1000 : i32
        %add3A_732 = arith.addi %add3A_731, %add3A_730 : i32
        %get3A_733 = arith.constant 0 : i32
        %get3A_734 = arith.index_cast %get3A_733 : i32 to index
        %get3A_735 = arith.index_cast %add3A_732 : i32 to index
        %get3A_736 = arith.constant 0 : index
        %get3A_737 = tpu.vector_load %arg7[%get3A_734, %get3A_735, %get3A_736] {strides = array<i32>} : memref<2x1600x32xf32, #tpu.memory_space<vmem>>, vector<1x1x16xf32>,
        %get3A_738 = vector.shape_cast %get3A_737 : vector<1x1x16xf32> to vector<16xf32>
        %add3A_739 = arith.addf %add3A_715, %get3A_738 : vector<16xf32>
        %add3A_740 = arith.constant 1000 : i32
        %add3A_741 = arith.addi %add3A_740, %add3A_730 : i32
        %get3A_742 = arith.constant 0 : i32
        %get3A_743 = arith.index_cast %get3A_742 : i32 to index
        %get3A_744 = arith.index_cast %add3A_741 : i32 to index
        %get3A_745 = arith.constant 16 : index
        %get3A_746 = tpu.vector_load %arg7[%get3A_743, %get3A_744, %get3A_745] {strides = array<i32>} : memref<2x1600x32xf32, #tpu.memory_space<vmem>>, vector<1x1x16xf32>,
        %get3A_747 = vector.shape_cast %get3A_746 : vector<1x1x16xf32> to vector<16xf32>
        %add3A_748 = arith.addf %add3A_724, %get3A_747 : vector<16xf32>
        %scan3A_749 = arith.constant 3 : i32
        %scan3A_750 = arith.addi %scan3A_676, %scan3A_749 : i32
        %mul3A_751 = arith.constant 1 : i32
        %mul3A_752 = arith.muli %scan3A_750, %mul3A_751 : i32
        %add3A_753 = arith.constant 0 : i32
        %add3A_754 = arith.addi %add3A_753, %mul3A_752 : i32
        %add3A_755 = arith.constant 1000 : i32
        %add3A_756 = arith.addi %add3A_755, %add3A_754 : i32
        %get3A_757 = arith.constant 0 : i32
        %get3A_758 = arith.index_cast %get3A_757 : i32 to index
        %get3A_759 = arith.index_cast %add3A_756 : i32 to index
        %get3A_760 = arith.constant 0 : index
        %get3A_761 = tpu.vector_load %arg7[%get3A_758, %get3A_759, %get3A_760] {strides = array<i32>} : memref<2x1600x32xf32, #tpu.memory_space<vmem>>, vector<1x1x16xf32>,
        %get3A_762 = vector.shape_cast %get3A_761 : vector<1x1x16xf32> to vector<16xf32>
        %add3A_763 = arith.addf %add3A_739, %get3A_762 : vector<16xf32>
        %add3A_764 = arith.constant 1000 : i32
        %add3A_765 = arith.addi %add3A_764, %add3A_754 : i32
        %get3A_766 = arith.constant 0 : i32
        %get3A_767 = arith.index_cast %get3A_766 : i32 to index
        %get3A_768 = arith.index_cast %add3A_765 : i32 to index
        %get3A_769 = arith.constant 16 : index
        %get3A_770 = tpu.vector_load %arg7[%get3A_767, %get3A_768, %get3A_769] {strides = array<i32>} : memref<2x1600x32xf32, #tpu.memory_space<vmem>>, vector<1x1x16xf32>,
        %get3A_771 = vector.shape_cast %get3A_770 : vector<1x1x16xf32> to vector<16xf32>
        %add3A_772 = arith.addf %add3A_748, %get3A_771 : vector<16xf32>
        %scan3A_773 = arith.constant 4 : i32
        %scan3A_774 = arith.addi %scan3A_676, %scan3A_773 : i32
        %mul3A_775 = arith.constant 1 : i32
        %mul3A_776 = arith.muli %scan3A_774, %mul3A_775 : i32
        %add3A_777 = arith.constant 0 : i32
        %add3A_778 = arith.addi %add3A_777, %mul3A_776 : i32
        %add3A_779 = arith.constant 1000 : i32
        %add3A_780 = arith.addi %add3A_779, %add3A_778 : i32
        %get3A_781 = arith.constant 0 : i32
        %get3A_782 = arith.index_cast %get3A_781 : i32 to index
        %get3A_783 = arith.index_cast %add3A_780 : i32 to index
        %get3A_784 = arith.constant 0 : index
        %get3A_785 = tpu.vector_load %arg7[%get3A_782, %get3A_783, %get3A_784] {strides = array<i32>} : memref<2x1600x32xf32, #tpu.memory_space<vmem>>, vector<1x1x16xf32>,
        %get3A_786 = vector.shape_cast %get3A_785 : vector<1x1x16xf32> to vector<16xf32>
        %add3A_787 = arith.addf %add3A_763, %get3A_786 : vector<16xf32>
        %add3A_788 = arith.constant 1000 : i32
        %add3A_789 = arith.addi %add3A_788, %add3A_778 : i32
        %get3A_790 = arith.constant 0 : i32
        %get3A_791 = arith.index_cast %get3A_790 : i32 to index
        %get3A_792 = arith.index_cast %add3A_789 : i32 to index
        %get3A_793 = arith.constant 16 : index
        %get3A_794 = tpu.vector_load %arg7[%get3A_791, %get3A_792, %get3A_793] {strides = array<i32>} : memref<2x1600x32xf32, #tpu.memory_space<vmem>>, vector<1x1x16xf32>,
        %get3A_795 = vector.shape_cast %get3A_794 : vector<1x1x16xf32> to vector<16xf32>
        %add3A_796 = arith.addf %add3A_772, %get3A_795 : vector<16xf32>
        %scan3A_797 = arith.constant 5 : i32
        %scan3A_798 = arith.addi %scan3A_676, %scan3A_797 : i32
        %mul3A_799 = arith.constant 1 : i32
        %mul3A_800 = arith.muli %scan3A_798, %mul3A_799 : i32
        %add3A_801 = arith.constant 0 : i32
        %add3A_802 = arith.addi %add3A_801, %mul3A_800 : i32
        %add3A_803 = arith.constant 1000 : i32
        %add3A_804 = arith.addi %add3A_803, %add3A_802 : i32
        %get3A_805 = arith.constant 0 : i32
        %get3A_806 = arith.index_cast %get3A_805 : i32 to index
        %get3A_807 = arith.index_cast %add3A_804 : i32 to index
        %get3A_808 = arith.constant 0 : index
        %get3A_809 = tpu.vector_load %arg7[%get3A_806, %get3A_807, %get3A_808] {strides = array<i32>} : memref<2x1600x32xf32, #tpu.memory_space<vmem>>, vector<1x1x16xf32>,
        %get3A_810 = vector.shape_cast %get3A_809 : vector<1x1x16xf32> to vector<16xf32>
        %add3A_811 = arith.addf %add3A_787, %get3A_810 : vector<16xf32>
        %add3A_812 = arith.constant 1000 : i32
        %add3A_813 = arith.addi %add3A_812, %add3A_802 : i32
        %get3A_814 = arith.constant 0 : i32
        %get3A_815 = arith.index_cast %get3A_814 : i32 to index
        %get3A_816 = arith.index_cast %add3A_813 : i32 to index
        %get3A_817 = arith.constant 16 : index
        %get3A_818 = tpu.vector_load %arg7[%get3A_815, %get3A_816, %get3A_817] {strides = array<i32>} : memref<2x1600x32xf32, #tpu.memory_space<vmem>>, vector<1x1x16xf32>,
        %get3A_819 = vector.shape_cast %get3A_818 : vector<1x1x16xf32> to vector<16xf32>
        %add3A_820 = arith.addf %add3A_796, %get3A_819 : vector<16xf32>
        %scan3A_821 = arith.constant 6 : i32
        %scan3A_822 = arith.addi %scan3A_676, %scan3A_821 : i32
        %mul3A_823 = arith.constant 1 : i32
        %mul3A_824 = arith.muli %scan3A_822, %mul3A_823 : i32
        %add3A_825 = arith.constant 0 : i32
        %add3A_826 = arith.addi %add3A_825, %mul3A_824 : i32
        %add3A_827 = arith.constant 1000 : i32
        %add3A_828 = arith.addi %add3A_827, %add3A_826 : i32
        %get3A_829 = arith.constant 0 : i32
        %get3A_830 = arith.index_cast %get3A_829 : i32 to index
        %get3A_831 = arith.index_cast %add3A_828 : i32 to index
        %get3A_832 = arith.constant 0 : index
        %get3A_833 = tpu.vector_load %arg7[%get3A_830, %get3A_831, %get3A_832] {strides = array<i32>} : memref<2x1600x32xf32, #tpu.memory_space<vmem>>, vector<1x1x16xf32>,
        %get3A_834 = vector.shape_cast %get3A_833 : vector<1x1x16xf32> to vector<16xf32>
        %add3A_835 = arith.addf %add3A_811, %get3A_834 : vector<16xf32>
        %add3A_836 = arith.constant 1000 : i32
        %add3A_837 = arith.addi %add3A_836, %add3A_826 : i32
        %get3A_838 = arith.constant 0 : i32
        %get3A_839 = arith.index_cast %get3A_838 : i32 to index
        %get3A_840 = arith.index_cast %add3A_837 : i32 to index
        %get3A_841 = arith.constant 16 : index
        %get3A_842 = tpu.vector_load %arg7[%get3A_839, %get3A_840, %get3A_841] {strides = array<i32>} : memref<2x1600x32xf32, #tpu.memory_space<vmem>>, vector<1x1x16xf32>,
        %get3A_843 = vector.shape_cast %get3A_842 : vector<1x1x16xf32> to vector<16xf32>
        %add3A_844 = arith.addf %add3A_820, %get3A_843 : vector<16xf32>
        %scan3A_845 = arith.constant 7 : i32
        %scan3A_846 = arith.addi %scan3A_676, %scan3A_845 : i32
        %mul3A_847 = arith.constant 1 : i32
        %mul3A_848 = arith.muli %scan3A_846, %mul3A_847 : i32
        %add3A_849 = arith.constant 0 : i32
        %add3A_850 = arith.addi %add3A_849, %mul3A_848 : i32
        %add3A_851 = arith.constant 1000 : i32
        %add3A_852 = arith.addi %add3A_851, %add3A_850 : i32
        %get3A_853 = arith.constant 0 : i32
        %get3A_854 = arith.index_cast %get3A_853 : i32 to index
        %get3A_855 = arith.index_cast %add3A_852 : i32 to index
        %get3A_856 = arith.constant 0 : index
        %get3A_857 = tpu.vector_load %arg7[%get3A_854, %get3A_855, %get3A_856] {strides = array<i32>} : memref<2x1600x32xf32, #tpu.memory_space<vmem>>, vector<1x1x16xf32>,
        %get3A_858 = vector.shape_cast %get3A_857 : vector<1x1x16xf32> to vector<16xf32>
        %add3A_859 = arith.addf %add3A_835, %get3A_858 : vector<16xf32>
        %add3A_860 = arith.constant 1000 : i32
        %add3A_861 = arith.addi %add3A_860, %add3A_850 : i32
        %get3A_862 = arith.constant 0 : i32
        %get3A_863 = arith.index_cast %get3A_862 : i32 to index
        %get3A_864 = arith.index_cast %add3A_861 : i32 to index
        %get3A_865 = arith.constant 16 : index
        %get3A_866 = tpu.vector_load %arg7[%get3A_863, %get3A_864, %get3A_865] {strides = array<i32>} : memref<2x1600x32xf32, #tpu.memory_space<vmem>>, vector<1x1x16xf32>,
        %get3A_867 = vector.shape_cast %get3A_866 : vector<1x1x16xf32> to vector<16xf32>
        %add3A_868 = arith.addf %add3A_844, %get3A_867 : vector<16xf32>
        scf.yield %add3A_859, %add3A_868 : vector<16xf32>, vector<16xf32>
      }
      %scan3A_383 = arith.constant 200 : i32
      %swap3A_384 = arith.constant 0 : i32
      %swap3A_385 = arith.constant 5 : i32
      %swap3A_386 = arith.index_cast %swap3A_384 : i32 to index
      %swap3A_387 = arith.index_cast %swap3A_385 : i32 to index
      %swap3A_388 = arith.constant 0 : index
      %swap3A_389 = tpu.vector_load %arg8[%swap3A_386, %swap3A_387, %swap3A_388] {strides = array<i32>} : memref<2x8x32xf32, #tpu.memory_space<vmem>>, vector<1x1x16xf32>,
      %swap3A_390 = vector.shape_cast %swap3A_389 : vector<1x1x16xf32> to vector<16xf32>
      %swap3A_391 = vector.shape_cast %scan3A_382#0 : vector<16xf32> to vector<1x1x16xf32>
      tpu.vector_store %arg8[%swap3A_386, %swap3A_387, %swap3A_388], %swap3A_391 {strides = array<i32>} : memref<2x8x32xf32, #tpu.memory_space<vmem>>, vector<1x1x16xf32>,
      %swap3A_392 = arith.constant 0 : i32
      %swap3A_393 = arith.constant 5 : i32
      %swap3A_394 = arith.index_cast %swap3A_392 : i32 to index
      %swap3A_395 = arith.index_cast %swap3A_393 : i32 to index
      %swap3A_396 = arith.constant 16 : index
      %swap3A_397 = tpu.vector_load %arg8[%swap3A_394, %swap3A_395, %swap3A_396] {strides = array<i32>} : memref<2x8x32xf32, #tpu.memory_space<vmem>>, vector<1x1x16xf32>,
      %swap3A_398 = vector.shape_cast %swap3A_397 : vector<1x1x16xf32> to vector<16xf32>
      %swap3A_399 = vector.shape_cast %scan3A_382#1 : vector<16xf32> to vector<1x1x16xf32>
      tpu.vector_store %arg8[%swap3A_394, %swap3A_395, %swap3A_396], %swap3A_399 {strides = array<i32>} : memref<2x8x32xf32, #tpu.memory_space<vmem>>, vector<1x1x16xf32>,
      %scan3A_400 = arith.constant 0 : i32
      %scan3A_401 = arith.constant 200 : i32
      %scan3A_402 = arith.addi %scan3A_400, %scan3A_401 : i32
      %scan3A_403 = arith.constant 8 : i32
      %scan3A_404:2 = scf.for %scan3A_676 = %scan3A_400 to %scan3A_402 step %scan3A_403 iter_args(%scan3A_677 = %get3A_4, %scan3A_678 = %get3A_7) -> (vector<16xf32>, vector<16xf32>)  : i32 {
        %mul3A_679 = arith.constant 1 : i32
        %mul3A_680 = arith.muli %scan3A_676, %mul3A_679 : i32
        %add3A_681 = arith.constant 0 : i32
        %add3A_682 = arith.addi %add3A_681, %mul3A_680 : i32
        %add3A_683 = arith.constant 1200 : i32
        %add3A_684 = arith.addi %add3A_683, %add3A_682 : i32
        %get3A_685 = arith.constant 0 : i32
        %get3A_686 = arith.index_cast %get3A_685 : i32 to index
        %get3A_687 = arith.index_cast %add3A_684 : i32 to index
        %get3A_688 = arith.constant 0 : index
        %get3A_689 = tpu.vector_load %arg7[%get3A_686, %get3A_687, %get3A_688] {strides = array<i32>} : memref<2x1600x32xf32, #tpu.memory_space<vmem>>, vector<1x1x16xf32>,
        %get3A_690 = vector.shape_cast %get3A_689 : vector<1x1x16xf32> to vector<16xf32>
        %add3A_691 = arith.addf %scan3A_677, %get3A_690 : vector<16xf32>
        %add3A_692 = arith.constant 1200 : i32
        %add3A_693 = arith.addi %add3A_692, %add3A_682 : i32
        %get3A_694 = arith.constant 0 : i32
        %get3A_695 = arith.index_cast %get3A_694 : i32 to index
        %get3A_696 = arith.index_cast %add3A_693 : i32 to index
        %get3A_697 = arith.constant 16 : index
        %get3A_698 = tpu.vector_load %arg7[%get3A_695, %get3A_696, %get3A_697] {strides = array<i32>} : memref<2x1600x32xf32, #tpu.memory_space<vmem>>, vector<1x1x16xf32>,
        %get3A_699 = vector.shape_cast %get3A_698 : vector<1x1x16xf32> to vector<16xf32>
        %add3A_700 = arith.addf %scan3A_678, %get3A_699 : vector<16xf32>
        %scan3A_701 = arith.constant 1 : i32
        %scan3A_702 = arith.addi %scan3A_676, %scan3A_701 : i32
        %mul3A_703 = arith.constant 1 : i32
        %mul3A_704 = arith.muli %scan3A_702, %mul3A_703 : i32
        %add3A_705 = arith.constant 0 : i32
        %add3A_706 = arith.addi %add3A_705, %mul3A_704 : i32
        %add3A_707 = arith.constant 1200 : i32
        %add3A_708 = arith.addi %add3A_707, %add3A_706 : i32
        %get3A_709 = arith.constant 0 : i32
        %get3A_710 = arith.index_cast %get3A_709 : i32 to index
        %get3A_711 = arith.index_cast %add3A_708 : i32 to index
        %get3A_712 = arith.constant 0 : index
        %get3A_713 = tpu.vector_load %arg7[%get3A_710, %get3A_711, %get3A_712] {strides = array<i32>} : memref<2x1600x32xf32, #tpu.memory_space<vmem>>, vector<1x1x16xf32>,
        %get3A_714 = vector.shape_cast %get3A_713 : vector<1x1x16xf32> to vector<16xf32>
        %add3A_715 = arith.addf %add3A_691, %get3A_714 : vector<16xf32>
        %add3A_716 = arith.constant 1200 : i32
        %add3A_717 = arith.addi %add3A_716, %add3A_706 : i32
        %get3A_718 = arith.constant 0 : i32
        %get3A_719 = arith.index_cast %get3A_718 : i32 to index
        %get3A_720 = arith.index_cast %add3A_717 : i32 to index
        %get3A_721 = arith.constant 16 : index
        %get3A_722 = tpu.vector_load %arg7[%get3A_719, %get3A_720, %get3A_721] {strides = array<i32>} : memref<2x1600x32xf32, #tpu.memory_space<vmem>>, vector<1x1x16xf32>,
        %get3A_723 = vector.shape_cast %get3A_722 : vector<1x1x16xf32> to vector<16xf32>
        %add3A_724 = arith.addf %add3A_700, %get3A_723 : vector<16xf32>
        %scan3A_725 = arith.constant 2 : i32
        %scan3A_726 = arith.addi %scan3A_676, %scan3A_725 : i32
        %mul3A_727 = arith.constant 1 : i32
        %mul3A_728 = arith.muli %scan3A_726, %mul3A_727 : i32
        %add3A_729 = arith.constant 0 : i32
        %add3A_730 = arith.addi %add3A_729, %mul3A_728 : i32
        %add3A_731 = arith.constant 1200 : i32
        %add3A_732 = arith.addi %add3A_731, %add3A_730 : i32
        %get3A_733 = arith.constant 0 : i32
        %get3A_734 = arith.index_cast %get3A_733 : i32 to index
        %get3A_735 = arith.index_cast %add3A_732 : i32 to index
        %get3A_736 = arith.constant 0 : index
        %get3A_737 = tpu.vector_load %arg7[%get3A_734, %get3A_735, %get3A_736] {strides = array<i32>} : memref<2x1600x32xf32, #tpu.memory_space<vmem>>, vector<1x1x16xf32>,
        %get3A_738 = vector.shape_cast %get3A_737 : vector<1x1x16xf32> to vector<16xf32>
        %add3A_739 = arith.addf %add3A_715, %get3A_738 : vector<16xf32>
        %add3A_740 = arith.constant 1200 : i32
        %add3A_741 = arith.addi %add3A_740, %add3A_730 : i32
        %get3A_742 = arith.constant 0 : i32
        %get3A_743 = arith.index_cast %get3A_742 : i32 to index
        %get3A_744 = arith.index_cast %add3A_741 : i32 to index
        %get3A_745 = arith.constant 16 : index
        %get3A_746 = tpu.vector_load %arg7[%get3A_743, %get3A_744, %get3A_745] {strides = array<i32>} : memref<2x1600x32xf32, #tpu.memory_space<vmem>>, vector<1x1x16xf32>,
        %get3A_747 = vector.shape_cast %get3A_746 : vector<1x1x16xf32> to vector<16xf32>
        %add3A_748 = arith.addf %add3A_724, %get3A_747 : vector<16xf32>
        %scan3A_749 = arith.constant 3 : i32
        %scan3A_750 = arith.addi %scan3A_676, %scan3A_749 : i32
        %mul3A_751 = arith.constant 1 : i32
        %mul3A_752 = arith.muli %scan3A_750, %mul3A_751 : i32
        %add3A_753 = arith.constant 0 : i32
        %add3A_754 = arith.addi %add3A_753, %mul3A_752 : i32
        %add3A_755 = arith.constant 1200 : i32
        %add3A_756 = arith.addi %add3A_755, %add3A_754 : i32
        %get3A_757 = arith.constant 0 : i32
        %get3A_758 = arith.index_cast %get3A_757 : i32 to index
        %get3A_759 = arith.index_cast %add3A_756 : i32 to index
        %get3A_760 = arith.constant 0 : index
        %get3A_761 = tpu.vector_load %arg7[%get3A_758, %get3A_759, %get3A_760] {strides = array<i32>} : memref<2x1600x32xf32, #tpu.memory_space<vmem>>, vector<1x1x16xf32>,
        %get3A_762 = vector.shape_cast %get3A_761 : vector<1x1x16xf32> to vector<16xf32>
        %add3A_763 = arith.addf %add3A_739, %get3A_762 : vector<16xf32>
        %add3A_764 = arith.constant 1200 : i32
        %add3A_765 = arith.addi %add3A_764, %add3A_754 : i32
        %get3A_766 = arith.constant 0 : i32
        %get3A_767 = arith.index_cast %get3A_766 : i32 to index
        %get3A_768 = arith.index_cast %add3A_765 : i32 to index
        %get3A_769 = arith.constant 16 : index
        %get3A_770 = tpu.vector_load %arg7[%get3A_767, %get3A_768, %get3A_769] {strides = array<i32>} : memref<2x1600x32xf32, #tpu.memory_space<vmem>>, vector<1x1x16xf32>,
        %get3A_771 = vector.shape_cast %get3A_770 : vector<1x1x16xf32> to vector<16xf32>
        %add3A_772 = arith.addf %add3A_748, %get3A_771 : vector<16xf32>
        %scan3A_773 = arith.constant 4 : i32
        %scan3A_774 = arith.addi %scan3A_676, %scan3A_773 : i32
        %mul3A_775 = arith.constant 1 : i32
        %mul3A_776 = arith.muli %scan3A_774, %mul3A_775 : i32
        %add3A_777 = arith.constant 0 : i32
        %add3A_778 = arith.addi %add3A_777, %mul3A_776 : i32
        %add3A_779 = arith.constant 1200 : i32
        %add3A_780 = arith.addi %add3A_779, %add3A_778 : i32
        %get3A_781 = arith.constant 0 : i32
        %get3A_782 = arith.index_cast %get3A_781 : i32 to index
        %get3A_783 = arith.index_cast %add3A_780 : i32 to index
        %get3A_784 = arith.constant 0 : index
        %get3A_785 = tpu.vector_load %arg7[%get3A_782, %get3A_783, %get3A_784] {strides = array<i32>} : memref<2x1600x32xf32, #tpu.memory_space<vmem>>, vector<1x1x16xf32>,
        %get3A_786 = vector.shape_cast %get3A_785 : vector<1x1x16xf32> to vector<16xf32>
        %add3A_787 = arith.addf %add3A_763, %get3A_786 : vector<16xf32>
        %add3A_788 = arith.constant 1200 : i32
        %add3A_789 = arith.addi %add3A_788, %add3A_778 : i32
        %get3A_790 = arith.constant 0 : i32
        %get3A_791 = arith.index_cast %get3A_790 : i32 to index
        %get3A_792 = arith.index_cast %add3A_789 : i32 to index
        %get3A_793 = arith.constant 16 : index
        %get3A_794 = tpu.vector_load %arg7[%get3A_791, %get3A_792, %get3A_793] {strides = array<i32>} : memref<2x1600x32xf32, #tpu.memory_space<vmem>>, vector<1x1x16xf32>,
        %get3A_795 = vector.shape_cast %get3A_794 : vector<1x1x16xf32> to vector<16xf32>
        %add3A_796 = arith.addf %add3A_772, %get3A_795 : vector<16xf32>
        %scan3A_797 = arith.constant 5 : i32
        %scan3A_798 = arith.addi %scan3A_676, %scan3A_797 : i32
        %mul3A_799 = arith.constant 1 : i32
        %mul3A_800 = arith.muli %scan3A_798, %mul3A_799 : i32
        %add3A_801 = arith.constant 0 : i32
        %add3A_802 = arith.addi %add3A_801, %mul3A_800 : i32
        %add3A_803 = arith.constant 1200 : i32
        %add3A_804 = arith.addi %add3A_803, %add3A_802 : i32
        %get3A_805 = arith.constant 0 : i32
        %get3A_806 = arith.index_cast %get3A_805 : i32 to index
        %get3A_807 = arith.index_cast %add3A_804 : i32 to index
        %get3A_808 = arith.constant 0 : index
        %get3A_809 = tpu.vector_load %arg7[%get3A_806, %get3A_807, %get3A_808] {strides = array<i32>} : memref<2x1600x32xf32, #tpu.memory_space<vmem>>, vector<1x1x16xf32>,
        %get3A_810 = vector.shape_cast %get3A_809 : vector<1x1x16xf32> to vector<16xf32>
        %add3A_811 = arith.addf %add3A_787, %get3A_810 : vector<16xf32>
        %add3A_812 = arith.constant 1200 : i32
        %add3A_813 = arith.addi %add3A_812, %add3A_802 : i32
        %get3A_814 = arith.constant 0 : i32
        %get3A_815 = arith.index_cast %get3A_814 : i32 to index
        %get3A_816 = arith.index_cast %add3A_813 : i32 to index
        %get3A_817 = arith.constant 16 : index
        %get3A_818 = tpu.vector_load %arg7[%get3A_815, %get3A_816, %get3A_817] {strides = array<i32>} : memref<2x1600x32xf32, #tpu.memory_space<vmem>>, vector<1x1x16xf32>,
        %get3A_819 = vector.shape_cast %get3A_818 : vector<1x1x16xf32> to vector<16xf32>
        %add3A_820 = arith.addf %add3A_796, %get3A_819 : vector<16xf32>
        %scan3A_821 = arith.constant 6 : i32
        %scan3A_822 = arith.addi %scan3A_676, %scan3A_821 : i32
        %mul3A_823 = arith.constant 1 : i32
        %mul3A_824 = arith.muli %scan3A_822, %mul3A_823 : i32
        %add3A_825 = arith.constant 0 : i32
        %add3A_826 = arith.addi %add3A_825, %mul3A_824 : i32
        %add3A_827 = arith.constant 1200 : i32
        %add3A_828 = arith.addi %add3A_827, %add3A_826 : i32
        %get3A_829 = arith.constant 0 : i32
        %get3A_830 = arith.index_cast %get3A_829 : i32 to index
        %get3A_831 = arith.index_cast %add3A_828 : i32 to index
        %get3A_832 = arith.constant 0 : index
        %get3A_833 = tpu.vector_load %arg7[%get3A_830, %get3A_831, %get3A_832] {strides = array<i32>} : memref<2x1600x32xf32, #tpu.memory_space<vmem>>, vector<1x1x16xf32>,
        %get3A_834 = vector.shape_cast %get3A_833 : vector<1x1x16xf32> to vector<16xf32>
        %add3A_835 = arith.addf %add3A_811, %get3A_834 : vector<16xf32>
        %add3A_836 = arith.constant 1200 : i32
        %add3A_837 = arith.addi %add3A_836, %add3A_826 : i32
        %get3A_838 = arith.constant 0 : i32
        %get3A_839 = arith.index_cast %get3A_838 : i32 to index
        %get3A_840 = arith.index_cast %add3A_837 : i32 to index
        %get3A_841 = arith.constant 16 : index
        %get3A_842 = tpu.vector_load %arg7[%get3A_839, %get3A_840, %get3A_841] {strides = array<i32>} : memref<2x1600x32xf32, #tpu.memory_space<vmem>>, vector<1x1x16xf32>,
        %get3A_843 = vector.shape_cast %get3A_842 : vector<1x1x16xf32> to vector<16xf32>
        %add3A_844 = arith.addf %add3A_820, %get3A_843 : vector<16xf32>
        %scan3A_845 = arith.constant 7 : i32
        %scan3A_846 = arith.addi %scan3A_676, %scan3A_845 : i32
        %mul3A_847 = arith.constant 1 : i32
        %mul3A_848 = arith.muli %scan3A_846, %mul3A_847 : i32
        %add3A_849 = arith.constant 0 : i32
        %add3A_850 = arith.addi %add3A_849, %mul3A_848 : i32
        %add3A_851 = arith.constant 1200 : i32
        %add3A_852 = arith.addi %add3A_851, %add3A_850 : i32
        %get3A_853 = arith.constant 0 : i32
        %get3A_854 = arith.index_cast %get3A_853 : i32 to index
        %get3A_855 = arith.index_cast %add3A_852 : i32 to index
        %get3A_856 = arith.constant 0 : index
        %get3A_857 = tpu.vector_load %arg7[%get3A_854, %get3A_855, %get3A_856] {strides = array<i32>} : memref<2x1600x32xf32, #tpu.memory_space<vmem>>, vector<1x1x16xf32>,
        %get3A_858 = vector.shape_cast %get3A_857 : vector<1x1x16xf32> to vector<16xf32>
        %add3A_859 = arith.addf %add3A_835, %get3A_858 : vector<16xf32>
        %add3A_860 = arith.constant 1200 : i32
        %add3A_861 = arith.addi %add3A_860, %add3A_850 : i32
        %get3A_862 = arith.constant 0 : i32
        %get3A_863 = arith.index_cast %get3A_862 : i32 to index
        %get3A_864 = arith.index_cast %add3A_861 : i32 to index
        %get3A_865 = arith.constant 16 : index
        %get3A_866 = tpu.vector_load %arg7[%get3A_863, %get3A_864, %get3A_865] {strides = array<i32>} : memref<2x1600x32xf32, #tpu.memory_space<vmem>>, vector<1x1x16xf32>,
        %get3A_867 = vector.shape_cast %get3A_866 : vector<1x1x16xf32> to vector<16xf32>
        %add3A_868 = arith.addf %add3A_844, %get3A_867 : vector<16xf32>
        scf.yield %add3A_859, %add3A_868 : vector<16xf32>, vector<16xf32>
      }
      %scan3A_405 = arith.constant 200 : i32
      %swap3A_406 = arith.constant 0 : i32
      %swap3A_407 = arith.constant 6 : i32
      %swap3A_408 = arith.index_cast %swap3A_406 : i32 to index
      %swap3A_409 = arith.index_cast %swap3A_407 : i32 to index
      %swap3A_410 = arith.constant 0 : index
      %swap3A_411 = tpu.vector_load %arg8[%swap3A_408, %swap3A_409, %swap3A_410] {strides = array<i32>} : memref<2x8x32xf32, #tpu.memory_space<vmem>>, vector<1x1x16xf32>,
      %swap3A_412 = vector.shape_cast %swap3A_411 : vector<1x1x16xf32> to vector<16xf32>
      %swap3A_413 = vector.shape_cast %scan3A_404#0 : vector<16xf32> to vector<1x1x16xf32>
      tpu.vector_store %arg8[%swap3A_408, %swap3A_409, %swap3A_410], %swap3A_413 {strides = array<i32>} : memref<2x8x32xf32, #tpu.memory_space<vmem>>, vector<1x1x16xf32>,
      %swap3A_414 = arith.constant 0 : i32
      %swap3A_415 = arith.constant 6 : i32
      %swap3A_416 = arith.index_cast %swap3A_414 : i32 to index
      %swap3A_417 = arith.index_cast %swap3A_415 : i32 to index
      %swap3A_418 = arith.constant 16 : index
      %swap3A_419 = tpu.vector_load %arg8[%swap3A_416, %swap3A_417, %swap3A_418] {strides = array<i32>} : memref<2x8x32xf32, #tpu.memory_space<vmem>>, vector<1x1x16xf32>,
      %swap3A_420 = vector.shape_cast %swap3A_419 : vector<1x1x16xf32> to vector<16xf32>
      %swap3A_421 = vector.shape_cast %scan3A_404#1 : vector<16xf32> to vector<1x1x16xf32>
      tpu.vector_store %arg8[%swap3A_416, %swap3A_417, %swap3A_418], %swap3A_421 {strides = array<i32>} : memref<2x8x32xf32, #tpu.memory_space<vmem>>, vector<1x1x16xf32>,
      %scan3A_422 = arith.constant 0 : i32
      %scan3A_423 = arith.constant 200 : i32
      %scan3A_424 = arith.addi %scan3A_422, %scan3A_423 : i32
      %scan3A_425 = arith.constant 8 : i32
      %scan3A_426:2 = scf.for %scan3A_676 = %scan3A_422 to %scan3A_424 step %scan3A_425 iter_args(%scan3A_677 = %get3A_4, %scan3A_678 = %get3A_7) -> (vector<16xf32>, vector<16xf32>)  : i32 {
        %mul3A_679 = arith.constant 1 : i32
        %mul3A_680 = arith.muli %scan3A_676, %mul3A_679 : i32
        %add3A_681 = arith.constant 0 : i32
        %add3A_682 = arith.addi %add3A_681, %mul3A_680 : i32
        %add3A_683 = arith.constant 1400 : i32
        %add3A_684 = arith.addi %add3A_683, %add3A_682 : i32
        %get3A_685 = arith.constant 0 : i32
        %get3A_686 = arith.index_cast %get3A_685 : i32 to index
        %get3A_687 = arith.index_cast %add3A_684 : i32 to index
        %get3A_688 = arith.constant 0 : index
        %get3A_689 = tpu.vector_load %arg7[%get3A_686, %get3A_687, %get3A_688] {strides = array<i32>} : memref<2x1600x32xf32, #tpu.memory_space<vmem>>, vector<1x1x16xf32>,
        %get3A_690 = vector.shape_cast %get3A_689 : vector<1x1x16xf32> to vector<16xf32>
        %add3A_691 = arith.addf %scan3A_677, %get3A_690 : vector<16xf32>
        %add3A_692 = arith.constant 1400 : i32
        %add3A_693 = arith.addi %add3A_692, %add3A_682 : i32
        %get3A_694 = arith.constant 0 : i32
        %get3A_695 = arith.index_cast %get3A_694 : i32 to index
        %get3A_696 = arith.index_cast %add3A_693 : i32 to index
        %get3A_697 = arith.constant 16 : index
        %get3A_698 = tpu.vector_load %arg7[%get3A_695, %get3A_696, %get3A_697] {strides = array<i32>} : memref<2x1600x32xf32, #tpu.memory_space<vmem>>, vector<1x1x16xf32>,
        %get3A_699 = vector.shape_cast %get3A_698 : vector<1x1x16xf32> to vector<16xf32>
        %add3A_700 = arith.addf %scan3A_678, %get3A_699 : vector<16xf32>
        %scan3A_701 = arith.constant 1 : i32
        %scan3A_702 = arith.addi %scan3A_676, %scan3A_701 : i32
        %mul3A_703 = arith.constant 1 : i32
        %mul3A_704 = arith.muli %scan3A_702, %mul3A_703 : i32
        %add3A_705 = arith.constant 0 : i32
        %add3A_706 = arith.addi %add3A_705, %mul3A_704 : i32
        %add3A_707 = arith.constant 1400 : i32
        %add3A_708 = arith.addi %add3A_707, %add3A_706 : i32
        %get3A_709 = arith.constant 0 : i32
        %get3A_710 = arith.index_cast %get3A_709 : i32 to index
        %get3A_711 = arith.index_cast %add3A_708 : i32 to index
        %get3A_712 = arith.constant 0 : index
        %get3A_713 = tpu.vector_load %arg7[%get3A_710, %get3A_711, %get3A_712] {strides = array<i32>} : memref<2x1600x32xf32, #tpu.memory_space<vmem>>, vector<1x1x16xf32>,
        %get3A_714 = vector.shape_cast %get3A_713 : vector<1x1x16xf32> to vector<16xf32>
        %add3A_715 = arith.addf %add3A_691, %get3A_714 : vector<16xf32>
        %add3A_716 = arith.constant 1400 : i32
        %add3A_717 = arith.addi %add3A_716, %add3A_706 : i32
        %get3A_718 = arith.constant 0 : i32
        %get3A_719 = arith.index_cast %get3A_718 : i32 to index
        %get3A_720 = arith.index_cast %add3A_717 : i32 to index
        %get3A_721 = arith.constant 16 : index
        %get3A_722 = tpu.vector_load %arg7[%get3A_719, %get3A_720, %get3A_721] {strides = array<i32>} : memref<2x1600x32xf32, #tpu.memory_space<vmem>>, vector<1x1x16xf32>,
        %get3A_723 = vector.shape_cast %get3A_722 : vector<1x1x16xf32> to vector<16xf32>
        %add3A_724 = arith.addf %add3A_700, %get3A_723 : vector<16xf32>
        %scan3A_725 = arith.constant 2 : i32
        %scan3A_726 = arith.addi %scan3A_676, %scan3A_725 : i32
        %mul3A_727 = arith.constant 1 : i32
        %mul3A_728 = arith.muli %scan3A_726, %mul3A_727 : i32
        %add3A_729 = arith.constant 0 : i32
        %add3A_730 = arith.addi %add3A_729, %mul3A_728 : i32
        %add3A_731 = arith.constant 1400 : i32
        %add3A_732 = arith.addi %add3A_731, %add3A_730 : i32
        %get3A_733 = arith.constant 0 : i32
        %get3A_734 = arith.index_cast %get3A_733 : i32 to index
        %get3A_735 = arith.index_cast %add3A_732 : i32 to index
        %get3A_736 = arith.constant 0 : index
        %get3A_737 = tpu.vector_load %arg7[%get3A_734, %get3A_735, %get3A_736] {strides = array<i32>} : memref<2x1600x32xf32, #tpu.memory_space<vmem>>, vector<1x1x16xf32>,
        %get3A_738 = vector.shape_cast %get3A_737 : vector<1x1x16xf32> to vector<16xf32>
        %add3A_739 = arith.addf %add3A_715, %get3A_738 : vector<16xf32>
        %add3A_740 = arith.constant 1400 : i32
        %add3A_741 = arith.addi %add3A_740, %add3A_730 : i32
        %get3A_742 = arith.constant 0 : i32
        %get3A_743 = arith.index_cast %get3A_742 : i32 to index
        %get3A_744 = arith.index_cast %add3A_741 : i32 to index
        %get3A_745 = arith.constant 16 : index
        %get3A_746 = tpu.vector_load %arg7[%get3A_743, %get3A_744, %get3A_745] {strides = array<i32>} : memref<2x1600x32xf32, #tpu.memory_space<vmem>>, vector<1x1x16xf32>,
        %get3A_747 = vector.shape_cast %get3A_746 : vector<1x1x16xf32> to vector<16xf32>
        %add3A_748 = arith.addf %add3A_724, %get3A_747 : vector<16xf32>
        %scan3A_749 = arith.constant 3 : i32
        %scan3A_750 = arith.addi %scan3A_676, %scan3A_749 : i32
        %mul3A_751 = arith.constant 1 : i32
        %mul3A_752 = arith.muli %scan3A_750, %mul3A_751 : i32
        %add3A_753 = arith.constant 0 : i32
        %add3A_754 = arith.addi %add3A_753, %mul3A_752 : i32
        %add3A_755 = arith.constant 1400 : i32
        %add3A_756 = arith.addi %add3A_755, %add3A_754 : i32
        %get3A_757 = arith.constant 0 : i32
        %get3A_758 = arith.index_cast %get3A_757 : i32 to index
        %get3A_759 = arith.index_cast %add3A_756 : i32 to index
        %get3A_760 = arith.constant 0 : index
        %get3A_761 = tpu.vector_load %arg7[%get3A_758, %get3A_759, %get3A_760] {strides = array<i32>} : memref<2x1600x32xf32, #tpu.memory_space<vmem>>, vector<1x1x16xf32>,
        %get3A_762 = vector.shape_cast %get3A_761 : vector<1x1x16xf32> to vector<16xf32>
        %add3A_763 = arith.addf %add3A_739, %get3A_762 : vector<16xf32>
        %add3A_764 = arith.constant 1400 : i32
        %add3A_765 = arith.addi %add3A_764, %add3A_754 : i32
        %get3A_766 = arith.constant 0 : i32
        %get3A_767 = arith.index_cast %get3A_766 : i32 to index
        %get3A_768 = arith.index_cast %add3A_765 : i32 to index
        %get3A_769 = arith.constant 16 : index
        %get3A_770 = tpu.vector_load %arg7[%get3A_767, %get3A_768, %get3A_769] {strides = array<i32>} : memref<2x1600x32xf32, #tpu.memory_space<vmem>>, vector<1x1x16xf32>,
        %get3A_771 = vector.shape_cast %get3A_770 : vector<1x1x16xf32> to vector<16xf32>
        %add3A_772 = arith.addf %add3A_748, %get3A_771 : vector<16xf32>
        %scan3A_773 = arith.constant 4 : i32
        %scan3A_774 = arith.addi %scan3A_676, %scan3A_773 : i32
        %mul3A_775 = arith.constant 1 : i32
        %mul3A_776 = arith.muli %scan3A_774, %mul3A_775 : i32
        %add3A_777 = arith.constant 0 : i32
        %add3A_778 = arith.addi %add3A_777, %mul3A_776 : i32
        %add3A_779 = arith.constant 1400 : i32
        %add3A_780 = arith.addi %add3A_779, %add3A_778 : i32
        %get3A_781 = arith.constant 0 : i32
        %get3A_782 = arith.index_cast %get3A_781 : i32 to index
        %get3A_783 = arith.index_cast %add3A_780 : i32 to index
        %get3A_784 = arith.constant 0 : index
        %get3A_785 = tpu.vector_load %arg7[%get3A_782, %get3A_783, %get3A_784] {strides = array<i32>} : memref<2x1600x32xf32, #tpu.memory_space<vmem>>, vector<1x1x16xf32>,
        %get3A_786 = vector.shape_cast %get3A_785 : vector<1x1x16xf32> to vector<16xf32>
        %add3A_787 = arith.addf %add3A_763, %get3A_786 : vector<16xf32>
        %add3A_788 = arith.constant 1400 : i32
        %add3A_789 = arith.addi %add3A_788, %add3A_778 : i32
        %get3A_790 = arith.constant 0 : i32
        %get3A_791 = arith.index_cast %get3A_790 : i32 to index
        %get3A_792 = arith.index_cast %add3A_789 : i32 to index
        %get3A_793 = arith.constant 16 : index
        %get3A_794 = tpu.vector_load %arg7[%get3A_791, %get3A_792, %get3A_793] {strides = array<i32>} : memref<2x1600x32xf32, #tpu.memory_space<vmem>>, vector<1x1x16xf32>,
        %get3A_795 = vector.shape_cast %get3A_794 : vector<1x1x16xf32> to vector<16xf32>
        %add3A_796 = arith.addf %add3A_772, %get3A_795 : vector<16xf32>
        %scan3A_797 = arith.constant 5 : i32
        %scan3A_798 = arith.addi %scan3A_676, %scan3A_797 : i32
        %mul3A_799 = arith.constant 1 : i32
        %mul3A_800 = arith.muli %scan3A_798, %mul3A_799 : i32
        %add3A_801 = arith.constant 0 : i32
        %add3A_802 = arith.addi %add3A_801, %mul3A_800 : i32
        %add3A_803 = arith.constant 1400 : i32
        %add3A_804 = arith.addi %add3A_803, %add3A_802 : i32
        %get3A_805 = arith.constant 0 : i32
        %get3A_806 = arith.index_cast %get3A_805 : i32 to index
        %get3A_807 = arith.index_cast %add3A_804 : i32 to index
        %get3A_808 = arith.constant 0 : index
        %get3A_809 = tpu.vector_load %arg7[%get3A_806, %get3A_807, %get3A_808] {strides = array<i32>} : memref<2x1600x32xf32, #tpu.memory_space<vmem>>, vector<1x1x16xf32>,
        %get3A_810 = vector.shape_cast %get3A_809 : vector<1x1x16xf32> to vector<16xf32>
        %add3A_811 = arith.addf %add3A_787, %get3A_810 : vector<16xf32>
        %add3A_812 = arith.constant 1400 : i32
        %add3A_813 = arith.addi %add3A_812, %add3A_802 : i32
        %get3A_814 = arith.constant 0 : i32
        %get3A_815 = arith.index_cast %get3A_814 : i32 to index
        %get3A_816 = arith.index_cast %add3A_813 : i32 to index
        %get3A_817 = arith.constant 16 : index
        %get3A_818 = tpu.vector_load %arg7[%get3A_815, %get3A_816, %get3A_817] {strides = array<i32>} : memref<2x1600x32xf32, #tpu.memory_space<vmem>>, vector<1x1x16xf32>,
        %get3A_819 = vector.shape_cast %get3A_818 : vector<1x1x16xf32> to vector<16xf32>
        %add3A_820 = arith.addf %add3A_796, %get3A_819 : vector<16xf32>
        %scan3A_821 = arith.constant 6 : i32
        %scan3A_822 = arith.addi %scan3A_676, %scan3A_821 : i32
        %mul3A_823 = arith.constant 1 : i32
        %mul3A_824 = arith.muli %scan3A_822, %mul3A_823 : i32
        %add3A_825 = arith.constant 0 : i32
        %add3A_826 = arith.addi %add3A_825, %mul3A_824 : i32
        %add3A_827 = arith.constant 1400 : i32
        %add3A_828 = arith.addi %add3A_827, %add3A_826 : i32
        %get3A_829 = arith.constant 0 : i32
        %get3A_830 = arith.index_cast %get3A_829 : i32 to index
        %get3A_831 = arith.index_cast %add3A_828 : i32 to index
        %get3A_832 = arith.constant 0 : index
        %get3A_833 = tpu.vector_load %arg7[%get3A_830, %get3A_831, %get3A_832] {strides = array<i32>} : memref<2x1600x32xf32, #tpu.memory_space<vmem>>, vector<1x1x16xf32>,
        %get3A_834 = vector.shape_cast %get3A_833 : vector<1x1x16xf32> to vector<16xf32>
        %add3A_835 = arith.addf %add3A_811, %get3A_834 : vector<16xf32>
        %add3A_836 = arith.constant 1400 : i32
        %add3A_837 = arith.addi %add3A_836, %add3A_826 : i32
        %get3A_838 = arith.constant 0 : i32
        %get3A_839 = arith.index_cast %get3A_838 : i32 to index
        %get3A_840 = arith.index_cast %add3A_837 : i32 to index
        %get3A_841 = arith.constant 16 : index
        %get3A_842 = tpu.vector_load %arg7[%get3A_839, %get3A_840, %get3A_841] {strides = array<i32>} : memref<2x1600x32xf32, #tpu.memory_space<vmem>>, vector<1x1x16xf32>,
        %get3A_843 = vector.shape_cast %get3A_842 : vector<1x1x16xf32> to vector<16xf32>
        %add3A_844 = arith.addf %add3A_820, %get3A_843 : vector<16xf32>
        %scan3A_845 = arith.constant 7 : i32
        %scan3A_846 = arith.addi %scan3A_676, %scan3A_845 : i32
        %mul3A_847 = arith.constant 1 : i32
        %mul3A_848 = arith.muli %scan3A_846, %mul3A_847 : i32
        %add3A_849 = arith.constant 0 : i32
        %add3A_850 = arith.addi %add3A_849, %mul3A_848 : i32
        %add3A_851 = arith.constant 1400 : i32
        %add3A_852 = arith.addi %add3A_851, %add3A_850 : i32
        %get3A_853 = arith.constant 0 : i32
        %get3A_854 = arith.index_cast %get3A_853 : i32 to index
        %get3A_855 = arith.index_cast %add3A_852 : i32 to index
        %get3A_856 = arith.constant 0 : index
        %get3A_857 = tpu.vector_load %arg7[%get3A_854, %get3A_855, %get3A_856] {strides = array<i32>} : memref<2x1600x32xf32, #tpu.memory_space<vmem>>, vector<1x1x16xf32>,
        %get3A_858 = vector.shape_cast %get3A_857 : vector<1x1x16xf32> to vector<16xf32>
        %add3A_859 = arith.addf %add3A_835, %get3A_858 : vector<16xf32>
        %add3A_860 = arith.constant 1400 : i32
        %add3A_861 = arith.addi %add3A_860, %add3A_850 : i32
        %get3A_862 = arith.constant 0 : i32
        %get3A_863 = arith.index_cast %get3A_862 : i32 to index
        %get3A_864 = arith.index_cast %add3A_861 : i32 to index
        %get3A_865 = arith.constant 16 : index
        %get3A_866 = tpu.vector_load %arg7[%get3A_863, %get3A_864, %get3A_865] {strides = array<i32>} : memref<2x1600x32xf32, #tpu.memory_space<vmem>>, vector<1x1x16xf32>,
        %get3A_867 = vector.shape_cast %get3A_866 : vector<1x1x16xf32> to vector<16xf32>
        %add3A_868 = arith.addf %add3A_844, %get3A_867 : vector<16xf32>
        scf.yield %add3A_859, %add3A_868 : vector<16xf32>, vector<16xf32>
      }
      %scan3A_427 = arith.constant 200 : i32
      %swap3A_428 = arith.constant 0 : i32
      %swap3A_429 = arith.constant 7 : i32
      %swap3A_430 = arith.index_cast %swap3A_428 : i32 to index
      %swap3A_431 = arith.index_cast %swap3A_429 : i32 to index
      %swap3A_432 = arith.constant 0 : index
      %swap3A_433 = tpu.vector_load %arg8[%swap3A_430, %swap3A_431, %swap3A_432] {strides = array<i32>} : memref<2x8x32xf32, #tpu.memory_space<vmem>>, vector<1x1x16xf32>,
      %swap3A_434 = vector.shape_cast %swap3A_433 : vector<1x1x16xf32> to vector<16xf32>
      %swap3A_435 = vector.shape_cast %scan3A_426#0 : vector<16xf32> to vector<1x1x16xf32>
      tpu.vector_store %arg8[%swap3A_430, %swap3A_431, %swap3A_432], %swap3A_435 {strides = array<i32>} : memref<2x8x32xf32, #tpu.memory_space<vmem>>, vector<1x1x16xf32>,
      %swap3A_436 = arith.constant 0 : i32
      %swap3A_437 = arith.constant 7 : i32
      %swap3A_438 = arith.index_cast %swap3A_436 : i32 to index
      %swap3A_439 = arith.index_cast %swap3A_437 : i32 to index
      %swap3A_440 = arith.constant 16 : index
      %swap3A_441 = tpu.vector_load %arg8[%swap3A_438, %swap3A_439, %swap3A_440] {strides = array<i32>} : memref<2x8x32xf32, #tpu.memory_space<vmem>>, vector<1x1x16xf32>,
      %swap3A_442 = vector.shape_cast %swap3A_441 : vector<1x1x16xf32> to vector<16xf32>
      %swap3A_443 = vector.shape_cast %scan3A_426#1 : vector<16xf32> to vector<1x1x16xf32>
      tpu.vector_store %arg8[%swap3A_438, %swap3A_439, %swap3A_440], %swap3A_443 {strides = array<i32>} : memref<2x8x32xf32, #tpu.memory_space<vmem>>, vector<1x1x16xf32>,
      %mul3A_444 = arith.constant 8 : i32
      %mul3A_445 = arith.muli %add3A_250, %mul3A_444 : i32
      %add3A_446 = arith.addi %mul3A_2, %mul3A_445 : i32
      %dma_start3A_447 = arith.constant 0 : i32
      %dma_start3A_448 = arith.constant 0 : i32
      %dma_start3A_449 = arith.constant 0 : i32
      %dma_start3A_450 = tpu.memref_slice %arg8[%dma_start3A_447, %dma_start3A_448, %dma_start3A_449] : memref<2x8x32xf32, #tpu.memory_space<vmem>> -> memref<1x8x32xf32, #tpu.memory_space<vmem>>
      %dma_start3A_451 = tpu.memref_squeeze %dma_start3A_450 : memref<1x8x32xf32, #tpu.memory_space<vmem>> -> memref<8x32xf32, #tpu.memory_space<vmem>>
      %dma_start3A_452 = arith.constant 0 : i32
      %dma_start3A_453 = tpu.memref_slice %arg5[%add3A_446, %dma_start3A_452] : memref<16384x32xf32, #tpu.memory_space<hbm>> -> memref<8x32xf32, #tpu.memory_space<hbm>>
      %dma_start3A_454 = arith.constant 0 : i32
      %dma_start3A_455 = tpu.memref_slice %arg5[%add3A_446, %dma_start3A_454] : memref<16384x32xf32, #tpu.memory_space<hbm>> -> memref<8x32xf32, #tpu.memory_space<hbm>>
      %dma_start3A_456 = arith.constant 0 : i32
      %dma_start3A_457 = arith.constant 0 : i32
      %dma_start3A_458 = tpu.memref_slice %arg8[%dma_start3A_447, %dma_start3A_456, %dma_start3A_457] : memref<2x8x32xf32, #tpu.memory_space<vmem>> -> memref<1x8x32xf32, #tpu.memory_space<vmem>>
      %dma_start3A_459 = tpu.memref_squeeze %dma_start3A_458 : memref<1x8x32xf32, #tpu.memory_space<vmem>> -> memref<8x32xf32, #tpu.memory_space<vmem>>
      tpu.enqueue_dma source(%dma_start3A_459 : memref<8x32xf32, #tpu.memory_space<vmem>>) target(%dma_start3A_455 : memref<8x32xf32, #tpu.memory_space<hbm>>) target_semaphore(%arg14 : memref<!tpu.dma_semaphore, #tpu.memory_space<semaphore_mem>>)
      %add3A_460 = arith.constant 1 : i32
      %add3A_461 = arith.addi %add3A_248, %add3A_460 : i32
      %add3A_462 = arith.constant 1 : i32
      %add3A_463 = arith.addi %add3A_461, %add3A_462 : i32
      %lt3A_464 = arith.constant 64 : i32
      %lt3A_465 = arith.cmpi slt, %add3A_463, %lt3A_464 : i32
      %convert_element_type3A_466 = arith.extui %lt3A_465 : i1 to i32
      %cond3A_467 = arith.constant 0 : i32
      %cond3A_468 = arith.cmpi ne, %convert_element_type3A_466, %cond3A_467 : i32
      scf.if %cond3A_468 {
        %add3A_676 = arith.constant 1 : i32
        %add3A_677 = arith.addi %add3A_461, %add3A_676 : i32
        %mul3A_678 = arith.constant 8 : i32
        %mul3A_679 = arith.muli %add3A_677, %mul3A_678 : i32
        %add3A_680 = arith.addi %mul3A_2, %mul3A_679 : i32
        %add3A_681 = arith.constant 0 : i32
        %add3A_682 = arith.addi %add3A_680, %add3A_681 : i32
        %dma_start3A_683 = arith.constant 0 : i32
        %dma_start3A_684 = tpu.memref_slice %arg6[%dma_start3A_683] : memref<3200xi32, #tpu.memory_space<vmem>> -> memref<200xi32, #tpu.memory_space<vmem>>
        %dma_start3A_685 = arith.constant 0 : i32
        %dma_start3A_686 = tpu.memref_slice %arg2[%add3A_682, %dma_start3A_685] : memref<16384x200xi32, #tpu.memory_space<hbm>> -> memref<1x200xi32, #tpu.memory_space<hbm>>
        %dma_start3A_687 = tpu.memref_squeeze %dma_start3A_686 : memref<1x200xi32, #tpu.memory_space<hbm>> -> memref<200xi32, #tpu.memory_space<hbm>>
        %dma_start3A_688 = arith.constant 0 : i32
        %dma_start3A_689 = tpu.memref_slice %arg6[%dma_start3A_688] : memref<3200xi32, #tpu.memory_space<vmem>> -> memref<200xi32, #tpu.memory_space<vmem>>
        %dma_start3A_690 = arith.constant 0 : i32
        %dma_start3A_691 = tpu.memref_slice %arg2[%add3A_682, %dma_start3A_690] : memref<16384x200xi32, #tpu.memory_space<hbm>> -> memref<1x200xi32, #tpu.memory_space<hbm>>
        %dma_start3A_692 = tpu.memref_squeeze %dma_start3A_691 : memref<1x200xi32, #tpu.memory_space<hbm>> -> memref<200xi32, #tpu.memory_space<hbm>>
        tpu.enqueue_dma source(%dma_start3A_692 : memref<200xi32, #tpu.memory_space<hbm>>) target(%dma_start3A_689 : memref<200xi32, #tpu.memory_space<vmem>>) target_semaphore(%arg12 : memref<!tpu.dma_semaphore, #tpu.memory_space<semaphore_mem>>)
        %add3A_693 = arith.constant 1 : i32
        %add3A_694 = arith.addi %add3A_680, %add3A_693 : i32
        %dma_start3A_695 = arith.constant 200 : i32
        %dma_start3A_696 = tpu.memref_slice %arg6[%dma_start3A_695] : memref<3200xi32, #tpu.memory_space<vmem>> -> memref<200xi32, #tpu.memory_space<vmem>>
        %dma_start3A_697 = arith.constant 0 : i32
        %dma_start3A_698 = tpu.memref_slice %arg2[%add3A_694, %dma_start3A_697] : memref<16384x200xi32, #tpu.memory_space<hbm>> -> memref<1x200xi32, #tpu.memory_space<hbm>>
        %dma_start3A_699 = tpu.memref_squeeze %dma_start3A_698 : memref<1x200xi32, #tpu.memory_space<hbm>> -> memref<200xi32, #tpu.memory_space<hbm>>
        %dma_start3A_700 = arith.constant 200 : i32
        %dma_start3A_701 = tpu.memref_slice %arg6[%dma_start3A_700] : memref<3200xi32, #tpu.memory_space<vmem>> -> memref<200xi32, #tpu.memory_space<vmem>>
        %dma_start3A_702 = arith.constant 0 : i32
        %dma_start3A_703 = tpu.memref_slice %arg2[%add3A_694, %dma_start3A_702] : memref<16384x200xi32, #tpu.memory_space<hbm>> -> memref<1x200xi32, #tpu.memory_space<hbm>>
        %dma_start3A_704 = tpu.memref_squeeze %dma_start3A_703 : memref<1x200xi32, #tpu.memory_space<hbm>> -> memref<200xi32, #tpu.memory_space<hbm>>
        tpu.enqueue_dma source(%dma_start3A_704 : memref<200xi32, #tpu.memory_space<hbm>>) target(%dma_start3A_701 : memref<200xi32, #tpu.memory_space<vmem>>) target_semaphore(%arg12 : memref<!tpu.dma_semaphore, #tpu.memory_space<semaphore_mem>>)
        %add3A_705 = arith.constant 2 : i32
        %add3A_706 = arith.addi %add3A_680, %add3A_705 : i32
        %dma_start3A_707 = arith.constant 400 : i32
        %dma_start3A_708 = tpu.memref_slice %arg6[%dma_start3A_707] : memref<3200xi32, #tpu.memory_space<vmem>> -> memref<200xi32, #tpu.memory_space<vmem>>
        %dma_start3A_709 = arith.constant 0 : i32
        %dma_start3A_710 = tpu.memref_slice %arg2[%add3A_706, %dma_start3A_709] : memref<16384x200xi32, #tpu.memory_space<hbm>> -> memref<1x200xi32, #tpu.memory_space<hbm>>
        %dma_start3A_711 = tpu.memref_squeeze %dma_start3A_710 : memref<1x200xi32, #tpu.memory_space<hbm>> -> memref<200xi32, #tpu.memory_space<hbm>>
        %dma_start3A_712 = arith.constant 400 : i32
        %dma_start3A_713 = tpu.memref_slice %arg6[%dma_start3A_712] : memref<3200xi32, #tpu.memory_space<vmem>> -> memref<200xi32, #tpu.memory_space<vmem>>
        %dma_start3A_714 = arith.constant 0 : i32
        %dma_start3A_715 = tpu.memref_slice %arg2[%add3A_706, %dma_start3A_714] : memref<16384x200xi32, #tpu.memory_space<hbm>> -> memref<1x200xi32, #tpu.memory_space<hbm>>
        %dma_start3A_716 = tpu.memref_squeeze %dma_start3A_715 : memref<1x200xi32, #tpu.memory_space<hbm>> -> memref<200xi32, #tpu.memory_space<hbm>>
        tpu.enqueue_dma source(%dma_start3A_716 : memref<200xi32, #tpu.memory_space<hbm>>) target(%dma_start3A_713 : memref<200xi32, #tpu.memory_space<vmem>>) target_semaphore(%arg12 : memref<!tpu.dma_semaphore, #tpu.memory_space<semaphore_mem>>)
        %add3A_717 = arith.constant 3 : i32
        %add3A_718 = arith.addi %add3A_680, %add3A_717 : i32
        %dma_start3A_719 = arith.constant 600 : i32
        %dma_start3A_720 = tpu.memref_slice %arg6[%dma_start3A_719] : memref<3200xi32, #tpu.memory_space<vmem>> -> memref<200xi32, #tpu.memory_space<vmem>>
        %dma_start3A_721 = arith.constant 0 : i32
        %dma_start3A_722 = tpu.memref_slice %arg2[%add3A_718, %dma_start3A_721] : memref<16384x200xi32, #tpu.memory_space<hbm>> -> memref<1x200xi32, #tpu.memory_space<hbm>>
        %dma_start3A_723 = tpu.memref_squeeze %dma_start3A_722 : memref<1x200xi32, #tpu.memory_space<hbm>> -> memref<200xi32, #tpu.memory_space<hbm>>
        %dma_start3A_724 = arith.constant 600 : i32
        %dma_start3A_725 = tpu.memref_slice %arg6[%dma_start3A_724] : memref<3200xi32, #tpu.memory_space<vmem>> -> memref<200xi32, #tpu.memory_space<vmem>>
        %dma_start3A_726 = arith.constant 0 : i32
        %dma_start3A_727 = tpu.memref_slice %arg2[%add3A_718, %dma_start3A_726] : memref<16384x200xi32, #tpu.memory_space<hbm>> -> memref<1x200xi32, #tpu.memory_space<hbm>>
        %dma_start3A_728 = tpu.memref_squeeze %dma_start3A_727 : memref<1x200xi32, #tpu.memory_space<hbm>> -> memref<200xi32, #tpu.memory_space<hbm>>
        tpu.enqueue_dma source(%dma_start3A_728 : memref<200xi32, #tpu.memory_space<hbm>>) target(%dma_start3A_725 : memref<200xi32, #tpu.memory_space<vmem>>) target_semaphore(%arg12 : memref<!tpu.dma_semaphore, #tpu.memory_space<semaphore_mem>>)
        %add3A_729 = arith.constant 4 : i32
        %add3A_730 = arith.addi %add3A_680, %add3A_729 : i32
        %dma_start3A_731 = arith.constant 800 : i32
        %dma_start3A_732 = tpu.memref_slice %arg6[%dma_start3A_731] : memref<3200xi32, #tpu.memory_space<vmem>> -> memref<200xi32, #tpu.memory_space<vmem>>
        %dma_start3A_733 = arith.constant 0 : i32
        %dma_start3A_734 = tpu.memref_slice %arg2[%add3A_730, %dma_start3A_733] : memref<16384x200xi32, #tpu.memory_space<hbm>> -> memref<1x200xi32, #tpu.memory_space<hbm>>
        %dma_start3A_735 = tpu.memref_squeeze %dma_start3A_734 : memref<1x200xi32, #tpu.memory_space<hbm>> -> memref<200xi32, #tpu.memory_space<hbm>>
        %dma_start3A_736 = arith.constant 800 : i32
        %dma_start3A_737 = tpu.memref_slice %arg6[%dma_start3A_736] : memref<3200xi32, #tpu.memory_space<vmem>> -> memref<200xi32, #tpu.memory_space<vmem>>
        %dma_start3A_738 = arith.constant 0 : i32
        %dma_start3A_739 = tpu.memref_slice %arg2[%add3A_730, %dma_start3A_738] : memref<16384x200xi32, #tpu.memory_space<hbm>> -> memref<1x200xi32, #tpu.memory_space<hbm>>
        %dma_start3A_740 = tpu.memref_squeeze %dma_start3A_739 : memref<1x200xi32, #tpu.memory_space<hbm>> -> memref<200xi32, #tpu.memory_space<hbm>>
        tpu.enqueue_dma source(%dma_start3A_740 : memref<200xi32, #tpu.memory_space<hbm>>) target(%dma_start3A_737 : memref<200xi32, #tpu.memory_space<vmem>>) target_semaphore(%arg12 : memref<!tpu.dma_semaphore, #tpu.memory_space<semaphore_mem>>)
        %add3A_741 = arith.constant 5 : i32
        %add3A_742 = arith.addi %add3A_680, %add3A_741 : i32
        %dma_start3A_743 = arith.constant 1000 : i32
        %dma_start3A_744 = tpu.memref_slice %arg6[%dma_start3A_743] : memref<3200xi32, #tpu.memory_space<vmem>> -> memref<200xi32, #tpu.memory_space<vmem>>
        %dma_start3A_745 = arith.constant 0 : i32
        %dma_start3A_746 = tpu.memref_slice %arg2[%add3A_742, %dma_start3A_745] : memref<16384x200xi32, #tpu.memory_space<hbm>> -> memref<1x200xi32, #tpu.memory_space<hbm>>
        %dma_start3A_747 = tpu.memref_squeeze %dma_start3A_746 : memref<1x200xi32, #tpu.memory_space<hbm>> -> memref<200xi32, #tpu.memory_space<hbm>>
        %dma_start3A_748 = arith.constant 1000 : i32
        %dma_start3A_749 = tpu.memref_slice %arg6[%dma_start3A_748] : memref<3200xi32, #tpu.memory_space<vmem>> -> memref<200xi32, #tpu.memory_space<vmem>>
        %dma_start3A_750 = arith.constant 0 : i32
        %dma_start3A_751 = tpu.memref_slice %arg2[%add3A_742, %dma_start3A_750] : memref<16384x200xi32, #tpu.memory_space<hbm>> -> memref<1x200xi32, #tpu.memory_space<hbm>>
        %dma_start3A_752 = tpu.memref_squeeze %dma_start3A_751 : memref<1x200xi32, #tpu.memory_space<hbm>> -> memref<200xi32, #tpu.memory_space<hbm>>
        tpu.enqueue_dma source(%dma_start3A_752 : memref<200xi32, #tpu.memory_space<hbm>>) target(%dma_start3A_749 : memref<200xi32, #tpu.memory_space<vmem>>) target_semaphore(%arg12 : memref<!tpu.dma_semaphore, #tpu.memory_space<semaphore_mem>>)
        %add3A_753 = arith.constant 6 : i32
        %add3A_754 = arith.addi %add3A_680, %add3A_753 : i32
        %dma_start3A_755 = arith.constant 1200 : i32
        %dma_start3A_756 = tpu.memref_slice %arg6[%dma_start3A_755] : memref<3200xi32, #tpu.memory_space<vmem>> -> memref<200xi32, #tpu.memory_space<vmem>>
        %dma_start3A_757 = arith.constant 0 : i32
        %dma_start3A_758 = tpu.memref_slice %arg2[%add3A_754, %dma_start3A_757] : memref<16384x200xi32, #tpu.memory_space<hbm>> -> memref<1x200xi32, #tpu.memory_space<hbm>>
        %dma_start3A_759 = tpu.memref_squeeze %dma_start3A_758 : memref<1x200xi32, #tpu.memory_space<hbm>> -> memref<200xi32, #tpu.memory_space<hbm>>
        %dma_start3A_760 = arith.constant 1200 : i32
        %dma_start3A_761 = tpu.memref_slice %arg6[%dma_start3A_760] : memref<3200xi32, #tpu.memory_space<vmem>> -> memref<200xi32, #tpu.memory_space<vmem>>
        %dma_start3A_762 = arith.constant 0 : i32
        %dma_start3A_763 = tpu.memref_slice %arg2[%add3A_754, %dma_start3A_762] : memref<16384x200xi32, #tpu.memory_space<hbm>> -> memref<1x200xi32, #tpu.memory_space<hbm>>
        %dma_start3A_764 = tpu.memref_squeeze %dma_start3A_763 : memref<1x200xi32, #tpu.memory_space<hbm>> -> memref<200xi32, #tpu.memory_space<hbm>>
        tpu.enqueue_dma source(%dma_start3A_764 : memref<200xi32, #tpu.memory_space<hbm>>) target(%dma_start3A_761 : memref<200xi32, #tpu.memory_space<vmem>>) target_semaphore(%arg12 : memref<!tpu.dma_semaphore, #tpu.memory_space<semaphore_mem>>)
        %add3A_765 = arith.constant 7 : i32
        %add3A_766 = arith.addi %add3A_680, %add3A_765 : i32
        %dma_start3A_767 = arith.constant 1400 : i32
        %dma_start3A_768 = tpu.memref_slice %arg6[%dma_start3A_767] : memref<3200xi32, #tpu.memory_space<vmem>> -> memref<200xi32, #tpu.memory_space<vmem>>
        %dma_start3A_769 = arith.constant 0 : i32
        %dma_start3A_770 = tpu.memref_slice %arg2[%add3A_766, %dma_start3A_769] : memref<16384x200xi32, #tpu.memory_space<hbm>> -> memref<1x200xi32, #tpu.memory_space<hbm>>
        %dma_start3A_771 = tpu.memref_squeeze %dma_start3A_770 : memref<1x200xi32, #tpu.memory_space<hbm>> -> memref<200xi32, #tpu.memory_space<hbm>>
        %dma_start3A_772 = arith.constant 1400 : i32
        %dma_start3A_773 = tpu.memref_slice %arg6[%dma_start3A_772] : memref<3200xi32, #tpu.memory_space<vmem>> -> memref<200xi32, #tpu.memory_space<vmem>>
        %dma_start3A_774 = arith.constant 0 : i32
        %dma_start3A_775 = tpu.memref_slice %arg2[%add3A_766, %dma_start3A_774] : memref<16384x200xi32, #tpu.memory_space<hbm>> -> memref<1x200xi32, #tpu.memory_space<hbm>>
        %dma_start3A_776 = tpu.memref_squeeze %dma_start3A_775 : memref<1x200xi32, #tpu.memory_space<hbm>> -> memref<200xi32, #tpu.memory_space<hbm>>
        tpu.enqueue_dma source(%dma_start3A_776 : memref<200xi32, #tpu.memory_space<hbm>>) target(%dma_start3A_773 : memref<200xi32, #tpu.memory_space<vmem>>) target_semaphore(%arg12 : memref<!tpu.dma_semaphore, #tpu.memory_space<semaphore_mem>>)
        %add3A_777 = arith.constant 0 : i32
        %add3A_778 = arith.addi %add3A_680, %add3A_777 : i32
        %dma_wait3A_779 = arith.constant 0 : i32
        %dma_wait3A_780 = tpu.memref_slice %arg6[%dma_wait3A_779] : memref<3200xi32, #tpu.memory_space<vmem>> -> memref<200xi32, #tpu.memory_space<vmem>>
        %dma_wait3A_781 = arith.constant 0 : i32
        %dma_wait3A_782 = tpu.memref_slice %arg2[%add3A_778, %dma_wait3A_781] : memref<16384x200xi32, #tpu.memory_space<hbm>> -> memref<1x200xi32, #tpu.memory_space<hbm>>
        %dma_wait3A_783 = tpu.memref_squeeze %dma_wait3A_782 : memref<1x200xi32, #tpu.memory_space<hbm>> -> memref<200xi32, #tpu.memory_space<hbm>>
        %dma_wait3A_784 = arith.constant 0 : i32
        %dma_wait3A_785 = tpu.memref_slice %arg6[%dma_wait3A_784] : memref<3200xi32, #tpu.memory_space<vmem>> -> memref<200xi32, #tpu.memory_space<vmem>>
        %dma_wait3A_786 = arith.constant 0 : i32
        %dma_wait3A_787 = tpu.memref_slice %arg2[%add3A_778, %dma_wait3A_786] : memref<16384x200xi32, #tpu.memory_space<hbm>> -> memref<1x200xi32, #tpu.memory_space<hbm>>
        %dma_wait3A_788 = tpu.memref_squeeze %dma_wait3A_787 : memref<1x200xi32, #tpu.memory_space<hbm>> -> memref<200xi32, #tpu.memory_space<hbm>>
        tpu.wait_dma2 semaphore(%arg12 : memref<!tpu.dma_semaphore, #tpu.memory_space<semaphore_mem>>) src(%dma_wait3A_788 : memref<200xi32, #tpu.memory_space<hbm>>) dst(%dma_wait3A_785 : memref<200xi32, #tpu.memory_space<vmem>>)
        %add3A_789 = arith.constant 1 : i32
        %add3A_790 = arith.addi %add3A_680, %add3A_789 : i32
        %dma_wait3A_791 = arith.constant 200 : i32
        %dma_wait3A_792 = tpu.memref_slice %arg6[%dma_wait3A_791] : memref<3200xi32, #tpu.memory_space<vmem>> -> memref<200xi32, #tpu.memory_space<vmem>>
        %dma_wait3A_793 = arith.constant 0 : i32
        %dma_wait3A_794 = tpu.memref_slice %arg2[%add3A_790, %dma_wait3A_793] : memref<16384x200xi32, #tpu.memory_space<hbm>> -> memref<1x200xi32, #tpu.memory_space<hbm>>
        %dma_wait3A_795 = tpu.memref_squeeze %dma_wait3A_794 : memref<1x200xi32, #tpu.memory_space<hbm>> -> memref<200xi32, #tpu.memory_space<hbm>>
        %dma_wait3A_796 = arith.constant 200 : i32
        %dma_wait3A_797 = tpu.memref_slice %arg6[%dma_wait3A_796] : memref<3200xi32, #tpu.memory_space<vmem>> -> memref<200xi32, #tpu.memory_space<vmem>>
        %dma_wait3A_798 = arith.constant 0 : i32
        %dma_wait3A_799 = tpu.memref_slice %arg2[%add3A_790, %dma_wait3A_798] : memref<16384x200xi32, #tpu.memory_space<hbm>> -> memref<1x200xi32, #tpu.memory_space<hbm>>
        %dma_wait3A_800 = tpu.memref_squeeze %dma_wait3A_799 : memref<1x200xi32, #tpu.memory_space<hbm>> -> memref<200xi32, #tpu.memory_space<hbm>>
        tpu.wait_dma2 semaphore(%arg12 : memref<!tpu.dma_semaphore, #tpu.memory_space<semaphore_mem>>) src(%dma_wait3A_800 : memref<200xi32, #tpu.memory_space<hbm>>) dst(%dma_wait3A_797 : memref<200xi32, #tpu.memory_space<vmem>>)
        %add3A_801 = arith.constant 2 : i32
        %add3A_802 = arith.addi %add3A_680, %add3A_801 : i32
        %dma_wait3A_803 = arith.constant 400 : i32
        %dma_wait3A_804 = tpu.memref_slice %arg6[%dma_wait3A_803] : memref<3200xi32, #tpu.memory_space<vmem>> -> memref<200xi32, #tpu.memory_space<vmem>>
        %dma_wait3A_805 = arith.constant 0 : i32
        %dma_wait3A_806 = tpu.memref_slice %arg2[%add3A_802, %dma_wait3A_805] : memref<16384x200xi32, #tpu.memory_space<hbm>> -> memref<1x200xi32, #tpu.memory_space<hbm>>
        %dma_wait3A_807 = tpu.memref_squeeze %dma_wait3A_806 : memref<1x200xi32, #tpu.memory_space<hbm>> -> memref<200xi32, #tpu.memory_space<hbm>>
        %dma_wait3A_808 = arith.constant 400 : i32
        %dma_wait3A_809 = tpu.memref_slice %arg6[%dma_wait3A_808] : memref<3200xi32, #tpu.memory_space<vmem>> -> memref<200xi32, #tpu.memory_space<vmem>>
        %dma_wait3A_810 = arith.constant 0 : i32
        %dma_wait3A_811 = tpu.memref_slice %arg2[%add3A_802, %dma_wait3A_810] : memref<16384x200xi32, #tpu.memory_space<hbm>> -> memref<1x200xi32, #tpu.memory_space<hbm>>
        %dma_wait3A_812 = tpu.memref_squeeze %dma_wait3A_811 : memref<1x200xi32, #tpu.memory_space<hbm>> -> memref<200xi32, #tpu.memory_space<hbm>>
        tpu.wait_dma2 semaphore(%arg12 : memref<!tpu.dma_semaphore, #tpu.memory_space<semaphore_mem>>) src(%dma_wait3A_812 : memref<200xi32, #tpu.memory_space<hbm>>) dst(%dma_wait3A_809 : memref<200xi32, #tpu.memory_space<vmem>>)
        %add3A_813 = arith.constant 3 : i32
        %add3A_814 = arith.addi %add3A_680, %add3A_813 : i32
        %dma_wait3A_815 = arith.constant 600 : i32
        %dma_wait3A_816 = tpu.memref_slice %arg6[%dma_wait3A_815] : memref<3200xi32, #tpu.memory_space<vmem>> -> memref<200xi32, #tpu.memory_space<vmem>>
        %dma_wait3A_817 = arith.constant 0 : i32
        %dma_wait3A_818 = tpu.memref_slice %arg2[%add3A_814, %dma_wait3A_817] : memref<16384x200xi32, #tpu.memory_space<hbm>> -> memref<1x200xi32, #tpu.memory_space<hbm>>
        %dma_wait3A_819 = tpu.memref_squeeze %dma_wait3A_818 : memref<1x200xi32, #tpu.memory_space<hbm>> -> memref<200xi32, #tpu.memory_space<hbm>>
        %dma_wait3A_820 = arith.constant 600 : i32
        %dma_wait3A_821 = tpu.memref_slice %arg6[%dma_wait3A_820] : memref<3200xi32, #tpu.memory_space<vmem>> -> memref<200xi32, #tpu.memory_space<vmem>>
        %dma_wait3A_822 = arith.constant 0 : i32
        %dma_wait3A_823 = tpu.memref_slice %arg2[%add3A_814, %dma_wait3A_822] : memref<16384x200xi32, #tpu.memory_space<hbm>> -> memref<1x200xi32, #tpu.memory_space<hbm>>
        %dma_wait3A_824 = tpu.memref_squeeze %dma_wait3A_823 : memref<1x200xi32, #tpu.memory_space<hbm>> -> memref<200xi32, #tpu.memory_space<hbm>>
        tpu.wait_dma2 semaphore(%arg12 : memref<!tpu.dma_semaphore, #tpu.memory_space<semaphore_mem>>) src(%dma_wait3A_824 : memref<200xi32, #tpu.memory_space<hbm>>) dst(%dma_wait3A_821 : memref<200xi32, #tpu.memory_space<vmem>>)
        %add3A_825 = arith.constant 4 : i32
        %add3A_826 = arith.addi %add3A_680, %add3A_825 : i32
        %dma_wait3A_827 = arith.constant 800 : i32
        %dma_wait3A_828 = tpu.memref_slice %arg6[%dma_wait3A_827] : memref<3200xi32, #tpu.memory_space<vmem>> -> memref<200xi32, #tpu.memory_space<vmem>>
        %dma_wait3A_829 = arith.constant 0 : i32
        %dma_wait3A_830 = tpu.memref_slice %arg2[%add3A_826, %dma_wait3A_829] : memref<16384x200xi32, #tpu.memory_space<hbm>> -> memref<1x200xi32, #tpu.memory_space<hbm>>
        %dma_wait3A_831 = tpu.memref_squeeze %dma_wait3A_830 : memref<1x200xi32, #tpu.memory_space<hbm>> -> memref<200xi32, #tpu.memory_space<hbm>>
        %dma_wait3A_832 = arith.constant 800 : i32
        %dma_wait3A_833 = tpu.memref_slice %arg6[%dma_wait3A_832] : memref<3200xi32, #tpu.memory_space<vmem>> -> memref<200xi32, #tpu.memory_space<vmem>>
        %dma_wait3A_834 = arith.constant 0 : i32
        %dma_wait3A_835 = tpu.memref_slice %arg2[%add3A_826, %dma_wait3A_834] : memref<16384x200xi32, #tpu.memory_space<hbm>> -> memref<1x200xi32, #tpu.memory_space<hbm>>
        %dma_wait3A_836 = tpu.memref_squeeze %dma_wait3A_835 : memref<1x200xi32, #tpu.memory_space<hbm>> -> memref<200xi32, #tpu.memory_space<hbm>>
        tpu.wait_dma2 semaphore(%arg12 : memref<!tpu.dma_semaphore, #tpu.memory_space<semaphore_mem>>) src(%dma_wait3A_836 : memref<200xi32, #tpu.memory_space<hbm>>) dst(%dma_wait3A_833 : memref<200xi32, #tpu.memory_space<vmem>>)
        %add3A_837 = arith.constant 5 : i32
        %add3A_838 = arith.addi %add3A_680, %add3A_837 : i32
        %dma_wait3A_839 = arith.constant 1000 : i32
        %dma_wait3A_840 = tpu.memref_slice %arg6[%dma_wait3A_839] : memref<3200xi32, #tpu.memory_space<vmem>> -> memref<200xi32, #tpu.memory_space<vmem>>
        %dma_wait3A_841 = arith.constant 0 : i32
        %dma_wait3A_842 = tpu.memref_slice %arg2[%add3A_838, %dma_wait3A_841] : memref<16384x200xi32, #tpu.memory_space<hbm>> -> memref<1x200xi32, #tpu.memory_space<hbm>>
        %dma_wait3A_843 = tpu.memref_squeeze %dma_wait3A_842 : memref<1x200xi32, #tpu.memory_space<hbm>> -> memref<200xi32, #tpu.memory_space<hbm>>
        %dma_wait3A_844 = arith.constant 1000 : i32
        %dma_wait3A_845 = tpu.memref_slice %arg6[%dma_wait3A_844] : memref<3200xi32, #tpu.memory_space<vmem>> -> memref<200xi32, #tpu.memory_space<vmem>>
        %dma_wait3A_846 = arith.constant 0 : i32
        %dma_wait3A_847 = tpu.memref_slice %arg2[%add3A_838, %dma_wait3A_846] : memref<16384x200xi32, #tpu.memory_space<hbm>> -> memref<1x200xi32, #tpu.memory_space<hbm>>
        %dma_wait3A_848 = tpu.memref_squeeze %dma_wait3A_847 : memref<1x200xi32, #tpu.memory_space<hbm>> -> memref<200xi32, #tpu.memory_space<hbm>>
        tpu.wait_dma2 semaphore(%arg12 : memref<!tpu.dma_semaphore, #tpu.memory_space<semaphore_mem>>) src(%dma_wait3A_848 : memref<200xi32, #tpu.memory_space<hbm>>) dst(%dma_wait3A_845 : memref<200xi32, #tpu.memory_space<vmem>>)
        %add3A_849 = arith.constant 6 : i32
        %add3A_850 = arith.addi %add3A_680, %add3A_849 : i32
        %dma_wait3A_851 = arith.constant 1200 : i32
        %dma_wait3A_852 = tpu.memref_slice %arg6[%dma_wait3A_851] : memref<3200xi32, #tpu.memory_space<vmem>> -> memref<200xi32, #tpu.memory_space<vmem>>
        %dma_wait3A_853 = arith.constant 0 : i32
        %dma_wait3A_854 = tpu.memref_slice %arg2[%add3A_850, %dma_wait3A_853] : memref<16384x200xi32, #tpu.memory_space<hbm>> -> memref<1x200xi32, #tpu.memory_space<hbm>>
        %dma_wait3A_855 = tpu.memref_squeeze %dma_wait3A_854 : memref<1x200xi32, #tpu.memory_space<hbm>> -> memref<200xi32, #tpu.memory_space<hbm>>
        %dma_wait3A_856 = arith.constant 1200 : i32
        %dma_wait3A_857 = tpu.memref_slice %arg6[%dma_wait3A_856] : memref<3200xi32, #tpu.memory_space<vmem>> -> memref<200xi32, #tpu.memory_space<vmem>>
        %dma_wait3A_858 = arith.constant 0 : i32
        %dma_wait3A_859 = tpu.memref_slice %arg2[%add3A_850, %dma_wait3A_858] : memref<16384x200xi32, #tpu.memory_space<hbm>> -> memref<1x200xi32, #tpu.memory_space<hbm>>
        %dma_wait3A_860 = tpu.memref_squeeze %dma_wait3A_859 : memref<1x200xi32, #tpu.memory_space<hbm>> -> memref<200xi32, #tpu.memory_space<hbm>>
        tpu.wait_dma2 semaphore(%arg12 : memref<!tpu.dma_semaphore, #tpu.memory_space<semaphore_mem>>) src(%dma_wait3A_860 : memref<200xi32, #tpu.memory_space<hbm>>) dst(%dma_wait3A_857 : memref<200xi32, #tpu.memory_space<vmem>>)
        %add3A_861 = arith.constant 7 : i32
        %add3A_862 = arith.addi %add3A_680, %add3A_861 : i32
        %dma_wait3A_863 = arith.constant 1400 : i32
        %dma_wait3A_864 = tpu.memref_slice %arg6[%dma_wait3A_863] : memref<3200xi32, #tpu.memory_space<vmem>> -> memref<200xi32, #tpu.memory_space<vmem>>
        %dma_wait3A_865 = arith.constant 0 : i32
        %dma_wait3A_866 = tpu.memref_slice %arg2[%add3A_862, %dma_wait3A_865] : memref<16384x200xi32, #tpu.memory_space<hbm>> -> memref<1x200xi32, #tpu.memory_space<hbm>>
        %dma_wait3A_867 = tpu.memref_squeeze %dma_wait3A_866 : memref<1x200xi32, #tpu.memory_space<hbm>> -> memref<200xi32, #tpu.memory_space<hbm>>
        %dma_wait3A_868 = arith.constant 1400 : i32
        %dma_wait3A_869 = tpu.memref_slice %arg6[%dma_wait3A_868] : memref<3200xi32, #tpu.memory_space<vmem>> -> memref<200xi32, #tpu.memory_space<vmem>>
        %dma_wait3A_870 = arith.constant 0 : i32
        %dma_wait3A_871 = tpu.memref_slice %arg2[%add3A_862, %dma_wait3A_870] : memref<16384x200xi32, #tpu.memory_space<hbm>> -> memref<1x200xi32, #tpu.memory_space<hbm>>
        %dma_wait3A_872 = tpu.memref_squeeze %dma_wait3A_871 : memref<1x200xi32, #tpu.memory_space<hbm>> -> memref<200xi32, #tpu.memory_space<hbm>>
        tpu.wait_dma2 semaphore(%arg12 : memref<!tpu.dma_semaphore, #tpu.memory_space<semaphore_mem>>) src(%dma_wait3A_872 : memref<200xi32, #tpu.memory_space<hbm>>) dst(%dma_wait3A_869 : memref<200xi32, #tpu.memory_space<vmem>>)
        %dma_start3A_873 = arith.constant 0 : i32
        %dma_start3A_874 = arith.constant 0 : i32
        %dma_start3A_875 = arith.constant 0 : i32
        %dma_start3A_876 = tpu.memref_slice %arg7[%dma_start3A_873, %dma_start3A_874, %dma_start3A_875] : memref<2x1600x32xf32, #tpu.memory_space<vmem>> -> memref<1x1600x32xf32, #tpu.memory_space<vmem>>
        %dma_start3A_877 = tpu.memref_squeeze %dma_start3A_876 : memref<1x1600x32xf32, #tpu.memory_space<vmem>> -> memref<1600x32xf32, #tpu.memory_space<vmem>>
        %dma_start3A_878 = arith.constant 0 : i32
        %dma_start3A_879 = tpu.memref_slice %arg6[%dma_start3A_878] : memref<3200xi32, #tpu.memory_space<vmem>> -> memref<1600xi32, #tpu.memory_space<vmem>>
        %dma_start3A_880 = arith.constant 0 : i32
        %dma_start3A_881 = arith.constant 0 : i32
        %dma_start3A_882 = tpu.memref_slice %arg3[%dma_start3A_880, %dma_start3A_881] : memref<1000000x32xf32, #tpu.memory_space<hbm>> -> memref<1000000x32xf32, #tpu.memory_space<hbm>>
        tpu.enqueue_indirect_dma source(%dma_start3A_882 : memref<1000000x32xf32, #tpu.memory_space<hbm>>) target(%dma_start3A_877 : memref<1600x32xf32, #tpu.memory_space<vmem>>) offsets(%dma_start3A_879 : memref<1600xi32, #tpu.memory_space<vmem>>) semaphore(%arg10 : memref<!tpu.dma_semaphore, #tpu.memory_space<semaphore_mem>>)
      } else {
      }
      %dma_wait3A_469 = arith.constant 1 : i32
      %dma_wait3A_470 = arith.constant 0 : i32
      %dma_wait3A_471 = arith.constant 0 : i32
      %dma_wait3A_472 = tpu.memref_slice %arg7[%dma_wait3A_469, %dma_wait3A_470, %dma_wait3A_471] : memref<2x1600x32xf32, #tpu.memory_space<vmem>> -> memref<1x1600x32xf32, #tpu.memory_space<vmem>>
      %dma_wait3A_473 = tpu.memref_squeeze %dma_wait3A_472 : memref<1x1600x32xf32, #tpu.memory_space<vmem>> -> memref<1600x32xf32, #tpu.memory_space<vmem>>
      %dma_wait3A_474 = arith.constant 1600 : i32
      %dma_wait3A_475 = tpu.memref_slice %arg6[%dma_wait3A_474] : memref<3200xi32, #tpu.memory_space<vmem>> -> memref<1600xi32, #tpu.memory_space<vmem>>
      %dma_wait3A_476 = arith.constant 0 : i32
      %dma_wait3A_477 = arith.constant 0 : i32
      %dma_wait3A_478 = tpu.memref_slice %arg3[%dma_wait3A_476, %dma_wait3A_477] : memref<1000000x32xf32, #tpu.memory_space<hbm>> -> memref<1000000x32xf32, #tpu.memory_space<hbm>>
      tpu.wait_indirect_dma semaphore(%arg11 : memref<!tpu.dma_semaphore, #tpu.memory_space<semaphore_mem>>) src(%dma_wait3A_478 : memref<1000000x32xf32, #tpu.memory_space<hbm>>) dst(%dma_wait3A_473 : memref<1600x32xf32, #tpu.memory_space<vmem>>)
      %ge3A_479 = arith.constant 2 : i32
      %ge3A_480 = arith.cmpi sge, %add3A_461, %ge3A_479 : i32
      %convert_element_type3A_481 = arith.extui %ge3A_480 : i1 to i32
      %cond3A_482 = arith.constant 0 : i32
      %cond3A_483 = arith.cmpi ne, %convert_element_type3A_481, %cond3A_482 : i32
      scf.if %cond3A_483 {
        %sub3A = arith.constant 2 : i32
        %sub3A_676 = arith.subi %add3A_461, %sub3A : i32
        %mul3A_677 = arith.constant 8 : i32
        %mul3A_678 = arith.muli %sub3A_676, %mul3A_677 : i32
        %add3A_679 = arith.addi %mul3A_2, %mul3A_678 : i32
        %dma_wait3A_680 = arith.constant 1 : i32
        %dma_wait3A_681 = arith.constant 0 : i32
        %dma_wait3A_682 = arith.constant 0 : i32
        %dma_wait3A_683 = tpu.memref_slice %arg8[%dma_wait3A_680, %dma_wait3A_681, %dma_wait3A_682] : memref<2x8x32xf32, #tpu.memory_space<vmem>> -> memref<1x8x32xf32, #tpu.memory_space<vmem>>
        %dma_wait3A_684 = tpu.memref_squeeze %dma_wait3A_683 : memref<1x8x32xf32, #tpu.memory_space<vmem>> -> memref<8x32xf32, #tpu.memory_space<vmem>>
        %dma_wait3A_685 = arith.constant 0 : i32
        %dma_wait3A_686 = tpu.memref_slice %arg5[%add3A_679, %dma_wait3A_685] : memref<16384x32xf32, #tpu.memory_space<hbm>> -> memref<8x32xf32, #tpu.memory_space<hbm>>
        %dma_wait3A_687 = arith.constant 0 : i32
        %dma_wait3A_688 = tpu.memref_slice %arg5[%add3A_679, %dma_wait3A_687] : memref<16384x32xf32, #tpu.memory_space<hbm>> -> memref<8x32xf32, #tpu.memory_space<hbm>>
        %dma_wait3A_689 = arith.constant 0 : i32
        %dma_wait3A_690 = arith.constant 0 : i32
        %dma_wait3A_691 = tpu.memref_slice %arg8[%dma_wait3A_680, %dma_wait3A_689, %dma_wait3A_690] : memref<2x8x32xf32, #tpu.memory_space<vmem>> -> memref<1x8x32xf32, #tpu.memory_space<vmem>>
        %dma_wait3A_692 = tpu.memref_squeeze %dma_wait3A_691 : memref<1x8x32xf32, #tpu.memory_space<vmem>> -> memref<8x32xf32, #tpu.memory_space<vmem>>
        tpu.wait_dma2 semaphore(%arg15 : memref<!tpu.dma_semaphore, #tpu.memory_space<semaphore_mem>>) src(%dma_wait3A_692 : memref<8x32xf32, #tpu.memory_space<vmem>>) dst(%dma_wait3A_688 : memref<8x32xf32, #tpu.memory_space<hbm>>)
      } else {
      }
      %scan3A_484 = arith.constant 0 : i32
      %scan3A_485 = arith.constant 200 : i32
      %scan3A_486 = arith.addi %scan3A_484, %scan3A_485 : i32
      %scan3A_487 = arith.constant 8 : i32
      %scan3A_488:2 = scf.for %scan3A_676 = %scan3A_484 to %scan3A_486 step %scan3A_487 iter_args(%scan3A_677 = %get3A_4, %scan3A_678 = %get3A_7) -> (vector<16xf32>, vector<16xf32>)  : i32 {
        %mul3A_679 = arith.constant 1 : i32
        %mul3A_680 = arith.muli %scan3A_676, %mul3A_679 : i32
        %add3A_681 = arith.constant 0 : i32
        %add3A_682 = arith.addi %add3A_681, %mul3A_680 : i32
        %add3A_683 = arith.constant 0 : i32
        %add3A_684 = arith.addi %add3A_683, %add3A_682 : i32
        %get3A_685 = arith.constant 1 : i32
        %get3A_686 = arith.index_cast %get3A_685 : i32 to index
        %get3A_687 = arith.index_cast %add3A_684 : i32 to index
        %get3A_688 = arith.constant 0 : index
        %get3A_689 = tpu.vector_load %arg7[%get3A_686, %get3A_687, %get3A_688] {strides = array<i32>} : memref<2x1600x32xf32, #tpu.memory_space<vmem>>, vector<1x1x16xf32>,
        %get3A_690 = vector.shape_cast %get3A_689 : vector<1x1x16xf32> to vector<16xf32>
        %add3A_691 = arith.addf %scan3A_677, %get3A_690 : vector<16xf32>
        %add3A_692 = arith.constant 0 : i32
        %add3A_693 = arith.addi %add3A_692, %add3A_682 : i32
        %get3A_694 = arith.constant 1 : i32
        %get3A_695 = arith.index_cast %get3A_694 : i32 to index
        %get3A_696 = arith.index_cast %add3A_693 : i32 to index
        %get3A_697 = arith.constant 16 : index
        %get3A_698 = tpu.vector_load %arg7[%get3A_695, %get3A_696, %get3A_697] {strides = array<i32>} : memref<2x1600x32xf32, #tpu.memory_space<vmem>>, vector<1x1x16xf32>,
        %get3A_699 = vector.shape_cast %get3A_698 : vector<1x1x16xf32> to vector<16xf32>
        %add3A_700 = arith.addf %scan3A_678, %get3A_699 : vector<16xf32>
        %scan3A_701 = arith.constant 1 : i32
        %scan3A_702 = arith.addi %scan3A_676, %scan3A_701 : i32
        %mul3A_703 = arith.constant 1 : i32
        %mul3A_704 = arith.muli %scan3A_702, %mul3A_703 : i32
        %add3A_705 = arith.constant 0 : i32
        %add3A_706 = arith.addi %add3A_705, %mul3A_704 : i32
        %add3A_707 = arith.constant 0 : i32
        %add3A_708 = arith.addi %add3A_707, %add3A_706 : i32
        %get3A_709 = arith.constant 1 : i32
        %get3A_710 = arith.index_cast %get3A_709 : i32 to index
        %get3A_711 = arith.index_cast %add3A_708 : i32 to index
        %get3A_712 = arith.constant 0 : index
        %get3A_713 = tpu.vector_load %arg7[%get3A_710, %get3A_711, %get3A_712] {strides = array<i32>} : memref<2x1600x32xf32, #tpu.memory_space<vmem>>, vector<1x1x16xf32>,
        %get3A_714 = vector.shape_cast %get3A_713 : vector<1x1x16xf32> to vector<16xf32>
        %add3A_715 = arith.addf %add3A_691, %get3A_714 : vector<16xf32>
        %add3A_716 = arith.constant 0 : i32
        %add3A_717 = arith.addi %add3A_716, %add3A_706 : i32
        %get3A_718 = arith.constant 1 : i32
        %get3A_719 = arith.index_cast %get3A_718 : i32 to index
        %get3A_720 = arith.index_cast %add3A_717 : i32 to index
        %get3A_721 = arith.constant 16 : index
        %get3A_722 = tpu.vector_load %arg7[%get3A_719, %get3A_720, %get3A_721] {strides = array<i32>} : memref<2x1600x32xf32, #tpu.memory_space<vmem>>, vector<1x1x16xf32>,
        %get3A_723 = vector.shape_cast %get3A_722 : vector<1x1x16xf32> to vector<16xf32>
        %add3A_724 = arith.addf %add3A_700, %get3A_723 : vector<16xf32>
        %scan3A_725 = arith.constant 2 : i32
        %scan3A_726 = arith.addi %scan3A_676, %scan3A_725 : i32
        %mul3A_727 = arith.constant 1 : i32
        %mul3A_728 = arith.muli %scan3A_726, %mul3A_727 : i32
        %add3A_729 = arith.constant 0 : i32
        %add3A_730 = arith.addi %add3A_729, %mul3A_728 : i32
        %add3A_731 = arith.constant 0 : i32
        %add3A_732 = arith.addi %add3A_731, %add3A_730 : i32
        %get3A_733 = arith.constant 1 : i32
        %get3A_734 = arith.index_cast %get3A_733 : i32 to index
        %get3A_735 = arith.index_cast %add3A_732 : i32 to index
        %get3A_736 = arith.constant 0 : index
        %get3A_737 = tpu.vector_load %arg7[%get3A_734, %get3A_735, %get3A_736] {strides = array<i32>} : memref<2x1600x32xf32, #tpu.memory_space<vmem>>, vector<1x1x16xf32>,
        %get3A_738 = vector.shape_cast %get3A_737 : vector<1x1x16xf32> to vector<16xf32>
        %add3A_739 = arith.addf %add3A_715, %get3A_738 : vector<16xf32>
        %add3A_740 = arith.constant 0 : i32
        %add3A_741 = arith.addi %add3A_740, %add3A_730 : i32
        %get3A_742 = arith.constant 1 : i32
        %get3A_743 = arith.index_cast %get3A_742 : i32 to index
        %get3A_744 = arith.index_cast %add3A_741 : i32 to index
        %get3A_745 = arith.constant 16 : index
        %get3A_746 = tpu.vector_load %arg7[%get3A_743, %get3A_744, %get3A_745] {strides = array<i32>} : memref<2x1600x32xf32, #tpu.memory_space<vmem>>, vector<1x1x16xf32>,
        %get3A_747 = vector.shape_cast %get3A_746 : vector<1x1x16xf32> to vector<16xf32>
        %add3A_748 = arith.addf %add3A_724, %get3A_747 : vector<16xf32>
        %scan3A_749 = arith.constant 3 : i32
        %scan3A_750 = arith.addi %scan3A_676, %scan3A_749 : i32
        %mul3A_751 = arith.constant 1 : i32
        %mul3A_752 = arith.muli %scan3A_750, %mul3A_751 : i32
        %add3A_753 = arith.constant 0 : i32
        %add3A_754 = arith.addi %add3A_753, %mul3A_752 : i32
        %add3A_755 = arith.constant 0 : i32
        %add3A_756 = arith.addi %add3A_755, %add3A_754 : i32
        %get3A_757 = arith.constant 1 : i32
        %get3A_758 = arith.index_cast %get3A_757 : i32 to index
        %get3A_759 = arith.index_cast %add3A_756 : i32 to index
        %get3A_760 = arith.constant 0 : index
        %get3A_761 = tpu.vector_load %arg7[%get3A_758, %get3A_759, %get3A_760] {strides = array<i32>} : memref<2x1600x32xf32, #tpu.memory_space<vmem>>, vector<1x1x16xf32>,
        %get3A_762 = vector.shape_cast %get3A_761 : vector<1x1x16xf32> to vector<16xf32>
        %add3A_763 = arith.addf %add3A_739, %get3A_762 : vector<16xf32>
        %add3A_764 = arith.constant 0 : i32
        %add3A_765 = arith.addi %add3A_764, %add3A_754 : i32
        %get3A_766 = arith.constant 1 : i32
        %get3A_767 = arith.index_cast %get3A_766 : i32 to index
        %get3A_768 = arith.index_cast %add3A_765 : i32 to index
        %get3A_769 = arith.constant 16 : index
        %get3A_770 = tpu.vector_load %arg7[%get3A_767, %get3A_768, %get3A_769] {strides = array<i32>} : memref<2x1600x32xf32, #tpu.memory_space<vmem>>, vector<1x1x16xf32>,
        %get3A_771 = vector.shape_cast %get3A_770 : vector<1x1x16xf32> to vector<16xf32>
        %add3A_772 = arith.addf %add3A_748, %get3A_771 : vector<16xf32>
        %scan3A_773 = arith.constant 4 : i32
        %scan3A_774 = arith.addi %scan3A_676, %scan3A_773 : i32
        %mul3A_775 = arith.constant 1 : i32
        %mul3A_776 = arith.muli %scan3A_774, %mul3A_775 : i32
        %add3A_777 = arith.constant 0 : i32
        %add3A_778 = arith.addi %add3A_777, %mul3A_776 : i32
        %add3A_779 = arith.constant 0 : i32
        %add3A_780 = arith.addi %add3A_779, %add3A_778 : i32
        %get3A_781 = arith.constant 1 : i32
        %get3A_782 = arith.index_cast %get3A_781 : i32 to index
        %get3A_783 = arith.index_cast %add3A_780 : i32 to index
        %get3A_784 = arith.constant 0 : index
        %get3A_785 = tpu.vector_load %arg7[%get3A_782, %get3A_783, %get3A_784] {strides = array<i32>} : memref<2x1600x32xf32, #tpu.memory_space<vmem>>, vector<1x1x16xf32>,
        %get3A_786 = vector.shape_cast %get3A_785 : vector<1x1x16xf32> to vector<16xf32>
        %add3A_787 = arith.addf %add3A_763, %get3A_786 : vector<16xf32>
        %add3A_788 = arith.constant 0 : i32
        %add3A_789 = arith.addi %add3A_788, %add3A_778 : i32
        %get3A_790 = arith.constant 1 : i32
        %get3A_791 = arith.index_cast %get3A_790 : i32 to index
        %get3A_792 = arith.index_cast %add3A_789 : i32 to index
        %get3A_793 = arith.constant 16 : index
        %get3A_794 = tpu.vector_load %arg7[%get3A_791, %get3A_792, %get3A_793] {strides = array<i32>} : memref<2x1600x32xf32, #tpu.memory_space<vmem>>, vector<1x1x16xf32>,
        %get3A_795 = vector.shape_cast %get3A_794 : vector<1x1x16xf32> to vector<16xf32>
        %add3A_796 = arith.addf %add3A_772, %get3A_795 : vector<16xf32>
        %scan3A_797 = arith.constant 5 : i32
        %scan3A_798 = arith.addi %scan3A_676, %scan3A_797 : i32
        %mul3A_799 = arith.constant 1 : i32
        %mul3A_800 = arith.muli %scan3A_798, %mul3A_799 : i32
        %add3A_801 = arith.constant 0 : i32
        %add3A_802 = arith.addi %add3A_801, %mul3A_800 : i32
        %add3A_803 = arith.constant 0 : i32
        %add3A_804 = arith.addi %add3A_803, %add3A_802 : i32
        %get3A_805 = arith.constant 1 : i32
        %get3A_806 = arith.index_cast %get3A_805 : i32 to index
        %get3A_807 = arith.index_cast %add3A_804 : i32 to index
        %get3A_808 = arith.constant 0 : index
        %get3A_809 = tpu.vector_load %arg7[%get3A_806, %get3A_807, %get3A_808] {strides = array<i32>} : memref<2x1600x32xf32, #tpu.memory_space<vmem>>, vector<1x1x16xf32>,
        %get3A_810 = vector.shape_cast %get3A_809 : vector<1x1x16xf32> to vector<16xf32>
        %add3A_811 = arith.addf %add3A_787, %get3A_810 : vector<16xf32>
        %add3A_812 = arith.constant 0 : i32
        %add3A_813 = arith.addi %add3A_812, %add3A_802 : i32
        %get3A_814 = arith.constant 1 : i32
        %get3A_815 = arith.index_cast %get3A_814 : i32 to index
        %get3A_816 = arith.index_cast %add3A_813 : i32 to index
        %get3A_817 = arith.constant 16 : index
        %get3A_818 = tpu.vector_load %arg7[%get3A_815, %get3A_816, %get3A_817] {strides = array<i32>} : memref<2x1600x32xf32, #tpu.memory_space<vmem>>, vector<1x1x16xf32>,
        %get3A_819 = vector.shape_cast %get3A_818 : vector<1x1x16xf32> to vector<16xf32>
        %add3A_820 = arith.addf %add3A_796, %get3A_819 : vector<16xf32>
        %scan3A_821 = arith.constant 6 : i32
        %scan3A_822 = arith.addi %scan3A_676, %scan3A_821 : i32
        %mul3A_823 = arith.constant 1 : i32
        %mul3A_824 = arith.muli %scan3A_822, %mul3A_823 : i32
        %add3A_825 = arith.constant 0 : i32
        %add3A_826 = arith.addi %add3A_825, %mul3A_824 : i32
        %add3A_827 = arith.constant 0 : i32
        %add3A_828 = arith.addi %add3A_827, %add3A_826 : i32
        %get3A_829 = arith.constant 1 : i32
        %get3A_830 = arith.index_cast %get3A_829 : i32 to index
        %get3A_831 = arith.index_cast %add3A_828 : i32 to index
        %get3A_832 = arith.constant 0 : index
        %get3A_833 = tpu.vector_load %arg7[%get3A_830, %get3A_831, %get3A_832] {strides = array<i32>} : memref<2x1600x32xf32, #tpu.memory_space<vmem>>, vector<1x1x16xf32>,
        %get3A_834 = vector.shape_cast %get3A_833 : vector<1x1x16xf32> to vector<16xf32>
        %add3A_835 = arith.addf %add3A_811, %get3A_834 : vector<16xf32>
        %add3A_836 = arith.constant 0 : i32
        %add3A_837 = arith.addi %add3A_836, %add3A_826 : i32
        %get3A_838 = arith.constant 1 : i32
        %get3A_839 = arith.index_cast %get3A_838 : i32 to index
        %get3A_840 = arith.index_cast %add3A_837 : i32 to index
        %get3A_841 = arith.constant 16 : index
        %get3A_842 = tpu.vector_load %arg7[%get3A_839, %get3A_840, %get3A_841] {strides = array<i32>} : memref<2x1600x32xf32, #tpu.memory_space<vmem>>, vector<1x1x16xf32>,
        %get3A_843 = vector.shape_cast %get3A_842 : vector<1x1x16xf32> to vector<16xf32>
        %add3A_844 = arith.addf %add3A_820, %get3A_843 : vector<16xf32>
        %scan3A_845 = arith.constant 7 : i32
        %scan3A_846 = arith.addi %scan3A_676, %scan3A_845 : i32
        %mul3A_847 = arith.constant 1 : i32
        %mul3A_848 = arith.muli %scan3A_846, %mul3A_847 : i32
        %add3A_849 = arith.constant 0 : i32
        %add3A_850 = arith.addi %add3A_849, %mul3A_848 : i32
        %add3A_851 = arith.constant 0 : i32
        %add3A_852 = arith.addi %add3A_851, %add3A_850 : i32
        %get3A_853 = arith.constant 1 : i32
        %get3A_854 = arith.index_cast %get3A_853 : i32 to index
        %get3A_855 = arith.index_cast %add3A_852 : i32 to index
        %get3A_856 = arith.constant 0 : index
        %get3A_857 = tpu.vector_load %arg7[%get3A_854, %get3A_855, %get3A_856] {strides = array<i32>} : memref<2x1600x32xf32, #tpu.memory_space<vmem>>, vector<1x1x16xf32>,
        %get3A_858 = vector.shape_cast %get3A_857 : vector<1x1x16xf32> to vector<16xf32>
        %add3A_859 = arith.addf %add3A_835, %get3A_858 : vector<16xf32>
        %add3A_860 = arith.constant 0 : i32
        %add3A_861 = arith.addi %add3A_860, %add3A_850 : i32
        %get3A_862 = arith.constant 1 : i32
        %get3A_863 = arith.index_cast %get3A_862 : i32 to index
        %get3A_864 = arith.index_cast %add3A_861 : i32 to index
        %get3A_865 = arith.constant 16 : index
        %get3A_866 = tpu.vector_load %arg7[%get3A_863, %get3A_864, %get3A_865] {strides = array<i32>} : memref<2x1600x32xf32, #tpu.memory_space<vmem>>, vector<1x1x16xf32>,
        %get3A_867 = vector.shape_cast %get3A_866 : vector<1x1x16xf32> to vector<16xf32>
        %add3A_868 = arith.addf %add3A_844, %get3A_867 : vector<16xf32>
        scf.yield %add3A_859, %add3A_868 : vector<16xf32>, vector<16xf32>
      }
      %scan3A_489 = arith.constant 200 : i32
      %swap3A_490 = arith.constant 1 : i32
      %swap3A_491 = arith.constant 0 : i32
      %swap3A_492 = arith.index_cast %swap3A_490 : i32 to index
      %swap3A_493 = arith.index_cast %swap3A_491 : i32 to index
      %swap3A_494 = arith.constant 0 : index
      %swap3A_495 = tpu.vector_load %arg8[%swap3A_492, %swap3A_493, %swap3A_494] {strides = array<i32>} : memref<2x8x32xf32, #tpu.memory_space<vmem>>, vector<1x1x16xf32>,
      %swap3A_496 = vector.shape_cast %swap3A_495 : vector<1x1x16xf32> to vector<16xf32>
      %swap3A_497 = vector.shape_cast %scan3A_488#0 : vector<16xf32> to vector<1x1x16xf32>
      tpu.vector_store %arg8[%swap3A_492, %swap3A_493, %swap3A_494], %swap3A_497 {strides = array<i32>} : memref<2x8x32xf32, #tpu.memory_space<vmem>>, vector<1x1x16xf32>,
      %swap3A_498 = arith.constant 1 : i32
      %swap3A_499 = arith.constant 0 : i32
      %swap3A_500 = arith.index_cast %swap3A_498 : i32 to index
      %swap3A_501 = arith.index_cast %swap3A_499 : i32 to index
      %swap3A_502 = arith.constant 16 : index
      %swap3A_503 = tpu.vector_load %arg8[%swap3A_500, %swap3A_501, %swap3A_502] {strides = array<i32>} : memref<2x8x32xf32, #tpu.memory_space<vmem>>, vector<1x1x16xf32>,
      %swap3A_504 = vector.shape_cast %swap3A_503 : vector<1x1x16xf32> to vector<16xf32>
      %swap3A_505 = vector.shape_cast %scan3A_488#1 : vector<16xf32> to vector<1x1x16xf32>
      tpu.vector_store %arg8[%swap3A_500, %swap3A_501, %swap3A_502], %swap3A_505 {strides = array<i32>} : memref<2x8x32xf32, #tpu.memory_space<vmem>>, vector<1x1x16xf32>,
      %scan3A_506 = arith.constant 0 : i32
      %scan3A_507 = arith.constant 200 : i32
      %scan3A_508 = arith.addi %scan3A_506, %scan3A_507 : i32
      %scan3A_509 = arith.constant 8 : i32
      %scan3A_510:2 = scf.for %scan3A_676 = %scan3A_506 to %scan3A_508 step %scan3A_509 iter_args(%scan3A_677 = %get3A_4, %scan3A_678 = %get3A_7) -> (vector<16xf32>, vector<16xf32>)  : i32 {
        %mul3A_679 = arith.constant 1 : i32
        %mul3A_680 = arith.muli %scan3A_676, %mul3A_679 : i32
        %add3A_681 = arith.constant 0 : i32
        %add3A_682 = arith.addi %add3A_681, %mul3A_680 : i32
        %add3A_683 = arith.constant 200 : i32
        %add3A_684 = arith.addi %add3A_683, %add3A_682 : i32
        %get3A_685 = arith.constant 1 : i32
        %get3A_686 = arith.index_cast %get3A_685 : i32 to index
        %get3A_687 = arith.index_cast %add3A_684 : i32 to index
        %get3A_688 = arith.constant 0 : index
        %get3A_689 = tpu.vector_load %arg7[%get3A_686, %get3A_687, %get3A_688] {strides = array<i32>} : memref<2x1600x32xf32, #tpu.memory_space<vmem>>, vector<1x1x16xf32>,
        %get3A_690 = vector.shape_cast %get3A_689 : vector<1x1x16xf32> to vector<16xf32>
        %add3A_691 = arith.addf %scan3A_677, %get3A_690 : vector<16xf32>
        %add3A_692 = arith.constant 200 : i32
        %add3A_693 = arith.addi %add3A_692, %add3A_682 : i32
        %get3A_694 = arith.constant 1 : i32
        %get3A_695 = arith.index_cast %get3A_694 : i32 to index
        %get3A_696 = arith.index_cast %add3A_693 : i32 to index
        %get3A_697 = arith.constant 16 : index
        %get3A_698 = tpu.vector_load %arg7[%get3A_695, %get3A_696, %get3A_697] {strides = array<i32>} : memref<2x1600x32xf32, #tpu.memory_space<vmem>>, vector<1x1x16xf32>,
        %get3A_699 = vector.shape_cast %get3A_698 : vector<1x1x16xf32> to vector<16xf32>
        %add3A_700 = arith.addf %scan3A_678, %get3A_699 : vector<16xf32>
        %scan3A_701 = arith.constant 1 : i32
        %scan3A_702 = arith.addi %scan3A_676, %scan3A_701 : i32
        %mul3A_703 = arith.constant 1 : i32
        %mul3A_704 = arith.muli %scan3A_702, %mul3A_703 : i32
        %add3A_705 = arith.constant 0 : i32
        %add3A_706 = arith.addi %add3A_705, %mul3A_704 : i32
        %add3A_707 = arith.constant 200 : i32
        %add3A_708 = arith.addi %add3A_707, %add3A_706 : i32
        %get3A_709 = arith.constant 1 : i32
        %get3A_710 = arith.index_cast %get3A_709 : i32 to index
        %get3A_711 = arith.index_cast %add3A_708 : i32 to index
        %get3A_712 = arith.constant 0 : index
        %get3A_713 = tpu.vector_load %arg7[%get3A_710, %get3A_711, %get3A_712] {strides = array<i32>} : memref<2x1600x32xf32, #tpu.memory_space<vmem>>, vector<1x1x16xf32>,
        %get3A_714 = vector.shape_cast %get3A_713 : vector<1x1x16xf32> to vector<16xf32>
        %add3A_715 = arith.addf %add3A_691, %get3A_714 : vector<16xf32>
        %add3A_716 = arith.constant 200 : i32
        %add3A_717 = arith.addi %add3A_716, %add3A_706 : i32
        %get3A_718 = arith.constant 1 : i32
        %get3A_719 = arith.index_cast %get3A_718 : i32 to index
        %get3A_720 = arith.index_cast %add3A_717 : i32 to index
        %get3A_721 = arith.constant 16 : index
        %get3A_722 = tpu.vector_load %arg7[%get3A_719, %get3A_720, %get3A_721] {strides = array<i32>} : memref<2x1600x32xf32, #tpu.memory_space<vmem>>, vector<1x1x16xf32>,
        %get3A_723 = vector.shape_cast %get3A_722 : vector<1x1x16xf32> to vector<16xf32>
        %add3A_724 = arith.addf %add3A_700, %get3A_723 : vector<16xf32>
        %scan3A_725 = arith.constant 2 : i32
        %scan3A_726 = arith.addi %scan3A_676, %scan3A_725 : i32
        %mul3A_727 = arith.constant 1 : i32
        %mul3A_728 = arith.muli %scan3A_726, %mul3A_727 : i32
        %add3A_729 = arith.constant 0 : i32
        %add3A_730 = arith.addi %add3A_729, %mul3A_728 : i32
        %add3A_731 = arith.constant 200 : i32
        %add3A_732 = arith.addi %add3A_731, %add3A_730 : i32
        %get3A_733 = arith.constant 1 : i32
        %get3A_734 = arith.index_cast %get3A_733 : i32 to index
        %get3A_735 = arith.index_cast %add3A_732 : i32 to index
        %get3A_736 = arith.constant 0 : index
        %get3A_737 = tpu.vector_load %arg7[%get3A_734, %get3A_735, %get3A_736] {strides = array<i32>} : memref<2x1600x32xf32, #tpu.memory_space<vmem>>, vector<1x1x16xf32>,
        %get3A_738 = vector.shape_cast %get3A_737 : vector<1x1x16xf32> to vector<16xf32>
        %add3A_739 = arith.addf %add3A_715, %get3A_738 : vector<16xf32>
        %add3A_740 = arith.constant 200 : i32
        %add3A_741 = arith.addi %add3A_740, %add3A_730 : i32
        %get3A_742 = arith.constant 1 : i32
        %get3A_743 = arith.index_cast %get3A_742 : i32 to index
        %get3A_744 = arith.index_cast %add3A_741 : i32 to index
        %get3A_745 = arith.constant 16 : index
        %get3A_746 = tpu.vector_load %arg7[%get3A_743, %get3A_744, %get3A_745] {strides = array<i32>} : memref<2x1600x32xf32, #tpu.memory_space<vmem>>, vector<1x1x16xf32>,
        %get3A_747 = vector.shape_cast %get3A_746 : vector<1x1x16xf32> to vector<16xf32>
        %add3A_748 = arith.addf %add3A_724, %get3A_747 : vector<16xf32>
        %scan3A_749 = arith.constant 3 : i32
        %scan3A_750 = arith.addi %scan3A_676, %scan3A_749 : i32
        %mul3A_751 = arith.constant 1 : i32
        %mul3A_752 = arith.muli %scan3A_750, %mul3A_751 : i32
        %add3A_753 = arith.constant 0 : i32
        %add3A_754 = arith.addi %add3A_753, %mul3A_752 : i32
        %add3A_755 = arith.constant 200 : i32
        %add3A_756 = arith.addi %add3A_755, %add3A_754 : i32
        %get3A_757 = arith.constant 1 : i32
        %get3A_758 = arith.index_cast %get3A_757 : i32 to index
        %get3A_759 = arith.index_cast %add3A_756 : i32 to index
        %get3A_760 = arith.constant 0 : index
        %get3A_761 = tpu.vector_load %arg7[%get3A_758, %get3A_759, %get3A_760] {strides = array<i32>} : memref<2x1600x32xf32, #tpu.memory_space<vmem>>, vector<1x1x16xf32>,
        %get3A_762 = vector.shape_cast %get3A_761 : vector<1x1x16xf32> to vector<16xf32>
        %add3A_763 = arith.addf %add3A_739, %get3A_762 : vector<16xf32>
        %add3A_764 = arith.constant 200 : i32
        %add3A_765 = arith.addi %add3A_764, %add3A_754 : i32
        %get3A_766 = arith.constant 1 : i32
        %get3A_767 = arith.index_cast %get3A_766 : i32 to index
        %get3A_768 = arith.index_cast %add3A_765 : i32 to index
        %get3A_769 = arith.constant 16 : index
        %get3A_770 = tpu.vector_load %arg7[%get3A_767, %get3A_768, %get3A_769] {strides = array<i32>} : memref<2x1600x32xf32, #tpu.memory_space<vmem>>, vector<1x1x16xf32>,
        %get3A_771 = vector.shape_cast %get3A_770 : vector<1x1x16xf32> to vector<16xf32>
        %add3A_772 = arith.addf %add3A_748, %get3A_771 : vector<16xf32>
        %scan3A_773 = arith.constant 4 : i32
        %scan3A_774 = arith.addi %scan3A_676, %scan3A_773 : i32
        %mul3A_775 = arith.constant 1 : i32
        %mul3A_776 = arith.muli %scan3A_774, %mul3A_775 : i32
        %add3A_777 = arith.constant 0 : i32
        %add3A_778 = arith.addi %add3A_777, %mul3A_776 : i32
        %add3A_779 = arith.constant 200 : i32
        %add3A_780 = arith.addi %add3A_779, %add3A_778 : i32
        %get3A_781 = arith.constant 1 : i32
        %get3A_782 = arith.index_cast %get3A_781 : i32 to index
        %get3A_783 = arith.index_cast %add3A_780 : i32 to index
        %get3A_784 = arith.constant 0 : index
        %get3A_785 = tpu.vector_load %arg7[%get3A_782, %get3A_783, %get3A_784] {strides = array<i32>} : memref<2x1600x32xf32, #tpu.memory_space<vmem>>, vector<1x1x16xf32>,
        %get3A_786 = vector.shape_cast %get3A_785 : vector<1x1x16xf32> to vector<16xf32>
        %add3A_787 = arith.addf %add3A_763, %get3A_786 : vector<16xf32>
        %add3A_788 = arith.constant 200 : i32
        %add3A_789 = arith.addi %add3A_788, %add3A_778 : i32
        %get3A_790 = arith.constant 1 : i32
        %get3A_791 = arith.index_cast %get3A_790 : i32 to index
        %get3A_792 = arith.index_cast %add3A_789 : i32 to index
        %get3A_793 = arith.constant 16 : index
        %get3A_794 = tpu.vector_load %arg7[%get3A_791, %get3A_792, %get3A_793] {strides = array<i32>} : memref<2x1600x32xf32, #tpu.memory_space<vmem>>, vector<1x1x16xf32>,
        %get3A_795 = vector.shape_cast %get3A_794 : vector<1x1x16xf32> to vector<16xf32>
        %add3A_796 = arith.addf %add3A_772, %get3A_795 : vector<16xf32>
        %scan3A_797 = arith.constant 5 : i32
        %scan3A_798 = arith.addi %scan3A_676, %scan3A_797 : i32
        %mul3A_799 = arith.constant 1 : i32
        %mul3A_800 = arith.muli %scan3A_798, %mul3A_799 : i32
        %add3A_801 = arith.constant 0 : i32
        %add3A_802 = arith.addi %add3A_801, %mul3A_800 : i32
        %add3A_803 = arith.constant 200 : i32
        %add3A_804 = arith.addi %add3A_803, %add3A_802 : i32
        %get3A_805 = arith.constant 1 : i32
        %get3A_806 = arith.index_cast %get3A_805 : i32 to index
        %get3A_807 = arith.index_cast %add3A_804 : i32 to index
        %get3A_808 = arith.constant 0 : index
        %get3A_809 = tpu.vector_load %arg7[%get3A_806, %get3A_807, %get3A_808] {strides = array<i32>} : memref<2x1600x32xf32, #tpu.memory_space<vmem>>, vector<1x1x16xf32>,
        %get3A_810 = vector.shape_cast %get3A_809 : vector<1x1x16xf32> to vector<16xf32>
        %add3A_811 = arith.addf %add3A_787, %get3A_810 : vector<16xf32>
        %add3A_812 = arith.constant 200 : i32
        %add3A_813 = arith.addi %add3A_812, %add3A_802 : i32
        %get3A_814 = arith.constant 1 : i32
        %get3A_815 = arith.index_cast %get3A_814 : i32 to index
        %get3A_816 = arith.index_cast %add3A_813 : i32 to index
        %get3A_817 = arith.constant 16 : index
        %get3A_818 = tpu.vector_load %arg7[%get3A_815, %get3A_816, %get3A_817] {strides = array<i32>} : memref<2x1600x32xf32, #tpu.memory_space<vmem>>, vector<1x1x16xf32>,
        %get3A_819 = vector.shape_cast %get3A_818 : vector<1x1x16xf32> to vector<16xf32>
        %add3A_820 = arith.addf %add3A_796, %get3A_819 : vector<16xf32>
        %scan3A_821 = arith.constant 6 : i32
        %scan3A_822 = arith.addi %scan3A_676, %scan3A_821 : i32
        %mul3A_823 = arith.constant 1 : i32
        %mul3A_824 = arith.muli %scan3A_822, %mul3A_823 : i32
        %add3A_825 = arith.constant 0 : i32
        %add3A_826 = arith.addi %add3A_825, %mul3A_824 : i32
        %add3A_827 = arith.constant 200 : i32
        %add3A_828 = arith.addi %add3A_827, %add3A_826 : i32
        %get3A_829 = arith.constant 1 : i32
        %get3A_830 = arith.index_cast %get3A_829 : i32 to index
        %get3A_831 = arith.index_cast %add3A_828 : i32 to index
        %get3A_832 = arith.constant 0 : index
        %get3A_833 = tpu.vector_load %arg7[%get3A_830, %get3A_831, %get3A_832] {strides = array<i32>} : memref<2x1600x32xf32, #tpu.memory_space<vmem>>, vector<1x1x16xf32>,
        %get3A_834 = vector.shape_cast %get3A_833 : vector<1x1x16xf32> to vector<16xf32>
        %add3A_835 = arith.addf %add3A_811, %get3A_834 : vector<16xf32>
        %add3A_836 = arith.constant 200 : i32
        %add3A_837 = arith.addi %add3A_836, %add3A_826 : i32
        %get3A_838 = arith.constant 1 : i32
        %get3A_839 = arith.index_cast %get3A_838 : i32 to index
        %get3A_840 = arith.index_cast %add3A_837 : i32 to index
        %get3A_841 = arith.constant 16 : index
        %get3A_842 = tpu.vector_load %arg7[%get3A_839, %get3A_840, %get3A_841] {strides = array<i32>} : memref<2x1600x32xf32, #tpu.memory_space<vmem>>, vector<1x1x16xf32>,
        %get3A_843 = vector.shape_cast %get3A_842 : vector<1x1x16xf32> to vector<16xf32>
        %add3A_844 = arith.addf %add3A_820, %get3A_843 : vector<16xf32>
        %scan3A_845 = arith.constant 7 : i32
        %scan3A_846 = arith.addi %scan3A_676, %scan3A_845 : i32
        %mul3A_847 = arith.constant 1 : i32
        %mul3A_848 = arith.muli %scan3A_846, %mul3A_847 : i32
        %add3A_849 = arith.constant 0 : i32
        %add3A_850 = arith.addi %add3A_849, %mul3A_848 : i32
        %add3A_851 = arith.constant 200 : i32
        %add3A_852 = arith.addi %add3A_851, %add3A_850 : i32
        %get3A_853 = arith.constant 1 : i32
        %get3A_854 = arith.index_cast %get3A_853 : i32 to index
        %get3A_855 = arith.index_cast %add3A_852 : i32 to index
        %get3A_856 = arith.constant 0 : index
        %get3A_857 = tpu.vector_load %arg7[%get3A_854, %get3A_855, %get3A_856] {strides = array<i32>} : memref<2x1600x32xf32, #tpu.memory_space<vmem>>, vector<1x1x16xf32>,
        %get3A_858 = vector.shape_cast %get3A_857 : vector<1x1x16xf32> to vector<16xf32>
        %add3A_859 = arith.addf %add3A_835, %get3A_858 : vector<16xf32>
        %add3A_860 = arith.constant 200 : i32
        %add3A_861 = arith.addi %add3A_860, %add3A_850 : i32
        %get3A_862 = arith.constant 1 : i32
        %get3A_863 = arith.index_cast %get3A_862 : i32 to index
        %get3A_864 = arith.index_cast %add3A_861 : i32 to index
        %get3A_865 = arith.constant 16 : index
        %get3A_866 = tpu.vector_load %arg7[%get3A_863, %get3A_864, %get3A_865] {strides = array<i32>} : memref<2x1600x32xf32, #tpu.memory_space<vmem>>, vector<1x1x16xf32>,
        %get3A_867 = vector.shape_cast %get3A_866 : vector<1x1x16xf32> to vector<16xf32>
        %add3A_868 = arith.addf %add3A_844, %get3A_867 : vector<16xf32>
        scf.yield %add3A_859, %add3A_868 : vector<16xf32>, vector<16xf32>
      }
      %scan3A_511 = arith.constant 200 : i32
      %swap3A_512 = arith.constant 1 : i32
      %swap3A_513 = arith.constant 1 : i32
      %swap3A_514 = arith.index_cast %swap3A_512 : i32 to index
      %swap3A_515 = arith.index_cast %swap3A_513 : i32 to index
      %swap3A_516 = arith.constant 0 : index
      %swap3A_517 = tpu.vector_load %arg8[%swap3A_514, %swap3A_515, %swap3A_516] {strides = array<i32>} : memref<2x8x32xf32, #tpu.memory_space<vmem>>, vector<1x1x16xf32>,
      %swap3A_518 = vector.shape_cast %swap3A_517 : vector<1x1x16xf32> to vector<16xf32>
      %swap3A_519 = vector.shape_cast %scan3A_510#0 : vector<16xf32> to vector<1x1x16xf32>
      tpu.vector_store %arg8[%swap3A_514, %swap3A_515, %swap3A_516], %swap3A_519 {strides = array<i32>} : memref<2x8x32xf32, #tpu.memory_space<vmem>>, vector<1x1x16xf32>,
      %swap3A_520 = arith.constant 1 : i32
      %swap3A_521 = arith.constant 1 : i32
      %swap3A_522 = arith.index_cast %swap3A_520 : i32 to index
      %swap3A_523 = arith.index_cast %swap3A_521 : i32 to index
      %swap3A_524 = arith.constant 16 : index
      %swap3A_525 = tpu.vector_load %arg8[%swap3A_522, %swap3A_523, %swap3A_524] {strides = array<i32>} : memref<2x8x32xf32, #tpu.memory_space<vmem>>, vector<1x1x16xf32>,
      %swap3A_526 = vector.shape_cast %swap3A_525 : vector<1x1x16xf32> to vector<16xf32>
      %swap3A_527 = vector.shape_cast %scan3A_510#1 : vector<16xf32> to vector<1x1x16xf32>
      tpu.vector_store %arg8[%swap3A_522, %swap3A_523, %swap3A_524], %swap3A_527 {strides = array<i32>} : memref<2x8x32xf32, #tpu.memory_space<vmem>>, vector<1x1x16xf32>,
      %scan3A_528 = arith.constant 0 : i32
      %scan3A_529 = arith.constant 200 : i32
      %scan3A_530 = arith.addi %scan3A_528, %scan3A_529 : i32
      %scan3A_531 = arith.constant 8 : i32
      %scan3A_532:2 = scf.for %scan3A_676 = %scan3A_528 to %scan3A_530 step %scan3A_531 iter_args(%scan3A_677 = %get3A_4, %scan3A_678 = %get3A_7) -> (vector<16xf32>, vector<16xf32>)  : i32 {
        %mul3A_679 = arith.constant 1 : i32
        %mul3A_680 = arith.muli %scan3A_676, %mul3A_679 : i32
        %add3A_681 = arith.constant 0 : i32
        %add3A_682 = arith.addi %add3A_681, %mul3A_680 : i32
        %add3A_683 = arith.constant 400 : i32
        %add3A_684 = arith.addi %add3A_683, %add3A_682 : i32
        %get3A_685 = arith.constant 1 : i32
        %get3A_686 = arith.index_cast %get3A_685 : i32 to index
        %get3A_687 = arith.index_cast %add3A_684 : i32 to index
        %get3A_688 = arith.constant 0 : index
        %get3A_689 = tpu.vector_load %arg7[%get3A_686, %get3A_687, %get3A_688] {strides = array<i32>} : memref<2x1600x32xf32, #tpu.memory_space<vmem>>, vector<1x1x16xf32>,
        %get3A_690 = vector.shape_cast %get3A_689 : vector<1x1x16xf32> to vector<16xf32>
        %add3A_691 = arith.addf %scan3A_677, %get3A_690 : vector<16xf32>
        %add3A_692 = arith.constant 400 : i32
        %add3A_693 = arith.addi %add3A_692, %add3A_682 : i32
        %get3A_694 = arith.constant 1 : i32
        %get3A_695 = arith.index_cast %get3A_694 : i32 to index
        %get3A_696 = arith.index_cast %add3A_693 : i32 to index
        %get3A_697 = arith.constant 16 : index
        %get3A_698 = tpu.vector_load %arg7[%get3A_695, %get3A_696, %get3A_697] {strides = array<i32>} : memref<2x1600x32xf32, #tpu.memory_space<vmem>>, vector<1x1x16xf32>,
        %get3A_699 = vector.shape_cast %get3A_698 : vector<1x1x16xf32> to vector<16xf32>
        %add3A_700 = arith.addf %scan3A_678, %get3A_699 : vector<16xf32>
        %scan3A_701 = arith.constant 1 : i32
        %scan3A_702 = arith.addi %scan3A_676, %scan3A_701 : i32
        %mul3A_703 = arith.constant 1 : i32
        %mul3A_704 = arith.muli %scan3A_702, %mul3A_703 : i32
        %add3A_705 = arith.constant 0 : i32
        %add3A_706 = arith.addi %add3A_705, %mul3A_704 : i32
        %add3A_707 = arith.constant 400 : i32
        %add3A_708 = arith.addi %add3A_707, %add3A_706 : i32
        %get3A_709 = arith.constant 1 : i32
        %get3A_710 = arith.index_cast %get3A_709 : i32 to index
        %get3A_711 = arith.index_cast %add3A_708 : i32 to index
        %get3A_712 = arith.constant 0 : index
        %get3A_713 = tpu.vector_load %arg7[%get3A_710, %get3A_711, %get3A_712] {strides = array<i32>} : memref<2x1600x32xf32, #tpu.memory_space<vmem>>, vector<1x1x16xf32>,
        %get3A_714 = vector.shape_cast %get3A_713 : vector<1x1x16xf32> to vector<16xf32>
        %add3A_715 = arith.addf %add3A_691, %get3A_714 : vector<16xf32>
        %add3A_716 = arith.constant 400 : i32
        %add3A_717 = arith.addi %add3A_716, %add3A_706 : i32
        %get3A_718 = arith.constant 1 : i32
        %get3A_719 = arith.index_cast %get3A_718 : i32 to index
        %get3A_720 = arith.index_cast %add3A_717 : i32 to index
        %get3A_721 = arith.constant 16 : index
        %get3A_722 = tpu.vector_load %arg7[%get3A_719, %get3A_720, %get3A_721] {strides = array<i32>} : memref<2x1600x32xf32, #tpu.memory_space<vmem>>, vector<1x1x16xf32>,
        %get3A_723 = vector.shape_cast %get3A_722 : vector<1x1x16xf32> to vector<16xf32>
        %add3A_724 = arith.addf %add3A_700, %get3A_723 : vector<16xf32>
        %scan3A_725 = arith.constant 2 : i32
        %scan3A_726 = arith.addi %scan3A_676, %scan3A_725 : i32
        %mul3A_727 = arith.constant 1 : i32
        %mul3A_728 = arith.muli %scan3A_726, %mul3A_727 : i32
        %add3A_729 = arith.constant 0 : i32
        %add3A_730 = arith.addi %add3A_729, %mul3A_728 : i32
        %add3A_731 = arith.constant 400 : i32
        %add3A_732 = arith.addi %add3A_731, %add3A_730 : i32
        %get3A_733 = arith.constant 1 : i32
        %get3A_734 = arith.index_cast %get3A_733 : i32 to index
        %get3A_735 = arith.index_cast %add3A_732 : i32 to index
        %get3A_736 = arith.constant 0 : index
        %get3A_737 = tpu.vector_load %arg7[%get3A_734, %get3A_735, %get3A_736] {strides = array<i32>} : memref<2x1600x32xf32, #tpu.memory_space<vmem>>, vector<1x1x16xf32>,
        %get3A_738 = vector.shape_cast %get3A_737 : vector<1x1x16xf32> to vector<16xf32>
        %add3A_739 = arith.addf %add3A_715, %get3A_738 : vector<16xf32>
        %add3A_740 = arith.constant 400 : i32
        %add3A_741 = arith.addi %add3A_740, %add3A_730 : i32
        %get3A_742 = arith.constant 1 : i32
        %get3A_743 = arith.index_cast %get3A_742 : i32 to index
        %get3A_744 = arith.index_cast %add3A_741 : i32 to index
        %get3A_745 = arith.constant 16 : index
        %get3A_746 = tpu.vector_load %arg7[%get3A_743, %get3A_744, %get3A_745] {strides = array<i32>} : memref<2x1600x32xf32, #tpu.memory_space<vmem>>, vector<1x1x16xf32>,
        %get3A_747 = vector.shape_cast %get3A_746 : vector<1x1x16xf32> to vector<16xf32>
        %add3A_748 = arith.addf %add3A_724, %get3A_747 : vector<16xf32>
        %scan3A_749 = arith.constant 3 : i32
        %scan3A_750 = arith.addi %scan3A_676, %scan3A_749 : i32
        %mul3A_751 = arith.constant 1 : i32
        %mul3A_752 = arith.muli %scan3A_750, %mul3A_751 : i32
        %add3A_753 = arith.constant 0 : i32
        %add3A_754 = arith.addi %add3A_753, %mul3A_752 : i32
        %add3A_755 = arith.constant 400 : i32
        %add3A_756 = arith.addi %add3A_755, %add3A_754 : i32
        %get3A_757 = arith.constant 1 : i32
        %get3A_758 = arith.index_cast %get3A_757 : i32 to index
        %get3A_759 = arith.index_cast %add3A_756 : i32 to index
        %get3A_760 = arith.constant 0 : index
        %get3A_761 = tpu.vector_load %arg7[%get3A_758, %get3A_759, %get3A_760] {strides = array<i32>} : memref<2x1600x32xf32, #tpu.memory_space<vmem>>, vector<1x1x16xf32>,
        %get3A_762 = vector.shape_cast %get3A_761 : vector<1x1x16xf32> to vector<16xf32>
        %add3A_763 = arith.addf %add3A_739, %get3A_762 : vector<16xf32>
        %add3A_764 = arith.constant 400 : i32
        %add3A_765 = arith.addi %add3A_764, %add3A_754 : i32
        %get3A_766 = arith.constant 1 : i32
        %get3A_767 = arith.index_cast %get3A_766 : i32 to index
        %get3A_768 = arith.index_cast %add3A_765 : i32 to index
        %get3A_769 = arith.constant 16 : index
        %get3A_770 = tpu.vector_load %arg7[%get3A_767, %get3A_768, %get3A_769] {strides = array<i32>} : memref<2x1600x32xf32, #tpu.memory_space<vmem>>, vector<1x1x16xf32>,
        %get3A_771 = vector.shape_cast %get3A_770 : vector<1x1x16xf32> to vector<16xf32>
        %add3A_772 = arith.addf %add3A_748, %get3A_771 : vector<16xf32>
        %scan3A_773 = arith.constant 4 : i32
        %scan3A_774 = arith.addi %scan3A_676, %scan3A_773 : i32
        %mul3A_775 = arith.constant 1 : i32
        %mul3A_776 = arith.muli %scan3A_774, %mul3A_775 : i32
        %add3A_777 = arith.constant 0 : i32
        %add3A_778 = arith.addi %add3A_777, %mul3A_776 : i32
        %add3A_779 = arith.constant 400 : i32
        %add3A_780 = arith.addi %add3A_779, %add3A_778 : i32
        %get3A_781 = arith.constant 1 : i32
        %get3A_782 = arith.index_cast %get3A_781 : i32 to index
        %get3A_783 = arith.index_cast %add3A_780 : i32 to index
        %get3A_784 = arith.constant 0 : index
        %get3A_785 = tpu.vector_load %arg7[%get3A_782, %get3A_783, %get3A_784] {strides = array<i32>} : memref<2x1600x32xf32, #tpu.memory_space<vmem>>, vector<1x1x16xf32>,
        %get3A_786 = vector.shape_cast %get3A_785 : vector<1x1x16xf32> to vector<16xf32>
        %add3A_787 = arith.addf %add3A_763, %get3A_786 : vector<16xf32>
        %add3A_788 = arith.constant 400 : i32
        %add3A_789 = arith.addi %add3A_788, %add3A_778 : i32
        %get3A_790 = arith.constant 1 : i32
        %get3A_791 = arith.index_cast %get3A_790 : i32 to index
        %get3A_792 = arith.index_cast %add3A_789 : i32 to index
        %get3A_793 = arith.constant 16 : index
        %get3A_794 = tpu.vector_load %arg7[%get3A_791, %get3A_792, %get3A_793] {strides = array<i32>} : memref<2x1600x32xf32, #tpu.memory_space<vmem>>, vector<1x1x16xf32>,
        %get3A_795 = vector.shape_cast %get3A_794 : vector<1x1x16xf32> to vector<16xf32>
        %add3A_796 = arith.addf %add3A_772, %get3A_795 : vector<16xf32>
        %scan3A_797 = arith.constant 5 : i32
        %scan3A_798 = arith.addi %scan3A_676, %scan3A_797 : i32
        %mul3A_799 = arith.constant 1 : i32
        %mul3A_800 = arith.muli %scan3A_798, %mul3A_799 : i32
        %add3A_801 = arith.constant 0 : i32
        %add3A_802 = arith.addi %add3A_801, %mul3A_800 : i32
        %add3A_803 = arith.constant 400 : i32
        %add3A_804 = arith.addi %add3A_803, %add3A_802 : i32
        %get3A_805 = arith.constant 1 : i32
        %get3A_806 = arith.index_cast %get3A_805 : i32 to index
        %get3A_807 = arith.index_cast %add3A_804 : i32 to index
        %get3A_808 = arith.constant 0 : index
        %get3A_809 = tpu.vector_load %arg7[%get3A_806, %get3A_807, %get3A_808] {strides = array<i32>} : memref<2x1600x32xf32, #tpu.memory_space<vmem>>, vector<1x1x16xf32>,
        %get3A_810 = vector.shape_cast %get3A_809 : vector<1x1x16xf32> to vector<16xf32>
        %add3A_811 = arith.addf %add3A_787, %get3A_810 : vector<16xf32>
        %add3A_812 = arith.constant 400 : i32
        %add3A_813 = arith.addi %add3A_812, %add3A_802 : i32
        %get3A_814 = arith.constant 1 : i32
        %get3A_815 = arith.index_cast %get3A_814 : i32 to index
        %get3A_816 = arith.index_cast %add3A_813 : i32 to index
        %get3A_817 = arith.constant 16 : index
        %get3A_818 = tpu.vector_load %arg7[%get3A_815, %get3A_816, %get3A_817] {strides = array<i32>} : memref<2x1600x32xf32, #tpu.memory_space<vmem>>, vector<1x1x16xf32>,
        %get3A_819 = vector.shape_cast %get3A_818 : vector<1x1x16xf32> to vector<16xf32>
        %add3A_820 = arith.addf %add3A_796, %get3A_819 : vector<16xf32>
        %scan3A_821 = arith.constant 6 : i32
        %scan3A_822 = arith.addi %scan3A_676, %scan3A_821 : i32
        %mul3A_823 = arith.constant 1 : i32
        %mul3A_824 = arith.muli %scan3A_822, %mul3A_823 : i32
        %add3A_825 = arith.constant 0 : i32
        %add3A_826 = arith.addi %add3A_825, %mul3A_824 : i32
        %add3A_827 = arith.constant 400 : i32
        %add3A_828 = arith.addi %add3A_827, %add3A_826 : i32
        %get3A_829 = arith.constant 1 : i32
        %get3A_830 = arith.index_cast %get3A_829 : i32 to index
        %get3A_831 = arith.index_cast %add3A_828 : i32 to index
        %get3A_832 = arith.constant 0 : index
        %get3A_833 = tpu.vector_load %arg7[%get3A_830, %get3A_831, %get3A_832] {strides = array<i32>} : memref<2x1600x32xf32, #tpu.memory_space<vmem>>, vector<1x1x16xf32>,
        %get3A_834 = vector.shape_cast %get3A_833 : vector<1x1x16xf32> to vector<16xf32>
        %add3A_835 = arith.addf %add3A_811, %get3A_834 : vector<16xf32>
        %add3A_836 = arith.constant 400 : i32
        %add3A_837 = arith.addi %add3A_836, %add3A_826 : i32
        %get3A_838 = arith.constant 1 : i32
        %get3A_839 = arith.index_cast %get3A_838 : i32 to index
        %get3A_840 = arith.index_cast %add3A_837 : i32 to index
        %get3A_841 = arith.constant 16 : index
        %get3A_842 = tpu.vector_load %arg7[%get3A_839, %get3A_840, %get3A_841] {strides = array<i32>} : memref<2x1600x32xf32, #tpu.memory_space<vmem>>, vector<1x1x16xf32>,
        %get3A_843 = vector.shape_cast %get3A_842 : vector<1x1x16xf32> to vector<16xf32>
        %add3A_844 = arith.addf %add3A_820, %get3A_843 : vector<16xf32>
        %scan3A_845 = arith.constant 7 : i32
        %scan3A_846 = arith.addi %scan3A_676, %scan3A_845 : i32
        %mul3A_847 = arith.constant 1 : i32
        %mul3A_848 = arith.muli %scan3A_846, %mul3A_847 : i32
        %add3A_849 = arith.constant 0 : i32
        %add3A_850 = arith.addi %add3A_849, %mul3A_848 : i32
        %add3A_851 = arith.constant 400 : i32
        %add3A_852 = arith.addi %add3A_851, %add3A_850 : i32
        %get3A_853 = arith.constant 1 : i32
        %get3A_854 = arith.index_cast %get3A_853 : i32 to index
        %get3A_855 = arith.index_cast %add3A_852 : i32 to index
        %get3A_856 = arith.constant 0 : index
        %get3A_857 = tpu.vector_load %arg7[%get3A_854, %get3A_855, %get3A_856] {strides = array<i32>} : memref<2x1600x32xf32, #tpu.memory_space<vmem>>, vector<1x1x16xf32>,
        %get3A_858 = vector.shape_cast %get3A_857 : vector<1x1x16xf32> to vector<16xf32>
        %add3A_859 = arith.addf %add3A_835, %get3A_858 : vector<16xf32>
        %add3A_860 = arith.constant 400 : i32
        %add3A_861 = arith.addi %add3A_860, %add3A_850 : i32
        %get3A_862 = arith.constant 1 : i32
        %get3A_863 = arith.index_cast %get3A_862 : i32 to index
        %get3A_864 = arith.index_cast %add3A_861 : i32 to index
        %get3A_865 = arith.constant 16 : index
        %get3A_866 = tpu.vector_load %arg7[%get3A_863, %get3A_864, %get3A_865] {strides = array<i32>} : memref<2x1600x32xf32, #tpu.memory_space<vmem>>, vector<1x1x16xf32>,
        %get3A_867 = vector.shape_cast %get3A_866 : vector<1x1x16xf32> to vector<16xf32>
        %add3A_868 = arith.addf %add3A_844, %get3A_867 : vector<16xf32>
        scf.yield %add3A_859, %add3A_868 : vector<16xf32>, vector<16xf32>
      }
      %scan3A_533 = arith.constant 200 : i32
      %swap3A_534 = arith.constant 1 : i32
      %swap3A_535 = arith.constant 2 : i32
      %swap3A_536 = arith.index_cast %swap3A_534 : i32 to index
      %swap3A_537 = arith.index_cast %swap3A_535 : i32 to index
      %swap3A_538 = arith.constant 0 : index
      %swap3A_539 = tpu.vector_load %arg8[%swap3A_536, %swap3A_537, %swap3A_538] {strides = array<i32>} : memref<2x8x32xf32, #tpu.memory_space<vmem>>, vector<1x1x16xf32>,
      %swap3A_540 = vector.shape_cast %swap3A_539 : vector<1x1x16xf32> to vector<16xf32>
      %swap3A_541 = vector.shape_cast %scan3A_532#0 : vector<16xf32> to vector<1x1x16xf32>
      tpu.vector_store %arg8[%swap3A_536, %swap3A_537, %swap3A_538], %swap3A_541 {strides = array<i32>} : memref<2x8x32xf32, #tpu.memory_space<vmem>>, vector<1x1x16xf32>,
      %swap3A_542 = arith.constant 1 : i32
      %swap3A_543 = arith.constant 2 : i32
      %swap3A_544 = arith.index_cast %swap3A_542 : i32 to index
      %swap3A_545 = arith.index_cast %swap3A_543 : i32 to index
      %swap3A_546 = arith.constant 16 : index
      %swap3A_547 = tpu.vector_load %arg8[%swap3A_544, %swap3A_545, %swap3A_546] {strides = array<i32>} : memref<2x8x32xf32, #tpu.memory_space<vmem>>, vector<1x1x16xf32>,
      %swap3A_548 = vector.shape_cast %swap3A_547 : vector<1x1x16xf32> to vector<16xf32>
      %swap3A_549 = vector.shape_cast %scan3A_532#1 : vector<16xf32> to vector<1x1x16xf32>
      tpu.vector_store %arg8[%swap3A_544, %swap3A_545, %swap3A_546], %swap3A_549 {strides = array<i32>} : memref<2x8x32xf32, #tpu.memory_space<vmem>>, vector<1x1x16xf32>,
      %scan3A_550 = arith.constant 0 : i32
      %scan3A_551 = arith.constant 200 : i32
      %scan3A_552 = arith.addi %scan3A_550, %scan3A_551 : i32
      %scan3A_553 = arith.constant 8 : i32
      %scan3A_554:2 = scf.for %scan3A_676 = %scan3A_550 to %scan3A_552 step %scan3A_553 iter_args(%scan3A_677 = %get3A_4, %scan3A_678 = %get3A_7) -> (vector<16xf32>, vector<16xf32>)  : i32 {
        %mul3A_679 = arith.constant 1 : i32
        %mul3A_680 = arith.muli %scan3A_676, %mul3A_679 : i32
        %add3A_681 = arith.constant 0 : i32
        %add3A_682 = arith.addi %add3A_681, %mul3A_680 : i32
        %add3A_683 = arith.constant 600 : i32
        %add3A_684 = arith.addi %add3A_683, %add3A_682 : i32
        %get3A_685 = arith.constant 1 : i32
        %get3A_686 = arith.index_cast %get3A_685 : i32 to index
        %get3A_687 = arith.index_cast %add3A_684 : i32 to index
        %get3A_688 = arith.constant 0 : index
        %get3A_689 = tpu.vector_load %arg7[%get3A_686, %get3A_687, %get3A_688] {strides = array<i32>} : memref<2x1600x32xf32, #tpu.memory_space<vmem>>, vector<1x1x16xf32>,
        %get3A_690 = vector.shape_cast %get3A_689 : vector<1x1x16xf32> to vector<16xf32>
        %add3A_691 = arith.addf %scan3A_677, %get3A_690 : vector<16xf32>
        %add3A_692 = arith.constant 600 : i32
        %add3A_693 = arith.addi %add3A_692, %add3A_682 : i32
        %get3A_694 = arith.constant 1 : i32
        %get3A_695 = arith.index_cast %get3A_694 : i32 to index
        %get3A_696 = arith.index_cast %add3A_693 : i32 to index
        %get3A_697 = arith.constant 16 : index
        %get3A_698 = tpu.vector_load %arg7[%get3A_695, %get3A_696, %get3A_697] {strides = array<i32>} : memref<2x1600x32xf32, #tpu.memory_space<vmem>>, vector<1x1x16xf32>,
        %get3A_699 = vector.shape_cast %get3A_698 : vector<1x1x16xf32> to vector<16xf32>
        %add3A_700 = arith.addf %scan3A_678, %get3A_699 : vector<16xf32>
        %scan3A_701 = arith.constant 1 : i32
        %scan3A_702 = arith.addi %scan3A_676, %scan3A_701 : i32
        %mul3A_703 = arith.constant 1 : i32
        %mul3A_704 = arith.muli %scan3A_702, %mul3A_703 : i32
        %add3A_705 = arith.constant 0 : i32
        %add3A_706 = arith.addi %add3A_705, %mul3A_704 : i32
        %add3A_707 = arith.constant 600 : i32
        %add3A_708 = arith.addi %add3A_707, %add3A_706 : i32
        %get3A_709 = arith.constant 1 : i32
        %get3A_710 = arith.index_cast %get3A_709 : i32 to index
        %get3A_711 = arith.index_cast %add3A_708 : i32 to index
        %get3A_712 = arith.constant 0 : index
        %get3A_713 = tpu.vector_load %arg7[%get3A_710, %get3A_711, %get3A_712] {strides = array<i32>} : memref<2x1600x32xf32, #tpu.memory_space<vmem>>, vector<1x1x16xf32>,
        %get3A_714 = vector.shape_cast %get3A_713 : vector<1x1x16xf32> to vector<16xf32>
        %add3A_715 = arith.addf %add3A_691, %get3A_714 : vector<16xf32>
        %add3A_716 = arith.constant 600 : i32
        %add3A_717 = arith.addi %add3A_716, %add3A_706 : i32
        %get3A_718 = arith.constant 1 : i32
        %get3A_719 = arith.index_cast %get3A_718 : i32 to index
        %get3A_720 = arith.index_cast %add3A_717 : i32 to index
        %get3A_721 = arith.constant 16 : index
        %get3A_722 = tpu.vector_load %arg7[%get3A_719, %get3A_720, %get3A_721] {strides = array<i32>} : memref<2x1600x32xf32, #tpu.memory_space<vmem>>, vector<1x1x16xf32>,
        %get3A_723 = vector.shape_cast %get3A_722 : vector<1x1x16xf32> to vector<16xf32>
        %add3A_724 = arith.addf %add3A_700, %get3A_723 : vector<16xf32>
        %scan3A_725 = arith.constant 2 : i32
        %scan3A_726 = arith.addi %scan3A_676, %scan3A_725 : i32
        %mul3A_727 = arith.constant 1 : i32
        %mul3A_728 = arith.muli %scan3A_726, %mul3A_727 : i32
        %add3A_729 = arith.constant 0 : i32
        %add3A_730 = arith.addi %add3A_729, %mul3A_728 : i32
        %add3A_731 = arith.constant 600 : i32
        %add3A_732 = arith.addi %add3A_731, %add3A_730 : i32
        %get3A_733 = arith.constant 1 : i32
        %get3A_734 = arith.index_cast %get3A_733 : i32 to index
        %get3A_735 = arith.index_cast %add3A_732 : i32 to index
        %get3A_736 = arith.constant 0 : index
        %get3A_737 = tpu.vector_load %arg7[%get3A_734, %get3A_735, %get3A_736] {strides = array<i32>} : memref<2x1600x32xf32, #tpu.memory_space<vmem>>, vector<1x1x16xf32>,
        %get3A_738 = vector.shape_cast %get3A_737 : vector<1x1x16xf32> to vector<16xf32>
        %add3A_739 = arith.addf %add3A_715, %get3A_738 : vector<16xf32>
        %add3A_740 = arith.constant 600 : i32
        %add3A_741 = arith.addi %add3A_740, %add3A_730 : i32
        %get3A_742 = arith.constant 1 : i32
        %get3A_743 = arith.index_cast %get3A_742 : i32 to index
        %get3A_744 = arith.index_cast %add3A_741 : i32 to index
        %get3A_745 = arith.constant 16 : index
        %get3A_746 = tpu.vector_load %arg7[%get3A_743, %get3A_744, %get3A_745] {strides = array<i32>} : memref<2x1600x32xf32, #tpu.memory_space<vmem>>, vector<1x1x16xf32>,
        %get3A_747 = vector.shape_cast %get3A_746 : vector<1x1x16xf32> to vector<16xf32>
        %add3A_748 = arith.addf %add3A_724, %get3A_747 : vector<16xf32>
        %scan3A_749 = arith.constant 3 : i32
        %scan3A_750 = arith.addi %scan3A_676, %scan3A_749 : i32
        %mul3A_751 = arith.constant 1 : i32
        %mul3A_752 = arith.muli %scan3A_750, %mul3A_751 : i32
        %add3A_753 = arith.constant 0 : i32
        %add3A_754 = arith.addi %add3A_753, %mul3A_752 : i32
        %add3A_755 = arith.constant 600 : i32
        %add3A_756 = arith.addi %add3A_755, %add3A_754 : i32
        %get3A_757 = arith.constant 1 : i32
        %get3A_758 = arith.index_cast %get3A_757 : i32 to index
        %get3A_759 = arith.index_cast %add3A_756 : i32 to index
        %get3A_760 = arith.constant 0 : index
        %get3A_761 = tpu.vector_load %arg7[%get3A_758, %get3A_759, %get3A_760] {strides = array<i32>} : memref<2x1600x32xf32, #tpu.memory_space<vmem>>, vector<1x1x16xf32>,
        %get3A_762 = vector.shape_cast %get3A_761 : vector<1x1x16xf32> to vector<16xf32>
        %add3A_763 = arith.addf %add3A_739, %get3A_762 : vector<16xf32>
        %add3A_764 = arith.constant 600 : i32
        %add3A_765 = arith.addi %add3A_764, %add3A_754 : i32
        %get3A_766 = arith.constant 1 : i32
        %get3A_767 = arith.index_cast %get3A_766 : i32 to index
        %get3A_768 = arith.index_cast %add3A_765 : i32 to index
        %get3A_769 = arith.constant 16 : index
        %get3A_770 = tpu.vector_load %arg7[%get3A_767, %get3A_768, %get3A_769] {strides = array<i32>} : memref<2x1600x32xf32, #tpu.memory_space<vmem>>, vector<1x1x16xf32>,
        %get3A_771 = vector.shape_cast %get3A_770 : vector<1x1x16xf32> to vector<16xf32>
        %add3A_772 = arith.addf %add3A_748, %get3A_771 : vector<16xf32>
        %scan3A_773 = arith.constant 4 : i32
        %scan3A_774 = arith.addi %scan3A_676, %scan3A_773 : i32
        %mul3A_775 = arith.constant 1 : i32
        %mul3A_776 = arith.muli %scan3A_774, %mul3A_775 : i32
        %add3A_777 = arith.constant 0 : i32
        %add3A_778 = arith.addi %add3A_777, %mul3A_776 : i32
        %add3A_779 = arith.constant 600 : i32
        %add3A_780 = arith.addi %add3A_779, %add3A_778 : i32
        %get3A_781 = arith.constant 1 : i32
        %get3A_782 = arith.index_cast %get3A_781 : i32 to index
        %get3A_783 = arith.index_cast %add3A_780 : i32 to index
        %get3A_784 = arith.constant 0 : index
        %get3A_785 = tpu.vector_load %arg7[%get3A_782, %get3A_783, %get3A_784] {strides = array<i32>} : memref<2x1600x32xf32, #tpu.memory_space<vmem>>, vector<1x1x16xf32>,
        %get3A_786 = vector.shape_cast %get3A_785 : vector<1x1x16xf32> to vector<16xf32>
        %add3A_787 = arith.addf %add3A_763, %get3A_786 : vector<16xf32>
        %add3A_788 = arith.constant 600 : i32
        %add3A_789 = arith.addi %add3A_788, %add3A_778 : i32
        %get3A_790 = arith.constant 1 : i32
        %get3A_791 = arith.index_cast %get3A_790 : i32 to index
        %get3A_792 = arith.index_cast %add3A_789 : i32 to index
        %get3A_793 = arith.constant 16 : index
        %get3A_794 = tpu.vector_load %arg7[%get3A_791, %get3A_792, %get3A_793] {strides = array<i32>} : memref<2x1600x32xf32, #tpu.memory_space<vmem>>, vector<1x1x16xf32>,
        %get3A_795 = vector.shape_cast %get3A_794 : vector<1x1x16xf32> to vector<16xf32>
        %add3A_796 = arith.addf %add3A_772, %get3A_795 : vector<16xf32>
        %scan3A_797 = arith.constant 5 : i32
        %scan3A_798 = arith.addi %scan3A_676, %scan3A_797 : i32
        %mul3A_799 = arith.constant 1 : i32
        %mul3A_800 = arith.muli %scan3A_798, %mul3A_799 : i32
        %add3A_801 = arith.constant 0 : i32
        %add3A_802 = arith.addi %add3A_801, %mul3A_800 : i32
        %add3A_803 = arith.constant 600 : i32
        %add3A_804 = arith.addi %add3A_803, %add3A_802 : i32
        %get3A_805 = arith.constant 1 : i32
        %get3A_806 = arith.index_cast %get3A_805 : i32 to index
        %get3A_807 = arith.index_cast %add3A_804 : i32 to index
        %get3A_808 = arith.constant 0 : index
        %get3A_809 = tpu.vector_load %arg7[%get3A_806, %get3A_807, %get3A_808] {strides = array<i32>} : memref<2x1600x32xf32, #tpu.memory_space<vmem>>, vector<1x1x16xf32>,
        %get3A_810 = vector.shape_cast %get3A_809 : vector<1x1x16xf32> to vector<16xf32>
        %add3A_811 = arith.addf %add3A_787, %get3A_810 : vector<16xf32>
        %add3A_812 = arith.constant 600 : i32
        %add3A_813 = arith.addi %add3A_812, %add3A_802 : i32
        %get3A_814 = arith.constant 1 : i32
        %get3A_815 = arith.index_cast %get3A_814 : i32 to index
        %get3A_816 = arith.index_cast %add3A_813 : i32 to index
        %get3A_817 = arith.constant 16 : index
        %get3A_818 = tpu.vector_load %arg7[%get3A_815, %get3A_816, %get3A_817] {strides = array<i32>} : memref<2x1600x32xf32, #tpu.memory_space<vmem>>, vector<1x1x16xf32>,
        %get3A_819 = vector.shape_cast %get3A_818 : vector<1x1x16xf32> to vector<16xf32>
        %add3A_820 = arith.addf %add3A_796, %get3A_819 : vector<16xf32>
        %scan3A_821 = arith.constant 6 : i32
        %scan3A_822 = arith.addi %scan3A_676, %scan3A_821 : i32
        %mul3A_823 = arith.constant 1 : i32
        %mul3A_824 = arith.muli %scan3A_822, %mul3A_823 : i32
        %add3A_825 = arith.constant 0 : i32
        %add3A_826 = arith.addi %add3A_825, %mul3A_824 : i32
        %add3A_827 = arith.constant 600 : i32
        %add3A_828 = arith.addi %add3A_827, %add3A_826 : i32
        %get3A_829 = arith.constant 1 : i32
        %get3A_830 = arith.index_cast %get3A_829 : i32 to index
        %get3A_831 = arith.index_cast %add3A_828 : i32 to index
        %get3A_832 = arith.constant 0 : index
        %get3A_833 = tpu.vector_load %arg7[%get3A_830, %get3A_831, %get3A_832] {strides = array<i32>} : memref<2x1600x32xf32, #tpu.memory_space<vmem>>, vector<1x1x16xf32>,
        %get3A_834 = vector.shape_cast %get3A_833 : vector<1x1x16xf32> to vector<16xf32>
        %add3A_835 = arith.addf %add3A_811, %get3A_834 : vector<16xf32>
        %add3A_836 = arith.constant 600 : i32
        %add3A_837 = arith.addi %add3A_836, %add3A_826 : i32
        %get3A_838 = arith.constant 1 : i32
        %get3A_839 = arith.index_cast %get3A_838 : i32 to index
        %get3A_840 = arith.index_cast %add3A_837 : i32 to index
        %get3A_841 = arith.constant 16 : index
        %get3A_842 = tpu.vector_load %arg7[%get3A_839, %get3A_840, %get3A_841] {strides = array<i32>} : memref<2x1600x32xf32, #tpu.memory_space<vmem>>, vector<1x1x16xf32>,
        %get3A_843 = vector.shape_cast %get3A_842 : vector<1x1x16xf32> to vector<16xf32>
        %add3A_844 = arith.addf %add3A_820, %get3A_843 : vector<16xf32>
        %scan3A_845 = arith.constant 7 : i32
        %scan3A_846 = arith.addi %scan3A_676, %scan3A_845 : i32
        %mul3A_847 = arith.constant 1 : i32
        %mul3A_848 = arith.muli %scan3A_846, %mul3A_847 : i32
        %add3A_849 = arith.constant 0 : i32
        %add3A_850 = arith.addi %add3A_849, %mul3A_848 : i32
        %add3A_851 = arith.constant 600 : i32
        %add3A_852 = arith.addi %add3A_851, %add3A_850 : i32
        %get3A_853 = arith.constant 1 : i32
        %get3A_854 = arith.index_cast %get3A_853 : i32 to index
        %get3A_855 = arith.index_cast %add3A_852 : i32 to index
        %get3A_856 = arith.constant 0 : index
        %get3A_857 = tpu.vector_load %arg7[%get3A_854, %get3A_855, %get3A_856] {strides = array<i32>} : memref<2x1600x32xf32, #tpu.memory_space<vmem>>, vector<1x1x16xf32>,
        %get3A_858 = vector.shape_cast %get3A_857 : vector<1x1x16xf32> to vector<16xf32>
        %add3A_859 = arith.addf %add3A_835, %get3A_858 : vector<16xf32>
        %add3A_860 = arith.constant 600 : i32
        %add3A_861 = arith.addi %add3A_860, %add3A_850 : i32
        %get3A_862 = arith.constant 1 : i32
        %get3A_863 = arith.index_cast %get3A_862 : i32 to index
        %get3A_864 = arith.index_cast %add3A_861 : i32 to index
        %get3A_865 = arith.constant 16 : index
        %get3A_866 = tpu.vector_load %arg7[%get3A_863, %get3A_864, %get3A_865] {strides = array<i32>} : memref<2x1600x32xf32, #tpu.memory_space<vmem>>, vector<1x1x16xf32>,
        %get3A_867 = vector.shape_cast %get3A_866 : vector<1x1x16xf32> to vector<16xf32>
        %add3A_868 = arith.addf %add3A_844, %get3A_867 : vector<16xf32>
        scf.yield %add3A_859, %add3A_868 : vector<16xf32>, vector<16xf32>
      }
      %scan3A_555 = arith.constant 200 : i32
      %swap3A_556 = arith.constant 1 : i32
      %swap3A_557 = arith.constant 3 : i32
      %swap3A_558 = arith.index_cast %swap3A_556 : i32 to index
      %swap3A_559 = arith.index_cast %swap3A_557 : i32 to index
      %swap3A_560 = arith.constant 0 : index
      %swap3A_561 = tpu.vector_load %arg8[%swap3A_558, %swap3A_559, %swap3A_560] {strides = array<i32>} : memref<2x8x32xf32, #tpu.memory_space<vmem>>, vector<1x1x16xf32>,
      %swap3A_562 = vector.shape_cast %swap3A_561 : vector<1x1x16xf32> to vector<16xf32>
      %swap3A_563 = vector.shape_cast %scan3A_554#0 : vector<16xf32> to vector<1x1x16xf32>
      tpu.vector_store %arg8[%swap3A_558, %swap3A_559, %swap3A_560], %swap3A_563 {strides = array<i32>} : memref<2x8x32xf32, #tpu.memory_space<vmem>>, vector<1x1x16xf32>,
      %swap3A_564 = arith.constant 1 : i32
      %swap3A_565 = arith.constant 3 : i32
      %swap3A_566 = arith.index_cast %swap3A_564 : i32 to index
      %swap3A_567 = arith.index_cast %swap3A_565 : i32 to index
      %swap3A_568 = arith.constant 16 : index
      %swap3A_569 = tpu.vector_load %arg8[%swap3A_566, %swap3A_567, %swap3A_568] {strides = array<i32>} : memref<2x8x32xf32, #tpu.memory_space<vmem>>, vector<1x1x16xf32>,
      %swap3A_570 = vector.shape_cast %swap3A_569 : vector<1x1x16xf32> to vector<16xf32>
      %swap3A_571 = vector.shape_cast %scan3A_554#1 : vector<16xf32> to vector<1x1x16xf32>
      tpu.vector_store %arg8[%swap3A_566, %swap3A_567, %swap3A_568], %swap3A_571 {strides = array<i32>} : memref<2x8x32xf32, #tpu.memory_space<vmem>>, vector<1x1x16xf32>,
      %scan3A_572 = arith.constant 0 : i32
      %scan3A_573 = arith.constant 200 : i32
      %scan3A_574 = arith.addi %scan3A_572, %scan3A_573 : i32
      %scan3A_575 = arith.constant 8 : i32
      %scan3A_576:2 = scf.for %scan3A_676 = %scan3A_572 to %scan3A_574 step %scan3A_575 iter_args(%scan3A_677 = %get3A_4, %scan3A_678 = %get3A_7) -> (vector<16xf32>, vector<16xf32>)  : i32 {
        %mul3A_679 = arith.constant 1 : i32
        %mul3A_680 = arith.muli %scan3A_676, %mul3A_679 : i32
        %add3A_681 = arith.constant 0 : i32
        %add3A_682 = arith.addi %add3A_681, %mul3A_680 : i32
        %add3A_683 = arith.constant 800 : i32
        %add3A_684 = arith.addi %add3A_683, %add3A_682 : i32
        %get3A_685 = arith.constant 1 : i32
        %get3A_686 = arith.index_cast %get3A_685 : i32 to index
        %get3A_687 = arith.index_cast %add3A_684 : i32 to index
        %get3A_688 = arith.constant 0 : index
        %get3A_689 = tpu.vector_load %arg7[%get3A_686, %get3A_687, %get3A_688] {strides = array<i32>} : memref<2x1600x32xf32, #tpu.memory_space<vmem>>, vector<1x1x16xf32>,
        %get3A_690 = vector.shape_cast %get3A_689 : vector<1x1x16xf32> to vector<16xf32>
        %add3A_691 = arith.addf %scan3A_677, %get3A_690 : vector<16xf32>
        %add3A_692 = arith.constant 800 : i32
        %add3A_693 = arith.addi %add3A_692, %add3A_682 : i32
        %get3A_694 = arith.constant 1 : i32
        %get3A_695 = arith.index_cast %get3A_694 : i32 to index
        %get3A_696 = arith.index_cast %add3A_693 : i32 to index
        %get3A_697 = arith.constant 16 : index
        %get3A_698 = tpu.vector_load %arg7[%get3A_695, %get3A_696, %get3A_697] {strides = array<i32>} : memref<2x1600x32xf32, #tpu.memory_space<vmem>>, vector<1x1x16xf32>,
        %get3A_699 = vector.shape_cast %get3A_698 : vector<1x1x16xf32> to vector<16xf32>
        %add3A_700 = arith.addf %scan3A_678, %get3A_699 : vector<16xf32>
        %scan3A_701 = arith.constant 1 : i32
        %scan3A_702 = arith.addi %scan3A_676, %scan3A_701 : i32
        %mul3A_703 = arith.constant 1 : i32
        %mul3A_704 = arith.muli %scan3A_702, %mul3A_703 : i32
        %add3A_705 = arith.constant 0 : i32
        %add3A_706 = arith.addi %add3A_705, %mul3A_704 : i32
        %add3A_707 = arith.constant 800 : i32
        %add3A_708 = arith.addi %add3A_707, %add3A_706 : i32
        %get3A_709 = arith.constant 1 : i32
        %get3A_710 = arith.index_cast %get3A_709 : i32 to index
        %get3A_711 = arith.index_cast %add3A_708 : i32 to index
        %get3A_712 = arith.constant 0 : index
        %get3A_713 = tpu.vector_load %arg7[%get3A_710, %get3A_711, %get3A_712] {strides = array<i32>} : memref<2x1600x32xf32, #tpu.memory_space<vmem>>, vector<1x1x16xf32>,
        %get3A_714 = vector.shape_cast %get3A_713 : vector<1x1x16xf32> to vector<16xf32>
        %add3A_715 = arith.addf %add3A_691, %get3A_714 : vector<16xf32>
        %add3A_716 = arith.constant 800 : i32
        %add3A_717 = arith.addi %add3A_716, %add3A_706 : i32
        %get3A_718 = arith.constant 1 : i32
        %get3A_719 = arith.index_cast %get3A_718 : i32 to index
        %get3A_720 = arith.index_cast %add3A_717 : i32 to index
        %get3A_721 = arith.constant 16 : index
        %get3A_722 = tpu.vector_load %arg7[%get3A_719, %get3A_720, %get3A_721] {strides = array<i32>} : memref<2x1600x32xf32, #tpu.memory_space<vmem>>, vector<1x1x16xf32>,
        %get3A_723 = vector.shape_cast %get3A_722 : vector<1x1x16xf32> to vector<16xf32>
        %add3A_724 = arith.addf %add3A_700, %get3A_723 : vector<16xf32>
        %scan3A_725 = arith.constant 2 : i32
        %scan3A_726 = arith.addi %scan3A_676, %scan3A_725 : i32
        %mul3A_727 = arith.constant 1 : i32
        %mul3A_728 = arith.muli %scan3A_726, %mul3A_727 : i32
        %add3A_729 = arith.constant 0 : i32
        %add3A_730 = arith.addi %add3A_729, %mul3A_728 : i32
        %add3A_731 = arith.constant 800 : i32
        %add3A_732 = arith.addi %add3A_731, %add3A_730 : i32
        %get3A_733 = arith.constant 1 : i32
        %get3A_734 = arith.index_cast %get3A_733 : i32 to index
        %get3A_735 = arith.index_cast %add3A_732 : i32 to index
        %get3A_736 = arith.constant 0 : index
        %get3A_737 = tpu.vector_load %arg7[%get3A_734, %get3A_735, %get3A_736] {strides = array<i32>} : memref<2x1600x32xf32, #tpu.memory_space<vmem>>, vector<1x1x16xf32>,
        %get3A_738 = vector.shape_cast %get3A_737 : vector<1x1x16xf32> to vector<16xf32>
        %add3A_739 = arith.addf %add3A_715, %get3A_738 : vector<16xf32>
        %add3A_740 = arith.constant 800 : i32
        %add3A_741 = arith.addi %add3A_740, %add3A_730 : i32
        %get3A_742 = arith.constant 1 : i32
        %get3A_743 = arith.index_cast %get3A_742 : i32 to index
        %get3A_744 = arith.index_cast %add3A_741 : i32 to index
        %get3A_745 = arith.constant 16 : index
        %get3A_746 = tpu.vector_load %arg7[%get3A_743, %get3A_744, %get3A_745] {strides = array<i32>} : memref<2x1600x32xf32, #tpu.memory_space<vmem>>, vector<1x1x16xf32>,
        %get3A_747 = vector.shape_cast %get3A_746 : vector<1x1x16xf32> to vector<16xf32>
        %add3A_748 = arith.addf %add3A_724, %get3A_747 : vector<16xf32>
        %scan3A_749 = arith.constant 3 : i32
        %scan3A_750 = arith.addi %scan3A_676, %scan3A_749 : i32
        %mul3A_751 = arith.constant 1 : i32
        %mul3A_752 = arith.muli %scan3A_750, %mul3A_751 : i32
        %add3A_753 = arith.constant 0 : i32
        %add3A_754 = arith.addi %add3A_753, %mul3A_752 : i32
        %add3A_755 = arith.constant 800 : i32
        %add3A_756 = arith.addi %add3A_755, %add3A_754 : i32
        %get3A_757 = arith.constant 1 : i32
        %get3A_758 = arith.index_cast %get3A_757 : i32 to index
        %get3A_759 = arith.index_cast %add3A_756 : i32 to index
        %get3A_760 = arith.constant 0 : index
        %get3A_761 = tpu.vector_load %arg7[%get3A_758, %get3A_759, %get3A_760] {strides = array<i32>} : memref<2x1600x32xf32, #tpu.memory_space<vmem>>, vector<1x1x16xf32>,
        %get3A_762 = vector.shape_cast %get3A_761 : vector<1x1x16xf32> to vector<16xf32>
        %add3A_763 = arith.addf %add3A_739, %get3A_762 : vector<16xf32>
        %add3A_764 = arith.constant 800 : i32
        %add3A_765 = arith.addi %add3A_764, %add3A_754 : i32
        %get3A_766 = arith.constant 1 : i32
        %get3A_767 = arith.index_cast %get3A_766 : i32 to index
        %get3A_768 = arith.index_cast %add3A_765 : i32 to index
        %get3A_769 = arith.constant 16 : index
        %get3A_770 = tpu.vector_load %arg7[%get3A_767, %get3A_768, %get3A_769] {strides = array<i32>} : memref<2x1600x32xf32, #tpu.memory_space<vmem>>, vector<1x1x16xf32>,
        %get3A_771 = vector.shape_cast %get3A_770 : vector<1x1x16xf32> to vector<16xf32>
        %add3A_772 = arith.addf %add3A_748, %get3A_771 : vector<16xf32>
        %scan3A_773 = arith.constant 4 : i32
        %scan3A_774 = arith.addi %scan3A_676, %scan3A_773 : i32
        %mul3A_775 = arith.constant 1 : i32
        %mul3A_776 = arith.muli %scan3A_774, %mul3A_775 : i32
        %add3A_777 = arith.constant 0 : i32
        %add3A_778 = arith.addi %add3A_777, %mul3A_776 : i32
        %add3A_779 = arith.constant 800 : i32
        %add3A_780 = arith.addi %add3A_779, %add3A_778 : i32
        %get3A_781 = arith.constant 1 : i32
        %get3A_782 = arith.index_cast %get3A_781 : i32 to index
        %get3A_783 = arith.index_cast %add3A_780 : i32 to index
        %get3A_784 = arith.constant 0 : index
        %get3A_785 = tpu.vector_load %arg7[%get3A_782, %get3A_783, %get3A_784] {strides = array<i32>} : memref<2x1600x32xf32, #tpu.memory_space<vmem>>, vector<1x1x16xf32>,
        %get3A_786 = vector.shape_cast %get3A_785 : vector<1x1x16xf32> to vector<16xf32>
        %add3A_787 = arith.addf %add3A_763, %get3A_786 : vector<16xf32>
        %add3A_788 = arith.constant 800 : i32
        %add3A_789 = arith.addi %add3A_788, %add3A_778 : i32
        %get3A_790 = arith.constant 1 : i32
        %get3A_791 = arith.index_cast %get3A_790 : i32 to index
        %get3A_792 = arith.index_cast %add3A_789 : i32 to index
        %get3A_793 = arith.constant 16 : index
        %get3A_794 = tpu.vector_load %arg7[%get3A_791, %get3A_792, %get3A_793] {strides = array<i32>} : memref<2x1600x32xf32, #tpu.memory_space<vmem>>, vector<1x1x16xf32>,
        %get3A_795 = vector.shape_cast %get3A_794 : vector<1x1x16xf32> to vector<16xf32>
        %add3A_796 = arith.addf %add3A_772, %get3A_795 : vector<16xf32>
        %scan3A_797 = arith.constant 5 : i32
        %scan3A_798 = arith.addi %scan3A_676, %scan3A_797 : i32
        %mul3A_799 = arith.constant 1 : i32
        %mul3A_800 = arith.muli %scan3A_798, %mul3A_799 : i32
        %add3A_801 = arith.constant 0 : i32
        %add3A_802 = arith.addi %add3A_801, %mul3A_800 : i32
        %add3A_803 = arith.constant 800 : i32
        %add3A_804 = arith.addi %add3A_803, %add3A_802 : i32
        %get3A_805 = arith.constant 1 : i32
        %get3A_806 = arith.index_cast %get3A_805 : i32 to index
        %get3A_807 = arith.index_cast %add3A_804 : i32 to index
        %get3A_808 = arith.constant 0 : index
        %get3A_809 = tpu.vector_load %arg7[%get3A_806, %get3A_807, %get3A_808] {strides = array<i32>} : memref<2x1600x32xf32, #tpu.memory_space<vmem>>, vector<1x1x16xf32>,
        %get3A_810 = vector.shape_cast %get3A_809 : vector<1x1x16xf32> to vector<16xf32>
        %add3A_811 = arith.addf %add3A_787, %get3A_810 : vector<16xf32>
        %add3A_812 = arith.constant 800 : i32
        %add3A_813 = arith.addi %add3A_812, %add3A_802 : i32
        %get3A_814 = arith.constant 1 : i32
        %get3A_815 = arith.index_cast %get3A_814 : i32 to index
        %get3A_816 = arith.index_cast %add3A_813 : i32 to index
        %get3A_817 = arith.constant 16 : index
        %get3A_818 = tpu.vector_load %arg7[%get3A_815, %get3A_816, %get3A_817] {strides = array<i32>} : memref<2x1600x32xf32, #tpu.memory_space<vmem>>, vector<1x1x16xf32>,
        %get3A_819 = vector.shape_cast %get3A_818 : vector<1x1x16xf32> to vector<16xf32>
        %add3A_820 = arith.addf %add3A_796, %get3A_819 : vector<16xf32>
        %scan3A_821 = arith.constant 6 : i32
        %scan3A_822 = arith.addi %scan3A_676, %scan3A_821 : i32
        %mul3A_823 = arith.constant 1 : i32
        %mul3A_824 = arith.muli %scan3A_822, %mul3A_823 : i32
        %add3A_825 = arith.constant 0 : i32
        %add3A_826 = arith.addi %add3A_825, %mul3A_824 : i32
        %add3A_827 = arith.constant 800 : i32
        %add3A_828 = arith.addi %add3A_827, %add3A_826 : i32
        %get3A_829 = arith.constant 1 : i32
        %get3A_830 = arith.index_cast %get3A_829 : i32 to index
        %get3A_831 = arith.index_cast %add3A_828 : i32 to index
        %get3A_832 = arith.constant 0 : index
        %get3A_833 = tpu.vector_load %arg7[%get3A_830, %get3A_831, %get3A_832] {strides = array<i32>} : memref<2x1600x32xf32, #tpu.memory_space<vmem>>, vector<1x1x16xf32>,
        %get3A_834 = vector.shape_cast %get3A_833 : vector<1x1x16xf32> to vector<16xf32>
        %add3A_835 = arith.addf %add3A_811, %get3A_834 : vector<16xf32>
        %add3A_836 = arith.constant 800 : i32
        %add3A_837 = arith.addi %add3A_836, %add3A_826 : i32
        %get3A_838 = arith.constant 1 : i32
        %get3A_839 = arith.index_cast %get3A_838 : i32 to index
        %get3A_840 = arith.index_cast %add3A_837 : i32 to index
        %get3A_841 = arith.constant 16 : index
        %get3A_842 = tpu.vector_load %arg7[%get3A_839, %get3A_840, %get3A_841] {strides = array<i32>} : memref<2x1600x32xf32, #tpu.memory_space<vmem>>, vector<1x1x16xf32>,
        %get3A_843 = vector.shape_cast %get3A_842 : vector<1x1x16xf32> to vector<16xf32>
        %add3A_844 = arith.addf %add3A_820, %get3A_843 : vector<16xf32>
        %scan3A_845 = arith.constant 7 : i32
        %scan3A_846 = arith.addi %scan3A_676, %scan3A_845 : i32
        %mul3A_847 = arith.constant 1 : i32
        %mul3A_848 = arith.muli %scan3A_846, %mul3A_847 : i32
        %add3A_849 = arith.constant 0 : i32
        %add3A_850 = arith.addi %add3A_849, %mul3A_848 : i32
        %add3A_851 = arith.constant 800 : i32
        %add3A_852 = arith.addi %add3A_851, %add3A_850 : i32
        %get3A_853 = arith.constant 1 : i32
        %get3A_854 = arith.index_cast %get3A_853 : i32 to index
        %get3A_855 = arith.index_cast %add3A_852 : i32 to index
        %get3A_856 = arith.constant 0 : index
        %get3A_857 = tpu.vector_load %arg7[%get3A_854, %get3A_855, %get3A_856] {strides = array<i32>} : memref<2x1600x32xf32, #tpu.memory_space<vmem>>, vector<1x1x16xf32>,
        %get3A_858 = vector.shape_cast %get3A_857 : vector<1x1x16xf32> to vector<16xf32>
        %add3A_859 = arith.addf %add3A_835, %get3A_858 : vector<16xf32>
        %add3A_860 = arith.constant 800 : i32
        %add3A_861 = arith.addi %add3A_860, %add3A_850 : i32
        %get3A_862 = arith.constant 1 : i32
        %get3A_863 = arith.index_cast %get3A_862 : i32 to index
        %get3A_864 = arith.index_cast %add3A_861 : i32 to index
        %get3A_865 = arith.constant 16 : index
        %get3A_866 = tpu.vector_load %arg7[%get3A_863, %get3A_864, %get3A_865] {strides = array<i32>} : memref<2x1600x32xf32, #tpu.memory_space<vmem>>, vector<1x1x16xf32>,
        %get3A_867 = vector.shape_cast %get3A_866 : vector<1x1x16xf32> to vector<16xf32>
        %add3A_868 = arith.addf %add3A_844, %get3A_867 : vector<16xf32>
        scf.yield %add3A_859, %add3A_868 : vector<16xf32>, vector<16xf32>
      }
      %scan3A_577 = arith.constant 200 : i32
      %swap3A_578 = arith.constant 1 : i32
      %swap3A_579 = arith.constant 4 : i32
      %swap3A_580 = arith.index_cast %swap3A_578 : i32 to index
      %swap3A_581 = arith.index_cast %swap3A_579 : i32 to index
      %swap3A_582 = arith.constant 0 : index
      %swap3A_583 = tpu.vector_load %arg8[%swap3A_580, %swap3A_581, %swap3A_582] {strides = array<i32>} : memref<2x8x32xf32, #tpu.memory_space<vmem>>, vector<1x1x16xf32>,
      %swap3A_584 = vector.shape_cast %swap3A_583 : vector<1x1x16xf32> to vector<16xf32>
      %swap3A_585 = vector.shape_cast %scan3A_576#0 : vector<16xf32> to vector<1x1x16xf32>
      tpu.vector_store %arg8[%swap3A_580, %swap3A_581, %swap3A_582], %swap3A_585 {strides = array<i32>} : memref<2x8x32xf32, #tpu.memory_space<vmem>>, vector<1x1x16xf32>,
      %swap3A_586 = arith.constant 1 : i32
      %swap3A_587 = arith.constant 4 : i32
      %swap3A_588 = arith.index_cast %swap3A_586 : i32 to index
      %swap3A_589 = arith.index_cast %swap3A_587 : i32 to index
      %swap3A_590 = arith.constant 16 : index
      %swap3A_591 = tpu.vector_load %arg8[%swap3A_588, %swap3A_589, %swap3A_590] {strides = array<i32>} : memref<2x8x32xf32, #tpu.memory_space<vmem>>, vector<1x1x16xf32>,
      %swap3A_592 = vector.shape_cast %swap3A_591 : vector<1x1x16xf32> to vector<16xf32>
      %swap3A_593 = vector.shape_cast %scan3A_576#1 : vector<16xf32> to vector<1x1x16xf32>
      tpu.vector_store %arg8[%swap3A_588, %swap3A_589, %swap3A_590], %swap3A_593 {strides = array<i32>} : memref<2x8x32xf32, #tpu.memory_space<vmem>>, vector<1x1x16xf32>,
      %scan3A_594 = arith.constant 0 : i32
      %scan3A_595 = arith.constant 200 : i32
      %scan3A_596 = arith.addi %scan3A_594, %scan3A_595 : i32
      %scan3A_597 = arith.constant 8 : i32
      %scan3A_598:2 = scf.for %scan3A_676 = %scan3A_594 to %scan3A_596 step %scan3A_597 iter_args(%scan3A_677 = %get3A_4, %scan3A_678 = %get3A_7) -> (vector<16xf32>, vector<16xf32>)  : i32 {
        %mul3A_679 = arith.constant 1 : i32
        %mul3A_680 = arith.muli %scan3A_676, %mul3A_679 : i32
        %add3A_681 = arith.constant 0 : i32
        %add3A_682 = arith.addi %add3A_681, %mul3A_680 : i32
        %add3A_683 = arith.constant 1000 : i32
        %add3A_684 = arith.addi %add3A_683, %add3A_682 : i32
        %get3A_685 = arith.constant 1 : i32
        %get3A_686 = arith.index_cast %get3A_685 : i32 to index
        %get3A_687 = arith.index_cast %add3A_684 : i32 to index
        %get3A_688 = arith.constant 0 : index
        %get3A_689 = tpu.vector_load %arg7[%get3A_686, %get3A_687, %get3A_688] {strides = array<i32>} : memref<2x1600x32xf32, #tpu.memory_space<vmem>>, vector<1x1x16xf32>,
        %get3A_690 = vector.shape_cast %get3A_689 : vector<1x1x16xf32> to vector<16xf32>
        %add3A_691 = arith.addf %scan3A_677, %get3A_690 : vector<16xf32>
        %add3A_692 = arith.constant 1000 : i32
        %add3A_693 = arith.addi %add3A_692, %add3A_682 : i32
        %get3A_694 = arith.constant 1 : i32
        %get3A_695 = arith.index_cast %get3A_694 : i32 to index
        %get3A_696 = arith.index_cast %add3A_693 : i32 to index
        %get3A_697 = arith.constant 16 : index
        %get3A_698 = tpu.vector_load %arg7[%get3A_695, %get3A_696, %get3A_697] {strides = array<i32>} : memref<2x1600x32xf32, #tpu.memory_space<vmem>>, vector<1x1x16xf32>,
        %get3A_699 = vector.shape_cast %get3A_698 : vector<1x1x16xf32> to vector<16xf32>
        %add3A_700 = arith.addf %scan3A_678, %get3A_699 : vector<16xf32>
        %scan3A_701 = arith.constant 1 : i32
        %scan3A_702 = arith.addi %scan3A_676, %scan3A_701 : i32
        %mul3A_703 = arith.constant 1 : i32
        %mul3A_704 = arith.muli %scan3A_702, %mul3A_703 : i32
        %add3A_705 = arith.constant 0 : i32
        %add3A_706 = arith.addi %add3A_705, %mul3A_704 : i32
        %add3A_707 = arith.constant 1000 : i32
        %add3A_708 = arith.addi %add3A_707, %add3A_706 : i32
        %get3A_709 = arith.constant 1 : i32
        %get3A_710 = arith.index_cast %get3A_709 : i32 to index
        %get3A_711 = arith.index_cast %add3A_708 : i32 to index
        %get3A_712 = arith.constant 0 : index
        %get3A_713 = tpu.vector_load %arg7[%get3A_710, %get3A_711, %get3A_712] {strides = array<i32>} : memref<2x1600x32xf32, #tpu.memory_space<vmem>>, vector<1x1x16xf32>,
        %get3A_714 = vector.shape_cast %get3A_713 : vector<1x1x16xf32> to vector<16xf32>
        %add3A_715 = arith.addf %add3A_691, %get3A_714 : vector<16xf32>
        %add3A_716 = arith.constant 1000 : i32
        %add3A_717 = arith.addi %add3A_716, %add3A_706 : i32
        %get3A_718 = arith.constant 1 : i32
        %get3A_719 = arith.index_cast %get3A_718 : i32 to index
        %get3A_720 = arith.index_cast %add3A_717 : i32 to index
        %get3A_721 = arith.constant 16 : index
        %get3A_722 = tpu.vector_load %arg7[%get3A_719, %get3A_720, %get3A_721] {strides = array<i32>} : memref<2x1600x32xf32, #tpu.memory_space<vmem>>, vector<1x1x16xf32>,
        %get3A_723 = vector.shape_cast %get3A_722 : vector<1x1x16xf32> to vector<16xf32>
        %add3A_724 = arith.addf %add3A_700, %get3A_723 : vector<16xf32>
        %scan3A_725 = arith.constant 2 : i32
        %scan3A_726 = arith.addi %scan3A_676, %scan3A_725 : i32
        %mul3A_727 = arith.constant 1 : i32
        %mul3A_728 = arith.muli %scan3A_726, %mul3A_727 : i32
        %add3A_729 = arith.constant 0 : i32
        %add3A_730 = arith.addi %add3A_729, %mul3A_728 : i32
        %add3A_731 = arith.constant 1000 : i32
        %add3A_732 = arith.addi %add3A_731, %add3A_730 : i32
        %get3A_733 = arith.constant 1 : i32
        %get3A_734 = arith.index_cast %get3A_733 : i32 to index
        %get3A_735 = arith.index_cast %add3A_732 : i32 to index
        %get3A_736 = arith.constant 0 : index
        %get3A_737 = tpu.vector_load %arg7[%get3A_734, %get3A_735, %get3A_736] {strides = array<i32>} : memref<2x1600x32xf32, #tpu.memory_space<vmem>>, vector<1x1x16xf32>,
        %get3A_738 = vector.shape_cast %get3A_737 : vector<1x1x16xf32> to vector<16xf32>
        %add3A_739 = arith.addf %add3A_715, %get3A_738 : vector<16xf32>
        %add3A_740 = arith.constant 1000 : i32
        %add3A_741 = arith.addi %add3A_740, %add3A_730 : i32
        %get3A_742 = arith.constant 1 : i32
        %get3A_743 = arith.index_cast %get3A_742 : i32 to index
        %get3A_744 = arith.index_cast %add3A_741 : i32 to index
        %get3A_745 = arith.constant 16 : index
        %get3A_746 = tpu.vector_load %arg7[%get3A_743, %get3A_744, %get3A_745] {strides = array<i32>} : memref<2x1600x32xf32, #tpu.memory_space<vmem>>, vector<1x1x16xf32>,
        %get3A_747 = vector.shape_cast %get3A_746 : vector<1x1x16xf32> to vector<16xf32>
        %add3A_748 = arith.addf %add3A_724, %get3A_747 : vector<16xf32>
        %scan3A_749 = arith.constant 3 : i32
        %scan3A_750 = arith.addi %scan3A_676, %scan3A_749 : i32
        %mul3A_751 = arith.constant 1 : i32
        %mul3A_752 = arith.muli %scan3A_750, %mul3A_751 : i32
        %add3A_753 = arith.constant 0 : i32
        %add3A_754 = arith.addi %add3A_753, %mul3A_752 : i32
        %add3A_755 = arith.constant 1000 : i32
        %add3A_756 = arith.addi %add3A_755, %add3A_754 : i32
        %get3A_757 = arith.constant 1 : i32
        %get3A_758 = arith.index_cast %get3A_757 : i32 to index
        %get3A_759 = arith.index_cast %add3A_756 : i32 to index
        %get3A_760 = arith.constant 0 : index
        %get3A_761 = tpu.vector_load %arg7[%get3A_758, %get3A_759, %get3A_760] {strides = array<i32>} : memref<2x1600x32xf32, #tpu.memory_space<vmem>>, vector<1x1x16xf32>,
        %get3A_762 = vector.shape_cast %get3A_761 : vector<1x1x16xf32> to vector<16xf32>
        %add3A_763 = arith.addf %add3A_739, %get3A_762 : vector<16xf32>
        %add3A_764 = arith.constant 1000 : i32
        %add3A_765 = arith.addi %add3A_764, %add3A_754 : i32
        %get3A_766 = arith.constant 1 : i32
        %get3A_767 = arith.index_cast %get3A_766 : i32 to index
        %get3A_768 = arith.index_cast %add3A_765 : i32 to index
        %get3A_769 = arith.constant 16 : index
        %get3A_770 = tpu.vector_load %arg7[%get3A_767, %get3A_768, %get3A_769] {strides = array<i32>} : memref<2x1600x32xf32, #tpu.memory_space<vmem>>, vector<1x1x16xf32>,
        %get3A_771 = vector.shape_cast %get3A_770 : vector<1x1x16xf32> to vector<16xf32>
        %add3A_772 = arith.addf %add3A_748, %get3A_771 : vector<16xf32>
        %scan3A_773 = arith.constant 4 : i32
        %scan3A_774 = arith.addi %scan3A_676, %scan3A_773 : i32
        %mul3A_775 = arith.constant 1 : i32
        %mul3A_776 = arith.muli %scan3A_774, %mul3A_775 : i32
        %add3A_777 = arith.constant 0 : i32
        %add3A_778 = arith.addi %add3A_777, %mul3A_776 : i32
        %add3A_779 = arith.constant 1000 : i32
        %add3A_780 = arith.addi %add3A_779, %add3A_778 : i32
        %get3A_781 = arith.constant 1 : i32
        %get3A_782 = arith.index_cast %get3A_781 : i32 to index
        %get3A_783 = arith.index_cast %add3A_780 : i32 to index
        %get3A_784 = arith.constant 0 : index
        %get3A_785 = tpu.vector_load %arg7[%get3A_782, %get3A_783, %get3A_784] {strides = array<i32>} : memref<2x1600x32xf32, #tpu.memory_space<vmem>>, vector<1x1x16xf32>,
        %get3A_786 = vector.shape_cast %get3A_785 : vector<1x1x16xf32> to vector<16xf32>
        %add3A_787 = arith.addf %add3A_763, %get3A_786 : vector<16xf32>
        %add3A_788 = arith.constant 1000 : i32
        %add3A_789 = arith.addi %add3A_788, %add3A_778 : i32
        %get3A_790 = arith.constant 1 : i32
        %get3A_791 = arith.index_cast %get3A_790 : i32 to index
        %get3A_792 = arith.index_cast %add3A_789 : i32 to index
        %get3A_793 = arith.constant 16 : index
        %get3A_794 = tpu.vector_load %arg7[%get3A_791, %get3A_792, %get3A_793] {strides = array<i32>} : memref<2x1600x32xf32, #tpu.memory_space<vmem>>, vector<1x1x16xf32>,
        %get3A_795 = vector.shape_cast %get3A_794 : vector<1x1x16xf32> to vector<16xf32>
        %add3A_796 = arith.addf %add3A_772, %get3A_795 : vector<16xf32>
        %scan3A_797 = arith.constant 5 : i32
        %scan3A_798 = arith.addi %scan3A_676, %scan3A_797 : i32
        %mul3A_799 = arith.constant 1 : i32
        %mul3A_800 = arith.muli %scan3A_798, %mul3A_799 : i32
        %add3A_801 = arith.constant 0 : i32
        %add3A_802 = arith.addi %add3A_801, %mul3A_800 : i32
        %add3A_803 = arith.constant 1000 : i32
        %add3A_804 = arith.addi %add3A_803, %add3A_802 : i32
        %get3A_805 = arith.constant 1 : i32
        %get3A_806 = arith.index_cast %get3A_805 : i32 to index
        %get3A_807 = arith.index_cast %add3A_804 : i32 to index
        %get3A_808 = arith.constant 0 : index
        %get3A_809 = tpu.vector_load %arg7[%get3A_806, %get3A_807, %get3A_808] {strides = array<i32>} : memref<2x1600x32xf32, #tpu.memory_space<vmem>>, vector<1x1x16xf32>,
        %get3A_810 = vector.shape_cast %get3A_809 : vector<1x1x16xf32> to vector<16xf32>
        %add3A_811 = arith.addf %add3A_787, %get3A_810 : vector<16xf32>
        %add3A_812 = arith.constant 1000 : i32
        %add3A_813 = arith.addi %add3A_812, %add3A_802 : i32
        %get3A_814 = arith.constant 1 : i32
        %get3A_815 = arith.index_cast %get3A_814 : i32 to index
        %get3A_816 = arith.index_cast %add3A_813 : i32 to index
        %get3A_817 = arith.constant 16 : index
        %get3A_818 = tpu.vector_load %arg7[%get3A_815, %get3A_816, %get3A_817] {strides = array<i32>} : memref<2x1600x32xf32, #tpu.memory_space<vmem>>, vector<1x1x16xf32>,
        %get3A_819 = vector.shape_cast %get3A_818 : vector<1x1x16xf32> to vector<16xf32>
        %add3A_820 = arith.addf %add3A_796, %get3A_819 : vector<16xf32>
        %scan3A_821 = arith.constant 6 : i32
        %scan3A_822 = arith.addi %scan3A_676, %scan3A_821 : i32
        %mul3A_823 = arith.constant 1 : i32
        %mul3A_824 = arith.muli %scan3A_822, %mul3A_823 : i32
        %add3A_825 = arith.constant 0 : i32
        %add3A_826 = arith.addi %add3A_825, %mul3A_824 : i32
        %add3A_827 = arith.constant 1000 : i32
        %add3A_828 = arith.addi %add3A_827, %add3A_826 : i32
        %get3A_829 = arith.constant 1 : i32
        %get3A_830 = arith.index_cast %get3A_829 : i32 to index
        %get3A_831 = arith.index_cast %add3A_828 : i32 to index
        %get3A_832 = arith.constant 0 : index
        %get3A_833 = tpu.vector_load %arg7[%get3A_830, %get3A_831, %get3A_832] {strides = array<i32>} : memref<2x1600x32xf32, #tpu.memory_space<vmem>>, vector<1x1x16xf32>,
        %get3A_834 = vector.shape_cast %get3A_833 : vector<1x1x16xf32> to vector<16xf32>
        %add3A_835 = arith.addf %add3A_811, %get3A_834 : vector<16xf32>
        %add3A_836 = arith.constant 1000 : i32
        %add3A_837 = arith.addi %add3A_836, %add3A_826 : i32
        %get3A_838 = arith.constant 1 : i32
        %get3A_839 = arith.index_cast %get3A_838 : i32 to index
        %get3A_840 = arith.index_cast %add3A_837 : i32 to index
        %get3A_841 = arith.constant 16 : index
        %get3A_842 = tpu.vector_load %arg7[%get3A_839, %get3A_840, %get3A_841] {strides = array<i32>} : memref<2x1600x32xf32, #tpu.memory_space<vmem>>, vector<1x1x16xf32>,
        %get3A_843 = vector.shape_cast %get3A_842 : vector<1x1x16xf32> to vector<16xf32>
        %add3A_844 = arith.addf %add3A_820, %get3A_843 : vector<16xf32>
        %scan3A_845 = arith.constant 7 : i32
        %scan3A_846 = arith.addi %scan3A_676, %scan3A_845 : i32
        %mul3A_847 = arith.constant 1 : i32
        %mul3A_848 = arith.muli %scan3A_846, %mul3A_847 : i32
        %add3A_849 = arith.constant 0 : i32
        %add3A_850 = arith.addi %add3A_849, %mul3A_848 : i32
        %add3A_851 = arith.constant 1000 : i32
        %add3A_852 = arith.addi %add3A_851, %add3A_850 : i32
        %get3A_853 = arith.constant 1 : i32
        %get3A_854 = arith.index_cast %get3A_853 : i32 to index
        %get3A_855 = arith.index_cast %add3A_852 : i32 to index
        %get3A_856 = arith.constant 0 : index
        %get3A_857 = tpu.vector_load %arg7[%get3A_854, %get3A_855, %get3A_856] {strides = array<i32>} : memref<2x1600x32xf32, #tpu.memory_space<vmem>>, vector<1x1x16xf32>,
        %get3A_858 = vector.shape_cast %get3A_857 : vector<1x1x16xf32> to vector<16xf32>
        %add3A_859 = arith.addf %add3A_835, %get3A_858 : vector<16xf32>
        %add3A_860 = arith.constant 1000 : i32
        %add3A_861 = arith.addi %add3A_860, %add3A_850 : i32
        %get3A_862 = arith.constant 1 : i32
        %get3A_863 = arith.index_cast %get3A_862 : i32 to index
        %get3A_864 = arith.index_cast %add3A_861 : i32 to index
        %get3A_865 = arith.constant 16 : index
        %get3A_866 = tpu.vector_load %arg7[%get3A_863, %get3A_864, %get3A_865] {strides = array<i32>} : memref<2x1600x32xf32, #tpu.memory_space<vmem>>, vector<1x1x16xf32>,
        %get3A_867 = vector.shape_cast %get3A_866 : vector<1x1x16xf32> to vector<16xf32>
        %add3A_868 = arith.addf %add3A_844, %get3A_867 : vector<16xf32>
        scf.yield %add3A_859, %add3A_868 : vector<16xf32>, vector<16xf32>
      }
      %scan3A_599 = arith.constant 200 : i32
      %swap3A_600 = arith.constant 1 : i32
      %swap3A_601 = arith.constant 5 : i32
      %swap3A_602 = arith.index_cast %swap3A_600 : i32 to index
      %swap3A_603 = arith.index_cast %swap3A_601 : i32 to index
      %swap3A_604 = arith.constant 0 : index
      %swap3A_605 = tpu.vector_load %arg8[%swap3A_602, %swap3A_603, %swap3A_604] {strides = array<i32>} : memref<2x8x32xf32, #tpu.memory_space<vmem>>, vector<1x1x16xf32>,
      %swap3A_606 = vector.shape_cast %swap3A_605 : vector<1x1x16xf32> to vector<16xf32>
      %swap3A_607 = vector.shape_cast %scan3A_598#0 : vector<16xf32> to vector<1x1x16xf32>
      tpu.vector_store %arg8[%swap3A_602, %swap3A_603, %swap3A_604], %swap3A_607 {strides = array<i32>} : memref<2x8x32xf32, #tpu.memory_space<vmem>>, vector<1x1x16xf32>,
      %swap3A_608 = arith.constant 1 : i32
      %swap3A_609 = arith.constant 5 : i32
      %swap3A_610 = arith.index_cast %swap3A_608 : i32 to index
      %swap3A_611 = arith.index_cast %swap3A_609 : i32 to index
      %swap3A_612 = arith.constant 16 : index
      %swap3A_613 = tpu.vector_load %arg8[%swap3A_610, %swap3A_611, %swap3A_612] {strides = array<i32>} : memref<2x8x32xf32, #tpu.memory_space<vmem>>, vector<1x1x16xf32>,
      %swap3A_614 = vector.shape_cast %swap3A_613 : vector<1x1x16xf32> to vector<16xf32>
      %swap3A_615 = vector.shape_cast %scan3A_598#1 : vector<16xf32> to vector<1x1x16xf32>
      tpu.vector_store %arg8[%swap3A_610, %swap3A_611, %swap3A_612], %swap3A_615 {strides = array<i32>} : memref<2x8x32xf32, #tpu.memory_space<vmem>>, vector<1x1x16xf32>,
      %scan3A_616 = arith.constant 0 : i32
      %scan3A_617 = arith.constant 200 : i32
      %scan3A_618 = arith.addi %scan3A_616, %scan3A_617 : i32
      %scan3A_619 = arith.constant 8 : i32
      %scan3A_620:2 = scf.for %scan3A_676 = %scan3A_616 to %scan3A_618 step %scan3A_619 iter_args(%scan3A_677 = %get3A_4, %scan3A_678 = %get3A_7) -> (vector<16xf32>, vector<16xf32>)  : i32 {
        %mul3A_679 = arith.constant 1 : i32
        %mul3A_680 = arith.muli %scan3A_676, %mul3A_679 : i32
        %add3A_681 = arith.constant 0 : i32
        %add3A_682 = arith.addi %add3A_681, %mul3A_680 : i32
        %add3A_683 = arith.constant 1200 : i32
        %add3A_684 = arith.addi %add3A_683, %add3A_682 : i32
        %get3A_685 = arith.constant 1 : i32
        %get3A_686 = arith.index_cast %get3A_685 : i32 to index
        %get3A_687 = arith.index_cast %add3A_684 : i32 to index
        %get3A_688 = arith.constant 0 : index
        %get3A_689 = tpu.vector_load %arg7[%get3A_686, %get3A_687, %get3A_688] {strides = array<i32>} : memref<2x1600x32xf32, #tpu.memory_space<vmem>>, vector<1x1x16xf32>,
        %get3A_690 = vector.shape_cast %get3A_689 : vector<1x1x16xf32> to vector<16xf32>
        %add3A_691 = arith.addf %scan3A_677, %get3A_690 : vector<16xf32>
        %add3A_692 = arith.constant 1200 : i32
        %add3A_693 = arith.addi %add3A_692, %add3A_682 : i32
        %get3A_694 = arith.constant 1 : i32
        %get3A_695 = arith.index_cast %get3A_694 : i32 to index
        %get3A_696 = arith.index_cast %add3A_693 : i32 to index
        %get3A_697 = arith.constant 16 : index
        %get3A_698 = tpu.vector_load %arg7[%get3A_695, %get3A_696, %get3A_697] {strides = array<i32>} : memref<2x1600x32xf32, #tpu.memory_space<vmem>>, vector<1x1x16xf32>,
        %get3A_699 = vector.shape_cast %get3A_698 : vector<1x1x16xf32> to vector<16xf32>
        %add3A_700 = arith.addf %scan3A_678, %get3A_699 : vector<16xf32>
        %scan3A_701 = arith.constant 1 : i32
        %scan3A_702 = arith.addi %scan3A_676, %scan3A_701 : i32
        %mul3A_703 = arith.constant 1 : i32
        %mul3A_704 = arith.muli %scan3A_702, %mul3A_703 : i32
        %add3A_705 = arith.constant 0 : i32
        %add3A_706 = arith.addi %add3A_705, %mul3A_704 : i32
        %add3A_707 = arith.constant 1200 : i32
        %add3A_708 = arith.addi %add3A_707, %add3A_706 : i32
        %get3A_709 = arith.constant 1 : i32
        %get3A_710 = arith.index_cast %get3A_709 : i32 to index
        %get3A_711 = arith.index_cast %add3A_708 : i32 to index
        %get3A_712 = arith.constant 0 : index
        %get3A_713 = tpu.vector_load %arg7[%get3A_710, %get3A_711, %get3A_712] {strides = array<i32>} : memref<2x1600x32xf32, #tpu.memory_space<vmem>>, vector<1x1x16xf32>,
        %get3A_714 = vector.shape_cast %get3A_713 : vector<1x1x16xf32> to vector<16xf32>
        %add3A_715 = arith.addf %add3A_691, %get3A_714 : vector<16xf32>
        %add3A_716 = arith.constant 1200 : i32
        %add3A_717 = arith.addi %add3A_716, %add3A_706 : i32
        %get3A_718 = arith.constant 1 : i32
        %get3A_719 = arith.index_cast %get3A_718 : i32 to index
        %get3A_720 = arith.index_cast %add3A_717 : i32 to index
        %get3A_721 = arith.constant 16 : index
        %get3A_722 = tpu.vector_load %arg7[%get3A_719, %get3A_720, %get3A_721] {strides = array<i32>} : memref<2x1600x32xf32, #tpu.memory_space<vmem>>, vector<1x1x16xf32>,
        %get3A_723 = vector.shape_cast %get3A_722 : vector<1x1x16xf32> to vector<16xf32>
        %add3A_724 = arith.addf %add3A_700, %get3A_723 : vector<16xf32>
        %scan3A_725 = arith.constant 2 : i32
        %scan3A_726 = arith.addi %scan3A_676, %scan3A_725 : i32
        %mul3A_727 = arith.constant 1 : i32
        %mul3A_728 = arith.muli %scan3A_726, %mul3A_727 : i32
        %add3A_729 = arith.constant 0 : i32
        %add3A_730 = arith.addi %add3A_729, %mul3A_728 : i32
        %add3A_731 = arith.constant 1200 : i32
        %add3A_732 = arith.addi %add3A_731, %add3A_730 : i32
        %get3A_733 = arith.constant 1 : i32
        %get3A_734 = arith.index_cast %get3A_733 : i32 to index
        %get3A_735 = arith.index_cast %add3A_732 : i32 to index
        %get3A_736 = arith.constant 0 : index
        %get3A_737 = tpu.vector_load %arg7[%get3A_734, %get3A_735, %get3A_736] {strides = array<i32>} : memref<2x1600x32xf32, #tpu.memory_space<vmem>>, vector<1x1x16xf32>,
        %get3A_738 = vector.shape_cast %get3A_737 : vector<1x1x16xf32> to vector<16xf32>
        %add3A_739 = arith.addf %add3A_715, %get3A_738 : vector<16xf32>
        %add3A_740 = arith.constant 1200 : i32
        %add3A_741 = arith.addi %add3A_740, %add3A_730 : i32
        %get3A_742 = arith.constant 1 : i32
        %get3A_743 = arith.index_cast %get3A_742 : i32 to index
        %get3A_744 = arith.index_cast %add3A_741 : i32 to index
        %get3A_745 = arith.constant 16 : index
        %get3A_746 = tpu.vector_load %arg7[%get3A_743, %get3A_744, %get3A_745] {strides = array<i32>} : memref<2x1600x32xf32, #tpu.memory_space<vmem>>, vector<1x1x16xf32>,
        %get3A_747 = vector.shape_cast %get3A_746 : vector<1x1x16xf32> to vector<16xf32>
        %add3A_748 = arith.addf %add3A_724, %get3A_747 : vector<16xf32>
        %scan3A_749 = arith.constant 3 : i32
        %scan3A_750 = arith.addi %scan3A_676, %scan3A_749 : i32
        %mul3A_751 = arith.constant 1 : i32
        %mul3A_752 = arith.muli %scan3A_750, %mul3A_751 : i32
        %add3A_753 = arith.constant 0 : i32
        %add3A_754 = arith.addi %add3A_753, %mul3A_752 : i32
        %add3A_755 = arith.constant 1200 : i32
        %add3A_756 = arith.addi %add3A_755, %add3A_754 : i32
        %get3A_757 = arith.constant 1 : i32
        %get3A_758 = arith.index_cast %get3A_757 : i32 to index
        %get3A_759 = arith.index_cast %add3A_756 : i32 to index
        %get3A_760 = arith.constant 0 : index
        %get3A_761 = tpu.vector_load %arg7[%get3A_758, %get3A_759, %get3A_760] {strides = array<i32>} : memref<2x1600x32xf32, #tpu.memory_space<vmem>>, vector<1x1x16xf32>,
        %get3A_762 = vector.shape_cast %get3A_761 : vector<1x1x16xf32> to vector<16xf32>
        %add3A_763 = arith.addf %add3A_739, %get3A_762 : vector<16xf32>
        %add3A_764 = arith.constant 1200 : i32
        %add3A_765 = arith.addi %add3A_764, %add3A_754 : i32
        %get3A_766 = arith.constant 1 : i32
        %get3A_767 = arith.index_cast %get3A_766 : i32 to index
        %get3A_768 = arith.index_cast %add3A_765 : i32 to index
        %get3A_769 = arith.constant 16 : index
        %get3A_770 = tpu.vector_load %arg7[%get3A_767, %get3A_768, %get3A_769] {strides = array<i32>} : memref<2x1600x32xf32, #tpu.memory_space<vmem>>, vector<1x1x16xf32>,
        %get3A_771 = vector.shape_cast %get3A_770 : vector<1x1x16xf32> to vector<16xf32>
        %add3A_772 = arith.addf %add3A_748, %get3A_771 : vector<16xf32>
        %scan3A_773 = arith.constant 4 : i32
        %scan3A_774 = arith.addi %scan3A_676, %scan3A_773 : i32
        %mul3A_775 = arith.constant 1 : i32
        %mul3A_776 = arith.muli %scan3A_774, %mul3A_775 : i32
        %add3A_777 = arith.constant 0 : i32
        %add3A_778 = arith.addi %add3A_777, %mul3A_776 : i32
        %add3A_779 = arith.constant 1200 : i32
        %add3A_780 = arith.addi %add3A_779, %add3A_778 : i32
        %get3A_781 = arith.constant 1 : i32
        %get3A_782 = arith.index_cast %get3A_781 : i32 to index
        %get3A_783 = arith.index_cast %add3A_780 : i32 to index
        %get3A_784 = arith.constant 0 : index
        %get3A_785 = tpu.vector_load %arg7[%get3A_782, %get3A_783, %get3A_784] {strides = array<i32>} : memref<2x1600x32xf32, #tpu.memory_space<vmem>>, vector<1x1x16xf32>,
        %get3A_786 = vector.shape_cast %get3A_785 : vector<1x1x16xf32> to vector<16xf32>
        %add3A_787 = arith.addf %add3A_763, %get3A_786 : vector<16xf32>
        %add3A_788 = arith.constant 1200 : i32
        %add3A_789 = arith.addi %add3A_788, %add3A_778 : i32
        %get3A_790 = arith.constant 1 : i32
        %get3A_791 = arith.index_cast %get3A_790 : i32 to index
        %get3A_792 = arith.index_cast %add3A_789 : i32 to index
        %get3A_793 = arith.constant 16 : index
        %get3A_794 = tpu.vector_load %arg7[%get3A_791, %get3A_792, %get3A_793] {strides = array<i32>} : memref<2x1600x32xf32, #tpu.memory_space<vmem>>, vector<1x1x16xf32>,
        %get3A_795 = vector.shape_cast %get3A_794 : vector<1x1x16xf32> to vector<16xf32>
        %add3A_796 = arith.addf %add3A_772, %get3A_795 : vector<16xf32>
        %scan3A_797 = arith.constant 5 : i32
        %scan3A_798 = arith.addi %scan3A_676, %scan3A_797 : i32
        %mul3A_799 = arith.constant 1 : i32
        %mul3A_800 = arith.muli %scan3A_798, %mul3A_799 : i32
        %add3A_801 = arith.constant 0 : i32
        %add3A_802 = arith.addi %add3A_801, %mul3A_800 : i32
        %add3A_803 = arith.constant 1200 : i32
        %add3A_804 = arith.addi %add3A_803, %add3A_802 : i32
        %get3A_805 = arith.constant 1 : i32
        %get3A_806 = arith.index_cast %get3A_805 : i32 to index
        %get3A_807 = arith.index_cast %add3A_804 : i32 to index
        %get3A_808 = arith.constant 0 : index
        %get3A_809 = tpu.vector_load %arg7[%get3A_806, %get3A_807, %get3A_808] {strides = array<i32>} : memref<2x1600x32xf32, #tpu.memory_space<vmem>>, vector<1x1x16xf32>,
        %get3A_810 = vector.shape_cast %get3A_809 : vector<1x1x16xf32> to vector<16xf32>
        %add3A_811 = arith.addf %add3A_787, %get3A_810 : vector<16xf32>
        %add3A_812 = arith.constant 1200 : i32
        %add3A_813 = arith.addi %add3A_812, %add3A_802 : i32
        %get3A_814 = arith.constant 1 : i32
        %get3A_815 = arith.index_cast %get3A_814 : i32 to index
        %get3A_816 = arith.index_cast %add3A_813 : i32 to index
        %get3A_817 = arith.constant 16 : index
        %get3A_818 = tpu.vector_load %arg7[%get3A_815, %get3A_816, %get3A_817] {strides = array<i32>} : memref<2x1600x32xf32, #tpu.memory_space<vmem>>, vector<1x1x16xf32>,
        %get3A_819 = vector.shape_cast %get3A_818 : vector<1x1x16xf32> to vector<16xf32>
        %add3A_820 = arith.addf %add3A_796, %get3A_819 : vector<16xf32>
        %scan3A_821 = arith.constant 6 : i32
        %scan3A_822 = arith.addi %scan3A_676, %scan3A_821 : i32
        %mul3A_823 = arith.constant 1 : i32
        %mul3A_824 = arith.muli %scan3A_822, %mul3A_823 : i32
        %add3A_825 = arith.constant 0 : i32
        %add3A_826 = arith.addi %add3A_825, %mul3A_824 : i32
        %add3A_827 = arith.constant 1200 : i32
        %add3A_828 = arith.addi %add3A_827, %add3A_826 : i32
        %get3A_829 = arith.constant 1 : i32
        %get3A_830 = arith.index_cast %get3A_829 : i32 to index
        %get3A_831 = arith.index_cast %add3A_828 : i32 to index
        %get3A_832 = arith.constant 0 : index
        %get3A_833 = tpu.vector_load %arg7[%get3A_830, %get3A_831, %get3A_832] {strides = array<i32>} : memref<2x1600x32xf32, #tpu.memory_space<vmem>>, vector<1x1x16xf32>,
        %get3A_834 = vector.shape_cast %get3A_833 : vector<1x1x16xf32> to vector<16xf32>
        %add3A_835 = arith.addf %add3A_811, %get3A_834 : vector<16xf32>
        %add3A_836 = arith.constant 1200 : i32
        %add3A_837 = arith.addi %add3A_836, %add3A_826 : i32
        %get3A_838 = arith.constant 1 : i32
        %get3A_839 = arith.index_cast %get3A_838 : i32 to index
        %get3A_840 = arith.index_cast %add3A_837 : i32 to index
        %get3A_841 = arith.constant 16 : index
        %get3A_842 = tpu.vector_load %arg7[%get3A_839, %get3A_840, %get3A_841] {strides = array<i32>} : memref<2x1600x32xf32, #tpu.memory_space<vmem>>, vector<1x1x16xf32>,
        %get3A_843 = vector.shape_cast %get3A_842 : vector<1x1x16xf32> to vector<16xf32>
        %add3A_844 = arith.addf %add3A_820, %get3A_843 : vector<16xf32>
        %scan3A_845 = arith.constant 7 : i32
        %scan3A_846 = arith.addi %scan3A_676, %scan3A_845 : i32
        %mul3A_847 = arith.constant 1 : i32
        %mul3A_848 = arith.muli %scan3A_846, %mul3A_847 : i32
        %add3A_849 = arith.constant 0 : i32
        %add3A_850 = arith.addi %add3A_849, %mul3A_848 : i32
        %add3A_851 = arith.constant 1200 : i32
        %add3A_852 = arith.addi %add3A_851, %add3A_850 : i32
        %get3A_853 = arith.constant 1 : i32
        %get3A_854 = arith.index_cast %get3A_853 : i32 to index
        %get3A_855 = arith.index_cast %add3A_852 : i32 to index
        %get3A_856 = arith.constant 0 : index
        %get3A_857 = tpu.vector_load %arg7[%get3A_854, %get3A_855, %get3A_856] {strides = array<i32>} : memref<2x1600x32xf32, #tpu.memory_space<vmem>>, vector<1x1x16xf32>,
        %get3A_858 = vector.shape_cast %get3A_857 : vector<1x1x16xf32> to vector<16xf32>
        %add3A_859 = arith.addf %add3A_835, %get3A_858 : vector<16xf32>
        %add3A_860 = arith.constant 1200 : i32
        %add3A_861 = arith.addi %add3A_860, %add3A_850 : i32
        %get3A_862 = arith.constant 1 : i32
        %get3A_863 = arith.index_cast %get3A_862 : i32 to index
        %get3A_864 = arith.index_cast %add3A_861 : i32 to index
        %get3A_865 = arith.constant 16 : index
        %get3A_866 = tpu.vector_load %arg7[%get3A_863, %get3A_864, %get3A_865] {strides = array<i32>} : memref<2x1600x32xf32, #tpu.memory_space<vmem>>, vector<1x1x16xf32>,
        %get3A_867 = vector.shape_cast %get3A_866 : vector<1x1x16xf32> to vector<16xf32>
        %add3A_868 = arith.addf %add3A_844, %get3A_867 : vector<16xf32>
        scf.yield %add3A_859, %add3A_868 : vector<16xf32>, vector<16xf32>
      }
      %scan3A_621 = arith.constant 200 : i32
      %swap3A_622 = arith.constant 1 : i32
      %swap3A_623 = arith.constant 6 : i32
      %swap3A_624 = arith.index_cast %swap3A_622 : i32 to index
      %swap3A_625 = arith.index_cast %swap3A_623 : i32 to index
      %swap3A_626 = arith.constant 0 : index
      %swap3A_627 = tpu.vector_load %arg8[%swap3A_624, %swap3A_625, %swap3A_626] {strides = array<i32>} : memref<2x8x32xf32, #tpu.memory_space<vmem>>, vector<1x1x16xf32>,
      %swap3A_628 = vector.shape_cast %swap3A_627 : vector<1x1x16xf32> to vector<16xf32>
      %swap3A_629 = vector.shape_cast %scan3A_620#0 : vector<16xf32> to vector<1x1x16xf32>
      tpu.vector_store %arg8[%swap3A_624, %swap3A_625, %swap3A_626], %swap3A_629 {strides = array<i32>} : memref<2x8x32xf32, #tpu.memory_space<vmem>>, vector<1x1x16xf32>,
      %swap3A_630 = arith.constant 1 : i32
      %swap3A_631 = arith.constant 6 : i32
      %swap3A_632 = arith.index_cast %swap3A_630 : i32 to index
      %swap3A_633 = arith.index_cast %swap3A_631 : i32 to index
      %swap3A_634 = arith.constant 16 : index
      %swap3A_635 = tpu.vector_load %arg8[%swap3A_632, %swap3A_633, %swap3A_634] {strides = array<i32>} : memref<2x8x32xf32, #tpu.memory_space<vmem>>, vector<1x1x16xf32>,
      %swap3A_636 = vector.shape_cast %swap3A_635 : vector<1x1x16xf32> to vector<16xf32>
      %swap3A_637 = vector.shape_cast %scan3A_620#1 : vector<16xf32> to vector<1x1x16xf32>
      tpu.vector_store %arg8[%swap3A_632, %swap3A_633, %swap3A_634], %swap3A_637 {strides = array<i32>} : memref<2x8x32xf32, #tpu.memory_space<vmem>>, vector<1x1x16xf32>,
      %scan3A_638 = arith.constant 0 : i32
      %scan3A_639 = arith.constant 200 : i32
      %scan3A_640 = arith.addi %scan3A_638, %scan3A_639 : i32
      %scan3A_641 = arith.constant 8 : i32
      %scan3A_642:2 = scf.for %scan3A_676 = %scan3A_638 to %scan3A_640 step %scan3A_641 iter_args(%scan3A_677 = %get3A_4, %scan3A_678 = %get3A_7) -> (vector<16xf32>, vector<16xf32>)  : i32 {
        %mul3A_679 = arith.constant 1 : i32
        %mul3A_680 = arith.muli %scan3A_676, %mul3A_679 : i32
        %add3A_681 = arith.constant 0 : i32
        %add3A_682 = arith.addi %add3A_681, %mul3A_680 : i32
        %add3A_683 = arith.constant 1400 : i32
        %add3A_684 = arith.addi %add3A_683, %add3A_682 : i32
        %get3A_685 = arith.constant 1 : i32
        %get3A_686 = arith.index_cast %get3A_685 : i32 to index
        %get3A_687 = arith.index_cast %add3A_684 : i32 to index
        %get3A_688 = arith.constant 0 : index
        %get3A_689 = tpu.vector_load %arg7[%get3A_686, %get3A_687, %get3A_688] {strides = array<i32>} : memref<2x1600x32xf32, #tpu.memory_space<vmem>>, vector<1x1x16xf32>,
        %get3A_690 = vector.shape_cast %get3A_689 : vector<1x1x16xf32> to vector<16xf32>
        %add3A_691 = arith.addf %scan3A_677, %get3A_690 : vector<16xf32>
        %add3A_692 = arith.constant 1400 : i32
        %add3A_693 = arith.addi %add3A_692, %add3A_682 : i32
        %get3A_694 = arith.constant 1 : i32
        %get3A_695 = arith.index_cast %get3A_694 : i32 to index
        %get3A_696 = arith.index_cast %add3A_693 : i32 to index
        %get3A_697 = arith.constant 16 : index
        %get3A_698 = tpu.vector_load %arg7[%get3A_695, %get3A_696, %get3A_697] {strides = array<i32>} : memref<2x1600x32xf32, #tpu.memory_space<vmem>>, vector<1x1x16xf32>,
        %get3A_699 = vector.shape_cast %get3A_698 : vector<1x1x16xf32> to vector<16xf32>
        %add3A_700 = arith.addf %scan3A_678, %get3A_699 : vector<16xf32>
        %scan3A_701 = arith.constant 1 : i32
        %scan3A_702 = arith.addi %scan3A_676, %scan3A_701 : i32
        %mul3A_703 = arith.constant 1 : i32
        %mul3A_704 = arith.muli %scan3A_702, %mul3A_703 : i32
        %add3A_705 = arith.constant 0 : i32
        %add3A_706 = arith.addi %add3A_705, %mul3A_704 : i32
        %add3A_707 = arith.constant 1400 : i32
        %add3A_708 = arith.addi %add3A_707, %add3A_706 : i32
        %get3A_709 = arith.constant 1 : i32
        %get3A_710 = arith.index_cast %get3A_709 : i32 to index
        %get3A_711 = arith.index_cast %add3A_708 : i32 to index
        %get3A_712 = arith.constant 0 : index
        %get3A_713 = tpu.vector_load %arg7[%get3A_710, %get3A_711, %get3A_712] {strides = array<i32>} : memref<2x1600x32xf32, #tpu.memory_space<vmem>>, vector<1x1x16xf32>,
        %get3A_714 = vector.shape_cast %get3A_713 : vector<1x1x16xf32> to vector<16xf32>
        %add3A_715 = arith.addf %add3A_691, %get3A_714 : vector<16xf32>
        %add3A_716 = arith.constant 1400 : i32
        %add3A_717 = arith.addi %add3A_716, %add3A_706 : i32
        %get3A_718 = arith.constant 1 : i32
        %get3A_719 = arith.index_cast %get3A_718 : i32 to index
        %get3A_720 = arith.index_cast %add3A_717 : i32 to index
        %get3A_721 = arith.constant 16 : index
        %get3A_722 = tpu.vector_load %arg7[%get3A_719, %get3A_720, %get3A_721] {strides = array<i32>} : memref<2x1600x32xf32, #tpu.memory_space<vmem>>, vector<1x1x16xf32>,
        %get3A_723 = vector.shape_cast %get3A_722 : vector<1x1x16xf32> to vector<16xf32>
        %add3A_724 = arith.addf %add3A_700, %get3A_723 : vector<16xf32>
        %scan3A_725 = arith.constant 2 : i32
        %scan3A_726 = arith.addi %scan3A_676, %scan3A_725 : i32
        %mul3A_727 = arith.constant 1 : i32
        %mul3A_728 = arith.muli %scan3A_726, %mul3A_727 : i32
        %add3A_729 = arith.constant 0 : i32
        %add3A_730 = arith.addi %add3A_729, %mul3A_728 : i32
        %add3A_731 = arith.constant 1400 : i32
        %add3A_732 = arith.addi %add3A_731, %add3A_730 : i32
        %get3A_733 = arith.constant 1 : i32
        %get3A_734 = arith.index_cast %get3A_733 : i32 to index
        %get3A_735 = arith.index_cast %add3A_732 : i32 to index
        %get3A_736 = arith.constant 0 : index
        %get3A_737 = tpu.vector_load %arg7[%get3A_734, %get3A_735, %get3A_736] {strides = array<i32>} : memref<2x1600x32xf32, #tpu.memory_space<vmem>>, vector<1x1x16xf32>,
        %get3A_738 = vector.shape_cast %get3A_737 : vector<1x1x16xf32> to vector<16xf32>
        %add3A_739 = arith.addf %add3A_715, %get3A_738 : vector<16xf32>
        %add3A_740 = arith.constant 1400 : i32
        %add3A_741 = arith.addi %add3A_740, %add3A_730 : i32
        %get3A_742 = arith.constant 1 : i32
        %get3A_743 = arith.index_cast %get3A_742 : i32 to index
        %get3A_744 = arith.index_cast %add3A_741 : i32 to index
        %get3A_745 = arith.constant 16 : index
        %get3A_746 = tpu.vector_load %arg7[%get3A_743, %get3A_744, %get3A_745] {strides = array<i32>} : memref<2x1600x32xf32, #tpu.memory_space<vmem>>, vector<1x1x16xf32>,
        %get3A_747 = vector.shape_cast %get3A_746 : vector<1x1x16xf32> to vector<16xf32>
        %add3A_748 = arith.addf %add3A_724, %get3A_747 : vector<16xf32>
        %scan3A_749 = arith.constant 3 : i32
        %scan3A_750 = arith.addi %scan3A_676, %scan3A_749 : i32
        %mul3A_751 = arith.constant 1 : i32
        %mul3A_752 = arith.muli %scan3A_750, %mul3A_751 : i32
        %add3A_753 = arith.constant 0 : i32
        %add3A_754 = arith.addi %add3A_753, %mul3A_752 : i32
        %add3A_755 = arith.constant 1400 : i32
        %add3A_756 = arith.addi %add3A_755, %add3A_754 : i32
        %get3A_757 = arith.constant 1 : i32
        %get3A_758 = arith.index_cast %get3A_757 : i32 to index
        %get3A_759 = arith.index_cast %add3A_756 : i32 to index
        %get3A_760 = arith.constant 0 : index
        %get3A_761 = tpu.vector_load %arg7[%get3A_758, %get3A_759, %get3A_760] {strides = array<i32>} : memref<2x1600x32xf32, #tpu.memory_space<vmem>>, vector<1x1x16xf32>,
        %get3A_762 = vector.shape_cast %get3A_761 : vector<1x1x16xf32> to vector<16xf32>
        %add3A_763 = arith.addf %add3A_739, %get3A_762 : vector<16xf32>
        %add3A_764 = arith.constant 1400 : i32
        %add3A_765 = arith.addi %add3A_764, %add3A_754 : i32
        %get3A_766 = arith.constant 1 : i32
        %get3A_767 = arith.index_cast %get3A_766 : i32 to index
        %get3A_768 = arith.index_cast %add3A_765 : i32 to index
        %get3A_769 = arith.constant 16 : index
        %get3A_770 = tpu.vector_load %arg7[%get3A_767, %get3A_768, %get3A_769] {strides = array<i32>} : memref<2x1600x32xf32, #tpu.memory_space<vmem>>, vector<1x1x16xf32>,
        %get3A_771 = vector.shape_cast %get3A_770 : vector<1x1x16xf32> to vector<16xf32>
        %add3A_772 = arith.addf %add3A_748, %get3A_771 : vector<16xf32>
        %scan3A_773 = arith.constant 4 : i32
        %scan3A_774 = arith.addi %scan3A_676, %scan3A_773 : i32
        %mul3A_775 = arith.constant 1 : i32
        %mul3A_776 = arith.muli %scan3A_774, %mul3A_775 : i32
        %add3A_777 = arith.constant 0 : i32
        %add3A_778 = arith.addi %add3A_777, %mul3A_776 : i32
        %add3A_779 = arith.constant 1400 : i32
        %add3A_780 = arith.addi %add3A_779, %add3A_778 : i32
        %get3A_781 = arith.constant 1 : i32
        %get3A_782 = arith.index_cast %get3A_781 : i32 to index
        %get3A_783 = arith.index_cast %add3A_780 : i32 to index
        %get3A_784 = arith.constant 0 : index
        %get3A_785 = tpu.vector_load %arg7[%get3A_782, %get3A_783, %get3A_784] {strides = array<i32>} : memref<2x1600x32xf32, #tpu.memory_space<vmem>>, vector<1x1x16xf32>,
        %get3A_786 = vector.shape_cast %get3A_785 : vector<1x1x16xf32> to vector<16xf32>
        %add3A_787 = arith.addf %add3A_763, %get3A_786 : vector<16xf32>
        %add3A_788 = arith.constant 1400 : i32
        %add3A_789 = arith.addi %add3A_788, %add3A_778 : i32
        %get3A_790 = arith.constant 1 : i32
        %get3A_791 = arith.index_cast %get3A_790 : i32 to index
        %get3A_792 = arith.index_cast %add3A_789 : i32 to index
        %get3A_793 = arith.constant 16 : index
        %get3A_794 = tpu.vector_load %arg7[%get3A_791, %get3A_792, %get3A_793] {strides = array<i32>} : memref<2x1600x32xf32, #tpu.memory_space<vmem>>, vector<1x1x16xf32>,
        %get3A_795 = vector.shape_cast %get3A_794 : vector<1x1x16xf32> to vector<16xf32>
        %add3A_796 = arith.addf %add3A_772, %get3A_795 : vector<16xf32>
        %scan3A_797 = arith.constant 5 : i32
        %scan3A_798 = arith.addi %scan3A_676, %scan3A_797 : i32
        %mul3A_799 = arith.constant 1 : i32
        %mul3A_800 = arith.muli %scan3A_798, %mul3A_799 : i32
        %add3A_801 = arith.constant 0 : i32
        %add3A_802 = arith.addi %add3A_801, %mul3A_800 : i32
        %add3A_803 = arith.constant 1400 : i32
        %add3A_804 = arith.addi %add3A_803, %add3A_802 : i32
        %get3A_805 = arith.constant 1 : i32
        %get3A_806 = arith.index_cast %get3A_805 : i32 to index
        %get3A_807 = arith.index_cast %add3A_804 : i32 to index
        %get3A_808 = arith.constant 0 : index
        %get3A_809 = tpu.vector_load %arg7[%get3A_806, %get3A_807, %get3A_808] {strides = array<i32>} : memref<2x1600x32xf32, #tpu.memory_space<vmem>>, vector<1x1x16xf32>,
        %get3A_810 = vector.shape_cast %get3A_809 : vector<1x1x16xf32> to vector<16xf32>
        %add3A_811 = arith.addf %add3A_787, %get3A_810 : vector<16xf32>
        %add3A_812 = arith.constant 1400 : i32
        %add3A_813 = arith.addi %add3A_812, %add3A_802 : i32
        %get3A_814 = arith.constant 1 : i32
        %get3A_815 = arith.index_cast %get3A_814 : i32 to index
        %get3A_816 = arith.index_cast %add3A_813 : i32 to index
        %get3A_817 = arith.constant 16 : index
        %get3A_818 = tpu.vector_load %arg7[%get3A_815, %get3A_816, %get3A_817] {strides = array<i32>} : memref<2x1600x32xf32, #tpu.memory_space<vmem>>, vector<1x1x16xf32>,
        %get3A_819 = vector.shape_cast %get3A_818 : vector<1x1x16xf32> to vector<16xf32>
        %add3A_820 = arith.addf %add3A_796, %get3A_819 : vector<16xf32>
        %scan3A_821 = arith.constant 6 : i32
        %scan3A_822 = arith.addi %scan3A_676, %scan3A_821 : i32
        %mul3A_823 = arith.constant 1 : i32
        %mul3A_824 = arith.muli %scan3A_822, %mul3A_823 : i32
        %add3A_825 = arith.constant 0 : i32
        %add3A_826 = arith.addi %add3A_825, %mul3A_824 : i32
        %add3A_827 = arith.constant 1400 : i32
        %add3A_828 = arith.addi %add3A_827, %add3A_826 : i32
        %get3A_829 = arith.constant 1 : i32
        %get3A_830 = arith.index_cast %get3A_829 : i32 to index
        %get3A_831 = arith.index_cast %add3A_828 : i32 to index
        %get3A_832 = arith.constant 0 : index
        %get3A_833 = tpu.vector_load %arg7[%get3A_830, %get3A_831, %get3A_832] {strides = array<i32>} : memref<2x1600x32xf32, #tpu.memory_space<vmem>>, vector<1x1x16xf32>,
        %get3A_834 = vector.shape_cast %get3A_833 : vector<1x1x16xf32> to vector<16xf32>
        %add3A_835 = arith.addf %add3A_811, %get3A_834 : vector<16xf32>
        %add3A_836 = arith.constant 1400 : i32
        %add3A_837 = arith.addi %add3A_836, %add3A_826 : i32
        %get3A_838 = arith.constant 1 : i32
        %get3A_839 = arith.index_cast %get3A_838 : i32 to index
        %get3A_840 = arith.index_cast %add3A_837 : i32 to index
        %get3A_841 = arith.constant 16 : index
        %get3A_842 = tpu.vector_load %arg7[%get3A_839, %get3A_840, %get3A_841] {strides = array<i32>} : memref<2x1600x32xf32, #tpu.memory_space<vmem>>, vector<1x1x16xf32>,
        %get3A_843 = vector.shape_cast %get3A_842 : vector<1x1x16xf32> to vector<16xf32>
        %add3A_844 = arith.addf %add3A_820, %get3A_843 : vector<16xf32>
        %scan3A_845 = arith.constant 7 : i32
        %scan3A_846 = arith.addi %scan3A_676, %scan3A_845 : i32
        %mul3A_847 = arith.constant 1 : i32
        %mul3A_848 = arith.muli %scan3A_846, %mul3A_847 : i32
        %add3A_849 = arith.constant 0 : i32
        %add3A_850 = arith.addi %add3A_849, %mul3A_848 : i32
        %add3A_851 = arith.constant 1400 : i32
        %add3A_852 = arith.addi %add3A_851, %add3A_850 : i32
        %get3A_853 = arith.constant 1 : i32
        %get3A_854 = arith.index_cast %get3A_853 : i32 to index
        %get3A_855 = arith.index_cast %add3A_852 : i32 to index
        %get3A_856 = arith.constant 0 : index
        %get3A_857 = tpu.vector_load %arg7[%get3A_854, %get3A_855, %get3A_856] {strides = array<i32>} : memref<2x1600x32xf32, #tpu.memory_space<vmem>>, vector<1x1x16xf32>,
        %get3A_858 = vector.shape_cast %get3A_857 : vector<1x1x16xf32> to vector<16xf32>
        %add3A_859 = arith.addf %add3A_835, %get3A_858 : vector<16xf32>
        %add3A_860 = arith.constant 1400 : i32
        %add3A_861 = arith.addi %add3A_860, %add3A_850 : i32
        %get3A_862 = arith.constant 1 : i32
        %get3A_863 = arith.index_cast %get3A_862 : i32 to index
        %get3A_864 = arith.index_cast %add3A_861 : i32 to index
        %get3A_865 = arith.constant 16 : index
        %get3A_866 = tpu.vector_load %arg7[%get3A_863, %get3A_864, %get3A_865] {strides = array<i32>} : memref<2x1600x32xf32, #tpu.memory_space<vmem>>, vector<1x1x16xf32>,
        %get3A_867 = vector.shape_cast %get3A_866 : vector<1x1x16xf32> to vector<16xf32>
        %add3A_868 = arith.addf %add3A_844, %get3A_867 : vector<16xf32>
        scf.yield %add3A_859, %add3A_868 : vector<16xf32>, vector<16xf32>
      }
      %scan3A_643 = arith.constant 200 : i32
      %swap3A_644 = arith.constant 1 : i32
      %swap3A_645 = arith.constant 7 : i32
      %swap3A_646 = arith.index_cast %swap3A_644 : i32 to index
      %swap3A_647 = arith.index_cast %swap3A_645 : i32 to index
      %swap3A_648 = arith.constant 0 : index
      %swap3A_649 = tpu.vector_load %arg8[%swap3A_646, %swap3A_647, %swap3A_648] {strides = array<i32>} : memref<2x8x32xf32, #tpu.memory_space<vmem>>, vector<1x1x16xf32>,
      %swap3A_650 = vector.shape_cast %swap3A_649 : vector<1x1x16xf32> to vector<16xf32>
      %swap3A_651 = vector.shape_cast %scan3A_642#0 : vector<16xf32> to vector<1x1x16xf32>
      tpu.vector_store %arg8[%swap3A_646, %swap3A_647, %swap3A_648], %swap3A_651 {strides = array<i32>} : memref<2x8x32xf32, #tpu.memory_space<vmem>>, vector<1x1x16xf32>,
      %swap3A_652 = arith.constant 1 : i32
      %swap3A_653 = arith.constant 7 : i32
      %swap3A_654 = arith.index_cast %swap3A_652 : i32 to index
      %swap3A_655 = arith.index_cast %swap3A_653 : i32 to index
      %swap3A_656 = arith.constant 16 : index
      %swap3A_657 = tpu.vector_load %arg8[%swap3A_654, %swap3A_655, %swap3A_656] {strides = array<i32>} : memref<2x8x32xf32, #tpu.memory_space<vmem>>, vector<1x1x16xf32>,
      %swap3A_658 = vector.shape_cast %swap3A_657 : vector<1x1x16xf32> to vector<16xf32>
      %swap3A_659 = vector.shape_cast %scan3A_642#1 : vector<16xf32> to vector<1x1x16xf32>
      tpu.vector_store %arg8[%swap3A_654, %swap3A_655, %swap3A_656], %swap3A_659 {strides = array<i32>} : memref<2x8x32xf32, #tpu.memory_space<vmem>>, vector<1x1x16xf32>,
      %mul3A_660 = arith.constant 8 : i32
      %mul3A_661 = arith.muli %add3A_461, %mul3A_660 : i32
      %add3A_662 = arith.addi %mul3A_2, %mul3A_661 : i32
      %dma_start3A_663 = arith.constant 1 : i32
      %dma_start3A_664 = arith.constant 0 : i32
      %dma_start3A_665 = arith.constant 0 : i32
      %dma_start3A_666 = tpu.memref_slice %arg8[%dma_start3A_663, %dma_start3A_664, %dma_start3A_665] : memref<2x8x32xf32, #tpu.memory_space<vmem>> -> memref<1x8x32xf32, #tpu.memory_space<vmem>>
      %dma_start3A_667 = tpu.memref_squeeze %dma_start3A_666 : memref<1x8x32xf32, #tpu.memory_space<vmem>> -> memref<8x32xf32, #tpu.memory_space<vmem>>
      %dma_start3A_668 = arith.constant 0 : i32
      %dma_start3A_669 = tpu.memref_slice %arg5[%add3A_662, %dma_start3A_668] : memref<16384x32xf32, #tpu.memory_space<hbm>> -> memref<8x32xf32, #tpu.memory_space<hbm>>
      %dma_start3A_670 = arith.constant 0 : i32
      %dma_start3A_671 = tpu.memref_slice %arg5[%add3A_662, %dma_start3A_670] : memref<16384x32xf32, #tpu.memory_space<hbm>> -> memref<8x32xf32, #tpu.memory_space<hbm>>
      %dma_start3A_672 = arith.constant 0 : i32
      %dma_start3A_673 = arith.constant 0 : i32
      %dma_start3A_674 = tpu.memref_slice %arg8[%dma_start3A_663, %dma_start3A_672, %dma_start3A_673] : memref<2x8x32xf32, #tpu.memory_space<vmem>> -> memref<1x8x32xf32, #tpu.memory_space<vmem>>
      %dma_start3A_675 = tpu.memref_squeeze %dma_start3A_674 : memref<1x8x32xf32, #tpu.memory_space<vmem>> -> memref<8x32xf32, #tpu.memory_space<vmem>>
      tpu.enqueue_dma source(%dma_start3A_675 : memref<8x32xf32, #tpu.memory_space<vmem>>) target(%dma_start3A_671 : memref<8x32xf32, #tpu.memory_space<hbm>>) target_semaphore(%arg15 : memref<!tpu.dma_semaphore, #tpu.memory_space<semaphore_mem>>)
    }
    %scan3A_213 = arith.constant 32 : i32
    %add3A_214 = arith.constant 496 : i32
    %add3A_215 = arith.addi %mul3A_2, %add3A_214 : i32
    %dma_wait3A_216 = arith.constant 0 : i32
    %dma_wait3A_217 = arith.constant 0 : i32
    %dma_wait3A_218 = arith.constant 0 : i32
    %dma_wait3A_219 = tpu.memref_slice %arg8[%dma_wait3A_216, %dma_wait3A_217, %dma_wait3A_218] : memref<2x8x32xf32, #tpu.memory_space<vmem>> -> memref<1x8x32xf32, #tpu.memory_space<vmem>>
    %dma_wait3A_220 = tpu.memref_squeeze %dma_wait3A_219 : memref<1x8x32xf32, #tpu.memory_space<vmem>> -> memref<8x32xf32, #tpu.memory_space<vmem>>
    %dma_wait3A_221 = arith.constant 0 : i32
    %dma_wait3A_222 = tpu.memref_slice %arg5[%add3A_215, %dma_wait3A_221] : memref<16384x32xf32, #tpu.memory_space<hbm>> -> memref<8x32xf32, #tpu.memory_space<hbm>>
    %dma_wait3A_223 = arith.constant 0 : i32
    %dma_wait3A_224 = tpu.memref_slice %arg5[%add3A_215, %dma_wait3A_223] : memref<16384x32xf32, #tpu.memory_space<hbm>> -> memref<8x32xf32, #tpu.memory_space<hbm>>
    %dma_wait3A_225 = arith.constant 0 : i32
    %dma_wait3A_226 = arith.constant 0 : i32
    %dma_wait3A_227 = tpu.memref_slice %arg8[%dma_wait3A_216, %dma_wait3A_225, %dma_wait3A_226] : memref<2x8x32xf32, #tpu.memory_space<vmem>> -> memref<1x8x32xf32, #tpu.memory_space<vmem>>
    %dma_wait3A_228 = tpu.memref_squeeze %dma_wait3A_227 : memref<1x8x32xf32, #tpu.memory_space<vmem>> -> memref<8x32xf32, #tpu.memory_space<vmem>>
    tpu.wait_dma2 semaphore(%arg14 : memref<!tpu.dma_semaphore, #tpu.memory_space<semaphore_mem>>) src(%dma_wait3A_228 : memref<8x32xf32, #tpu.memory_space<vmem>>) dst(%dma_wait3A_224 : memref<8x32xf32, #tpu.memory_space<hbm>>)
    %add3A_229 = arith.constant 504 : i32
    %add3A_230 = arith.addi %mul3A_2, %add3A_229 : i32
    %dma_wait3A_231 = arith.constant 1 : i32
    %dma_wait3A_232 = arith.constant 0 : i32
    %dma_wait3A_233 = arith.constant 0 : i32
    %dma_wait3A_234 = tpu.memref_slice %arg8[%dma_wait3A_231, %dma_wait3A_232, %dma_wait3A_233] : memref<2x8x32xf32, #tpu.memory_space<vmem>> -> memref<1x8x32xf32, #tpu.memory_space<vmem>>
    %dma_wait3A_235 = tpu.memref_squeeze %dma_wait3A_234 : memref<1x8x32xf32, #tpu.memory_space<vmem>> -> memref<8x32xf32, #tpu.memory_space<vmem>>
    %dma_wait3A_236 = arith.constant 0 : i32
    %dma_wait3A_237 = tpu.memref_slice %arg5[%add3A_230, %dma_wait3A_236] : memref<16384x32xf32, #tpu.memory_space<hbm>> -> memref<8x32xf32, #tpu.memory_space<hbm>>
    %dma_wait3A_238 = arith.constant 0 : i32
    %dma_wait3A_239 = tpu.memref_slice %arg5[%add3A_230, %dma_wait3A_238] : memref<16384x32xf32, #tpu.memory_space<hbm>> -> memref<8x32xf32, #tpu.memory_space<hbm>>
    %dma_wait3A_240 = arith.constant 0 : i32
    %dma_wait3A_241 = arith.constant 0 : i32
    %dma_wait3A_242 = tpu.memref_slice %arg8[%dma_wait3A_231, %dma_wait3A_240, %dma_wait3A_241] : memref<2x8x32xf32, #tpu.memory_space<vmem>> -> memref<1x8x32xf32, #tpu.memory_space<vmem>>
    %dma_wait3A_243 = tpu.memref_squeeze %dma_wait3A_242 : memref<1x8x32xf32, #tpu.memory_space<vmem>> -> memref<8x32xf32, #tpu.memory_space<vmem>>
    tpu.wait_dma2 semaphore(%arg15 : memref<!tpu.dma_semaphore, #tpu.memory_space<semaphore_mem>>) src(%dma_wait3A_243 : memref<8x32xf32, #tpu.memory_space<vmem>>) dst(%dma_wait3A_239 : memref<8x32xf32, #tpu.memory_space<hbm>>)
    return
  }
}

module attributes {stable_mosaic.version = 14 : i64} {
  func.func @_pack_body(%arg0: i32, %arg1: memref<32x32768xf32, #tpu.memory_space<vmem>>, %arg2: memref<8192x128xf32, #tpu.memory_space<vmem>>, %arg3: memref<4096x32xf32, #tpu.memory_space<vmem>>, %arg4: memref<4096x32xf32, #tpu.memory_space<vmem>>, %arg5: memref<4096x32xf32, #tpu.memory_space<vmem>>, %arg6: memref<4096x32xf32, #tpu.memory_space<vmem>>, %arg7: memref<4096x32xf32, #tpu.memory_space<vmem>>, %arg8: memref<4096x32xf32, #tpu.memory_space<vmem>>, %arg9: memref<4096x32xf32, #tpu.memory_space<vmem>>, %arg10: memref<4096x32xf32, #tpu.memory_space<vmem>>) attributes {dimension_semantics = [#tpu.dimension_semantics<arbitrary>], iteration_bounds = array<i64: 31>, scalar_prefetch = 0 : i64, scratch_operands = 8 : i64, tpu.core_type = #tpu.core_type<tc>, window_params = [{transform_indices = @transform_0, window_bounds = array<i64: 32, 32768>}, {transform_indices = @transform_1, window_bounds = array<i64: 8192, 128>}]} {
    %get3A = arith.constant 0 : index
    %get3A_0 = arith.constant 0 : index
    %get3A_1 = vector.load %arg1[%get3A, %get3A_0] : memref<32x32768xf32, #tpu.memory_space<vmem>>, vector<32x4096xf32>
    %transpose3A = tpu.transpose %get3A_1, [1, 0] : vector<32x4096xf32> -> vector<4096x32xf32>
    %swap3A = arith.constant 0 : index
    %swap3A_2 = arith.constant 0 : index
    %swap3A_3 = vector.load %arg3[%swap3A, %swap3A_2] : memref<4096x32xf32, #tpu.memory_space<vmem>>, vector<4096x32xf32>
    tpu.vector_store %arg3[%swap3A, %swap3A_2], %transpose3A {strides = array<i32>} : memref<4096x32xf32, #tpu.memory_space<vmem>>, vector<4096x32xf32>,
    %get3A_4 = arith.constant 0 : index
    %get3A_5 = arith.constant 4096 : index
    %get3A_6 = vector.load %arg1[%get3A_4, %get3A_5] : memref<32x32768xf32, #tpu.memory_space<vmem>>, vector<32x4096xf32>
    %transpose3A_7 = tpu.transpose %get3A_6, [1, 0] : vector<32x4096xf32> -> vector<4096x32xf32>
    %swap3A_8 = arith.constant 0 : index
    %swap3A_9 = arith.constant 0 : index
    %swap3A_10 = vector.load %arg4[%swap3A_8, %swap3A_9] : memref<4096x32xf32, #tpu.memory_space<vmem>>, vector<4096x32xf32>
    tpu.vector_store %arg4[%swap3A_8, %swap3A_9], %transpose3A_7 {strides = array<i32>} : memref<4096x32xf32, #tpu.memory_space<vmem>>, vector<4096x32xf32>,
    %get3A_11 = arith.constant 0 : index
    %get3A_12 = arith.constant 8192 : index
    %get3A_13 = vector.load %arg1[%get3A_11, %get3A_12] : memref<32x32768xf32, #tpu.memory_space<vmem>>, vector<32x4096xf32>
    %transpose3A_14 = tpu.transpose %get3A_13, [1, 0] : vector<32x4096xf32> -> vector<4096x32xf32>
    %swap3A_15 = arith.constant 0 : index
    %swap3A_16 = arith.constant 0 : index
    %swap3A_17 = vector.load %arg5[%swap3A_15, %swap3A_16] : memref<4096x32xf32, #tpu.memory_space<vmem>>, vector<4096x32xf32>
    tpu.vector_store %arg5[%swap3A_15, %swap3A_16], %transpose3A_14 {strides = array<i32>} : memref<4096x32xf32, #tpu.memory_space<vmem>>, vector<4096x32xf32>,
    %get3A_18 = arith.constant 0 : index
    %get3A_19 = arith.constant 12288 : index
    %get3A_20 = vector.load %arg1[%get3A_18, %get3A_19] : memref<32x32768xf32, #tpu.memory_space<vmem>>, vector<32x4096xf32>
    %transpose3A_21 = tpu.transpose %get3A_20, [1, 0] : vector<32x4096xf32> -> vector<4096x32xf32>
    %swap3A_22 = arith.constant 0 : index
    %swap3A_23 = arith.constant 0 : index
    %swap3A_24 = vector.load %arg6[%swap3A_22, %swap3A_23] : memref<4096x32xf32, #tpu.memory_space<vmem>>, vector<4096x32xf32>
    tpu.vector_store %arg6[%swap3A_22, %swap3A_23], %transpose3A_21 {strides = array<i32>} : memref<4096x32xf32, #tpu.memory_space<vmem>>, vector<4096x32xf32>,
    %get3A_25 = arith.constant 0 : index
    %get3A_26 = arith.constant 16384 : index
    %get3A_27 = vector.load %arg1[%get3A_25, %get3A_26] : memref<32x32768xf32, #tpu.memory_space<vmem>>, vector<32x4096xf32>
    %transpose3A_28 = tpu.transpose %get3A_27, [1, 0] : vector<32x4096xf32> -> vector<4096x32xf32>
    %swap3A_29 = arith.constant 0 : index
    %swap3A_30 = arith.constant 0 : index
    %swap3A_31 = vector.load %arg7[%swap3A_29, %swap3A_30] : memref<4096x32xf32, #tpu.memory_space<vmem>>, vector<4096x32xf32>
    tpu.vector_store %arg7[%swap3A_29, %swap3A_30], %transpose3A_28 {strides = array<i32>} : memref<4096x32xf32, #tpu.memory_space<vmem>>, vector<4096x32xf32>,
    %get3A_32 = arith.constant 0 : index
    %get3A_33 = arith.constant 20480 : index
    %get3A_34 = vector.load %arg1[%get3A_32, %get3A_33] : memref<32x32768xf32, #tpu.memory_space<vmem>>, vector<32x4096xf32>
    %transpose3A_35 = tpu.transpose %get3A_34, [1, 0] : vector<32x4096xf32> -> vector<4096x32xf32>
    %swap3A_36 = arith.constant 0 : index
    %swap3A_37 = arith.constant 0 : index
    %swap3A_38 = vector.load %arg8[%swap3A_36, %swap3A_37] : memref<4096x32xf32, #tpu.memory_space<vmem>>, vector<4096x32xf32>
    tpu.vector_store %arg8[%swap3A_36, %swap3A_37], %transpose3A_35 {strides = array<i32>} : memref<4096x32xf32, #tpu.memory_space<vmem>>, vector<4096x32xf32>,
    %get3A_39 = arith.constant 0 : index
    %get3A_40 = arith.constant 24576 : index
    %get3A_41 = vector.load %arg1[%get3A_39, %get3A_40] : memref<32x32768xf32, #tpu.memory_space<vmem>>, vector<32x4096xf32>
    %transpose3A_42 = tpu.transpose %get3A_41, [1, 0] : vector<32x4096xf32> -> vector<4096x32xf32>
    %swap3A_43 = arith.constant 0 : index
    %swap3A_44 = arith.constant 0 : index
    %swap3A_45 = vector.load %arg9[%swap3A_43, %swap3A_44] : memref<4096x32xf32, #tpu.memory_space<vmem>>, vector<4096x32xf32>
    tpu.vector_store %arg9[%swap3A_43, %swap3A_44], %transpose3A_42 {strides = array<i32>} : memref<4096x32xf32, #tpu.memory_space<vmem>>, vector<4096x32xf32>,
    %get3A_46 = arith.constant 0 : index
    %get3A_47 = arith.constant 28672 : index
    %get3A_48 = vector.load %arg1[%get3A_46, %get3A_47] : memref<32x32768xf32, #tpu.memory_space<vmem>>, vector<32x4096xf32>
    %transpose3A_49 = tpu.transpose %get3A_48, [1, 0] : vector<32x4096xf32> -> vector<4096x32xf32>
    %swap3A_50 = arith.constant 0 : index
    %swap3A_51 = arith.constant 0 : index
    %swap3A_52 = vector.load %arg10[%swap3A_50, %swap3A_51] : memref<4096x32xf32, #tpu.memory_space<vmem>>, vector<4096x32xf32>
    tpu.vector_store %arg10[%swap3A_50, %swap3A_51], %transpose3A_49 {strides = array<i32>} : memref<4096x32xf32, #tpu.memory_space<vmem>>, vector<4096x32xf32>,
    %get3A_53 = arith.constant 0 : index
    %get3A_54 = arith.constant 0 : index
    %get3A_55 = tpu.strided_load %arg3[%get3A_53, %get3A_54] {strides = array<i32: 4, 1>} : memref<4096x32xf32, #tpu.memory_space<vmem>>, vector<1024x32xf32>
    %swap3A_56 = arith.constant 0 : index
    %swap3A_57 = arith.constant 0 : index
    %swap3A_58 = vector.load %arg2[%swap3A_56, %swap3A_57] : memref<8192x128xf32, #tpu.memory_space<vmem>>, vector<1024x32xf32>
    tpu.vector_store %arg2[%swap3A_56, %swap3A_57], %get3A_55 {strides = array<i32>} : memref<8192x128xf32, #tpu.memory_space<vmem>>, vector<1024x32xf32>,
    %get3A_59 = arith.constant 1 : index
    %get3A_60 = arith.constant 0 : index
    %get3A_61 = tpu.strided_load %arg3[%get3A_59, %get3A_60] {strides = array<i32: 4, 1>} : memref<4096x32xf32, #tpu.memory_space<vmem>>, vector<1024x32xf32>
    %swap3A_62 = arith.constant 0 : index
    %swap3A_63 = arith.constant 32 : index
    %swap3A_64 = vector.load %arg2[%swap3A_62, %swap3A_63] : memref<8192x128xf32, #tpu.memory_space<vmem>>, vector<1024x32xf32>
    tpu.vector_store %arg2[%swap3A_62, %swap3A_63], %get3A_61 {strides = array<i32>} : memref<8192x128xf32, #tpu.memory_space<vmem>>, vector<1024x32xf32>,
    %get3A_65 = arith.constant 2 : index
    %get3A_66 = arith.constant 0 : index
    %get3A_67 = tpu.strided_load %arg3[%get3A_65, %get3A_66] {strides = array<i32: 4, 1>} : memref<4096x32xf32, #tpu.memory_space<vmem>>, vector<1024x32xf32>
    %swap3A_68 = arith.constant 0 : index
    %swap3A_69 = arith.constant 64 : index
    %swap3A_70 = vector.load %arg2[%swap3A_68, %swap3A_69] : memref<8192x128xf32, #tpu.memory_space<vmem>>, vector<1024x32xf32>
    tpu.vector_store %arg2[%swap3A_68, %swap3A_69], %get3A_67 {strides = array<i32>} : memref<8192x128xf32, #tpu.memory_space<vmem>>, vector<1024x32xf32>,
    %get3A_71 = arith.constant 3 : index
    %get3A_72 = arith.constant 0 : index
    %get3A_73 = tpu.strided_load %arg3[%get3A_71, %get3A_72] {strides = array<i32: 4, 1>} : memref<4096x32xf32, #tpu.memory_space<vmem>>, vector<1024x32xf32>
    %swap3A_74 = arith.constant 0 : index
    %swap3A_75 = arith.constant 96 : index
    %swap3A_76 = vector.load %arg2[%swap3A_74, %swap3A_75] : memref<8192x128xf32, #tpu.memory_space<vmem>>, vector<1024x32xf32>
    tpu.vector_store %arg2[%swap3A_74, %swap3A_75], %get3A_73 {strides = array<i32>} : memref<8192x128xf32, #tpu.memory_space<vmem>>, vector<1024x32xf32>,
    %get3A_77 = arith.constant 0 : index
    %get3A_78 = arith.constant 0 : index
    %get3A_79 = tpu.strided_load %arg4[%get3A_77, %get3A_78] {strides = array<i32: 4, 1>} : memref<4096x32xf32, #tpu.memory_space<vmem>>, vector<1024x32xf32>
    %swap3A_80 = arith.constant 1024 : index
    %swap3A_81 = arith.constant 0 : index
    %swap3A_82 = vector.load %arg2[%swap3A_80, %swap3A_81] : memref<8192x128xf32, #tpu.memory_space<vmem>>, vector<1024x32xf32>
    tpu.vector_store %arg2[%swap3A_80, %swap3A_81], %get3A_79 {strides = array<i32>} : memref<8192x128xf32, #tpu.memory_space<vmem>>, vector<1024x32xf32>,
    %get3A_83 = arith.constant 1 : index
    %get3A_84 = arith.constant 0 : index
    %get3A_85 = tpu.strided_load %arg4[%get3A_83, %get3A_84] {strides = array<i32: 4, 1>} : memref<4096x32xf32, #tpu.memory_space<vmem>>, vector<1024x32xf32>
    %swap3A_86 = arith.constant 1024 : index
    %swap3A_87 = arith.constant 32 : index
    %swap3A_88 = vector.load %arg2[%swap3A_86, %swap3A_87] : memref<8192x128xf32, #tpu.memory_space<vmem>>, vector<1024x32xf32>
    tpu.vector_store %arg2[%swap3A_86, %swap3A_87], %get3A_85 {strides = array<i32>} : memref<8192x128xf32, #tpu.memory_space<vmem>>, vector<1024x32xf32>,
    %get3A_89 = arith.constant 2 : index
    %get3A_90 = arith.constant 0 : index
    %get3A_91 = tpu.strided_load %arg4[%get3A_89, %get3A_90] {strides = array<i32: 4, 1>} : memref<4096x32xf32, #tpu.memory_space<vmem>>, vector<1024x32xf32>
    %swap3A_92 = arith.constant 1024 : index
    %swap3A_93 = arith.constant 64 : index
    %swap3A_94 = vector.load %arg2[%swap3A_92, %swap3A_93] : memref<8192x128xf32, #tpu.memory_space<vmem>>, vector<1024x32xf32>
    tpu.vector_store %arg2[%swap3A_92, %swap3A_93], %get3A_91 {strides = array<i32>} : memref<8192x128xf32, #tpu.memory_space<vmem>>, vector<1024x32xf32>,
    %get3A_95 = arith.constant 3 : index
    %get3A_96 = arith.constant 0 : index
    %get3A_97 = tpu.strided_load %arg4[%get3A_95, %get3A_96] {strides = array<i32: 4, 1>} : memref<4096x32xf32, #tpu.memory_space<vmem>>, vector<1024x32xf32>
    %swap3A_98 = arith.constant 1024 : index
    %swap3A_99 = arith.constant 96 : index
    %swap3A_100 = vector.load %arg2[%swap3A_98, %swap3A_99] : memref<8192x128xf32, #tpu.memory_space<vmem>>, vector<1024x32xf32>
    tpu.vector_store %arg2[%swap3A_98, %swap3A_99], %get3A_97 {strides = array<i32>} : memref<8192x128xf32, #tpu.memory_space<vmem>>, vector<1024x32xf32>,
    %get3A_101 = arith.constant 0 : index
    %get3A_102 = arith.constant 0 : index
    %get3A_103 = tpu.strided_load %arg5[%get3A_101, %get3A_102] {strides = array<i32: 4, 1>} : memref<4096x32xf32, #tpu.memory_space<vmem>>, vector<1024x32xf32>
    %swap3A_104 = arith.constant 2048 : index
    %swap3A_105 = arith.constant 0 : index
    %swap3A_106 = vector.load %arg2[%swap3A_104, %swap3A_105] : memref<8192x128xf32, #tpu.memory_space<vmem>>, vector<1024x32xf32>
    tpu.vector_store %arg2[%swap3A_104, %swap3A_105], %get3A_103 {strides = array<i32>} : memref<8192x128xf32, #tpu.memory_space<vmem>>, vector<1024x32xf32>,
    %get3A_107 = arith.constant 1 : index
    %get3A_108 = arith.constant 0 : index
    %get3A_109 = tpu.strided_load %arg5[%get3A_107, %get3A_108] {strides = array<i32: 4, 1>} : memref<4096x32xf32, #tpu.memory_space<vmem>>, vector<1024x32xf32>
    %swap3A_110 = arith.constant 2048 : index
    %swap3A_111 = arith.constant 32 : index
    %swap3A_112 = vector.load %arg2[%swap3A_110, %swap3A_111] : memref<8192x128xf32, #tpu.memory_space<vmem>>, vector<1024x32xf32>
    tpu.vector_store %arg2[%swap3A_110, %swap3A_111], %get3A_109 {strides = array<i32>} : memref<8192x128xf32, #tpu.memory_space<vmem>>, vector<1024x32xf32>,
    %get3A_113 = arith.constant 2 : index
    %get3A_114 = arith.constant 0 : index
    %get3A_115 = tpu.strided_load %arg5[%get3A_113, %get3A_114] {strides = array<i32: 4, 1>} : memref<4096x32xf32, #tpu.memory_space<vmem>>, vector<1024x32xf32>
    %swap3A_116 = arith.constant 2048 : index
    %swap3A_117 = arith.constant 64 : index
    %swap3A_118 = vector.load %arg2[%swap3A_116, %swap3A_117] : memref<8192x128xf32, #tpu.memory_space<vmem>>, vector<1024x32xf32>
    tpu.vector_store %arg2[%swap3A_116, %swap3A_117], %get3A_115 {strides = array<i32>} : memref<8192x128xf32, #tpu.memory_space<vmem>>, vector<1024x32xf32>,
    %get3A_119 = arith.constant 3 : index
    %get3A_120 = arith.constant 0 : index
    %get3A_121 = tpu.strided_load %arg5[%get3A_119, %get3A_120] {strides = array<i32: 4, 1>} : memref<4096x32xf32, #tpu.memory_space<vmem>>, vector<1024x32xf32>
    %swap3A_122 = arith.constant 2048 : index
    %swap3A_123 = arith.constant 96 : index
    %swap3A_124 = vector.load %arg2[%swap3A_122, %swap3A_123] : memref<8192x128xf32, #tpu.memory_space<vmem>>, vector<1024x32xf32>
    tpu.vector_store %arg2[%swap3A_122, %swap3A_123], %get3A_121 {strides = array<i32>} : memref<8192x128xf32, #tpu.memory_space<vmem>>, vector<1024x32xf32>,
    %get3A_125 = arith.constant 0 : index
    %get3A_126 = arith.constant 0 : index
    %get3A_127 = tpu.strided_load %arg6[%get3A_125, %get3A_126] {strides = array<i32: 4, 1>} : memref<4096x32xf32, #tpu.memory_space<vmem>>, vector<1024x32xf32>
    %swap3A_128 = arith.constant 3072 : index
    %swap3A_129 = arith.constant 0 : index
    %swap3A_130 = vector.load %arg2[%swap3A_128, %swap3A_129] : memref<8192x128xf32, #tpu.memory_space<vmem>>, vector<1024x32xf32>
    tpu.vector_store %arg2[%swap3A_128, %swap3A_129], %get3A_127 {strides = array<i32>} : memref<8192x128xf32, #tpu.memory_space<vmem>>, vector<1024x32xf32>,
    %get3A_131 = arith.constant 1 : index
    %get3A_132 = arith.constant 0 : index
    %get3A_133 = tpu.strided_load %arg6[%get3A_131, %get3A_132] {strides = array<i32: 4, 1>} : memref<4096x32xf32, #tpu.memory_space<vmem>>, vector<1024x32xf32>
    %swap3A_134 = arith.constant 3072 : index
    %swap3A_135 = arith.constant 32 : index
    %swap3A_136 = vector.load %arg2[%swap3A_134, %swap3A_135] : memref<8192x128xf32, #tpu.memory_space<vmem>>, vector<1024x32xf32>
    tpu.vector_store %arg2[%swap3A_134, %swap3A_135], %get3A_133 {strides = array<i32>} : memref<8192x128xf32, #tpu.memory_space<vmem>>, vector<1024x32xf32>,
    %get3A_137 = arith.constant 2 : index
    %get3A_138 = arith.constant 0 : index
    %get3A_139 = tpu.strided_load %arg6[%get3A_137, %get3A_138] {strides = array<i32: 4, 1>} : memref<4096x32xf32, #tpu.memory_space<vmem>>, vector<1024x32xf32>
    %swap3A_140 = arith.constant 3072 : index
    %swap3A_141 = arith.constant 64 : index
    %swap3A_142 = vector.load %arg2[%swap3A_140, %swap3A_141] : memref<8192x128xf32, #tpu.memory_space<vmem>>, vector<1024x32xf32>
    tpu.vector_store %arg2[%swap3A_140, %swap3A_141], %get3A_139 {strides = array<i32>} : memref<8192x128xf32, #tpu.memory_space<vmem>>, vector<1024x32xf32>,
    %get3A_143 = arith.constant 3 : index
    %get3A_144 = arith.constant 0 : index
    %get3A_145 = tpu.strided_load %arg6[%get3A_143, %get3A_144] {strides = array<i32: 4, 1>} : memref<4096x32xf32, #tpu.memory_space<vmem>>, vector<1024x32xf32>
    %swap3A_146 = arith.constant 3072 : index
    %swap3A_147 = arith.constant 96 : index
    %swap3A_148 = vector.load %arg2[%swap3A_146, %swap3A_147] : memref<8192x128xf32, #tpu.memory_space<vmem>>, vector<1024x32xf32>
    tpu.vector_store %arg2[%swap3A_146, %swap3A_147], %get3A_145 {strides = array<i32>} : memref<8192x128xf32, #tpu.memory_space<vmem>>, vector<1024x32xf32>,
    %get3A_149 = arith.constant 0 : index
    %get3A_150 = arith.constant 0 : index
    %get3A_151 = tpu.strided_load %arg7[%get3A_149, %get3A_150] {strides = array<i32: 4, 1>} : memref<4096x32xf32, #tpu.memory_space<vmem>>, vector<1024x32xf32>
    %swap3A_152 = arith.constant 4096 : index
    %swap3A_153 = arith.constant 0 : index
    %swap3A_154 = vector.load %arg2[%swap3A_152, %swap3A_153] : memref<8192x128xf32, #tpu.memory_space<vmem>>, vector<1024x32xf32>
    tpu.vector_store %arg2[%swap3A_152, %swap3A_153], %get3A_151 {strides = array<i32>} : memref<8192x128xf32, #tpu.memory_space<vmem>>, vector<1024x32xf32>,
    %get3A_155 = arith.constant 1 : index
    %get3A_156 = arith.constant 0 : index
    %get3A_157 = tpu.strided_load %arg7[%get3A_155, %get3A_156] {strides = array<i32: 4, 1>} : memref<4096x32xf32, #tpu.memory_space<vmem>>, vector<1024x32xf32>
    %swap3A_158 = arith.constant 4096 : index
    %swap3A_159 = arith.constant 32 : index
    %swap3A_160 = vector.load %arg2[%swap3A_158, %swap3A_159] : memref<8192x128xf32, #tpu.memory_space<vmem>>, vector<1024x32xf32>
    tpu.vector_store %arg2[%swap3A_158, %swap3A_159], %get3A_157 {strides = array<i32>} : memref<8192x128xf32, #tpu.memory_space<vmem>>, vector<1024x32xf32>,
    %get3A_161 = arith.constant 2 : index
    %get3A_162 = arith.constant 0 : index
    %get3A_163 = tpu.strided_load %arg7[%get3A_161, %get3A_162] {strides = array<i32: 4, 1>} : memref<4096x32xf32, #tpu.memory_space<vmem>>, vector<1024x32xf32>
    %swap3A_164 = arith.constant 4096 : index
    %swap3A_165 = arith.constant 64 : index
    %swap3A_166 = vector.load %arg2[%swap3A_164, %swap3A_165] : memref<8192x128xf32, #tpu.memory_space<vmem>>, vector<1024x32xf32>
    tpu.vector_store %arg2[%swap3A_164, %swap3A_165], %get3A_163 {strides = array<i32>} : memref<8192x128xf32, #tpu.memory_space<vmem>>, vector<1024x32xf32>,
    %get3A_167 = arith.constant 3 : index
    %get3A_168 = arith.constant 0 : index
    %get3A_169 = tpu.strided_load %arg7[%get3A_167, %get3A_168] {strides = array<i32: 4, 1>} : memref<4096x32xf32, #tpu.memory_space<vmem>>, vector<1024x32xf32>
    %swap3A_170 = arith.constant 4096 : index
    %swap3A_171 = arith.constant 96 : index
    %swap3A_172 = vector.load %arg2[%swap3A_170, %swap3A_171] : memref<8192x128xf32, #tpu.memory_space<vmem>>, vector<1024x32xf32>
    tpu.vector_store %arg2[%swap3A_170, %swap3A_171], %get3A_169 {strides = array<i32>} : memref<8192x128xf32, #tpu.memory_space<vmem>>, vector<1024x32xf32>,
    %get3A_173 = arith.constant 0 : index
    %get3A_174 = arith.constant 0 : index
    %get3A_175 = tpu.strided_load %arg8[%get3A_173, %get3A_174] {strides = array<i32: 4, 1>} : memref<4096x32xf32, #tpu.memory_space<vmem>>, vector<1024x32xf32>
    %swap3A_176 = arith.constant 5120 : index
    %swap3A_177 = arith.constant 0 : index
    %swap3A_178 = vector.load %arg2[%swap3A_176, %swap3A_177] : memref<8192x128xf32, #tpu.memory_space<vmem>>, vector<1024x32xf32>
    tpu.vector_store %arg2[%swap3A_176, %swap3A_177], %get3A_175 {strides = array<i32>} : memref<8192x128xf32, #tpu.memory_space<vmem>>, vector<1024x32xf32>,
    %get3A_179 = arith.constant 1 : index
    %get3A_180 = arith.constant 0 : index
    %get3A_181 = tpu.strided_load %arg8[%get3A_179, %get3A_180] {strides = array<i32: 4, 1>} : memref<4096x32xf32, #tpu.memory_space<vmem>>, vector<1024x32xf32>
    %swap3A_182 = arith.constant 5120 : index
    %swap3A_183 = arith.constant 32 : index
    %swap3A_184 = vector.load %arg2[%swap3A_182, %swap3A_183] : memref<8192x128xf32, #tpu.memory_space<vmem>>, vector<1024x32xf32>
    tpu.vector_store %arg2[%swap3A_182, %swap3A_183], %get3A_181 {strides = array<i32>} : memref<8192x128xf32, #tpu.memory_space<vmem>>, vector<1024x32xf32>,
    %get3A_185 = arith.constant 2 : index
    %get3A_186 = arith.constant 0 : index
    %get3A_187 = tpu.strided_load %arg8[%get3A_185, %get3A_186] {strides = array<i32: 4, 1>} : memref<4096x32xf32, #tpu.memory_space<vmem>>, vector<1024x32xf32>
    %swap3A_188 = arith.constant 5120 : index
    %swap3A_189 = arith.constant 64 : index
    %swap3A_190 = vector.load %arg2[%swap3A_188, %swap3A_189] : memref<8192x128xf32, #tpu.memory_space<vmem>>, vector<1024x32xf32>
    tpu.vector_store %arg2[%swap3A_188, %swap3A_189], %get3A_187 {strides = array<i32>} : memref<8192x128xf32, #tpu.memory_space<vmem>>, vector<1024x32xf32>,
    %get3A_191 = arith.constant 3 : index
    %get3A_192 = arith.constant 0 : index
    %get3A_193 = tpu.strided_load %arg8[%get3A_191, %get3A_192] {strides = array<i32: 4, 1>} : memref<4096x32xf32, #tpu.memory_space<vmem>>, vector<1024x32xf32>
    %swap3A_194 = arith.constant 5120 : index
    %swap3A_195 = arith.constant 96 : index
    %swap3A_196 = vector.load %arg2[%swap3A_194, %swap3A_195] : memref<8192x128xf32, #tpu.memory_space<vmem>>, vector<1024x32xf32>
    tpu.vector_store %arg2[%swap3A_194, %swap3A_195], %get3A_193 {strides = array<i32>} : memref<8192x128xf32, #tpu.memory_space<vmem>>, vector<1024x32xf32>,
    %get3A_197 = arith.constant 0 : index
    %get3A_198 = arith.constant 0 : index
    %get3A_199 = tpu.strided_load %arg9[%get3A_197, %get3A_198] {strides = array<i32: 4, 1>} : memref<4096x32xf32, #tpu.memory_space<vmem>>, vector<1024x32xf32>
    %swap3A_200 = arith.constant 6144 : index
    %swap3A_201 = arith.constant 0 : index
    %swap3A_202 = vector.load %arg2[%swap3A_200, %swap3A_201] : memref<8192x128xf32, #tpu.memory_space<vmem>>, vector<1024x32xf32>
    tpu.vector_store %arg2[%swap3A_200, %swap3A_201], %get3A_199 {strides = array<i32>} : memref<8192x128xf32, #tpu.memory_space<vmem>>, vector<1024x32xf32>,
    %get3A_203 = arith.constant 1 : index
    %get3A_204 = arith.constant 0 : index
    %get3A_205 = tpu.strided_load %arg9[%get3A_203, %get3A_204] {strides = array<i32: 4, 1>} : memref<4096x32xf32, #tpu.memory_space<vmem>>, vector<1024x32xf32>
    %swap3A_206 = arith.constant 6144 : index
    %swap3A_207 = arith.constant 32 : index
    %swap3A_208 = vector.load %arg2[%swap3A_206, %swap3A_207] : memref<8192x128xf32, #tpu.memory_space<vmem>>, vector<1024x32xf32>
    tpu.vector_store %arg2[%swap3A_206, %swap3A_207], %get3A_205 {strides = array<i32>} : memref<8192x128xf32, #tpu.memory_space<vmem>>, vector<1024x32xf32>,
    %get3A_209 = arith.constant 2 : index
    %get3A_210 = arith.constant 0 : index
    %get3A_211 = tpu.strided_load %arg9[%get3A_209, %get3A_210] {strides = array<i32: 4, 1>} : memref<4096x32xf32, #tpu.memory_space<vmem>>, vector<1024x32xf32>
    %swap3A_212 = arith.constant 6144 : index
    %swap3A_213 = arith.constant 64 : index
    %swap3A_214 = vector.load %arg2[%swap3A_212, %swap3A_213] : memref<8192x128xf32, #tpu.memory_space<vmem>>, vector<1024x32xf32>
    tpu.vector_store %arg2[%swap3A_212, %swap3A_213], %get3A_211 {strides = array<i32>} : memref<8192x128xf32, #tpu.memory_space<vmem>>, vector<1024x32xf32>,
    %get3A_215 = arith.constant 3 : index
    %get3A_216 = arith.constant 0 : index
    %get3A_217 = tpu.strided_load %arg9[%get3A_215, %get3A_216] {strides = array<i32: 4, 1>} : memref<4096x32xf32, #tpu.memory_space<vmem>>, vector<1024x32xf32>
    %swap3A_218 = arith.constant 6144 : index
    %swap3A_219 = arith.constant 96 : index
    %swap3A_220 = vector.load %arg2[%swap3A_218, %swap3A_219] : memref<8192x128xf32, #tpu.memory_space<vmem>>, vector<1024x32xf32>
    tpu.vector_store %arg2[%swap3A_218, %swap3A_219], %get3A_217 {strides = array<i32>} : memref<8192x128xf32, #tpu.memory_space<vmem>>, vector<1024x32xf32>,
    %get3A_221 = arith.constant 0 : index
    %get3A_222 = arith.constant 0 : index
    %get3A_223 = tpu.strided_load %arg10[%get3A_221, %get3A_222] {strides = array<i32: 4, 1>} : memref<4096x32xf32, #tpu.memory_space<vmem>>, vector<1024x32xf32>
    %swap3A_224 = arith.constant 7168 : index
    %swap3A_225 = arith.constant 0 : index
    %swap3A_226 = vector.load %arg2[%swap3A_224, %swap3A_225] : memref<8192x128xf32, #tpu.memory_space<vmem>>, vector<1024x32xf32>
    tpu.vector_store %arg2[%swap3A_224, %swap3A_225], %get3A_223 {strides = array<i32>} : memref<8192x128xf32, #tpu.memory_space<vmem>>, vector<1024x32xf32>,
    %get3A_227 = arith.constant 1 : index
    %get3A_228 = arith.constant 0 : index
    %get3A_229 = tpu.strided_load %arg10[%get3A_227, %get3A_228] {strides = array<i32: 4, 1>} : memref<4096x32xf32, #tpu.memory_space<vmem>>, vector<1024x32xf32>
    %swap3A_230 = arith.constant 7168 : index
    %swap3A_231 = arith.constant 32 : index
    %swap3A_232 = vector.load %arg2[%swap3A_230, %swap3A_231] : memref<8192x128xf32, #tpu.memory_space<vmem>>, vector<1024x32xf32>
    tpu.vector_store %arg2[%swap3A_230, %swap3A_231], %get3A_229 {strides = array<i32>} : memref<8192x128xf32, #tpu.memory_space<vmem>>, vector<1024x32xf32>,
    %get3A_233 = arith.constant 2 : index
    %get3A_234 = arith.constant 0 : index
    %get3A_235 = tpu.strided_load %arg10[%get3A_233, %get3A_234] {strides = array<i32: 4, 1>} : memref<4096x32xf32, #tpu.memory_space<vmem>>, vector<1024x32xf32>
    %swap3A_236 = arith.constant 7168 : index
    %swap3A_237 = arith.constant 64 : index
    %swap3A_238 = vector.load %arg2[%swap3A_236, %swap3A_237] : memref<8192x128xf32, #tpu.memory_space<vmem>>, vector<1024x32xf32>
    tpu.vector_store %arg2[%swap3A_236, %swap3A_237], %get3A_235 {strides = array<i32>} : memref<8192x128xf32, #tpu.memory_space<vmem>>, vector<1024x32xf32>,
    %get3A_239 = arith.constant 3 : index
    %get3A_240 = arith.constant 0 : index
    %get3A_241 = tpu.strided_load %arg10[%get3A_239, %get3A_240] {strides = array<i32: 4, 1>} : memref<4096x32xf32, #tpu.memory_space<vmem>>, vector<1024x32xf32>
    %swap3A_242 = arith.constant 7168 : index
    %swap3A_243 = arith.constant 96 : index
    %swap3A_244 = vector.load %arg2[%swap3A_242, %swap3A_243] : memref<8192x128xf32, #tpu.memory_space<vmem>>, vector<1024x32xf32>
    tpu.vector_store %arg2[%swap3A_242, %swap3A_243], %get3A_241 {strides = array<i32>} : memref<8192x128xf32, #tpu.memory_space<vmem>>, vector<1024x32xf32>,
    return
  }
  func.func @transform_0(%arg0: i32) -> (i32, i32) {
    %c0_i32 = arith.constant 0 : i32
    %c0_i32_0 = arith.constant 0 : i32
    return %c0_i32, %arg0 : i32, i32
  }
  func.func @transform_1(%arg0: i32) -> (i32, i32) {
    %c0_i32 = arith.constant 0 : i32
    %c0_i32_0 = arith.constant 0 : i32
    return %arg0, %c0_i32 : i32, i32
  }
}

</mosaic_0001>

<sc_bundles>
// kernel: kernel.4.cloned.1.call-start
scs
__scs_entry_jumppad:
0x0: {  	(pc) =	sbr.rel $0x88, $3  }
0x1: {  	(tag) =	ssettag $0x0;
	lr =	simm.s32 $0x1  }
0x2: {  	[smem:$0x3F9E] =	sst lr;
	_ =	strace $0xD0000000  }
0x3: {  	_ = 	snop  }
0x4: {  	_ = 	snop  }
0x5: {  	_ = 	snop  }
0x6: {  	_ = 	snop  }
0x7: {  	_ = 	snop  }
__scs_overlays_trampoline_lowered:
0x8: {  	[smem:$0x3FAD] =	sst s0  }
0x9: {  	[smem:$0x3FAE] =	sst s1  }
0xa: {  	[smem:$0x3FAF] =	sst s2  }
0xb: {  	[smem:$0x3FB0] =	sst s3  }
0xc: {  	[smem:$0x3FB1] =	sst s4  }
0xd: {  	[smem:$0x3FB2] =	sst s5  }
0xe: {  	[smem:$0x3FB3] =	sst s6  }
0xf: {  	[smem:$0x3FB4] =	sst s7  }
0x10: {  	[smem:$0x3FB5] =	sst s8  }
0x11: {  	[smem:$0x3FB6] =	sst s9;
	s0 =	simm.s32 @!p0 $0x0  }
0x12: {  	s1 =	sld [smem:$0x3F9C];
	s0 =	simm.s32 @p0 $0x1  }
0x13: {  	[smem:$0x3FB7] =	sst s0;
	s0 =	simm.s32 @!p1 $0x0  }
0x14: {  	s2 =	sld [smem:$0x3F9B];
	s0 =	simm.s32 @p1 $0x1  }
0x15: {  	[smem:$0x3FB8] =	sst s0;
	s0 =	simm.s32 @!p2 $0x0  }
0x16: {  	s3 =	sld [smem:$0x3FDB];
	s0 =	simm.s32 @p2 $0x1  }
0x17: {  	s4 =	simm.s32 $0x1BF5;
	[smem:$0x3FBA] =	sst s0  }
0x18: {  	s0 =	sld [smem:$0x3F9D];
	_ =	swait.ge [sflag:s4], $0x0  }
0x19: {  	s7 =	sld [smem:$0x3F9E]  }
0x1a: {  	s8 =	sadd.s32 $0xFFFFE003, lr  }
0x1b: {  	s9 =	sadd.s32 $0xFFFFFEF7, lr;
	s5 =	simm.s32 $0xFFFFFFFF;
	p2 =	slt.u32 s8, $0xFFFFF086  }
0x1c: {  	p1 =	slt.u32 s9, $0xF7A;
	s5 =	simm.s32 @!p2 $0x0  }
0x1d: {  	s5 =	simm.s32 @p1 $0x1;
	p0 =	seq.s32 s7, s2  }
0x1e: {  	s7 =	smul.u32 @!p0 $0xF7A, s2;
	p2 =	seq.s32 @!p0 s5, $0x0  }
0x1f: {  	s9 =	smul.u32 $0xF7A, s1;
	s8 =	simm.s32 @!p0 $0x1BF5;
	p2 =	por !p2, p0  }
0x20: {  	[sflag:s8] =	ssyncset.s32 @!p0 $0xFFFFF086;
	s6 =	sadd.s32 @!p0 s3, s7;
	s7 =	simm.s32 @!p0 $0x108  }
0x21: {  	s3 =	sadd.s32 s3, s9;
	s6 =	sadd.s32 @!p0 $0x88, s6;
	s7 =	simm.s32 @p2 $0x1082  }
0x22: {  	[simem:s7], [sflag:s8] =	dma.local @!p0 [hbm:s6], $0xF7A  }
0x23: {  	s9 =	sor.u32 $0xD0000000, s2;
	s6 =	simm.s32 $0x108;
	_ =	swait.ge @!p0 [sflag:s8], $0x0  }
0x24: {  	s3 =	sadd.s32 $0x88, s3;
	s6 =	simm.s32 @!p1 $0x1082;
	[sflag:s4] =	ssyncset.s32 $0xFFFFF086  }
0x25: {  	[simem:s6], [sflag:s4] =	dma.local [hbm:s3], $0xF7A  }
0x26: {  	[smem:$0x3F9E] =	sst s1;
	(tag) =	ssettag s2;
	_ =	strace s9  }
0x27: {  	s1 =	sld [smem:$0x3FAE]  }
0x28: {  	s2 =	sld [smem:$0x3FAF]  }
0x29: {  	s4 =	sld [smem:$0x3FB1]  }
0x2a: {  	p0 =	seq.s32 s5, $0x0;
	s5 =	sld [smem:$0x3FB2]  }
0x2b: {  	s6 =	sld [smem:$0x3FB3]  }
0x2c: {  	s7 =	sld [smem:$0x3FB4]  }
0x2d: {  	s3 =	simm.s32 $0x108;
	s8 =	sld [smem:$0x3FB5]  }
0x2e: {  	s3 =	simm.s32 @!p0 $0x1082;
	s9 =	sld [smem:$0x3FB6]  }
0x2f: {  	lr =	sadd.s32 s0, s3;
	s0 =	sld [smem:$0x3FAD]  }
0x30: {  	s3 =	sld [smem:$0x3FB0]  }
0x31: {  	[smem:$0x3FB9] =	sst s10  }
0x32: {  	s10 =	sld [smem:$0x3FB7];
	_ =	sdelay $0x3  }
0x33: {  	p0 =	seq.s32 s10, $0x1;
	s10 =	sld [smem:$0x3FB9];
	_ =	sdelay $0x3  }
0x34: {  	[smem:$0x3FB9] =	sst s10  }
0x35: {  	s10 =	sld [smem:$0x3FB8];
	_ =	sdelay $0x3  }
0x36: {  	p1 =	seq.s32 s10, $0x1;
	s10 =	sld [smem:$0x3FB9];
	_ =	sdelay $0x3  }
0x37: {  	[smem:$0x3FB9] =	sst s10  }
0x38: {  	s10 =	sld [smem:$0x3FBA]  }
0x39: {  	_ = 	snop;
	(pc) =	sbr.ind lr, $3  }
0x3a: {  	_ = 	snop  }
0x3b: {  	_ = 	snop  }
0x3c: {  	p2 =	seq.s32 s10, $0x1;
	s10 =	sld [smem:$0x3FB9]  }
0x3d: {  	_ =	shalt  }
0x3e: {  	_ =	shalt  }
0x3f: {  	_ =	shalt  }
0x40: {  	_ =	shalt  }
0x41: {  	_ =	shalt  }
0x42: {  	_ =	shalt  }
0x43: {  	_ =	shalt  }
0x44: {  	_ =	shalt  }
0x45: {  	_ =	shalt  }
0x46: {  	_ =	shalt  }
0x47: {  	_ =	shalt  }
0x48: {  	_ =	shalt  }
0x49: {  	_ =	shalt  }
0x4a: {  	_ =	shalt  }
0x4b: {  	_ =	shalt  }
0x4c: {  	_ =	shalt  }
0x4d: {  	_ =	shalt  }
0x4e: {  	_ =	shalt  }
0x4f: {  	_ =	shalt  }
0x50: {  	_ =	shalt  }
0x51: {  	_ =	shalt  }
0x52: {  	_ =	shalt  }
0x53: {  	_ =	shalt  }
0x54: {  	_ =	shalt  }
0x55: {  	_ =	shalt  }
0x56: {  	_ =	shalt  }
0x57: {  	_ =	shalt  }
0x58: {  	_ =	shalt  }
0x59: {  	_ =	shalt  }
0x5a: {  	_ =	shalt  }
0x5b: {  	_ =	shalt  }
0x5c: {  	_ =	shalt  }
0x5d: {  	_ =	shalt  }
0x5e: {  	_ =	shalt  }
0x5f: {  	_ =	shalt  }
0x60: {  	_ =	shalt  }
0x61: {  	_ =	shalt  }
0x62: {  	_ =	shalt  }
0x63: {  	_ =	shalt  }
0x64: {  	_ =	shalt  }
0x65: {  	_ =	shalt  }
0x66: {  	_ =	shalt  }
0x67: {  	_ =	shalt  }
0x68: {  	_ =	shalt  }
0x69: {  	_ =	shalt  }
0x6a: {  	_ =	shalt  }
0x6b: {  	_ =	shalt  }
0x6c: {  	_ =	shalt  }
0x6d: {  	_ =	shalt  }
0x6e: {  	_ =	shalt  }
0x6f: {  	_ =	shalt  }
0x70: {  	_ =	shalt  }
0x71: {  	_ =	shalt  }
0x72: {  	_ =	shalt  }
0x73: {  	_ =	shalt  }
0x74: {  	_ =	shalt  }
0x75: {  	_ =	shalt  }
0x76: {  	_ =	shalt  }
0x77: {  	_ =	shalt  }
0x78: {  	_ =	shalt  }
0x79: {  	_ =	shalt  }
0x7a: {  	_ =	shalt  }
0x7b: {  	_ =	shalt  }
0x7c: {  	_ =	shalt  }
0x7d: {  	_ =	shalt  }
0x7e: {  	_ =	shalt  }
0x7f: {  	_ =	shalt  }
0x80: {  	_ =	shalt  }
0x81: {  	_ =	shalt  }
0x82: {  	_ =	shalt  }
0x83: {  	_ =	shalt  }
0x84: {  	_ =	shalt  }
0x85: {  	_ =	shalt  }
0x86: {  	_ =	shalt  }
0x87: {  	_ =	shalt  }
.Lfunc_end0:
.L_simem_size_0:
called_computation_lowered:
.L_overlay_start_0:
0x88: {  	s2 =	sld [smem:$0x3FD9]  }
0x89: {  	s3 =	sld [smem:$0x3FFE];
	_ =	sdelay $0x1  }
0x8a: {  	s1 =	srdreg.scid  }
0x8b: {  	s0 =	sand.u32 $0x1, s1  }
0x8c: {  	s17 =	sshll.u32 s0, $0xA;
	s2 =	sadd.s32 s3, s2  }
0x8d: {  	s2 =	sadd.s32 s2, s17  }
0x8e: {  	[smem:$0x3FC5] =	sst s2  }
0x8f: {  	_ = 	snop  }
0x90: {  	s2 =	sld [smem:$0x3FC7]  }
0x91: {  	s18 =	sld [smem:$0x3FD0];
	(tm) =	ssettm $0x1  }
0x92: {  	s4 =	sld [smem:$0x3FFB];
	_ =	sdelay $0x3  }
0x93: {  	_ =	strace s4  }
0x94: {  	s4 =	sld [smem:$0x3FFC];
	_ =	sdelay $0x3  }
0x95: {  	_ =	strace s4  }
0x96: {  	s4 =	sld [smem:$0x3FFD];
	_ =	sdelay $0x3  }
0x97: {  	_ =	strace s4  }
0x98: {  	_ =	strace $0x8FFFFFFF  }
0x99: {  	s19 =	sld [smem:$0x3FDB];
	_ =	sdelay $0x1  }
0x9a: {  	s5 =	simm.s32 $_scs_section_size  }
0x9b: {  	s6 =	simm.s32 $_size__tile_overlayer_lowered;
	s7 =	simm.s32 $_tile_overlayer_lowered  }
0x9c: {  	s22 =	simm.s32 $0x1BFF;
	s21 =	sshll.u32 s7, $0x1;
	s4 =	sadd.s32 s5, s19  }
0x9d: {  	s8 =	simm.s32 $0x0;
	s20 =	sshll.u32 s6, $0x1;
	s6 =	sadd.s32 s21, s4  }
0x9e: {  	[timem:s8], [sflag:s22] =	dma.local [hbm:s6], s20  }
0x9f: {  	_ =	swait.ge [sflag:s22], s20  }
0xa0: {  	s5 =	ssub.s32 $0x0, s20;
	[sflag:s22] =	ssyncset.done $0x0  }
0xa1: {  	[sflag:s22] =	ssyncadd.s32 s5;
	_ =	sdelay $0x1  }
0xa2: {  	s23 =	simm.s32 $0x1B8B  }
0xa3: {  	_ =	swait.ge [sflag:s23], $0x1  }
0xa4: {  	[sflag:s23] =	ssyncset.done $0x0  }
0xa5: {  	s25 =	simm.s32 $0x1B8E;
	s24 =	sld [smem:$0x3FFE];
	[sflag:s23] =	ssyncadd.s32 $0xFFFFFFFF  }
0xa6: {  	s26 =	simm.s32 $execute0_lowered;
	[smem:$0x3FD2] =	sst s25  }
0xa7: {  	s6 =	sshll.u32 s26, $0x1;
	_ =	strace $0x80000046;
	[dreg:$0x1] =	wrdreg $0xFFFFFFFF  }
0xa8: {  	s28 =	simm.s32 $_size_execute0_lowered;
	s4 =	sadd.s32 s4, s6;
	[dreg:$0x0] =	wrdreg $0x0  }
0xa9: {  	s6 =	sshll.u32 s28, $0x1;
	[dreg:$0x2] =	wrdreg s4  }
0xaa: {  	[dreg:$0x3] =	wrdreg s6  }
0xab: {  	[dreg:$0x4] =	wrdreg $0xC0  }
0xac: {  	_ =	task [dreg:s8], $0x5FFFF  }
0xad: {  	[dreg:$0x1] =	wrdreg $0xFFFFFFFF  }
0xae: {  	[dreg:$0x0] =	wrdreg $0x60  }
0xaf: {  	[dreg:$0x2] =	wrdreg s24  }
0xb0: {  	[dreg:$0x3] =	wrdreg s2  }
0xb1: {  	[dreg:$0x4] =	wrdreg s18  }
0xb2: {  	[dreg:$0x5] =	wrdreg $0x9  }
0xb3: {  	_ =	task.clear_ibuf [dreg:s8], $0x6FFFF;
	_ =	strace $0x90000046  }
0xb4: {  	s29 =	simm.s32 $0x9;
	_ =	strace $0x80000048  }
0xb5: {  	_ =	swait.ge [sflag:s29], $0x1  }
0xb6: {  	[sflag:s29] =	ssyncadd.s32 $0xFFFFFFFF  }
0xb7: {  	_ =	strace $0x90000048  }
0xb8: {  	_ =	sfence  }
0xb9: {  	s30 =	sld [smem:$0x0];
	_ =	sdelay $0x2  }
0xba: {  	s31 =	sshll.u32 s1, $0xD;
	s1 =	sshrl.u32 s1, $0x2  }
0xbb: {  	s3 =	sand.u32 $0x4000, s31;
	s1 =	sadd.s32 s1, s30  }
0xbc: {  	s0 =	sor.u32 s3, s0;
	s1 =	sshll.u32 s1, $0x11  }
0xbd: {  	s0 =	sor.u32 s1, s0  }
0xbe: {  	s0 =	sadd.s32 $0x8F2B, s0  }
0xbf: {  	[sflag:s0] =	ssyncadd.remote.s32 $0x1  }
0xc0: {  	_ =	sfence.sel $0xFFFF  }
0xc1: {  	[dreg:$0x0] =	wrdreg $0xFFFFFFFF;
	(pc) =	sbr.abs _section_cstart, $3  }
0xc2: {  	[dreg:$0x1] =	wrdreg $0xFFFFFFFF  }
0xc3: {  	_ =	task.clear_ibuf [dreg:s8], $0x2FFFF;
	_ =	strace $0x9FFFFFFF  }
0xc4: {  	(tm) =	ssettm $0x7FFFFFFF  }
0xc5: {  	_ =	shalt  }
tec
execute0_lowered:
.L_overlay_start_1:
0x0: {  	(tag) =	ssettag $0x1  }
0x1: {  	s0 =	rddreg [dreg:$0x0];
	s1 =	srdreg.scid  }
0x2: {  	s3 =	stileid.u32;
	s2 =	rddreg [dreg:$0x2]  }
0x3: {  	s28 =	simm.s32 $0x3;
	s29 =	simm.s32 $0x640;
	s30 =	simm.s32 $0xC80  }
0x4: {  	s31 =	simm.s32 $0x708;
	s18 =	simm.s32 $0xA28;
	s9 =	simm.s32 $0xBB8  }
0x5: {  	s10 =	simm.s32 $0x4;
	s11 =	simm.s32 $0xD480;
	s12 =	simm.s32 $0x1  }
0x6: {  	s13 =	simm.s32 $0x19C80;
	s14 =	simm.s32 $0x2;
	s1 =	sand.u32 $0x1, s1  }
0x7: {  	s4 =	sshll.u32 s3, $0xA;
	s5 =	sshll.u32 s1, $0x9;
	s1 =	ssub.s32 $0x2, s1  }
0x8: {  	s3 =	simm.s32 $0x0;
	s4 =	sor.u32 s5, s4;
	s8 =	sshrl.u32 s1, $0x1  }
0x9: {  	s6 =	sadd.s32 $0x64400, s0;
	s7 =	smul.u32 $0x19, s4;
	s19 =	ssub.s32 s1, s8  }
0xa: {  	[smem:$0x7FF] =	sst s3;
	s5 =	sadd.s32 $0x400, s0;
	s0 =	smax.u32 s19, $0x1  }
0xb: {  	_ =	strace $0x80000047;
	s7 =	sadd.s32 s5, s7;
	[dreg:$0xc] =	wrdreg s0  }
0xc: {  	s17 =	simm.s32 $0x6;
	s20 =	sadd.s32 $0x19, s7;
	[dreg:$0x4] =	wrdreg s7  }
0xd: {  	s25 =	sshll.u32 s4, $0x2;
	s21 =	sadd.s32 $0x32, s7;
	[dreg:$0x5] =	wrdreg s20  }
0xe: {  	s16 =	sor.u32 $0x10, s4;
	s22 =	sadd.s32 $0x4B, s7;
	[dreg:$0x6] =	wrdreg s21  }
0xf: {  	s1 =	simm.s32 $0x7D0;
	s23 =	sadd.s32 $0x64, s7;
	[dreg:$0x7] =	wrdreg s22  }
0x10: {  	s8 =	simm.s32 $0xAF0;
	s24 =	sadd.s32 $0x7D, s7;
	[dreg:$0x8] =	wrdreg s23  }
0x11: {  	s15 =	sadd.s32 s2, s25;
	s26 =	sadd.s32 $0x96, s7;
	[dreg:$0x9] =	wrdreg s24  }
0x12: {  	s25 =	simm.s32 $0x4B0;
	s7 =	sadd.s32 $0xAF, s7;
	[dreg:$0xa] =	wrdreg s26  }
0x13: {  	s2 =	simm.s32 $0x960;
	s0 =	simm.s32 $0x898;
	[dreg:$0xb] =	wrdreg s7  }
0x14: {  	s26 =	simm.s32 $0x578;
	s7 =	simm.s32 $0x19D80;
	s20 =	simm.s32 $0x0  }
.LBB2_1:
0x15: {  	[dreg:$0xd] =	wrdreg s20  }
0x16: {  	s19 =	rddreg [dreg:$0x1];
	s23 =	simm.s32 $0x19E80;
	s24 =	simm.s32 $0x7  }
0x17: {  	[tilespmem:s23], [sflag:$0x7] =	stream.linear.gather [hbm4b:s19+s3], $0x20, $0x38;
	[tilespmem:$0x19EA0] =	vst v63  }
0x18: {  	_ =	swait.ge [sflag:s24], $0x20  }
0x19: {  	[sflag:s24] =	ssyncset.done $0x0  }
0x1a: {  	[sflag:s24] =	ssyncadd.s32 $0xFFFFFFE0  }
0x1b: {  	s20 =	rddreg [dreg:$0x4];
	v0 =	vld [tilespmem:$0x19E80]  }
0x1c: {  	v1 =	vld [tilespmem:$0x19E90];
	[tilespmem:s3], [sflag:$0x3] =	stream.linear.gather [hbm4b:s20+s3], $0xC8, $0x38  }
0x1d: {  	s22 =	simm.s32 $0xC8;
	s21 =	rddreg [dreg:$0x5]  }
0x1e: {  	[tilespmem:s22], [sflag:$0x3] =	stream.linear.gather [hbm4b:s21+s3], $0xC8, $0x38;
	[tilespmem:$0x19EA0] =	vst v63  }
0x1f: {  	s23 =	rddreg [dreg:$0x6];
	s24 =	simm.s32 $0x190  }
0x20: {  	[tilespmem:s24], [sflag:$0x3] =	stream.linear.gather [hbm4b:s23+s3], $0xC8, $0x38;
	[tilespmem:$0x19EA0] =	vst v63  }
0x21: {  	s21 =	rddreg [dreg:$0x7];
	s22 =	simm.s32 $0x258  }
0x22: {  	[tilespmem:s22], [sflag:$0x3] =	stream.linear.gather [hbm4b:s21+s3], $0xC8, $0x38;
	[tilespmem:$0x19EA0] =	vst v63  }
0x23: {  	s23 =	rddreg [dreg:$0x8];
	s24 =	simm.s32 $0x320  }
0x24: {  	[tilespmem:s24], [sflag:$0x3] =	stream.linear.gather [hbm4b:s23+s3], $0xC8, $0x38;
	[tilespmem:$0x19EA0] =	vst v63  }
0x25: {  	s21 =	rddreg [dreg:$0x9];
	s22 =	simm.s32 $0x3E8  }
0x26: {  	[tilespmem:s22], [sflag:$0x3] =	stream.linear.gather [hbm4b:s21+s3], $0xC8, $0x38;
	[tilespmem:$0x19EA0] =	vst v63  }
0x27: {  	s23 =	rddreg [dreg:$0xa]  }
0x28: {  	[tilespmem:s25], [sflag:$0x3] =	stream.linear.gather [hbm4b:s23+s3], $0xC8, $0x38;
	[tilespmem:$0x19EA0] =	vst v63  }
0x29: {  	s24 =	rddreg [dreg:$0xb]  }
0x2a: {  	[tilespmem:s26], [sflag:$0x3] =	stream.linear.gather [hbm4b:s24+s3], $0xC8, $0x38;
	[tilespmem:$0x19EA0] =	vst v63  }
0x2b: {  	_ =	swait.ge [sflag:s28], $0xC8  }
0x2c: {  	[sflag:s28] =	ssyncset.done $0x0  }
0x2d: {  	[sflag:s28] =	ssyncadd.s32 $0xFFFFFF38  }
0x2e: {  	_ =	swait.ge [sflag:s28], $0xC8  }
0x2f: {  	[sflag:s28] =	ssyncset.done $0x0  }
0x30: {  	[sflag:s28] =	ssyncadd.s32 $0xFFFFFF38  }
0x31: {  	_ =	swait.ge [sflag:s28], $0xC8  }
0x32: {  	[sflag:s28] =	ssyncset.done $0x0  }
0x33: {  	[sflag:s28] =	ssyncadd.s32 $0xFFFFFF38  }
0x34: {  	_ =	swait.ge [sflag:s28], $0xC8  }
0x35: {  	[sflag:s28] =	ssyncset.done $0x0  }
0x36: {  	[sflag:s28] =	ssyncadd.s32 $0xFFFFFF38  }
0x37: {  	_ =	swait.ge [sflag:s28], $0xC8  }
0x38: {  	[sflag:s28] =	ssyncset.done $0x0  }
0x39: {  	[sflag:s28] =	ssyncadd.s32 $0xFFFFFF38  }
0x3a: {  	_ =	swait.ge [sflag:s28], $0xC8  }
0x3b: {  	[sflag:s28] =	ssyncset.done $0x0  }
0x3c: {  	[sflag:s28] =	ssyncadd.s32 $0xFFFFFF38  }
0x3d: {  	_ =	swait.ge [sflag:s28], $0xC8  }
0x3e: {  	[sflag:s28] =	ssyncset.done $0x0  }
0x3f: {  	[sflag:s28] =	ssyncadd.s32 $0xFFFFFF38  }
0x40: {  	_ =	swait.ge [sflag:s28], $0xC8  }
0x41: {  	[sflag:s28] =	ssyncset.done $0x0  }
0x42: {  	s19 =	simm.s32 $0x0;
	[sflag:s28] =	ssyncadd.s32 $0xFFFFFF38  }
0x43: {  	[tilespmem:s30], [sflag:$0x1] =	stream.indirect.gather [hbm4b:s6+s29], $0x20, s3, s29, $0xb8;
	[tilespmem:$0x19EA0] =	vst v63  }
.LBB2_2:
0x44: {  	s20 =	sshllo.u32 s19, $0x1  }
0x45: {  	s21 =	sshll.u32 s20, $0x3  }
0x46: {  	s21 =	sadd.s32 s4, s21  }
0x47: {  	s22 =	smul.u32 $0x19, s21  }
0x48: {  	s21 =	smul.u32 $0xC8, s21;
	_ =	sdelay $0x1  }
0x49: {  	s22 =	sadd.s32 s5, s22;
	s24 =	sadd.s32 $0xC8, s21  }
0x4a: {  	[tilespmem:s29], [sflag:$0x4] =	stream.linear.gather [hbm4b:s22+s3], $0xC8, $0x38;
	[tilespmem:$0x19EA0] =	vst v63  }
0x4b: {  	s22 =	sshrl.u32 s24, $0x3  }
0x4c: {  	s23 =	sshrl.u32 s21, $0x3;
	s22 =	sadd.s32 s5, s22  }
0x4d: {  	[tilespmem:s31], [sflag:$0x4] =	stream.linear.gather [hbm4b:s22+s3], $0xC8, $0x38;
	[tilespmem:$0x19EA0] =	vst v63  }
0x4e: {  	s22 =	sadd.s32 s5, s23  }
0x4f: {  	s24 =	sadd.s32 $0x258, s21;
	s23 =	sadd.s32 $0x32, s22  }
0x50: {  	[tilespmem:s1], [sflag:$0x4] =	stream.linear.gather [hbm4b:s23+s3], $0xC8, $0x38;
	[tilespmem:$0x19EA0] =	vst v63  }
0x51: {  	s23 =	sshrl.u32 s24, $0x3  }
0x52: {  	s23 =	sadd.s32 s5, s23  }
0x53: {  	[tilespmem:s0], [sflag:$0x4] =	stream.linear.gather [hbm4b:s23+s3], $0xC8, $0x38;
	[tilespmem:$0x19EA0] =	vst v63  }
0x54: {  	s24 =	sadd.s32 $0x64, s22  }
0x55: {  	[tilespmem:s2], [sflag:$0x4] =	stream.linear.gather [hbm4b:s24+s3], $0xC8, $0x38;
	[tilespmem:$0x19EA0] =	vst v63  }
0x56: {  	s24 =	sadd.s32 $0x3E8, s21  }
0x57: {  	s23 =	sshrl.u32 s24, $0x3  }
0x58: {  	s21 =	sadd.s32 $0x578, s21;
	s23 =	sadd.s32 s5, s23  }
0x59: {  	[tilespmem:s18], [sflag:$0x4] =	stream.linear.gather [hbm4b:s23+s3], $0xC8, $0x38;
	[tilespmem:$0x19EA0] =	vst v63  }
0x5a: {  	s22 =	sadd.s32 $0x96, s22;
	s21 =	sshrl.u32 s21, $0x3  }
0x5b: {  	[tilespmem:s8], [sflag:$0x4] =	stream.linear.gather [hbm4b:s22+s3], $0xC8, $0x38;
	[tilespmem:$0x19EA0] =	vst v63  }
0x5c: {  	s21 =	sadd.s32 s5, s21  }
0x5d: {  	[tilespmem:s9], [sflag:$0x4] =	stream.linear.gather [hbm4b:s21+s3], $0xC8, $0x38;
	[tilespmem:$0x19EA0] =	vst v63  }
0x5e: {  	_ =	swait.ge [sflag:s10], $0xC8  }
0x5f: {  	[sflag:s10] =	ssyncset.done $0x0  }
0x60: {  	[sflag:s10] =	ssyncadd.s32 $0xFFFFFF38  }
0x61: {  	_ =	swait.ge [sflag:s10], $0xC8  }
0x62: {  	[sflag:s10] =	ssyncset.done $0x0  }
0x63: {  	[sflag:s10] =	ssyncadd.s32 $0xFFFFFF38  }
0x64: {  	_ =	swait.ge [sflag:s10], $0xC8  }
0x65: {  	[sflag:s10] =	ssyncset.done $0x0  }
0x66: {  	[sflag:s10] =	ssyncadd.s32 $0xFFFFFF38  }
0x67: {  	_ =	swait.ge [sflag:s10], $0xC8  }
0x68: {  	[sflag:s10] =	ssyncset.done $0x0  }
0x69: {  	[sflag:s10] =	ssyncadd.s32 $0xFFFFFF38  }
0x6a: {  	_ =	swait.ge [sflag:s10], $0xC8  }
0x6b: {  	[sflag:s10] =	ssyncset.done $0x0  }
0x6c: {  	[sflag:s10] =	ssyncadd.s32 $0xFFFFFF38  }
0x6d: {  	_ =	swait.ge [sflag:s10], $0xC8  }
0x6e: {  	[sflag:s10] =	ssyncset.done $0x0  }
0x6f: {  	[sflag:s10] =	ssyncadd.s32 $0xFFFFFF38  }
0x70: {  	_ =	swait.ge [sflag:s10], $0xC8  }
0x71: {  	[sflag:s10] =	ssyncset.done $0x0  }
0x72: {  	[sflag:s10] =	ssyncadd.s32 $0xFFFFFF38  }
0x73: {  	_ =	swait.ge [sflag:s10], $0xC8  }
0x74: {  	[sflag:s10] =	ssyncset.done $0x0  }
0x75: {  	[sflag:s10] =	ssyncadd.s32 $0xFFFFFF38  }
0x76: {  	[tilespmem:s11], [sflag:$0x2] =	stream.indirect.gather [hbm4b:s6+s29], $0x20, s29, s29, $0xb8;
	[tilespmem:$0x19EA0] =	vst v63  }
0x77: {  	_ =	swait.ge [sflag:s12], $0xC800  }
0x78: {  	p0 =	seq.s32 s19, $0x0;
	[sflag:s12] =	ssyncset.done $0x0  }
0x79: {  	s21 =	simm.s32 @!p0 $0x5;
	[sflag:s12] =	ssyncadd.s32 $0xFFFF3800  }
0x7a: {  	_ =	swait.ge @!p0 [sflag:s21], $0x100  }
0x7b: {  	[sflag:s21] =	ssyncset.done @!p0 $0x0  }
0x7c: {  	s24 =	simm.s32 $0xD00;
	[sflag:s21] =	ssyncadd.s32 @!p0 $0xFFFFFF00  }
0x7d: {  	v2 =	vld [tilespmem:s24+$0xFFFFFF80]  }
0x7e: {  	v3 =	vld [tilespmem:s24+$0xFFFFFF90]  }
0x7f: {  	v4 =	vld [tilespmem:s24+$0xFFFFFFA0]  }
0x80: {  	v5 =	vld [tilespmem:s24+$0xFFFFFFB0]  }
0x81: {  	v6 =	vld [tilespmem:s24+$0xFFFFFFC0]  }
0x82: {  	v7 =	vld [tilespmem:s24+$0xFFFFFFD0]  }
0x83: {  	v8 =	vld [tilespmem:s24+$0xFFFFFFE0];
	v2 =	vadd.f32 v2, v0;
	v3 =	vadd.f32 v3, v1  }
0x84: {  	v9 =	vld [tilespmem:s24+$0xFFFFFFF0]  }
0x85: {  	v10 =	vld [tilespmem:s24+$0x0];
	v4 =	vadd.f32 v4, v2;
	v3 =	vadd.f32 v5, v3  }
0x86: {  	v11 =	vld [tilespmem:s24+$0x10]  }
0x87: {  	v2 =	vld [tilespmem:s24+$0x20];
	v4 =	vadd.f32 v6, v4;
	v6 =	vadd.f32 v7, v3  }
0x88: {  	v5 =	vld [tilespmem:s24+$0x30]  }
0x89: {  	v3 =	vld [tilespmem:s24+$0x40];
	v7 =	vadd.f32 v8, v4;
	v9 =	vadd.f32 v9, v6  }
0x8a: {  	v6 =	vld [tilespmem:s24+$0x50]  }
0x8b: {  	v4 =	vld [tilespmem:s24+$0x60];
	v8 =	vadd.f32 v10, v7;
	v9 =	vadd.f32 v11, v9  }
0x8c: {  	s22 =	simm.s32 $0xE00;
	s21 =	simm.s32 $0x0;
	v7 =	vld [tilespmem:s24+$0x70]  }
.LBB2_3:
0x8d: {  	v10 =	vld [tilespmem:s22+$0xFFFFFF80];
	v2 =	vadd.f32 v2, v8;
	v5 =	vadd.f32 v5, v9  }
0x8e: {  	s21 =	sadd.s32 $0x8, s21;
	v8 =	vld [tilespmem:s22+$0xFFFFFF90]  }
0x8f: {  	p1 =	slt.u32 s21, $0xC0;
	v9 =	vld [tilespmem:s22+$0xFFFFFFA0];
	v2 =	vadd.f32 v3, v2;
	v3 =	vadd.f32 v6, v5  }
0x90: {  	v5 =	vld [tilespmem:s22+$0xFFFFFFB0]  }
0x91: {  	v6 =	vld [tilespmem:s22+$0xFFFFFFC0];
	v2 =	vadd.f32 v4, v2;
	v3 =	vadd.f32 v7, v3  }
0x92: {  	v4 =	vld [tilespmem:s22+$0xFFFFFFD0]  }
0x93: {  	v2 =	vadd.f32 v10, v2;
	v3 =	vadd.f32 v8, v3;
	v7 =	vld [tilespmem:s22+$0xFFFFFFE0]  }
0x94: {  	v8 =	vld [tilespmem:s22+$0xFFFFFFF0]  }
0x95: {  	v2 =	vadd.f32 v9, v2;
	v3 =	vadd.f32 v5, v3;
	v9 =	vld [tilespmem:s22+$0x0]  }
0x96: {  	v10 =	vld [tilespmem:s22+$0x10]  }
0x97: {  	v6 =	vadd.f32 v6, v2;
	v3 =	vadd.f32 v4, v3;
	v2 =	vld [tilespmem:s22+$0x20]  }
.Ltmp0:
0x98: {  	v5 =	vld [tilespmem:s22+$0x30];
	(pc) =	sbr.rel @p1 .LBB2_3-.Ltmp0, $4  }
0x99: {  	v4 =	vadd.f32 v7, v6;
	v7 =	vadd.f32 v8, v3;
	v3 =	vld [tilespmem:s22+$0x40]  }
0x9a: {  	v6 =	vld [tilespmem:s22+$0x50]  }
0x9b: {  	v8 =	vadd.f32 v9, v4;
	v9 =	vadd.f32 v10, v7;
	v4 =	vld [tilespmem:s22+$0x60]  }
0x9c: {  	v7 =	vld [tilespmem:s22+$0x70];
	s22 =	sadd.s32 $0x100, s22  }
0x9d: {  	v2 =	vadd.f32 v2, v8  }
0x9e: {  	v5 =	vadd.f32 v5, v9  }
0x9f: {  	v2 =	vadd.f32 v3, v2  }
0xa0: {  	v3 =	vadd.f32 v6, v5  }
0xa1: {  	v2 =	vadd.f32 v4, v2  }
0xa2: {  	v3 =	vadd.f32 v7, v3  }
0xa3: {  	[tilespmem:$0x19C80] =	vst v2  }
0xa4: {  	s22 =	simm.s32 $0x2670;
	[tilespmem:$0x19C90] =	vst v3  }
0xa5: {  	v2 =	vld [tilespmem:s22+$0xFFFFFF10]  }
0xa6: {  	v3 =	vld [tilespmem:s22+$0xFFFFFF20]  }
0xa7: {  	v4 =	vld [tilespmem:s22+$0xFFFFFF30]  }
0xa8: {  	v5 =	vld [tilespmem:s22+$0xFFFFFF40]  }
0xa9: {  	v6 =	vld [tilespmem:s22+$0xFFFFFF50]  }
0xaa: {  	v7 =	vld [tilespmem:s22+$0xFFFFFF60]  }
0xab: {  	v8 =	vld [tilespmem:s22+$0xFFFFFF70];
	v2 =	vadd.f32 v2, v0;
	v3 =	vadd.f32 v3, v1  }
0xac: {  	v9 =	vld [tilespmem:s22+$0xFFFFFF80]  }
0xad: {  	v10 =	vld [tilespmem:s22+$0xFFFFFF90];
	v4 =	vadd.f32 v4, v2;
	v3 =	vadd.f32 v5, v3  }
0xae: {  	v11 =	vld [tilespmem:s22+$0xFFFFFFA0]  }
0xaf: {  	v2 =	vld [tilespmem:s22+$0xFFFFFFB0];
	v4 =	vadd.f32 v6, v4;
	v6 =	vadd.f32 v7, v3  }
0xb0: {  	v5 =	vld [tilespmem:s22+$0xFFFFFFC0]  }
0xb1: {  	v3 =	vld [tilespmem:s22+$0xFFFFFFD0];
	v7 =	vadd.f32 v8, v4;
	v9 =	vadd.f32 v9, v6  }
0xb2: {  	v6 =	vld [tilespmem:s22+$0xFFFFFFE0]  }
0xb3: {  	v4 =	vld [tilespmem:s22+$0xFFFFFFF0];
	v8 =	vadd.f32 v10, v7;
	v9 =	vadd.f32 v11, v9  }
0xb4: {  	s21 =	simm.s32 $0x0;
	v7 =	vld [tilespmem:s22+$0x0];
	s22 =	simm.s32 $0x2770  }
.LBB2_5:
0xb5: {  	v10 =	vld [tilespmem:s22+$0xFFFFFF10];
	v2 =	vadd.f32 v2, v8;
	v5 =	vadd.f32 v5, v9  }
0xb6: {  	s21 =	sadd.s32 $0x8, s21;
	v8 =	vld [tilespmem:s22+$0xFFFFFF20]  }
0xb7: {  	p1 =	slt.u32 s21, $0xC0;
	v9 =	vld [tilespmem:s22+$0xFFFFFF30];
	v2 =	vadd.f32 v3, v2;
	v3 =	vadd.f32 v6, v5  }
0xb8: {  	v5 =	vld [tilespmem:s22+$0xFFFFFF40]  }
0xb9: {  	v6 =	vld [tilespmem:s22+$0xFFFFFF50];
	v2 =	vadd.f32 v4, v2;
	v3 =	vadd.f32 v7, v3  }
0xba: {  	v4 =	vld [tilespmem:s22+$0xFFFFFF60]  }
0xbb: {  	v2 =	vadd.f32 v10, v2;
	v3 =	vadd.f32 v8, v3;
	v7 =	vld [tilespmem:s22+$0xFFFFFF70]  }
0xbc: {  	v8 =	vld [tilespmem:s22+$0xFFFFFF80]  }
0xbd: {  	v2 =	vadd.f32 v9, v2;
	v3 =	vadd.f32 v5, v3;
	v9 =	vld [tilespmem:s22+$0xFFFFFF90]  }
0xbe: {  	v10 =	vld [tilespmem:s22+$0xFFFFFFA0]  }
0xbf: {  	v6 =	vadd.f32 v6, v2;
	v3 =	vadd.f32 v4, v3;
	v2 =	vld [tilespmem:s22+$0xFFFFFFB0]  }
.Ltmp1:
0xc0: {  	v5 =	vld [tilespmem:s22+$0xFFFFFFC0];
	(pc) =	sbr.rel @p1 .LBB2_5-.Ltmp1, $4  }
0xc1: {  	v4 =	vadd.f32 v7, v6;
	v7 =	vadd.f32 v8, v3;
	v3 =	vld [tilespmem:s22+$0xFFFFFFD0]  }
0xc2: {  	v6 =	vld [tilespmem:s22+$0xFFFFFFE0]  }
0xc3: {  	v8 =	vadd.f32 v9, v4;
	v9 =	vadd.f32 v10, v7;
	v4 =	vld [tilespmem:s22+$0xFFFFFFF0]  }
0xc4: {  	v7 =	vld [tilespmem:s22+$0x0];
	s22 =	sadd.s32 $0x100, s22  }
0xc5: {  	v2 =	vadd.f32 v2, v8  }
0xc6: {  	v5 =	vadd.f32 v5, v9  }
0xc7: {  	v2 =	vadd.f32 v3, v2  }
0xc8: {  	v3 =	vadd.f32 v6, v5  }
0xc9: {  	v2 =	vadd.f32 v4, v2  }
0xca: {  	v3 =	vadd.f32 v7, v3  }
0xcb: {  	[tilespmem:$0x19CA0] =	vst v2  }
0xcc: {  	s22 =	simm.s32 $0x3F70;
	[tilespmem:$0x19CB0] =	vst v3  }
0xcd: {  	v2 =	vld [tilespmem:s22+$0xFFFFFF10]  }
0xce: {  	v3 =	vld [tilespmem:s22+$0xFFFFFF20]  }
0xcf: {  	v4 =	vld [tilespmem:s22+$0xFFFFFF30]  }
0xd0: {  	v5 =	vld [tilespmem:s22+$0xFFFFFF40]  }
0xd1: {  	v6 =	vld [tilespmem:s22+$0xFFFFFF50]  }
0xd2: {  	v7 =	vld [tilespmem:s22+$0xFFFFFF60]  }
0xd3: {  	v8 =	vld [tilespmem:s22+$0xFFFFFF70];
	v2 =	vadd.f32 v2, v0;
	v3 =	vadd.f32 v3, v1  }
0xd4: {  	v9 =	vld [tilespmem:s22+$0xFFFFFF80]  }
0xd5: {  	v10 =	vld [tilespmem:s22+$0xFFFFFF90];
	v4 =	vadd.f32 v4, v2;
	v3 =	vadd.f32 v5, v3  }
0xd6: {  	v11 =	vld [tilespmem:s22+$0xFFFFFFA0]  }
0xd7: {  	v2 =	vld [tilespmem:s22+$0xFFFFFFB0];
	v4 =	vadd.f32 v6, v4;
	v6 =	vadd.f32 v7, v3  }
0xd8: {  	v5 =	vld [tilespmem:s22+$0xFFFFFFC0]  }
0xd9: {  	v3 =	vld [tilespmem:s22+$0xFFFFFFD0];
	v7 =	vadd.f32 v8, v4;
	v9 =	vadd.f32 v9, v6  }
0xda: {  	v6 =	vld [tilespmem:s22+$0xFFFFFFE0]  }
0xdb: {  	v4 =	vld [tilespmem:s22+$0xFFFFFFF0];
	v8 =	vadd.f32 v10, v7;
	v9 =	vadd.f32 v11, v9  }
0xdc: {  	s21 =	simm.s32 $0x0;
	v7 =	vld [tilespmem:s22+$0x0];
	s22 =	simm.s32 $0x4070  }
.LBB2_7:
0xdd: {  	v10 =	vld [tilespmem:s22+$0xFFFFFF10];
	v2 =	vadd.f32 v2, v8;
	v5 =	vadd.f32 v5, v9  }
0xde: {  	s21 =	sadd.s32 $0x8, s21;
	v8 =	vld [tilespmem:s22+$0xFFFFFF20]  }
0xdf: {  	p1 =	slt.u32 s21, $0xC0;
	v9 =	vld [tilespmem:s22+$0xFFFFFF30];
	v2 =	vadd.f32 v3, v2;
	v3 =	vadd.f32 v6, v5  }
0xe0: {  	v5 =	vld [tilespmem:s22+$0xFFFFFF40]  }
0xe1: {  	v6 =	vld [tilespmem:s22+$0xFFFFFF50];
	v2 =	vadd.f32 v4, v2;
	v3 =	vadd.f32 v7, v3  }
0xe2: {  	v4 =	vld [tilespmem:s22+$0xFFFFFF60]  }
0xe3: {  	v2 =	vadd.f32 v10, v2;
	v3 =	vadd.f32 v8, v3;
	v7 =	vld [tilespmem:s22+$0xFFFFFF70]  }
0xe4: {  	v8 =	vld [tilespmem:s22+$0xFFFFFF80]  }
0xe5: {  	v2 =	vadd.f32 v9, v2;
	v3 =	vadd.f32 v5, v3;
	v9 =	vld [tilespmem:s22+$0xFFFFFF90]  }
0xe6: {  	v10 =	vld [tilespmem:s22+$0xFFFFFFA0]  }
0xe7: {  	v6 =	vadd.f32 v6, v2;
	v3 =	vadd.f32 v4, v3;
	v2 =	vld [tilespmem:s22+$0xFFFFFFB0]  }
.Ltmp2:
0xe8: {  	v5 =	vld [tilespmem:s22+$0xFFFFFFC0];
	(pc) =	sbr.rel @p1 .LBB2_7-.Ltmp2, $4  }
0xe9: {  	v4 =	vadd.f32 v7, v6;
	v7 =	vadd.f32 v8, v3;
	v3 =	vld [tilespmem:s22+$0xFFFFFFD0]  }
0xea: {  	v6 =	vld [tilespmem:s22+$0xFFFFFFE0]  }
0xeb: {  	v8 =	vadd.f32 v9, v4;
	v9 =	vadd.f32 v10, v7;
	v4 =	vld [tilespmem:s22+$0xFFFFFFF0]  }
0xec: {  	v7 =	vld [tilespmem:s22+$0x0];
	s22 =	sadd.s32 $0x100, s22  }
0xed: {  	v2 =	vadd.f32 v2, v8  }
0xee: {  	v5 =	vadd.f32 v5, v9  }
0xef: {  	v2 =	vadd.f32 v3, v2  }
0xf0: {  	v3 =	vadd.f32 v6, v5  }
0xf1: {  	v2 =	vadd.f32 v4, v2  }
0xf2: {  	v3 =	vadd.f32 v7, v3  }
0xf3: {  	[tilespmem:$0x19CC0] =	vst v2  }
0xf4: {  	s22 =	simm.s32 $0x5780;
	[tilespmem:$0x19CD0] =	vst v3  }
0xf5: {  	v2 =	vld [tilespmem:s22+$0x0]  }
0xf6: {  	v3 =	vld [tilespmem:s22+$0x10]  }
0xf7: {  	v4 =	vld [tilespmem:s22+$0x20]  }
0xf8: {  	v5 =	vld [tilespmem:s22+$0x30]  }
0xf9: {  	v6 =	vld [tilespmem:s22+$0x40]  }
0xfa: {  	v7 =	vld [tilespmem:s22+$0x50]  }
0xfb: {  	v8 =	vld [tilespmem:s22+$0x60];
	v2 =	vadd.f32 v2, v0;
	v3 =	vadd.f32 v3, v1  }
0xfc: {  	v9 =	vld [tilespmem:s22+$0x70]  }
0xfd: {  	v10 =	vld [tilespmem:s22+$0x80];
	v4 =	vadd.f32 v4, v2;
	v3 =	vadd.f32 v5, v3  }
0xfe: {  	v11 =	vld [tilespmem:s22+$0x90]  }
0xff: {  	v2 =	vld [tilespmem:s22+$0xA0];
	v4 =	vadd.f32 v6, v4;
	v6 =	vadd.f32 v7, v3  }
0x100: {  	v5 =	vld [tilespmem:s22+$0xB0]  }
0x101: {  	v3 =	vld [tilespmem:s22+$0xC0];
	v7 =	vadd.f32 v8, v4;
	v9 =	vadd.f32 v9, v6  }
0x102: {  	v6 =	vld [tilespmem:s22+$0xD0]  }
0x103: {  	v4 =	vld [tilespmem:s22+$0xE0];
	v8 =	vadd.f32 v10, v7;
	v9 =	vadd.f32 v11, v9  }
0x104: {  	s21 =	simm.s32 $0x0;
	v7 =	vld [tilespmem:s22+$0xF0];
	s22 =	simm.s32 $0x5880  }
.LBB2_9:
0x105: {  	v10 =	vld [tilespmem:s22+$0x0];
	v2 =	vadd.f32 v2, v8;
	v5 =	vadd.f32 v5, v9  }
0x106: {  	s21 =	sadd.s32 $0x8, s21;
	v8 =	vld [tilespmem:s22+$0x10]  }
0x107: {  	p1 =	slt.u32 s21, $0xC0;
	v9 =	vld [tilespmem:s22+$0x20];
	v2 =	vadd.f32 v3, v2;
	v3 =	vadd.f32 v6, v5  }
0x108: {  	v5 =	vld [tilespmem:s22+$0x30]  }
0x109: {  	v6 =	vld [tilespmem:s22+$0x40];
	v2 =	vadd.f32 v4, v2;
	v3 =	vadd.f32 v7, v3  }
0x10a: {  	v4 =	vld [tilespmem:s22+$0x50]  }
0x10b: {  	v2 =	vadd.f32 v10, v2;
	v3 =	vadd.f32 v8, v3;
	v7 =	vld [tilespmem:s22+$0x60]  }
0x10c: {  	v8 =	vld [tilespmem:s22+$0x70]  }
0x10d: {  	v2 =	vadd.f32 v9, v2;
	v3 =	vadd.f32 v5, v3;
	v9 =	vld [tilespmem:s22+$0x80]  }
0x10e: {  	v10 =	vld [tilespmem:s22+$0x90]  }
0x10f: {  	v6 =	vadd.f32 v6, v2;
	v3 =	vadd.f32 v4, v3;
	v2 =	vld [tilespmem:s22+$0xA0]  }
.Ltmp3:
0x110: {  	v5 =	vld [tilespmem:s22+$0xB0];
	(pc) =	sbr.rel @p1 .LBB2_9-.Ltmp3, $4  }
0x111: {  	v4 =	vadd.f32 v7, v6;
	v7 =	vadd.f32 v8, v3;
	v3 =	vld [tilespmem:s22+$0xC0]  }
0x112: {  	v6 =	vld [tilespmem:s22+$0xD0]  }
0x113: {  	v8 =	vadd.f32 v9, v4;
	v9 =	vadd.f32 v10, v7;
	v4 =	vld [tilespmem:s22+$0xE0]  }
0x114: {  	v7 =	vld [tilespmem:s22+$0xF0];
	s22 =	sadd.s32 $0x100, s22  }
0x115: {  	v2 =	vadd.f32 v2, v8  }
0x116: {  	v5 =	vadd.f32 v5, v9  }
0x117: {  	v2 =	vadd.f32 v3, v2  }
0x118: {  	v3 =	vadd.f32 v6, v5  }
0x119: {  	v2 =	vadd.f32 v4, v2  }
0x11a: {  	v3 =	vadd.f32 v7, v3  }
0x11b: {  	[tilespmem:$0x19CE0] =	vst v2  }
0x11c: {  	s22 =	simm.s32 $0x7080;
	[tilespmem:$0x19CF0] =	vst v3  }
0x11d: {  	v2 =	vld [tilespmem:s22+$0x0]  }
0x11e: {  	v3 =	vld [tilespmem:s22+$0x10]  }
0x11f: {  	v4 =	vld [tilespmem:s22+$0x20]  }
0x120: {  	v5 =	vld [tilespmem:s22+$0x30]  }
0x121: {  	v6 =	vld [tilespmem:s22+$0x40]  }
0x122: {  	v7 =	vld [tilespmem:s22+$0x50]  }
0x123: {  	v8 =	vld [tilespmem:s22+$0x60];
	v2 =	vadd.f32 v2, v0;
	v3 =	vadd.f32 v3, v1  }
0x124: {  	v9 =	vld [tilespmem:s22+$0x70]  }
0x125: {  	v10 =	vld [tilespmem:s22+$0x80];
	v4 =	vadd.f32 v4, v2;
	v3 =	vadd.f32 v5, v3  }
0x126: {  	v11 =	vld [tilespmem:s22+$0x90]  }
0x127: {  	v2 =	vld [tilespmem:s22+$0xA0];
	v4 =	vadd.f32 v6, v4;
	v6 =	vadd.f32 v7, v3  }
0x128: {  	v5 =	vld [tilespmem:s22+$0xB0]  }
0x129: {  	v3 =	vld [tilespmem:s22+$0xC0];
	v7 =	vadd.f32 v8, v4;
	v9 =	vadd.f32 v9, v6  }
0x12a: {  	v6 =	vld [tilespmem:s22+$0xD0]  }
0x12b: {  	v4 =	vld [tilespmem:s22+$0xE0];
	v8 =	vadd.f32 v10, v7;
	v9 =	vadd.f32 v11, v9  }
0x12c: {  	s21 =	simm.s32 $0x0;
	v7 =	vld [tilespmem:s22+$0xF0];
	s22 =	simm.s32 $0x7180  }
.LBB2_11:
0x12d: {  	v10 =	vld [tilespmem:s22+$0x0];
	v2 =	vadd.f32 v2, v8;
	v5 =	vadd.f32 v5, v9  }
0x12e: {  	s21 =	sadd.s32 $0x8, s21;
	v8 =	vld [tilespmem:s22+$0x10]  }
0x12f: {  	p1 =	slt.u32 s21, $0xC0;
	v9 =	vld [tilespmem:s22+$0x20];
	v2 =	vadd.f32 v3, v2;
	v3 =	vadd.f32 v6, v5  }
0x130: {  	v5 =	vld [tilespmem:s22+$0x30]  }
0x131: {  	v6 =	vld [tilespmem:s22+$0x40];
	v2 =	vadd.f32 v4, v2;
	v3 =	vadd.f32 v7, v3  }
0x132: {  	v4 =	vld [tilespmem:s22+$0x50]  }
0x133: {  	v2 =	vadd.f32 v10, v2;
	v3 =	vadd.f32 v8, v3;
	v7 =	vld [tilespmem:s22+$0x60]  }
0x134: {  	v8 =	vld [tilespmem:s22+$0x70]  }
0x135: {  	v2 =	vadd.f32 v9, v2;
	v3 =	vadd.f32 v5, v3;
	v9 =	vld [tilespmem:s22+$0x80]  }
0x136: {  	v10 =	vld [tilespmem:s22+$0x90]  }
0x137: {  	v6 =	vadd.f32 v6, v2;
	v3 =	vadd.f32 v4, v3;
	v2 =	vld [tilespmem:s22+$0xA0]  }
.Ltmp4:
0x138: {  	v5 =	vld [tilespmem:s22+$0xB0];
	(pc) =	sbr.rel @p1 .LBB2_11-.Ltmp4, $4  }
0x139: {  	v4 =	vadd.f32 v7, v6;
	v7 =	vadd.f32 v8, v3;
	v3 =	vld [tilespmem:s22+$0xC0]  }
0x13a: {  	v6 =	vld [tilespmem:s22+$0xD0]  }
0x13b: {  	v8 =	vadd.f32 v9, v4;
	v9 =	vadd.f32 v10, v7;
	v4 =	vld [tilespmem:s22+$0xE0]  }
0x13c: {  	v7 =	vld [tilespmem:s22+$0xF0];
	s22 =	sadd.s32 $0x100, s22  }
0x13d: {  	v2 =	vadd.f32 v2, v8  }
0x13e: {  	v5 =	vadd.f32 v5, v9  }
0x13f: {  	v2 =	vadd.f32 v3, v2  }
0x140: {  	v3 =	vadd.f32 v6, v5  }
0x141: {  	v2 =	vadd.f32 v4, v2  }
0x142: {  	v3 =	vadd.f32 v7, v3  }
0x143: {  	[tilespmem:$0x19D00] =	vst v2  }
0x144: {  	s22 =	simm.s32 $0x8980;
	[tilespmem:$0x19D10] =	vst v3  }
0x145: {  	v2 =	vld [tilespmem:s22+$0x0]  }
0x146: {  	v3 =	vld [tilespmem:s22+$0x10]  }
0x147: {  	v4 =	vld [tilespmem:s22+$0x20]  }
0x148: {  	v5 =	vld [tilespmem:s22+$0x30]  }
0x149: {  	v6 =	vld [tilespmem:s22+$0x40]  }
0x14a: {  	v7 =	vld [tilespmem:s22+$0x50]  }
0x14b: {  	v8 =	vld [tilespmem:s22+$0x60];
	v2 =	vadd.f32 v2, v0;
	v3 =	vadd.f32 v3, v1  }
0x14c: {  	v9 =	vld [tilespmem:s22+$0x70]  }
0x14d: {  	v10 =	vld [tilespmem:s22+$0x80];
	v4 =	vadd.f32 v4, v2;
	v3 =	vadd.f32 v5, v3  }
0x14e: {  	v11 =	vld [tilespmem:s22+$0x90]  }
0x14f: {  	v2 =	vld [tilespmem:s22+$0xA0];
	v4 =	vadd.f32 v6, v4;
	v6 =	vadd.f32 v7, v3  }
0x150: {  	v5 =	vld [tilespmem:s22+$0xB0]  }
0x151: {  	v3 =	vld [tilespmem:s22+$0xC0];
	v7 =	vadd.f32 v8, v4;
	v9 =	vadd.f32 v9, v6  }
0x152: {  	v6 =	vld [tilespmem:s22+$0xD0]  }
0x153: {  	v4 =	vld [tilespmem:s22+$0xE0];
	v8 =	vadd.f32 v10, v7;
	v9 =	vadd.f32 v11, v9  }
0x154: {  	s21 =	simm.s32 $0x0;
	v7 =	vld [tilespmem:s22+$0xF0];
	s22 =	simm.s32 $0x8A80  }
.LBB2_13:
0x155: {  	v10 =	vld [tilespmem:s22+$0x0];
	v2 =	vadd.f32 v2, v8;
	v5 =	vadd.f32 v5, v9  }
0x156: {  	s21 =	sadd.s32 $0x8, s21;
	v8 =	vld [tilespmem:s22+$0x10]  }
0x157: {  	p1 =	slt.u32 s21, $0xC0;
	v9 =	vld [tilespmem:s22+$0x20];
	v2 =	vadd.f32 v3, v2;
	v3 =	vadd.f32 v6, v5  }
0x158: {  	v5 =	vld [tilespmem:s22+$0x30]  }
0x159: {  	v6 =	vld [tilespmem:s22+$0x40];
	v2 =	vadd.f32 v4, v2;
	v3 =	vadd.f32 v7, v3  }
0x15a: {  	v4 =	vld [tilespmem:s22+$0x50]  }
0x15b: {  	v2 =	vadd.f32 v10, v2;
	v3 =	vadd.f32 v8, v3;
	v7 =	vld [tilespmem:s22+$0x60]  }
0x15c: {  	v8 =	vld [tilespmem:s22+$0x70]  }
0x15d: {  	v2 =	vadd.f32 v9, v2;
	v3 =	vadd.f32 v5, v3;
	v9 =	vld [tilespmem:s22+$0x80]  }
0x15e: {  	v10 =	vld [tilespmem:s22+$0x90]  }
0x15f: {  	v6 =	vadd.f32 v6, v2;
	v3 =	vadd.f32 v4, v3;
	v2 =	vld [tilespmem:s22+$0xA0]  }
.Ltmp5:
0x160: {  	v5 =	vld [tilespmem:s22+$0xB0];
	(pc) =	sbr.rel @p1 .LBB2_13-.Ltmp5, $4  }
0x161: {  	v4 =	vadd.f32 v7, v6;
	v7 =	vadd.f32 v8, v3;
	v3 =	vld [tilespmem:s22+$0xC0]  }
0x162: {  	v6 =	vld [tilespmem:s22+$0xD0]  }
0x163: {  	v8 =	vadd.f32 v9, v4;
	v9 =	vadd.f32 v10, v7;
	v4 =	vld [tilespmem:s22+$0xE0]  }
0x164: {  	v7 =	vld [tilespmem:s22+$0xF0];
	s22 =	sadd.s32 $0x100, s22  }
0x165: {  	v2 =	vadd.f32 v2, v8  }
0x166: {  	v5 =	vadd.f32 v5, v9  }
0x167: {  	v2 =	vadd.f32 v3, v2  }
0x168: {  	v3 =	vadd.f32 v6, v5  }
0x169: {  	v2 =	vadd.f32 v4, v2  }
0x16a: {  	v3 =	vadd.f32 v7, v3  }
0x16b: {  	[tilespmem:$0x19D20] =	vst v2  }
0x16c: {  	s22 =	simm.s32 $0xA280;
	[tilespmem:$0x19D30] =	vst v3  }
0x16d: {  	v2 =	vld [tilespmem:s22+$0x0]  }
0x16e: {  	v3 =	vld [tilespmem:s22+$0x10]  }
0x16f: {  	v4 =	vld [tilespmem:s22+$0x20]  }
0x170: {  	v5 =	vld [tilespmem:s22+$0x30]  }
0x171: {  	v6 =	vld [tilespmem:s22+$0x40]  }
0x172: {  	v7 =	vld [tilespmem:s22+$0x50]  }
0x173: {  	v8 =	vld [tilespmem:s22+$0x60];
	v2 =	vadd.f32 v2, v0;
	v3 =	vadd.f32 v3, v1  }
0x174: {  	v9 =	vld [tilespmem:s22+$0x70]  }
0x175: {  	v10 =	vld [tilespmem:s22+$0x80];
	v4 =	vadd.f32 v4, v2;
	v3 =	vadd.f32 v5, v3  }
0x176: {  	v11 =	vld [tilespmem:s22+$0x90]  }
0x177: {  	v2 =	vld [tilespmem:s22+$0xA0];
	v4 =	vadd.f32 v6, v4;
	v6 =	vadd.f32 v7, v3  }
0x178: {  	v5 =	vld [tilespmem:s22+$0xB0]  }
0x179: {  	v3 =	vld [tilespmem:s22+$0xC0];
	v7 =	vadd.f32 v8, v4;
	v9 =	vadd.f32 v9, v6  }
0x17a: {  	v6 =	vld [tilespmem:s22+$0xD0]  }
0x17b: {  	v4 =	vld [tilespmem:s22+$0xE0];
	v8 =	vadd.f32 v10, v7;
	v9 =	vadd.f32 v11, v9  }
0x17c: {  	s21 =	simm.s32 $0x0;
	v7 =	vld [tilespmem:s22+$0xF0];
	s22 =	simm.s32 $0xA380  }
.LBB2_15:
0x17d: {  	v10 =	vld [tilespmem:s22+$0x0];
	v2 =	vadd.f32 v2, v8;
	v5 =	vadd.f32 v5, v9  }
0x17e: {  	s21 =	sadd.s32 $0x8, s21;
	v8 =	vld [tilespmem:s22+$0x10]  }
0x17f: {  	p1 =	slt.u32 s21, $0xC0;
	v9 =	vld [tilespmem:s22+$0x20];
	v2 =	vadd.f32 v3, v2;
	v3 =	vadd.f32 v6, v5  }
0x180: {  	v5 =	vld [tilespmem:s22+$0x30]  }
0x181: {  	v6 =	vld [tilespmem:s22+$0x40];
	v2 =	vadd.f32 v4, v2;
	v3 =	vadd.f32 v7, v3  }
0x182: {  	v4 =	vld [tilespmem:s22+$0x50]  }
0x183: {  	v2 =	vadd.f32 v10, v2;
	v3 =	vadd.f32 v8, v3;
	v7 =	vld [tilespmem:s22+$0x60]  }
0x184: {  	v8 =	vld [tilespmem:s22+$0x70]  }
0x185: {  	v2 =	vadd.f32 v9, v2;
	v3 =	vadd.f32 v5, v3;
	v9 =	vld [tilespmem:s22+$0x80]  }
0x186: {  	v10 =	vld [tilespmem:s22+$0x90]  }
0x187: {  	v6 =	vadd.f32 v6, v2;
	v3 =	vadd.f32 v4, v3;
	v2 =	vld [tilespmem:s22+$0xA0]  }
.Ltmp6:
0x188: {  	v5 =	vld [tilespmem:s22+$0xB0];
	(pc) =	sbr.rel @p1 .LBB2_15-.Ltmp6, $4  }
0x189: {  	v4 =	vadd.f32 v7, v6;
	v7 =	vadd.f32 v8, v3;
	v3 =	vld [tilespmem:s22+$0xC0]  }
0x18a: {  	v6 =	vld [tilespmem:s22+$0xD0]  }
0x18b: {  	v8 =	vadd.f32 v9, v4;
	v9 =	vadd.f32 v10, v7;
	v4 =	vld [tilespmem:s22+$0xE0]  }
0x18c: {  	v7 =	vld [tilespmem:s22+$0xF0];
	s22 =	sadd.s32 $0x100, s22  }
0x18d: {  	v2 =	vadd.f32 v2, v8  }
0x18e: {  	v5 =	vadd.f32 v5, v9  }
0x18f: {  	v2 =	vadd.f32 v3, v2  }
0x190: {  	v3 =	vadd.f32 v6, v5  }
0x191: {  	v2 =	vadd.f32 v4, v2  }
0x192: {  	v3 =	vadd.f32 v7, v3  }
0x193: {  	[tilespmem:$0x19D40] =	vst v2  }
0x194: {  	s22 =	simm.s32 $0xBB80;
	[tilespmem:$0x19D50] =	vst v3  }
0x195: {  	v2 =	vld [tilespmem:s22+$0x0]  }
0x196: {  	v3 =	vld [tilespmem:s22+$0x10]  }
0x197: {  	v4 =	vld [tilespmem:s22+$0x20]  }
0x198: {  	v5 =	vld [tilespmem:s22+$0x30]  }
0x199: {  	v6 =	vld [tilespmem:s22+$0x40]  }
0x19a: {  	v7 =	vld [tilespmem:s22+$0x50]  }
0x19b: {  	v8 =	vld [tilespmem:s22+$0x60];
	v2 =	vadd.f32 v2, v0;
	v3 =	vadd.f32 v3, v1  }
0x19c: {  	v9 =	vld [tilespmem:s22+$0x70]  }
0x19d: {  	v10 =	vld [tilespmem:s22+$0x80];
	v4 =	vadd.f32 v4, v2;
	v3 =	vadd.f32 v5, v3  }
0x19e: {  	v11 =	vld [tilespmem:s22+$0x90]  }
0x19f: {  	v2 =	vld [tilespmem:s22+$0xA0];
	v4 =	vadd.f32 v6, v4;
	v6 =	vadd.f32 v7, v3  }
0x1a0: {  	v5 =	vld [tilespmem:s22+$0xB0]  }
0x1a1: {  	v3 =	vld [tilespmem:s22+$0xC0];
	v7 =	vadd.f32 v8, v4;
	v9 =	vadd.f32 v9, v6  }
0x1a2: {  	v6 =	vld [tilespmem:s22+$0xD0]  }
0x1a3: {  	v4 =	vld [tilespmem:s22+$0xE0];
	v8 =	vadd.f32 v10, v7;
	v9 =	vadd.f32 v11, v9  }
0x1a4: {  	s21 =	simm.s32 $0x0;
	v7 =	vld [tilespmem:s22+$0xF0];
	s22 =	simm.s32 $0xBC80  }
.LBB2_17:
0x1a5: {  	v10 =	vld [tilespmem:s22+$0x0];
	v2 =	vadd.f32 v2, v8;
	v5 =	vadd.f32 v5, v9  }
0x1a6: {  	s21 =	sadd.s32 $0x8, s21;
	v8 =	vld [tilespmem:s22+$0x10]  }
0x1a7: {  	p1 =	slt.u32 s21, $0xC0;
	v9 =	vld [tilespmem:s22+$0x20];
	v2 =	vadd.f32 v3, v2;
	v3 =	vadd.f32 v6, v5  }
0x1a8: {  	v5 =	vld [tilespmem:s22+$0x30]  }
0x1a9: {  	v6 =	vld [tilespmem:s22+$0x40];
	v2 =	vadd.f32 v4, v2;
	v3 =	vadd.f32 v7, v3  }
0x1aa: {  	v4 =	vld [tilespmem:s22+$0x50]  }
0x1ab: {  	v2 =	vadd.f32 v10, v2;
	v3 =	vadd.f32 v8, v3;
	v7 =	vld [tilespmem:s22+$0x60]  }
0x1ac: {  	v8 =	vld [tilespmem:s22+$0x70]  }
0x1ad: {  	v2 =	vadd.f32 v9, v2;
	v3 =	vadd.f32 v5, v3;
	v9 =	vld [tilespmem:s22+$0x80]  }
0x1ae: {  	v10 =	vld [tilespmem:s22+$0x90]  }
0x1af: {  	v6 =	vadd.f32 v6, v2;
	v3 =	vadd.f32 v4, v3;
	v2 =	vld [tilespmem:s22+$0xA0]  }
.Ltmp7:
0x1b0: {  	v5 =	vld [tilespmem:s22+$0xB0];
	(pc) =	sbr.rel @p1 .LBB2_17-.Ltmp7, $4  }
0x1b1: {  	v4 =	vadd.f32 v7, v6;
	v7 =	vadd.f32 v8, v3;
	v3 =	vld [tilespmem:s22+$0xC0]  }
0x1b2: {  	v6 =	vld [tilespmem:s22+$0xD0]  }
0x1b3: {  	v8 =	vadd.f32 v9, v4;
	v9 =	vadd.f32 v10, v7;
	v4 =	vld [tilespmem:s22+$0xE0]  }
0x1b4: {  	v7 =	vld [tilespmem:s22+$0xF0];
	s22 =	sadd.s32 $0x100, s22  }
0x1b5: {  	v2 =	vadd.f32 v2, v8  }
0x1b6: {  	v5 =	vadd.f32 v5, v9  }
0x1b7: {  	v2 =	vadd.f32 v3, v2  }
0x1b8: {  	p1 =	sne.s32 s19, $0x1F;
	v3 =	vadd.f32 v6, v5  }
.Ltmp8:
0x1b9: {  	v2 =	vadd.f32 v4, v2;
	(pc) =	sbr.rel @p1 .LBB2_20-.Ltmp8, $4  }
0x1ba: {  	v3 =	vadd.f32 v7, v3  }
0x1bb: {  	s21 =	sshll.u32 s19, $0x6;
	[tilespmem:$0x19D60] =	vst v2  }
0x1bc: {  	s21 =	sadd.s32 s21, s15;
	[tilespmem:$0x19D70] =	vst v3  }
0x1bd: {  	[hbm4b:s21+s3] =	stream.linear.scatter [tilespmem:s13], [sflag:$0x5], $0x100, $0x38;
	[tilespmem:$0x19EA0] =	vst v63  }
.Ltmp9:
0x1be: {  	(pc) =	sbr.rel .LBB2_21-.Ltmp9, $4  }
0x1bf: {  	_ = 	snop  }
0x1c0: {  	_ =	swait.ge [sflag:s14], $0xC800  }
0x1c1: {  	[sflag:s14] =	ssyncset.done $0x0  }
0x1c2: {  	[sflag:s14] =	ssyncadd.s32 $0xFFFF3800  }
.LBB2_20:
0x1c3: {  	s21 =	sshll.u32 s19, $0x4  }
0x1c4: {  	s21 =	sadd.s32 s21, s16  }
0x1c5: {  	s22 =	smul.u32 $0x19, s21  }
0x1c6: {  	s21 =	smul.u32 $0xC8, s21;
	_ =	sdelay $0x1  }
0x1c7: {  	s22 =	sadd.s32 s5, s22;
	s24 =	sadd.s32 $0xC8, s21  }
0x1c8: {  	[tilespmem:s3], [sflag:$0x3] =	stream.linear.gather [hbm4b:s22+s3], $0xC8, $0x38;
	[tilespmem:$0x19EA0] =	vst v63  }
0x1c9: {  	s22 =	sshrl.u32 s24, $0x3  }
0x1ca: {  	s23 =	simm.s32 $0xC8;
	s22 =	sadd.s32 s5, s22  }
0x1cb: {  	[tilespmem:s23], [sflag:$0x3] =	stream.linear.gather [hbm4b:s22+s3], $0xC8, $0x38;
	[tilespmem:$0x19EA0] =	vst v63  }
0x1cc: {  	s23 =	sshrl.u32 s21, $0x3  }
0x1cd: {  	s22 =	sadd.s32 s5, s23  }
0x1ce: {  	s24 =	simm.s32 $0x190;
	s23 =	sadd.s32 $0x32, s22  }
0x1cf: {  	[tilespmem:s24], [sflag:$0x3] =	stream.linear.gather [hbm4b:s23+s3], $0xC8, $0x38;
	[tilespmem:$0x19EA0] =	vst v63  }
0x1d0: {  	s24 =	sadd.s32 $0x258, s21  }
0x1d1: {  	s23 =	sshrl.u32 s24, $0x3  }
0x1d2: {  	s24 =	simm.s32 $0x258;
	s23 =	sadd.s32 s5, s23  }
0x1d3: {  	[tilespmem:s24], [sflag:$0x3] =	stream.linear.gather [hbm4b:s23+s3], $0xC8, $0x38;
	[tilespmem:$0x19EA0] =	vst v63  }
0x1d4: {  	s23 =	sadd.s32 $0x64, s22;
	s24 =	simm.s32 $0x320  }
0x1d5: {  	[tilespmem:s24], [sflag:$0x3] =	stream.linear.gather [hbm4b:s23+s3], $0xC8, $0x38;
	[tilespmem:$0x19EA0] =	vst v63  }
0x1d6: {  	s24 =	sadd.s32 $0x3E8, s21  }
0x1d7: {  	s23 =	sshrl.u32 s24, $0x3  }
0x1d8: {  	s21 =	sadd.s32 $0x578, s21;
	s24 =	simm.s32 $0x3E8;
	s23 =	sadd.s32 s5, s23  }
0x1d9: {  	[tilespmem:s24], [sflag:$0x3] =	stream.linear.gather [hbm4b:s23+s3], $0xC8, $0x38;
	[tilespmem:$0x19EA0] =	vst v63  }
0x1da: {  	s22 =	sadd.s32 $0x96, s22;
	s21 =	sshrl.u32 s21, $0x3  }
0x1db: {  	[tilespmem:s25], [sflag:$0x3] =	stream.linear.gather [hbm4b:s22+s3], $0xC8, $0x38;
	[tilespmem:$0x19EA0] =	vst v63  }
0x1dc: {  	s21 =	sadd.s32 s5, s21  }
0x1dd: {  	[tilespmem:s26], [sflag:$0x3] =	stream.linear.gather [hbm4b:s21+s3], $0xC8, $0x38;
	[tilespmem:$0x19EA0] =	vst v63  }
0x1de: {  	_ =	swait.ge [sflag:s28], $0xC8  }
0x1df: {  	[sflag:s28] =	ssyncset.done $0x0  }
0x1e0: {  	[sflag:s28] =	ssyncadd.s32 $0xFFFFFF38  }
0x1e1: {  	_ =	swait.ge [sflag:s28], $0xC8  }
0x1e2: {  	[sflag:s28] =	ssyncset.done $0x0  }
0x1e3: {  	[sflag:s28] =	ssyncadd.s32 $0xFFFFFF38  }
0x1e4: {  	_ =	swait.ge [sflag:s28], $0xC8  }
0x1e5: {  	[sflag:s28] =	ssyncset.done $0x0  }
0x1e6: {  	[sflag:s28] =	ssyncadd.s32 $0xFFFFFF38  }
0x1e7: {  	_ =	swait.ge [sflag:s28], $0xC8  }
0x1e8: {  	[sflag:s28] =	ssyncset.done $0x0  }
0x1e9: {  	[sflag:s28] =	ssyncadd.s32 $0xFFFFFF38  }
0x1ea: {  	_ =	swait.ge [sflag:s28], $0xC8  }
0x1eb: {  	[sflag:s28] =	ssyncset.done $0x0  }
0x1ec: {  	[sflag:s28] =	ssyncadd.s32 $0xFFFFFF38  }
0x1ed: {  	_ =	swait.ge [sflag:s28], $0xC8  }
0x1ee: {  	[sflag:s28] =	ssyncset.done $0x0  }
0x1ef: {  	[sflag:s28] =	ssyncadd.s32 $0xFFFFFF38  }
0x1f0: {  	_ =	swait.ge [sflag:s28], $0xC8  }
0x1f1: {  	[sflag:s28] =	ssyncset.done $0x0  }
0x1f2: {  	[sflag:s28] =	ssyncadd.s32 $0xFFFFFF38  }
0x1f3: {  	_ =	swait.ge [sflag:s28], $0xC8  }
0x1f4: {  	[sflag:s28] =	ssyncset.done $0x0  }
.Ltmp10:
0x1f5: {  	[sflag:s28] =	ssyncadd.s32 $0xFFFFFF38;
	(pc) =	sbr.rel @p0 .LBB2_22-.Ltmp10, $4  }
0x1f6: {  	[tilespmem:s30], [sflag:$0x1] =	stream.indirect.gather [hbm4b:s6+s29], $0x20, s3, s29, $0xb8;
	[tilespmem:$0x19EA0] =	vst v63  }
0x1f7: {  	_ =	swait.ge [sflag:s14], $0xC800  }
0x1f8: {  	[sflag:s14] =	ssyncset.done $0x0  }
0x1f9: {  	[sflag:s14] =	ssyncadd.s32 $0xFFFF3800  }
.LBB2_21:
0x1fa: {  	_ =	swait.ge [sflag:s17], $0x100  }
0x1fb: {  	[sflag:s17] =	ssyncset.done $0x0  }
0x1fc: {  	[sflag:s17] =	ssyncadd.s32 $0xFFFFFF00  }
.LBB2_22:
0x1fd: {  	s22 =	simm.s32 $0xD480  }
0x1fe: {  	v2 =	vld [tilespmem:s22+$0x0]  }
0x1ff: {  	v3 =	vld [tilespmem:s22+$0x10]  }
0x200: {  	v4 =	vld [tilespmem:s22+$0x20]  }
0x201: {  	v5 =	vld [tilespmem:s22+$0x30]  }
0x202: {  	v6 =	vld [tilespmem:s22+$0x40]  }
0x203: {  	v7 =	vld [tilespmem:s22+$0x50]  }
0x204: {  	v8 =	vld [tilespmem:s22+$0x60];
	v2 =	vadd.f32 v2, v0;
	v3 =	vadd.f32 v3, v1  }
0x205: {  	v9 =	vld [tilespmem:s22+$0x70]  }
0x206: {  	v10 =	vld [tilespmem:s22+$0x80];
	v4 =	vadd.f32 v4, v2;
	v3 =	vadd.f32 v5, v3  }
0x207: {  	v11 =	vld [tilespmem:s22+$0x90]  }
0x208: {  	v2 =	vld [tilespmem:s22+$0xA0];
	v4 =	vadd.f32 v6, v4;
	v6 =	vadd.f32 v7, v3  }
0x209: {  	v5 =	vld [tilespmem:s22+$0xB0]  }
0x20a: {  	v3 =	vld [tilespmem:s22+$0xC0];
	v7 =	vadd.f32 v8, v4;
	v9 =	vadd.f32 v9, v6  }
0x20b: {  	v6 =	vld [tilespmem:s22+$0xD0]  }
0x20c: {  	v4 =	vld [tilespmem:s22+$0xE0];
	v8 =	vadd.f32 v10, v7;
	v9 =	vadd.f32 v11, v9  }
0x20d: {  	s21 =	simm.s32 $0x0;
	v7 =	vld [tilespmem:s22+$0xF0];
	s22 =	simm.s32 $0xD580  }
.LBB2_23:
0x20e: {  	v10 =	vld [tilespmem:s22+$0x0];
	v2 =	vadd.f32 v2, v8;
	v5 =	vadd.f32 v5, v9  }
0x20f: {  	s21 =	sadd.s32 $0x8, s21;
	v8 =	vld [tilespmem:s22+$0x10]  }
0x210: {  	p0 =	slt.u32 s21, $0xC0;
	v9 =	vld [tilespmem:s22+$0x20];
	v2 =	vadd.f32 v3, v2;
	v3 =	vadd.f32 v6, v5  }
0x211: {  	v5 =	vld [tilespmem:s22+$0x30]  }
0x212: {  	v6 =	vld [tilespmem:s22+$0x40];
	v2 =	vadd.f32 v4, v2;
	v3 =	vadd.f32 v7, v3  }
0x213: {  	v4 =	vld [tilespmem:s22+$0x50]  }
0x214: {  	v2 =	vadd.f32 v10, v2;
	v3 =	vadd.f32 v8, v3;
	v7 =	vld [tilespmem:s22+$0x60]  }
0x215: {  	v8 =	vld [tilespmem:s22+$0x70]  }
0x216: {  	v2 =	vadd.f32 v9, v2;
	v3 =	vadd.f32 v5, v3;
	v9 =	vld [tilespmem:s22+$0x80]  }
0x217: {  	v10 =	vld [tilespmem:s22+$0x90]  }
0x218: {  	v6 =	vadd.f32 v6, v2;
	v3 =	vadd.f32 v4, v3;
	v2 =	vld [tilespmem:s22+$0xA0]  }
.Ltmp11:
0x219: {  	v5 =	vld [tilespmem:s22+$0xB0];
	(pc) =	sbr.rel @p0 .LBB2_23-.Ltmp11, $4  }
0x21a: {  	v4 =	vadd.f32 v7, v6;
	v7 =	vadd.f32 v8, v3;
	v3 =	vld [tilespmem:s22+$0xC0]  }
0x21b: {  	v6 =	vld [tilespmem:s22+$0xD0]  }
0x21c: {  	v8 =	vadd.f32 v9, v4;
	v9 =	vadd.f32 v10, v7;
	v4 =	vld [tilespmem:s22+$0xE0]  }
0x21d: {  	v7 =	vld [tilespmem:s22+$0xF0];
	s22 =	sadd.s32 $0x100, s22  }
0x21e: {  	v2 =	vadd.f32 v2, v8  }
0x21f: {  	v5 =	vadd.f32 v5, v9  }
0x220: {  	v2 =	vadd.f32 v3, v2  }
0x221: {  	v3 =	vadd.f32 v6, v5  }
0x222: {  	v2 =	vadd.f32 v4, v2  }
0x223: {  	v3 =	vadd.f32 v7, v3  }
0x224: {  	[tilespmem:$0x19D80] =	vst v2  }
0x225: {  	s22 =	simm.s32 $0xED80;
	[tilespmem:$0x19D90] =	vst v3  }
0x226: {  	v2 =	vld [tilespmem:s22+$0x0]  }
0x227: {  	v3 =	vld [tilespmem:s22+$0x10]  }
0x228: {  	v4 =	vld [tilespmem:s22+$0x20]  }
0x229: {  	v5 =	vld [tilespmem:s22+$0x30]  }
0x22a: {  	v6 =	vld [tilespmem:s22+$0x40]  }
0x22b: {  	v7 =	vld [tilespmem:s22+$0x50]  }
0x22c: {  	v8 =	vld [tilespmem:s22+$0x60];
	v2 =	vadd.f32 v2, v0;
	v3 =	vadd.f32 v3, v1  }
0x22d: {  	v9 =	vld [tilespmem:s22+$0x70]  }
0x22e: {  	v10 =	vld [tilespmem:s22+$0x80];
	v4 =	vadd.f32 v4, v2;
	v3 =	vadd.f32 v5, v3  }
0x22f: {  	v11 =	vld [tilespmem:s22+$0x90]  }
0x230: {  	v2 =	vld [tilespmem:s22+$0xA0];
	v4 =	vadd.f32 v6, v4;
	v6 =	vadd.f32 v7, v3  }
0x231: {  	v5 =	vld [tilespmem:s22+$0xB0]  }
0x232: {  	v3 =	vld [tilespmem:s22+$0xC0];
	v7 =	vadd.f32 v8, v4;
	v9 =	vadd.f32 v9, v6  }
0x233: {  	v6 =	vld [tilespmem:s22+$0xD0]  }
0x234: {  	v4 =	vld [tilespmem:s22+$0xE0];
	v8 =	vadd.f32 v10, v7;
	v9 =	vadd.f32 v11, v9  }
0x235: {  	s21 =	simm.s32 $0x0;
	v7 =	vld [tilespmem:s22+$0xF0];
	s22 =	simm.s32 $0xEE80  }
.LBB2_25:
0x236: {  	v10 =	vld [tilespmem:s22+$0x0];
	v2 =	vadd.f32 v2, v8;
	v5 =	vadd.f32 v5, v9  }
0x237: {  	s21 =	sadd.s32 $0x8, s21;
	v8 =	vld [tilespmem:s22+$0x10]  }
0x238: {  	p0 =	slt.u32 s21, $0xC0;
	v9 =	vld [tilespmem:s22+$0x20];
	v2 =	vadd.f32 v3, v2;
	v3 =	vadd.f32 v6, v5  }
0x239: {  	v5 =	vld [tilespmem:s22+$0x30]  }
0x23a: {  	v6 =	vld [tilespmem:s22+$0x40];
	v2 =	vadd.f32 v4, v2;
	v3 =	vadd.f32 v7, v3  }
0x23b: {  	v4 =	vld [tilespmem:s22+$0x50]  }
0x23c: {  	v2 =	vadd.f32 v10, v2;
	v3 =	vadd.f32 v8, v3;
	v7 =	vld [tilespmem:s22+$0x60]  }
0x23d: {  	v8 =	vld [tilespmem:s22+$0x70]  }
0x23e: {  	v2 =	vadd.f32 v9, v2;
	v3 =	vadd.f32 v5, v3;
	v9 =	vld [tilespmem:s22+$0x80]  }
0x23f: {  	v10 =	vld [tilespmem:s22+$0x90]  }
0x240: {  	v6 =	vadd.f32 v6, v2;
	v3 =	vadd.f32 v4, v3;
	v2 =	vld [tilespmem:s22+$0xA0]  }
.Ltmp12:
0x241: {  	v5 =	vld [tilespmem:s22+$0xB0];
	(pc) =	sbr.rel @p0 .LBB2_25-.Ltmp12, $4  }
0x242: {  	v4 =	vadd.f32 v7, v6;
	v7 =	vadd.f32 v8, v3;
	v3 =	vld [tilespmem:s22+$0xC0]  }
0x243: {  	v6 =	vld [tilespmem:s22+$0xD0]  }
0x244: {  	v8 =	vadd.f32 v9, v4;
	v9 =	vadd.f32 v10, v7;
	v4 =	vld [tilespmem:s22+$0xE0]  }
0x245: {  	v7 =	vld [tilespmem:s22+$0xF0];
	s22 =	sadd.s32 $0x100, s22  }
0x246: {  	v2 =	vadd.f32 v2, v8  }
0x247: {  	v5 =	vadd.f32 v5, v9  }
0x248: {  	v2 =	vadd.f32 v3, v2  }
0x249: {  	v3 =	vadd.f32 v6, v5  }
0x24a: {  	v2 =	vadd.f32 v4, v2  }
0x24b: {  	v3 =	vadd.f32 v7, v3  }
0x24c: {  	[tilespmem:$0x19DA0] =	vst v2  }
0x24d: {  	s22 =	simm.s32 $0x10680;
	[tilespmem:$0x19DB0] =	vst v3  }
0x24e: {  	v2 =	vld [tilespmem:s22+$0x0]  }
0x24f: {  	v3 =	vld [tilespmem:s22+$0x10]  }
0x250: {  	v4 =	vld [tilespmem:s22+$0x20]  }
0x251: {  	v5 =	vld [tilespmem:s22+$0x30]  }
0x252: {  	v6 =	vld [tilespmem:s22+$0x40]  }
0x253: {  	v7 =	vld [tilespmem:s22+$0x50]  }
0x254: {  	v8 =	vld [tilespmem:s22+$0x60];
	v2 =	vadd.f32 v2, v0;
	v3 =	vadd.f32 v3, v1  }
0x255: {  	v9 =	vld [tilespmem:s22+$0x70]  }
0x256: {  	v10 =	vld [tilespmem:s22+$0x80];
	v4 =	vadd.f32 v4, v2;
	v3 =	vadd.f32 v5, v3  }
0x257: {  	v11 =	vld [tilespmem:s22+$0x90]  }
0x258: {  	v2 =	vld [tilespmem:s22+$0xA0];
	v4 =	vadd.f32 v6, v4;
	v6 =	vadd.f32 v7, v3  }
0x259: {  	v5 =	vld [tilespmem:s22+$0xB0]  }
0x25a: {  	v3 =	vld [tilespmem:s22+$0xC0];
	v7 =	vadd.f32 v8, v4;
	v9 =	vadd.f32 v9, v6  }
0x25b: {  	v6 =	vld [tilespmem:s22+$0xD0]  }
0x25c: {  	v4 =	vld [tilespmem:s22+$0xE0];
	v8 =	vadd.f32 v10, v7;
	v9 =	vadd.f32 v11, v9  }
0x25d: {  	s21 =	simm.s32 $0x0;
	v7 =	vld [tilespmem:s22+$0xF0];
	s22 =	simm.s32 $0x10780  }
.LBB2_27:
0x25e: {  	v10 =	vld [tilespmem:s22+$0x0];
	v2 =	vadd.f32 v2, v8;
	v5 =	vadd.f32 v5, v9  }
0x25f: {  	s21 =	sadd.s32 $0x8, s21;
	v8 =	vld [tilespmem:s22+$0x10]  }
0x260: {  	p0 =	slt.u32 s21, $0xC0;
	v9 =	vld [tilespmem:s22+$0x20];
	v2 =	vadd.f32 v3, v2;
	v3 =	vadd.f32 v6, v5  }
0x261: {  	v5 =	vld [tilespmem:s22+$0x30]  }
0x262: {  	v6 =	vld [tilespmem:s22+$0x40];
	v2 =	vadd.f32 v4, v2;
	v3 =	vadd.f32 v7, v3  }
0x263: {  	v4 =	vld [tilespmem:s22+$0x50]  }
0x264: {  	v2 =	vadd.f32 v10, v2;
	v3 =	vadd.f32 v8, v3;
	v7 =	vld [tilespmem:s22+$0x60]  }
0x265: {  	v8 =	vld [tilespmem:s22+$0x70]  }
0x266: {  	v2 =	vadd.f32 v9, v2;
	v3 =	vadd.f32 v5, v3;
	v9 =	vld [tilespmem:s22+$0x80]  }
0x267: {  	v10 =	vld [tilespmem:s22+$0x90]  }
0x268: {  	v6 =	vadd.f32 v6, v2;
	v3 =	vadd.f32 v4, v3;
	v2 =	vld [tilespmem:s22+$0xA0]  }
.Ltmp13:
0x269: {  	v5 =	vld [tilespmem:s22+$0xB0];
	(pc) =	sbr.rel @p0 .LBB2_27-.Ltmp13, $4  }
0x26a: {  	v4 =	vadd.f32 v7, v6;
	v7 =	vadd.f32 v8, v3;
	v3 =	vld [tilespmem:s22+$0xC0]  }
0x26b: {  	v6 =	vld [tilespmem:s22+$0xD0]  }
0x26c: {  	v8 =	vadd.f32 v9, v4;
	v9 =	vadd.f32 v10, v7;
	v4 =	vld [tilespmem:s22+$0xE0]  }
0x26d: {  	v7 =	vld [tilespmem:s22+$0xF0];
	s22 =	sadd.s32 $0x100, s22  }
0x26e: {  	v2 =	vadd.f32 v2, v8  }
0x26f: {  	v5 =	vadd.f32 v5, v9  }
0x270: {  	v2 =	vadd.f32 v3, v2  }
0x271: {  	v3 =	vadd.f32 v6, v5  }
0x272: {  	v2 =	vadd.f32 v4, v2  }
0x273: {  	v3 =	vadd.f32 v7, v3  }
0x274: {  	[tilespmem:$0x19DC0] =	vst v2  }
0x275: {  	s22 =	simm.s32 $0x11F80;
	[tilespmem:$0x19DD0] =	vst v3  }
0x276: {  	v2 =	vld [tilespmem:s22+$0x0]  }
0x277: {  	v3 =	vld [tilespmem:s22+$0x10]  }
0x278: {  	v4 =	vld [tilespmem:s22+$0x20]  }
0x279: {  	v5 =	vld [tilespmem:s22+$0x30]  }
0x27a: {  	v6 =	vld [tilespmem:s22+$0x40]  }
0x27b: {  	v7 =	vld [tilespmem:s22+$0x50]  }
0x27c: {  	v8 =	vld [tilespmem:s22+$0x60];
	v2 =	vadd.f32 v2, v0;
	v3 =	vadd.f32 v3, v1  }
0x27d: {  	v9 =	vld [tilespmem:s22+$0x70]  }
0x27e: {  	v10 =	vld [tilespmem:s22+$0x80];
	v4 =	vadd.f32 v4, v2;
	v3 =	vadd.f32 v5, v3  }
0x27f: {  	v11 =	vld [tilespmem:s22+$0x90]  }
0x280: {  	v2 =	vld [tilespmem:s22+$0xA0];
	v4 =	vadd.f32 v6, v4;
	v6 =	vadd.f32 v7, v3  }
0x281: {  	v5 =	vld [tilespmem:s22+$0xB0]  }
0x282: {  	v3 =	vld [tilespmem:s22+$0xC0];
	v7 =	vadd.f32 v8, v4;
	v9 =	vadd.f32 v9, v6  }
0x283: {  	v6 =	vld [tilespmem:s22+$0xD0]  }
0x284: {  	v4 =	vld [tilespmem:s22+$0xE0];
	v8 =	vadd.f32 v10, v7;
	v9 =	vadd.f32 v11, v9  }
0x285: {  	s21 =	simm.s32 $0x0;
	v7 =	vld [tilespmem:s22+$0xF0];
	s22 =	simm.s32 $0x12080  }
.LBB2_29:
0x286: {  	v10 =	vld [tilespmem:s22+$0x0];
	v2 =	vadd.f32 v2, v8;
	v5 =	vadd.f32 v5, v9  }
0x287: {  	s21 =	sadd.s32 $0x8, s21;
	v8 =	vld [tilespmem:s22+$0x10]  }
0x288: {  	p0 =	slt.u32 s21, $0xC0;
	v9 =	vld [tilespmem:s22+$0x20];
	v2 =	vadd.f32 v3, v2;
	v3 =	vadd.f32 v6, v5  }
0x289: {  	v5 =	vld [tilespmem:s22+$0x30]  }
0x28a: {  	v6 =	vld [tilespmem:s22+$0x40];
	v2 =	vadd.f32 v4, v2;
	v3 =	vadd.f32 v7, v3  }
0x28b: {  	v4 =	vld [tilespmem:s22+$0x50]  }
0x28c: {  	v2 =	vadd.f32 v10, v2;
	v3 =	vadd.f32 v8, v3;
	v7 =	vld [tilespmem:s22+$0x60]  }
0x28d: {  	v8 =	vld [tilespmem:s22+$0x70]  }
0x28e: {  	v2 =	vadd.f32 v9, v2;
	v3 =	vadd.f32 v5, v3;
	v9 =	vld [tilespmem:s22+$0x80]  }
0x28f: {  	v10 =	vld [tilespmem:s22+$0x90]  }
0x290: {  	v6 =	vadd.f32 v6, v2;
	v3 =	vadd.f32 v4, v3;
	v2 =	vld [tilespmem:s22+$0xA0]  }
.Ltmp14:
0x291: {  	v5 =	vld [tilespmem:s22+$0xB0];
	(pc) =	sbr.rel @p0 .LBB2_29-.Ltmp14, $4  }
0x292: {  	v4 =	vadd.f32 v7, v6;
	v7 =	vadd.f32 v8, v3;
	v3 =	vld [tilespmem:s22+$0xC0]  }
0x293: {  	v6 =	vld [tilespmem:s22+$0xD0]  }
0x294: {  	v8 =	vadd.f32 v9, v4;
	v9 =	vadd.f32 v10, v7;
	v4 =	vld [tilespmem:s22+$0xE0]  }
0x295: {  	v7 =	vld [tilespmem:s22+$0xF0];
	s22 =	sadd.s32 $0x100, s22  }
0x296: {  	v2 =	vadd.f32 v2, v8  }
0x297: {  	v5 =	vadd.f32 v5, v9  }
0x298: {  	v2 =	vadd.f32 v3, v2  }
0x299: {  	v3 =	vadd.f32 v6, v5  }
0x29a: {  	v2 =	vadd.f32 v4, v2  }
0x29b: {  	v3 =	vadd.f32 v7, v3  }
0x29c: {  	[tilespmem:$0x19DE0] =	vst v2  }
0x29d: {  	s22 =	simm.s32 $0x13880;
	[tilespmem:$0x19DF0] =	vst v3  }
0x29e: {  	v2 =	vld [tilespmem:s22+$0x0]  }
0x29f: {  	v3 =	vld [tilespmem:s22+$0x10]  }
0x2a0: {  	v4 =	vld [tilespmem:s22+$0x20]  }
0x2a1: {  	v5 =	vld [tilespmem:s22+$0x30]  }
0x2a2: {  	v6 =	vld [tilespmem:s22+$0x40]  }
0x2a3: {  	v7 =	vld [tilespmem:s22+$0x50]  }
0x2a4: {  	v8 =	vld [tilespmem:s22+$0x60];
	v2 =	vadd.f32 v2, v0;
	v3 =	vadd.f32 v3, v1  }
0x2a5: {  	v9 =	vld [tilespmem:s22+$0x70]  }
0x2a6: {  	v10 =	vld [tilespmem:s22+$0x80];
	v4 =	vadd.f32 v4, v2;
	v3 =	vadd.f32 v5, v3  }
0x2a7: {  	v11 =	vld [tilespmem:s22+$0x90]  }
0x2a8: {  	v2 =	vld [tilespmem:s22+$0xA0];
	v4 =	vadd.f32 v6, v4;
	v6 =	vadd.f32 v7, v3  }
0x2a9: {  	v5 =	vld [tilespmem:s22+$0xB0]  }
0x2aa: {  	v3 =	vld [tilespmem:s22+$0xC0];
	v7 =	vadd.f32 v8, v4;
	v9 =	vadd.f32 v9, v6  }
0x2ab: {  	v6 =	vld [tilespmem:s22+$0xD0]  }
0x2ac: {  	v4 =	vld [tilespmem:s22+$0xE0];
	v8 =	vadd.f32 v10, v7;
	v9 =	vadd.f32 v11, v9  }
0x2ad: {  	s21 =	simm.s32 $0x0;
	v7 =	vld [tilespmem:s22+$0xF0];
	s22 =	simm.s32 $0x13980  }
.LBB2_31:
0x2ae: {  	v10 =	vld [tilespmem:s22+$0x0];
	v2 =	vadd.f32 v2, v8;
	v5 =	vadd.f32 v5, v9  }
0x2af: {  	s21 =	sadd.s32 $0x8, s21;
	v8 =	vld [tilespmem:s22+$0x10]  }
0x2b0: {  	p0 =	slt.u32 s21, $0xC0;
	v9 =	vld [tilespmem:s22+$0x20];
	v2 =	vadd.f32 v3, v2;
	v3 =	vadd.f32 v6, v5  }
0x2b1: {  	v5 =	vld [tilespmem:s22+$0x30]  }
0x2b2: {  	v6 =	vld [tilespmem:s22+$0x40];
	v2 =	vadd.f32 v4, v2;
	v3 =	vadd.f32 v7, v3  }
0x2b3: {  	v4 =	vld [tilespmem:s22+$0x50]  }
0x2b4: {  	v2 =	vadd.f32 v10, v2;
	v3 =	vadd.f32 v8, v3;
	v7 =	vld [tilespmem:s22+$0x60]  }
0x2b5: {  	v8 =	vld [tilespmem:s22+$0x70]  }
0x2b6: {  	v2 =	vadd.f32 v9, v2;
	v3 =	vadd.f32 v5, v3;
	v9 =	vld [tilespmem:s22+$0x80]  }
0x2b7: {  	v10 =	vld [tilespmem:s22+$0x90]  }
0x2b8: {  	v6 =	vadd.f32 v6, v2;
	v3 =	vadd.f32 v4, v3;
	v2 =	vld [tilespmem:s22+$0xA0]  }
.Ltmp15:
0x2b9: {  	v5 =	vld [tilespmem:s22+$0xB0];
	(pc) =	sbr.rel @p0 .LBB2_31-.Ltmp15, $4  }
0x2ba: {  	v4 =	vadd.f32 v7, v6;
	v7 =	vadd.f32 v8, v3;
	v3 =	vld [tilespmem:s22+$0xC0]  }
0x2bb: {  	v6 =	vld [tilespmem:s22+$0xD0]  }
0x2bc: {  	v8 =	vadd.f32 v9, v4;
	v9 =	vadd.f32 v10, v7;
	v4 =	vld [tilespmem:s22+$0xE0]  }
0x2bd: {  	v7 =	vld [tilespmem:s22+$0xF0];
	s22 =	sadd.s32 $0x100, s22  }
0x2be: {  	v2 =	vadd.f32 v2, v8  }
0x2bf: {  	v5 =	vadd.f32 v5, v9  }
0x2c0: {  	v2 =	vadd.f32 v3, v2  }
0x2c1: {  	v3 =	vadd.f32 v6, v5  }
0x2c2: {  	v2 =	vadd.f32 v4, v2  }
0x2c3: {  	v3 =	vadd.f32 v7, v3  }
0x2c4: {  	[tilespmem:$0x19E00] =	vst v2  }
0x2c5: {  	s22 =	simm.s32 $0x15180;
	[tilespmem:$0x19E10] =	vst v3  }
0x2c6: {  	v2 =	vld [tilespmem:s22+$0x0]  }
0x2c7: {  	v3 =	vld [tilespmem:s22+$0x10]  }
0x2c8: {  	v4 =	vld [tilespmem:s22+$0x20]  }
0x2c9: {  	v5 =	vld [tilespmem:s22+$0x30]  }
0x2ca: {  	v6 =	vld [tilespmem:s22+$0x40]  }
0x2cb: {  	v7 =	vld [tilespmem:s22+$0x50]  }
0x2cc: {  	v8 =	vld [tilespmem:s22+$0x60];
	v2 =	vadd.f32 v2, v0;
	v3 =	vadd.f32 v3, v1  }
0x2cd: {  	v9 =	vld [tilespmem:s22+$0x70]  }
0x2ce: {  	v10 =	vld [tilespmem:s22+$0x80];
	v4 =	vadd.f32 v4, v2;
	v3 =	vadd.f32 v5, v3  }
0x2cf: {  	v11 =	vld [tilespmem:s22+$0x90]  }
0x2d0: {  	v2 =	vld [tilespmem:s22+$0xA0];
	v4 =	vadd.f32 v6, v4;
	v6 =	vadd.f32 v7, v3  }
0x2d1: {  	v5 =	vld [tilespmem:s22+$0xB0]  }
0x2d2: {  	v3 =	vld [tilespmem:s22+$0xC0];
	v7 =	vadd.f32 v8, v4;
	v9 =	vadd.f32 v9, v6  }
0x2d3: {  	v6 =	vld [tilespmem:s22+$0xD0]  }
0x2d4: {  	v4 =	vld [tilespmem:s22+$0xE0];
	v8 =	vadd.f32 v10, v7;
	v9 =	vadd.f32 v11, v9  }
0x2d5: {  	s21 =	simm.s32 $0x0;
	v7 =	vld [tilespmem:s22+$0xF0];
	s22 =	simm.s32 $0x15280  }
.LBB2_33:
0x2d6: {  	v10 =	vld [tilespmem:s22+$0x0];
	v2 =	vadd.f32 v2, v8;
	v5 =	vadd.f32 v5, v9  }
0x2d7: {  	s21 =	sadd.s32 $0x8, s21;
	v8 =	vld [tilespmem:s22+$0x10]  }
0x2d8: {  	p0 =	slt.u32 s21, $0xC0;
	v9 =	vld [tilespmem:s22+$0x20];
	v2 =	vadd.f32 v3, v2;
	v3 =	vadd.f32 v6, v5  }
0x2d9: {  	v5 =	vld [tilespmem:s22+$0x30]  }
0x2da: {  	v6 =	vld [tilespmem:s22+$0x40];
	v2 =	vadd.f32 v4, v2;
	v3 =	vadd.f32 v7, v3  }
0x2db: {  	v4 =	vld [tilespmem:s22+$0x50]  }
0x2dc: {  	v2 =	vadd.f32 v10, v2;
	v3 =	vadd.f32 v8, v3;
	v7 =	vld [tilespmem:s22+$0x60]  }
0x2dd: {  	v8 =	vld [tilespmem:s22+$0x70]  }
0x2de: {  	v2 =	vadd.f32 v9, v2;
	v3 =	vadd.f32 v5, v3;
	v9 =	vld [tilespmem:s22+$0x80]  }
0x2df: {  	v10 =	vld [tilespmem:s22+$0x90]  }
0x2e0: {  	v6 =	vadd.f32 v6, v2;
	v3 =	vadd.f32 v4, v3;
	v2 =	vld [tilespmem:s22+$0xA0]  }
.Ltmp16:
0x2e1: {  	v5 =	vld [tilespmem:s22+$0xB0];
	(pc) =	sbr.rel @p0 .LBB2_33-.Ltmp16, $4  }
0x2e2: {  	v4 =	vadd.f32 v7, v6;
	v7 =	vadd.f32 v8, v3;
	v3 =	vld [tilespmem:s22+$0xC0]  }
0x2e3: {  	v6 =	vld [tilespmem:s22+$0xD0]  }
0x2e4: {  	v8 =	vadd.f32 v9, v4;
	v9 =	vadd.f32 v10, v7;
	v4 =	vld [tilespmem:s22+$0xE0]  }
0x2e5: {  	v7 =	vld [tilespmem:s22+$0xF0];
	s22 =	sadd.s32 $0x100, s22  }
0x2e6: {  	v2 =	vadd.f32 v2, v8  }
0x2e7: {  	v5 =	vadd.f32 v5, v9  }
0x2e8: {  	v2 =	vadd.f32 v3, v2  }
0x2e9: {  	v3 =	vadd.f32 v6, v5  }
0x2ea: {  	v2 =	vadd.f32 v4, v2  }
0x2eb: {  	v3 =	vadd.f32 v7, v3  }
0x2ec: {  	[tilespmem:$0x19E20] =	vst v2  }
0x2ed: {  	s22 =	simm.s32 $0x16A80;
	[tilespmem:$0x19E30] =	vst v3  }
0x2ee: {  	v2 =	vld [tilespmem:s22+$0x0]  }
0x2ef: {  	v3 =	vld [tilespmem:s22+$0x10]  }
0x2f0: {  	v4 =	vld [tilespmem:s22+$0x20]  }
0x2f1: {  	v5 =	vld [tilespmem:s22+$0x30]  }
0x2f2: {  	v6 =	vld [tilespmem:s22+$0x40]  }
0x2f3: {  	v7 =	vld [tilespmem:s22+$0x50]  }
0x2f4: {  	v8 =	vld [tilespmem:s22+$0x60];
	v2 =	vadd.f32 v2, v0;
	v3 =	vadd.f32 v3, v1  }
0x2f5: {  	v9 =	vld [tilespmem:s22+$0x70]  }
0x2f6: {  	v10 =	vld [tilespmem:s22+$0x80];
	v4 =	vadd.f32 v4, v2;
	v3 =	vadd.f32 v5, v3  }
0x2f7: {  	v11 =	vld [tilespmem:s22+$0x90]  }
0x2f8: {  	v2 =	vld [tilespmem:s22+$0xA0];
	v4 =	vadd.f32 v6, v4;
	v6 =	vadd.f32 v7, v3  }
0x2f9: {  	v5 =	vld [tilespmem:s22+$0xB0]  }
0x2fa: {  	v3 =	vld [tilespmem:s22+$0xC0];
	v7 =	vadd.f32 v8, v4;
	v9 =	vadd.f32 v9, v6  }
0x2fb: {  	v6 =	vld [tilespmem:s22+$0xD0]  }
0x2fc: {  	v4 =	vld [tilespmem:s22+$0xE0];
	v8 =	vadd.f32 v10, v7;
	v9 =	vadd.f32 v11, v9  }
0x2fd: {  	s21 =	simm.s32 $0x0;
	v7 =	vld [tilespmem:s22+$0xF0];
	s22 =	simm.s32 $0x16B80  }
.LBB2_35:
0x2fe: {  	v10 =	vld [tilespmem:s22+$0x0];
	v2 =	vadd.f32 v2, v8;
	v5 =	vadd.f32 v5, v9  }
0x2ff: {  	s21 =	sadd.s32 $0x8, s21;
	v8 =	vld [tilespmem:s22+$0x10]  }
0x300: {  	p0 =	slt.u32 s21, $0xC0;
	v9 =	vld [tilespmem:s22+$0x20];
	v2 =	vadd.f32 v3, v2;
	v3 =	vadd.f32 v6, v5  }
0x301: {  	v5 =	vld [tilespmem:s22+$0x30]  }
0x302: {  	v6 =	vld [tilespmem:s22+$0x40];
	v2 =	vadd.f32 v4, v2;
	v3 =	vadd.f32 v7, v3  }
0x303: {  	v4 =	vld [tilespmem:s22+$0x50]  }
0x304: {  	v2 =	vadd.f32 v10, v2;
	v3 =	vadd.f32 v8, v3;
	v7 =	vld [tilespmem:s22+$0x60]  }
0x305: {  	v8 =	vld [tilespmem:s22+$0x70]  }
0x306: {  	v2 =	vadd.f32 v9, v2;
	v3 =	vadd.f32 v5, v3;
	v9 =	vld [tilespmem:s22+$0x80]  }
0x307: {  	v10 =	vld [tilespmem:s22+$0x90]  }
0x308: {  	v6 =	vadd.f32 v6, v2;
	v3 =	vadd.f32 v4, v3;
	v2 =	vld [tilespmem:s22+$0xA0]  }
.Ltmp17:
0x309: {  	v5 =	vld [tilespmem:s22+$0xB0];
	(pc) =	sbr.rel @p0 .LBB2_35-.Ltmp17, $4  }
0x30a: {  	v4 =	vadd.f32 v7, v6;
	v7 =	vadd.f32 v8, v3;
	v3 =	vld [tilespmem:s22+$0xC0]  }
0x30b: {  	v6 =	vld [tilespmem:s22+$0xD0]  }
0x30c: {  	v8 =	vadd.f32 v9, v4;
	v9 =	vadd.f32 v10, v7;
	v4 =	vld [tilespmem:s22+$0xE0]  }
0x30d: {  	v7 =	vld [tilespmem:s22+$0xF0];
	s22 =	sadd.s32 $0x100, s22  }
0x30e: {  	v2 =	vadd.f32 v2, v8  }
0x30f: {  	v5 =	vadd.f32 v5, v9  }
0x310: {  	v2 =	vadd.f32 v3, v2  }
0x311: {  	v3 =	vadd.f32 v6, v5  }
0x312: {  	v2 =	vadd.f32 v4, v2  }
0x313: {  	v3 =	vadd.f32 v7, v3  }
0x314: {  	[tilespmem:$0x19E40] =	vst v2  }
0x315: {  	s22 =	simm.s32 $0x18380;
	[tilespmem:$0x19E50] =	vst v3  }
0x316: {  	v2 =	vld [tilespmem:s22+$0x0]  }
0x317: {  	v3 =	vld [tilespmem:s22+$0x10]  }
0x318: {  	v4 =	vld [tilespmem:s22+$0x20]  }
0x319: {  	v5 =	vld [tilespmem:s22+$0x30]  }
0x31a: {  	v6 =	vld [tilespmem:s22+$0x40]  }
0x31b: {  	v7 =	vld [tilespmem:s22+$0x50]  }
0x31c: {  	v8 =	vld [tilespmem:s22+$0x60];
	v2 =	vadd.f32 v2, v0;
	v3 =	vadd.f32 v3, v1  }
0x31d: {  	v9 =	vld [tilespmem:s22+$0x70]  }
0x31e: {  	v10 =	vld [tilespmem:s22+$0x80];
	v4 =	vadd.f32 v4, v2;
	v3 =	vadd.f32 v5, v3  }
0x31f: {  	v11 =	vld [tilespmem:s22+$0x90]  }
0x320: {  	v2 =	vld [tilespmem:s22+$0xA0];
	v4 =	vadd.f32 v6, v4;
	v6 =	vadd.f32 v7, v3  }
0x321: {  	v5 =	vld [tilespmem:s22+$0xB0]  }
0x322: {  	v3 =	vld [tilespmem:s22+$0xC0];
	v7 =	vadd.f32 v8, v4;
	v9 =	vadd.f32 v9, v6  }
0x323: {  	v6 =	vld [tilespmem:s22+$0xD0]  }
0x324: {  	v4 =	vld [tilespmem:s22+$0xE0];
	v8 =	vadd.f32 v10, v7;
	v9 =	vadd.f32 v11, v9  }
0x325: {  	s21 =	simm.s32 $0x0;
	v7 =	vld [tilespmem:s22+$0xF0];
	s22 =	simm.s32 $0x18480  }
.LBB2_37:
0x326: {  	v10 =	vld [tilespmem:s22+$0x0];
	v2 =	vadd.f32 v2, v8;
	v5 =	vadd.f32 v5, v9  }
0x327: {  	s21 =	sadd.s32 $0x8, s21;
	v8 =	vld [tilespmem:s22+$0x10]  }
0x328: {  	p0 =	slt.u32 s21, $0xC0;
	v9 =	vld [tilespmem:s22+$0x20];
	v2 =	vadd.f32 v3, v2;
	v3 =	vadd.f32 v6, v5  }
0x329: {  	v5 =	vld [tilespmem:s22+$0x30]  }
0x32a: {  	v6 =	vld [tilespmem:s22+$0x40];
	v2 =	vadd.f32 v4, v2;
	v3 =	vadd.f32 v7, v3  }
0x32b: {  	v4 =	vld [tilespmem:s22+$0x50]  }
0x32c: {  	v2 =	vadd.f32 v10, v2;
	v3 =	vadd.f32 v8, v3;
	v7 =	vld [tilespmem:s22+$0x60]  }
0x32d: {  	v8 =	vld [tilespmem:s22+$0x70]  }
0x32e: {  	v2 =	vadd.f32 v9, v2;
	v3 =	vadd.f32 v5, v3;
	v9 =	vld [tilespmem:s22+$0x80]  }
0x32f: {  	v10 =	vld [tilespmem:s22+$0x90]  }
0x330: {  	v6 =	vadd.f32 v6, v2;
	v3 =	vadd.f32 v4, v3;
	v2 =	vld [tilespmem:s22+$0xA0]  }
.Ltmp18:
0x331: {  	v5 =	vld [tilespmem:s22+$0xB0];
	(pc) =	sbr.rel @p0 .LBB2_37-.Ltmp18, $4  }
0x332: {  	v4 =	vadd.f32 v7, v6;
	v7 =	vadd.f32 v8, v3;
	v3 =	vld [tilespmem:s22+$0xC0]  }
0x333: {  	v6 =	vld [tilespmem:s22+$0xD0]  }
0x334: {  	v8 =	vadd.f32 v9, v4;
	v9 =	vadd.f32 v10, v7;
	v4 =	vld [tilespmem:s22+$0xE0]  }
0x335: {  	v7 =	vld [tilespmem:s22+$0xF0];
	s22 =	sadd.s32 $0x100, s22  }
0x336: {  	v2 =	vadd.f32 v2, v8  }
0x337: {  	v5 =	vadd.f32 v5, v9  }
0x338: {  	s19 =	sadd.s32 $0x1, s19;
	v2 =	vadd.f32 v3, v2  }
0x339: {  	p0 =	sne.s32 s19, $0x20;
	v3 =	vadd.f32 v6, v5  }
.Ltmp19:
0x33a: {  	v2 =	vadd.f32 v4, v2;
	(pc) =	sbr.rel @p0 .LBB2_2-.Ltmp19, $4  }
0x33b: {  	v3 =	vadd.f32 v7, v3  }
0x33c: {  	s20 =	sshll.u32 s20, $0x5;
	[tilespmem:$0x19E60] =	vst v2  }
0x33d: {  	s20 =	sadd.s32 s20, s15;
	[tilespmem:$0x19E70] =	vst v3  }
0x33e: {  	[hbm4b:s20+s3] =	stream.linear.scatter [tilespmem:s7], [sflag:$0x6], $0x100, $0x38;
	[tilespmem:$0x19EA0] =	vst v63  }
0x33f: {  	s19 =	simm.s32 $0x5  }
0x340: {  	_ =	swait.ge [sflag:s19], $0x100  }
0x341: {  	[sflag:s19] =	ssyncset.done $0x0  }
0x342: {  	[sflag:s19] =	ssyncadd.s32 $0xFFFFFF00  }
0x343: {  	_ =	swait.ge [sflag:s17], $0x100  }
0x344: {  	s20 =	rddreg [dreg:$0xd]  }
0x345: {  	s24 =	rddreg [dreg:$0xc];
	s20 =	sadd.s32 $0x1, s20  }
0x346: {  	p0 =	sne.s32 s20, s24  }
.Ltmp20:
0x347: {  	_ = 	snop;
	(pc) =	sbr.rel @p0 .LBB2_1-.Ltmp20, $3  }
0x348: {  	_ =	sdelay $0x1  }
0x349: {  	[sflag:s17] =	ssyncset.done $0x0  }
0x34a: {  	[sflag:s17] =	ssyncadd.s32 $0xFFFFFF00  }
0x34b: {  	_ =	sfence.sel $0x180000  }
0x34c: {  	[bflag:$0x0] =	sbarrier.arrive $0xFFFF  }
0x34d: {  	_ =	strace $0x90000047  }
0x34e: {  	s0 =	stileid.u32;
	[bflag:$0x2] =	sbarrier.arrive $0xFFFF  }
0x34f: {  	p0 =	sne.s32 s0, $0x0;
	s0 =	rddreg [dreg:$0x3]  }
0x350: {  	s0 =	sadd.s32 @!p0 $0x100000, s0  }
0x351: {  	[sflag:s0] =	ssyncadd.tile.s32 @!p0 $0x1;
	_ =	shalt  }
.Lfunc_end2:
_tile_overlayer_lowered:
.L_overlay_start_2:
0x352: {  	(tag) =	ssettag $0x2  }
0x353: {  	s0 =	rddreg [dreg:$0x0];
	s2 =	stileid.u32  }
0x354: {  	s1 =	rddreg [dreg:$0x1];
	p0 =	sne.s32 s2, $0x0  }
0x355: {  	s3 =	rddreg [dreg:$0x2];
	[bflag:$0x3] =	sbarrier.arrive $0xFFFF;
	s2 =	simm.s32 @!p0 $0x1C07  }
0x356: {  	[timem:s3], [sflag:s2] =	dma.local @!p0 [hbm:s0], s1  }
0x357: {  	s0 =	simm.s32 @!p0 $0x7  }
0x358: {  	_ =	swait.ge @!p0 [sflag:s0], s1  }
0x359: {  	s1 =	ssub.s32 @!p0 $0x0, s1;
	[sflag:s0] =	ssyncset.done @!p0 $0x0  }
0x35a: {  	[sflag:s0] =	ssyncadd.s32 @!p0 s1  }
0x35b: {  	[bflag:$0x3] =	sbarrier.arrive $0xFFFF  }
0x35c: {  	_ =	shalt  }

</sc_bundles>
